<compile_context>
chip_gen: v7x
topology: tpu7x:2x2x1
jax: 0.10.2.dev20260603
libtpu: 0.0.44.dev20260713+nightly
codegen_flags: <defaults>
</compile_context>

<pallas_src>
import functools

import jax
import jax.numpy as jnp
from jax import lax
from jax.experimental import pallas as pl
from jax.experimental.pallas import tpu as pltpu
from jax.experimental.pallas import tpu_sc as plsc

N = 10000
NPAD = 10240
E = 320000
D = 128
SIZES = (56, 28, 14, 7)
CHANS = (256, 512, 1024, 2048)
COFF = (0, 256, 768, 1792, 3840)
PPAD = (3136, 784, 200, 56)
OFFS = (0, 3136, 3920, 4120)
ZROW = 4176
TROWS = 4184

NC, NS = 2, 16
NW = NC * NS
VPW = NPAD // NW
VCH = 80
ECH = 128
NCH = 160
EPT = NCH * ECH
EPAD = NS * EPT
ROWS_PW = NPAD // NS
DH = D // 2
ACC_P = NS * VPW

_PREC = None
_F32 = jnp.float32


def _dot(a, b):
    return jnp.dot(a, b, preferred_element_type=_F32, precision=_PREC)


def _prep_body(f0_ref, f1_ref, f2_ref, f3_ref, wt_ref, t_ref):
    t_ref[0:3136, :] = _dot(f0_ref[...], wt_ref[COFF[0]:COFF[1], :])
    t_ref[3136:3920, :] = _dot(f1_ref[...], wt_ref[COFF[1]:COFF[2], :])
    t_ref[3920:4120, :] = _dot(f2_ref[...], wt_ref[COFF[2]:COFF[3], :])
    t_ref[4120:4176, :] = _dot(f3_ref[...], wt_ref[COFF[3]:COFF[4], :])
    t_ref[4176:4184, :] = jnp.zeros((8, D), _F32)


def _prep(f0t, f1t, f2t, f3t, wt):
    return pl.pallas_call(
        _prep_body,
        out_shape=jax.ShapeDtypeStruct((TROWS, D), _F32),
    )(f0t, f1t, f2t, f3t, wt)


def _gather_indices(vertex_positions):
    z = vertex_positions[:, 2]
    h = 248.0 * (vertex_positions[:, 1] / z) + 111.5
    w = 248.0 * (vertex_positions[:, 0] / (-z)) + 111.5
    h = jnp.clip(h, 0.0, 223.0)
    w = jnp.clip(w, 0.0, 223.0)
    gcols, mcols, lcols = [], [], []
    for s in range(4):
        size = SIZES[s]
        x = w / (224.0 / size)
        y = h / (224.0 / size)
        x1 = jnp.floor(x).astype(jnp.int32)
        y1 = jnp.floor(y).astype(jnp.int32)
        x2 = jnp.minimum(jnp.ceil(x).astype(jnp.int32), size - 1)
        y2 = jnp.minimum(jnp.ceil(y).astype(jnp.int32), size - 1)
        xi = x.astype(jnp.int32)
        yi = y.astype(jnp.int32)
        m = (x2 - xi) * (y2 - yi)
        lin = jnp.clip(x1 * size + y1, 0, size * size - 1)
        if s < 2:
            gcols.append(OFFS[s] + lin)
            mcols.append(m.astype(jnp.float32))
        else:
            lcols.append(jnp.where(m == 1, lin, PPAD[s]))
    idx01 = jnp.pad(jnp.stack(gcols), ((0, 0), (0, NPAD - N)))
    m4 = jnp.pad(jnp.stack(mcols, axis=1), ((0, NPAD - N), (0, 6)))
    lin23 = jnp.pad(jnp.stack(lcols, axis=1), ((0, NPAD - N), (0, 6)),
                    constant_values=PPAD[3])
    return idx01, m4, lin23


def _proj_body(t_hbm, idx2_hbm, out_hbm,
               idxp, r0, r1, r2, r3, sem_a, sem_b):
    cid = lax.axis_index("c")
    sid = lax.axis_index("s")
    wid = cid * NS + sid
    base = wid * VPW
    set_a = (r0, r1)
    set_b = (r2, r3)

    for s in range(2):
        pltpu.sync_copy(idx2_hbm.at[pl.ds(s * 128 + wid * 4, 4)],
                        idxp.at[pl.ds(s * 4, 4)])

    def issue(k, st, sem):
        for s in range(2):
            pltpu.async_copy(t_hbm.at[idxp.at[s * 4 + k]], st[s], sem)

    def drain(st, sem):
        for s in range(2):
            pltpu.make_async_copy(t_hbm.at[pl.ds(0, VCH)], st[s], sem).wait()

    def write_out(k, st):
        for s in range(2):
            pltpu.sync_copy(st[s],
                            out_hbm.at[s, pl.ds(base + k * VCH, VCH)])

    issue(0, set_a, sem_a)
    issue(1, set_b, sem_b)
    drain(set_a, sem_a)
    write_out(0, set_a)
    issue(2, set_a, sem_a)
    drain(set_b, sem_b)
    write_out(1, set_b)
    issue(3, set_b, sem_b)
    drain(set_a, sem_a)
    write_out(2, set_a)
    drain(set_b, sem_b)
    write_out(3, set_b)


def _proj(t, idx2):
    mesh = plsc.VectorSubcoreMesh(core_axis_name="c", subcore_axis_name="s",
                                  num_cores=NC, num_subcores=NS)
    f = pl.kernel(
        _proj_body, mesh=mesh,
        compiler_params=pltpu.CompilerParams(use_tc_tiling_on_sc=False),
        out_type=jax.ShapeDtypeStruct((2, NPAD, D), _F32),
        scratch_types=[pltpu.VMEM((8, VCH), jnp.int32)]
        + [pltpu.VMEM((VCH, D), _F32)] * 4
        + [pltpu.SemaphoreType.DMA, pltpu.SemaphoreType.DMA],
    )
    return f(t, idx2)


def _seg_body(src2_hbm, dst2_hbm, blo_hbm, bhi_hbm, z_hbm, out_hbm,
              sidx, didx, q0, q1, q2, q3, stage, acc_sh, sem_a, sem_b,
              sem_c, sem_d):
    cid = lax.axis_index("c")
    sid = lax.axis_index("s")
    roff = cid * NPAD
    rows = q0

    pltpu.sync_copy(z_hbm, stage)
    pltpu.sync_copy(stage, acc_sh.at[pl.ds(sid * ROWS_PW, ROWS_PW // 2)])
    pltpu.sync_copy(stage,
                    acc_sh.at[pl.ds(sid * ROWS_PW + ROWS_PW // 2, ROWS_PW // 2)])
    plsc.subcore_barrier()

    def run(b_ref):
        def issue1(ch, buf, sem):
            pltpu.async_copy(b_ref.at[sidx.at[ch]], buf, sem)

        def drain_g(buf, sem):
            pltpu.make_async_copy(b_ref.at[pl.ds(0, ECH)], buf, sem).wait()

        def drain_s(buf, sem):
            pltpu.make_async_copy(b_ref.at[pl.ds(0, ECH)], buf, sem).wait()

        issue1(0, q0, sem_a)
        issue1(1, q1, sem_b)

        def pair(h, carry):
            drain_g(q0, sem_a)
            pltpu.async_copy(q0, acc_sh.at[didx.at[2 * h]], sem_c, add=True)
            drain_g(q1, sem_b)
            pltpu.async_copy(q1, acc_sh.at[didx.at[2 * h + 1]], sem_d,
                             add=True)
            drain_s(q0, sem_c)
            issue1(2 * h + 2, q0, sem_a)
            drain_s(q1, sem_d)
            issue1(2 * h + 3, q1, sem_b)
            return carry

        lax.fori_loop(0, NCH // 2 - 1, pair, 0)
        drain_g(q0, sem_a)
        pltpu.sync_copy(q0, acc_sh.at[didx.at[NCH - 2]], add=True)
        drain_g(q1, sem_b)
        pltpu.sync_copy(q1, acc_sh.at[didx.at[NCH - 1]], add=True)

    pltpu.sync_copy(src2_hbm.at[pl.ds(sid * NCH, NCH)], sidx)
    pltpu.sync_copy(dst2_hbm.at[pl.ds(sid * NCH, NCH)], didx)
    pl.when(cid == 0)(lambda: run(blo_hbm))
    pl.when(cid == 1)(lambda: run(bhi_hbm))

    plsc.subcore_barrier()
    for hh in range(2):
        sl = pl.ds(sid * ROWS_PW + hh * (ROWS_PW // 2), ROWS_PW // 2)
        pltpu.sync_copy(acc_sh.at[sl], stage)
        osl = pl.ds(roff + sid * ROWS_PW + hh * (ROWS_PW // 2), ROWS_PW // 2)
        pltpu.sync_copy(stage, out_hbm.at[osl])


def _segsum(src2, dst2, b_lo, b_hi, zseg):
    mesh = plsc.VectorSubcoreMesh(core_axis_name="c", subcore_axis_name="s",
                                  num_cores=NC, num_subcores=NS)
    f = pl.kernel(
        _seg_body, mesh=mesh,
        compiler_params=pltpu.CompilerParams(use_tc_tiling_on_sc=False),
        out_type=jax.ShapeDtypeStruct((2 * NPAD, DH), _F32),
        scratch_types=[
            pltpu.VMEM((NCH, ECH), jnp.int32),
            pltpu.VMEM((NCH, ECH), jnp.int32),
            pltpu.VMEM((ECH, DH), _F32),
            pltpu.VMEM((ECH, DH), _F32),
            pltpu.VMEM((ECH, DH), _F32),
            pltpu.VMEM((ECH, DH), _F32),
            pltpu.VMEM((ROWS_PW // 2, DH), _F32),
            pltpu.VMEM_SHARED((NPAD, DH), _F32),
            pltpu.SemaphoreType.DMA, pltpu.SemaphoreType.DMA,
            pltpu.SemaphoreType.DMA, pltpu.SemaphoreType.DMA,
        ],
    )
    return f(src2, dst2, b_lo, b_hi, zseg)


def _l0_body(vf_ref, pos_ref, proj_ref, m_ref, lin_ref, t2_ref, t3_ref,
             w0f, w0p, w0c, w1f, w1p, w1c, a_ref, b_ref):
    vf = vf_ref[...]
    pos = pos_ref[...]
    mm = m_ref[...]
    lin = lin_ref[...]
    bm = vf.shape[0]
    proj = (mm[:, 0:1] * proj_ref[0, :, :] + mm[:, 1:2] * proj_ref[1, :, :])
    oh2 = (lax.broadcasted_iota(jnp.int32, (bm, PPAD[2]), 1)
           == lin[:, 0:1]).astype(_F32)
    oh3 = (lax.broadcasted_iota(jnp.int32, (bm, PPAD[3]), 1)
           == lin[:, 1:2]).astype(_F32)
    proj = proj + _dot(oh2, t2_ref[...]) + _dot(oh3, t3_ref[...])
    a_ref[...] = _dot(vf, w0f[...]) + _dot(pos, w0p[...]) + _dot(proj, w0c[...])
    b = _dot(vf, w1f[...]) + _dot(pos, w1p[...]) + _dot(proj, w1c[...])
    b_ref[0, :, :] = b[:, 0:DH]
    b_ref[1, :, :] = b[:, DH:D]


def _layer0(vfeat, pos8, proj, m4, lin23, t2, t3,
            w0f, w0p, w0c, w1f, w1p, w1c, bm=2048):
    grid = (NPAD // bm,)
    wspec = lambda shp: pl.BlockSpec(shp, lambda i: (0, 0))
    return pl.pallas_call(
        _l0_body,
        grid=grid,
        in_specs=[
            pl.BlockSpec((bm, D), lambda i: (i, 0)),
            pl.BlockSpec((bm, 8), lambda i: (i, 0)),
            pl.BlockSpec((2, bm, D), lambda i: (0, i, 0)),
            pl.BlockSpec((bm, 8), lambda i: (i, 0)),
            pl.BlockSpec((bm, 8), lambda i: (i, 0)),
            wspec((PPAD[2], D)), wspec((PPAD[3], D)),
            wspec((D, D)), wspec((8, D)), wspec((D, D)),
            wspec((D, D)), wspec((8, D)), wspec((D, D)),
        ],
        out_specs=(pl.BlockSpec((bm, D), lambda i: (i, 0)),
                   pl.BlockSpec((2, bm, DH), lambda i: (0, i, 0))),
        out_shape=(jax.ShapeDtypeStruct((NPAD, D), _F32),
                   jax.ShapeDtypeStruct((2, NPAD, DH), _F32)),
    )(vfeat, pos8, proj, m4, lin23, t2, t3, w0f, w0p, w0c, w1f, w1p, w1c)


def _lk_body(aprev_ref, plo_ref, phi_ref, pos_ref, w0f, w0p, w1f, w1p,
             a_ref, b_ref):
    ap = aprev_ref[...]
    nfl = jnp.maximum(ap[:, 0:DH] + plo_ref[...], 0.0)
    nfh = jnp.maximum(ap[:, DH:D] + phi_ref[...], 0.0)
    pos = pos_ref[...]
    a_ref[...] = (_dot(nfl, w0f[0:DH, :]) + _dot(nfh, w0f[DH:D, :])
                  + _dot(pos, w0p[...]))
    b = (_dot(nfl, w1f[0:DH, :]) + _dot(nfh, w1f[DH:D, :])
         + _dot(pos, w1p[...]))
    b_ref[0, :, :] = b[:, 0:DH]
    b_ref[1, :, :] = b[:, DH:D]


def _layerk(aprev, parts, pos8, w0f, w0p, w1f, w1p, bm=2048):
    grid = (NPAD // bm,)
    nb = NPAD // bm
    wspec = lambda shp: pl.BlockSpec(shp, lambda i: (0, 0))
    return pl.pallas_call(
        _lk_body,
        grid=grid,
        in_specs=[
            pl.BlockSpec((bm, D), lambda i: (i, 0)),
            pl.BlockSpec((bm, DH), lambda i: (i, 0)),
            pl.BlockSpec((bm, DH), lambda i: (i + nb, 0)),
            pl.BlockSpec((bm, 8), lambda i: (i, 0)),
            wspec((D, D)), wspec((8, D)), wspec((D, D)), wspec((8, D)),
        ],
        out_specs=(pl.BlockSpec((bm, D), lambda i: (i, 0)),
                   pl.BlockSpec((2, bm, DH), lambda i: (0, i, 0))),
        out_shape=(jax.ShapeDtypeStruct((NPAD, D), _F32),
                   jax.ShapeDtypeStruct((2, NPAD, DH), _F32)),
    )(aprev, parts, parts, pos8, w0f, w0p, w1f, w1p)


def _fin_body(aprev_ref, plo_ref, phi_ref, pos_ref, wl1t, nf_ref, np_ref):
    ap = aprev_ref[...]
    nfl = jnp.maximum(ap[:, 0:DH] + plo_ref[...], 0.0)
    nfh = jnp.maximum(ap[:, DH:D] + phi_ref[...], 0.0)
    nf_ref[:, 0:DH] = nfl
    nf_ref[:, DH:D] = nfh
    np_ref[...] = pos_ref[...] + jnp.tanh(
        _dot(nfl, wl1t[0:DH, :]) + _dot(nfh, wl1t[DH:D, :]))


def _final(aprev, parts, pos8, wl1t, bm=2048):
    grid = (NPAD // bm,)
    nb = NPAD // bm
    wspec = lambda shp: pl.BlockSpec(shp, lambda i: (0, 0))
    return pl.pallas_call(
        _fin_body,
        grid=grid,
        in_specs=[
            pl.BlockSpec((bm, D), lambda i: (i, 0)),
            pl.BlockSpec((bm, DH), lambda i: (i, 0)),
            pl.BlockSpec((bm, DH), lambda i: (i + nb, 0)),
            pl.BlockSpec((bm, 8), lambda i: (i, 0)),
            wspec((D, 8)),
        ],
        out_specs=(pl.BlockSpec((bm, D), lambda i: (i, 0)),
                   pl.BlockSpec((bm, 8), lambda i: (i, 0))),
        out_shape=(jax.ShapeDtypeStruct((NPAD, D), _F32),
                   jax.ShapeDtypeStruct((NPAD, 8), _F32)),
    )(aprev, parts, parts, pos8, wl1t)


def kernel(vertex_positions, vertex_features, edge_index, feat0, feat1,
           feat2, feat3, W_lin0, w0_g0, w1_g0, w0_g1, w1_g1, w0_g2, w1_g2,
           W_lin1):
    f32 = _F32
    npadv = NPAD - N
    pos8 = jnp.pad(vertex_positions, ((0, npadv), (0, 5)))
    vfeat = jnp.pad(vertex_features, ((0, npadv), (0, 0)))
    fts = []
    for f, c, sz, pp in zip((feat0, feat1, feat2, feat3), CHANS, SIZES, PPAD):
        ft = f.reshape(c, sz * sz).T
        fts.append(jnp.pad(ft, ((0, pp - sz * sz), (0, 0))))
    wt = W_lin0.T

    def wpad3(wm):
        wp = jnp.pad(wm[0:3], ((0, 5), (0, 0)))
        return wm[3:], wp

    def wsplit0(wm):
        wp = jnp.pad(wm[D:D + 3], ((0, 5), (0, 0)))
        return wm[0:D], wp, wm[D + 3:]

    w0f, w0p, w0c = wsplit0(w0_g0)
    w1f, w1p, w1c = wsplit0(w1_g0)
    w0f1, w0p1 = wpad3(w0_g1)
    w1f1, w1p1 = wpad3(w1_g1)
    w0f2, w0p2 = wpad3(w0_g2)
    w1f2, w1p2 = wpad3(w1_g2)
    wl1t = jnp.pad(W_lin1.T, ((0, 0), (0, 5)))
    npade = EPAD - E
    src2 = jnp.concatenate(
        [edge_index[0], jnp.zeros((npade,), jnp.int32)]).reshape(-1, ECH)
    dst2 = jnp.concatenate(
        [edge_index[1], jnp.full((npade,), NPAD - 1, jnp.int32)]
    ).reshape(-1, ECH)
    zseg = jnp.zeros((ROWS_PW // 2, DH), f32)

    idx01, m4, lin23 = _gather_indices(vertex_positions)

    t = _prep(*fts, wt)
    proj = _proj(t, idx01.reshape(-1, VCH))
    a0, b0 = _layer0(vfeat, pos8, proj, m4, lin23,
                     t[OFFS[2]:OFFS[3]], t[OFFS[3]:OFFS[3] + PPAD[3]],
                     w0f, w0p, w0c, w1f, w1p, w1c)
    parts = _segsum(src2, dst2, b0[0], b0[1], zseg)
    a1, b1 = _layerk(a0, parts, pos8, w0f1, w0p1, w1f1, w1p1)
    parts = _segsum(src2, dst2, b1[0], b1[1], zseg)
    a2, b2 = _layerk(a1, parts, pos8, w0f2, w0p2, w1f2, w1p2)
    parts = _segsum(src2, dst2, b2[0], b2[1], zseg)
    nf, npos = _final(a2, parts, pos8, wl1t)
    return npos[:N, :3], nf[:N, :]

# --- scband reference (transcript-rebuilt; emitter-appended) ---
"""Pipeline reference for scband-vertix-refine-shape-net-19069654794321 (READ-ONLY COPY).

The authoritative reference and input builder live on the scoring server;
editing this copy changes nothing except your own understanding.
"""

import jax, jax.numpy as jnp
import numpy as np

N = 10000
E = 320000
D = 128
NDIMS = 3
ALIGN = 3840
H_IMG = 224
W_IMG = 224


def setup_inputs(seed: int = 0) -> dict:
    key = jax.random.key(seed)
    ks = jax.random.split(key, 20)
    inp = {}
    inp["vertex_positions"] = jax.random.normal(ks[0], (N, NDIMS), jnp.float32)
    inp["vertex_features"] = jax.random.normal(ks[1], (N, D), jnp.float32)
    inp["edge_index"] = jax.random.randint(ks[2], (2, E), 0, N, jnp.int32)
    inp["feat0"] = jax.random.normal(ks[3], (1, 256, 56, 56), jnp.float32)
    inp["feat1"] = jax.random.normal(ks[4], (1, 512, 28, 28), jnp.float32)
    inp["feat2"] = jax.random.normal(ks[5], (1, 1024, 14, 14), jnp.float32)
    inp["feat3"] = jax.random.normal(ks[6], (1, 2048, 7, 7), jnp.float32)
    # learned params
    inp["W_lin0"] = jax.random.normal(ks[7], (D, ALIGN), jnp.float32) * 0.02
    in0 = D + NDIMS + D  # use_input_features=True
    inp["w0_g0"] = jax.random.normal(ks[8], (in0, D), jnp.float32) * (1.0 / np.sqrt(in0))
    inp["w1_g0"] = jax.random.normal(ks[9], (in0, D), jnp.float32) * (1.0 / np.sqrt(in0))
    in1 = D + NDIMS
    inp["w0_g1"] = jax.random.normal(ks[10], (in1, D), jnp.float32) * (1.0 / np.sqrt(in1))
    inp["w1_g1"] = jax.random.normal(ks[11], (in1, D), jnp.float32) * (1.0 / np.sqrt(in1))
    inp["w0_g2"] = jax.random.normal(ks[12], (in1, D), jnp.float32) * (1.0 / np.sqrt(in1))
    inp["w1_g2"] = jax.random.normal(ks[13], (in1, D), jnp.float32) * (1.0 / np.sqrt(in1))
    inp["W_lin1"] = jax.random.normal(ks[14], (NDIMS, D), jnp.float32) * 0.02
    return inp


def _project(f, h, w):
    # f: [C, size_y, size_x]; faithful port of VertexAlign.project (including the
    # integer-weight quirk of the original: x,y are cast to long before weights)
    size_y, size_x = f.shape[-2], f.shape[-1]
    x = w / (float(W_IMG) / size_x)
    y = h / (float(H_IMG) / size_y)
    x1 = jnp.floor(x).astype(jnp.int32)
    x2 = jnp.ceil(x).astype(jnp.int32)
    y1 = jnp.floor(y).astype(jnp.int32)
    y2 = jnp.ceil(y).astype(jnp.int32)
    x2 = jnp.minimum(x2, size_x - 1)
    y2 = jnp.minimum(y2, size_y - 1)
    Q11 = f[:, x1, y1]  # [C, N]
    Q12 = f[:, x1, y2]
    Q21 = f[:, x2, y1]
    Q22 = f[:, x2, y2]
    xi = x.astype(jnp.int32)
    yi = y.astype(jnp.int32)
    w11 = ((x2 - xi) * (y2 - yi)).astype(jnp.float32)[:, None]
    w12 = ((x2 - xi) * (yi - y1)).astype(jnp.float32)[:, None]
    w21 = ((xi - x1) * (y2 - yi)).astype(jnp.float32)[:, None]
    w22 = ((xi - x1) * (yi - y1)).astype(jnp.float32)[:, None]
    return w11 * Q11.T + w21 * Q21.T + w12 * Q12.T + w22 * Q22.T  # [N, C]


def _vertex_align(maps, positions):
    z = positions[:, 2]
    h = 248.0 * (positions[:, 1] / z) + 111.5
    w = 248.0 * (positions[:, 0] / (-z)) + 111.5
    h = jnp.clip(h, 0.0, float(H_IMG - 1))
    w = jnp.clip(w, 0.0, float(W_IMG - 1))
    return jnp.concatenate([_project(m[0], h, w) for m in maps], axis=1)


def _graph_conv(feat, w0, w1, src, dst):
    a = feat @ w0
    b = feat @ w1
    neigh = jax.ops.segment_sum(jnp.take(b, src, axis=0), dst, num_segments=feat.shape[0])
    return jax.nn.relu(a + neigh)


def reference(vertex_positions, vertex_features, edge_index, feat0, feat1, feat2, feat3,
              W_lin0, w0_g0, w1_g0, w0_g1, w1_g1, w0_g2, w1_g2, W_lin1):
    src, dst = edge_index[0], edge_index[1]
    aligned = _vertex_align([feat0, feat1, feat2, feat3], vertex_positions)  # [N, 3840]
    projected = aligned @ W_lin0.T  # [N, D]
    vf = jnp.concatenate([vertex_features, vertex_positions, projected], axis=1)
    nf = _graph_conv(vf, w0_g0, w1_g0, src, dst)
    nf = jnp.concatenate([vertex_positions, nf], axis=1)
    nf = _graph_conv(nf, w0_g1, w1_g1, src, dst)
    nf = jnp.concatenate([vertex_positions, nf], axis=1)
    nf = _graph_conv(nf, w0_g2, w1_g2, src, dst)
    delta = jnp.tanh(nf @ W_lin1.T)
    new_positions = vertex_positions + delta
    return (new_positions, nf)

if __name__ == "__main__":
    import jax
    _d = setup_inputs()
    print(jax.jit(kernel)(*tuple(_d.values())))

</pallas_src>

<mosaic_0001>
#map = affine_map<(d0, d1) -> (0, 0)>
#map1 = affine_map<(d0, d1) -> (0, 0, 0)>
module attributes {stable_mosaic.version = 14 : i64} {
  func.func @_proj_body(%arg0: i32, %arg1: i32, %arg2: memref<4184x128xf32, #tpu.memory_space<hbm>>, %arg3: memref<256x80xi32, #tpu.memory_space<hbm>>, %arg4: memref<2x10240x128xf32, #tpu.memory_space<hbm>>, %arg5: memref<8x80xi32, #tpu.memory_space<vmem>>, %arg6: memref<80x128xf32, #tpu.memory_space<vmem>>, %arg7: memref<80x128xf32, #tpu.memory_space<vmem>>, %arg8: memref<80x128xf32, #tpu.memory_space<vmem>>, %arg9: memref<80x128xf32, #tpu.memory_space<vmem>>, %arg10: memref<!tpu.dma_semaphore, #tpu.memory_space<semaphore_mem>>, %arg11: memref<!tpu.dma_semaphore, #tpu.memory_space<semaphore_mem>>) attributes {dimension_semantics = [#tpu.dimension_semantics<core_parallel>, #tpu.dimension_semantics<subcore_parallel>], iteration_bounds = array<i64: 2, 16>, scalar_prefetch = 0 : i64, scratch_operands = 7 : i64, tpu.core_type = #tpu.core_type<sc_vector_subcore>, window_params = [{transform_indices = #map}, {transform_indices = #map}, {transform_indices = #map1}]} {
    %mul3A = arith.constant 16 : i32
    %mul3A_0 = arith.muli %arg0, %mul3A : i32
    %add3A = arith.addi %mul3A_0, %arg1 : i32
    %mul3A_1 = arith.constant 320 : i32
    %mul3A_2 = arith.muli %add3A, %mul3A_1 : i32
    %mul3A_3 = arith.constant 4 : i32
    %mul3A_4 = arith.muli %add3A, %mul3A_3 : i32
    %add3A_5 = arith.constant 0 : i32
    %add3A_6 = arith.addi %add3A_5, %mul3A_4 : i32
    "tpu.region"() ({
      %run_scoped3A_136 = tpu.sem_alloc : memref<!tpu.dma_semaphore, #tpu.memory_space<semaphore_mem>>
      %dma_start3A_137 = arith.constant 0 : i32
      %dma_start3A_138 = arith.constant 0 : i32
      %dma_start3A_139 = tpu.memref_slice %arg5[%dma_start3A_137, %dma_start3A_138] : memref<8x80xi32, #tpu.memory_space<vmem>> -> memref<4x80xi32, #tpu.memory_space<vmem>>
      %dma_start3A_140 = arith.constant 0 : i32
      %dma_start3A_141 = tpu.memref_slice %arg3[%add3A_6, %dma_start3A_140] : memref<256x80xi32, #tpu.memory_space<hbm>> -> memref<4x80xi32, #tpu.memory_space<hbm>>
      %dma_start3A_142 = arith.constant 0 : i32
      %dma_start3A_143 = arith.constant 0 : i32
      %dma_start3A_144 = tpu.memref_slice %arg5[%dma_start3A_142, %dma_start3A_143] : memref<8x80xi32, #tpu.memory_space<vmem>> -> memref<4x80xi32, #tpu.memory_space<vmem>>
      %dma_start3A_145 = arith.constant 0 : i32
      %dma_start3A_146 = tpu.memref_slice %arg3[%add3A_6, %dma_start3A_145] : memref<256x80xi32, #tpu.memory_space<hbm>> -> memref<4x80xi32, #tpu.memory_space<hbm>>
      tpu.enqueue_dma source(%dma_start3A_146 : memref<4x80xi32, #tpu.memory_space<hbm>>) target(%dma_start3A_144 : memref<4x80xi32, #tpu.memory_space<vmem>>) target_semaphore(%run_scoped3A_136 : memref<!tpu.dma_semaphore, #tpu.memory_space<semaphore_mem>>)
      %dma_wait3A_147 = arith.constant 0 : i32
      %dma_wait3A_148 = arith.constant 0 : i32
      %dma_wait3A_149 = tpu.memref_slice %arg5[%dma_wait3A_147, %dma_wait3A_148] : memref<8x80xi32, #tpu.memory_space<vmem>> -> memref<4x80xi32, #tpu.memory_space<vmem>>
      %dma_wait3A_150 = arith.constant 0 : i32
      %dma_wait3A_151 = tpu.memref_slice %arg3[%add3A_6, %dma_wait3A_150] : memref<256x80xi32, #tpu.memory_space<hbm>> -> memref<4x80xi32, #tpu.memory_space<hbm>>
      %dma_wait3A_152 = arith.constant 0 : i32
      %dma_wait3A_153 = arith.constant 0 : i32
      %dma_wait3A_154 = tpu.memref_slice %arg5[%dma_wait3A_152, %dma_wait3A_153] : memref<8x80xi32, #tpu.memory_space<vmem>> -> memref<4x80xi32, #tpu.memory_space<vmem>>
      %dma_wait3A_155 = arith.constant 0 : i32
      %dma_wait3A_156 = tpu.memref_slice %arg3[%add3A_6, %dma_wait3A_155] : memref<256x80xi32, #tpu.memory_space<hbm>> -> memref<4x80xi32, #tpu.memory_space<hbm>>
      tpu.wait_dma2 semaphore(%run_scoped3A_136 : memref<!tpu.dma_semaphore, #tpu.memory_space<semaphore_mem>>) src(%dma_wait3A_156 : memref<4x80xi32, #tpu.memory_space<hbm>>) dst(%dma_wait3A_154 : memref<4x80xi32, #tpu.memory_space<vmem>>)
      tpu.yield
    }) : () -> ()
    %mul3A_7 = arith.constant 4 : i32
    %mul3A_8 = arith.muli %add3A, %mul3A_7 : i32
    %add3A_9 = arith.constant 128 : i32
    %add3A_10 = arith.addi %add3A_9, %mul3A_8 : i32
    "tpu.region"() ({
      %run_scoped3A_136 = tpu.sem_alloc : memref<!tpu.dma_semaphore, #tpu.memory_space<semaphore_mem>>
      %dma_start3A_137 = arith.constant 4 : i32
      %dma_start3A_138 = arith.constant 0 : i32
      %dma_start3A_139 = tpu.memref_slice %arg5[%dma_start3A_137, %dma_start3A_138] : memref<8x80xi32, #tpu.memory_space<vmem>> -> memref<4x80xi32, #tpu.memory_space<vmem>>
      %dma_start3A_140 = arith.constant 0 : i32
      %dma_start3A_141 = tpu.memref_slice %arg3[%add3A_10, %dma_start3A_140] : memref<256x80xi32, #tpu.memory_space<hbm>> -> memref<4x80xi32, #tpu.memory_space<hbm>>
      %dma_start3A_142 = arith.constant 4 : i32
      %dma_start3A_143 = arith.constant 0 : i32
      %dma_start3A_144 = tpu.memref_slice %arg5[%dma_start3A_142, %dma_start3A_143] : memref<8x80xi32, #tpu.memory_space<vmem>> -> memref<4x80xi32, #tpu.memory_space<vmem>>
      %dma_start3A_145 = arith.constant 0 : i32
      %dma_start3A_146 = tpu.memref_slice %arg3[%add3A_10, %dma_start3A_145] : memref<256x80xi32, #tpu.memory_space<hbm>> -> memref<4x80xi32, #tpu.memory_space<hbm>>
      tpu.enqueue_dma source(%dma_start3A_146 : memref<4x80xi32, #tpu.memory_space<hbm>>) target(%dma_start3A_144 : memref<4x80xi32, #tpu.memory_space<vmem>>) target_semaphore(%run_scoped3A_136 : memref<!tpu.dma_semaphore, #tpu.memory_space<semaphore_mem>>)
      %dma_wait3A_147 = arith.constant 4 : i32
      %dma_wait3A_148 = arith.constant 0 : i32
      %dma_wait3A_149 = tpu.memref_slice %arg5[%dma_wait3A_147, %dma_wait3A_148] : memref<8x80xi32, #tpu.memory_space<vmem>> -> memref<4x80xi32, #tpu.memory_space<vmem>>
      %dma_wait3A_150 = arith.constant 0 : i32
      %dma_wait3A_151 = tpu.memref_slice %arg3[%add3A_10, %dma_wait3A_150] : memref<256x80xi32, #tpu.memory_space<hbm>> -> memref<4x80xi32, #tpu.memory_space<hbm>>
      %dma_wait3A_152 = arith.constant 4 : i32
      %dma_wait3A_153 = arith.constant 0 : i32
      %dma_wait3A_154 = tpu.memref_slice %arg5[%dma_wait3A_152, %dma_wait3A_153] : memref<8x80xi32, #tpu.memory_space<vmem>> -> memref<4x80xi32, #tpu.memory_space<vmem>>
      %dma_wait3A_155 = arith.constant 0 : i32
      %dma_wait3A_156 = tpu.memref_slice %arg3[%add3A_10, %dma_wait3A_155] : memref<256x80xi32, #tpu.memory_space<hbm>> -> memref<4x80xi32, #tpu.memory_space<hbm>>
      tpu.wait_dma2 semaphore(%run_scoped3A_136 : memref<!tpu.dma_semaphore, #tpu.memory_space<semaphore_mem>>) src(%dma_wait3A_156 : memref<4x80xi32, #tpu.memory_space<hbm>>) dst(%dma_wait3A_154 : memref<4x80xi32, #tpu.memory_space<vmem>>)
      tpu.yield
    }) : () -> ()
    %dma_start3A = arith.constant 0 : i32
    %dma_start3A_11 = arith.constant 0 : i32
    %dma_start3A_12 = tpu.memref_slice %arg5[%dma_start3A, %dma_start3A_11] : memref<8x80xi32, #tpu.memory_space<vmem>> -> memref<1x80xi32, #tpu.memory_space<vmem>>
    %dma_start3A_13 = tpu.memref_squeeze %dma_start3A_12 : memref<1x80xi32, #tpu.memory_space<vmem>> -> memref<80xi32, #tpu.memory_space<vmem>>
    %dma_start3A_14 = arith.constant 0 : i32
    %dma_start3A_15 = arith.constant 0 : i32
    %dma_start3A_16 = tpu.memref_slice %arg2[%dma_start3A_14, %dma_start3A_15] : memref<4184x128xf32, #tpu.memory_space<hbm>> -> memref<4184x128xf32, #tpu.memory_space<hbm>>
    tpu.enqueue_indirect_dma source(%dma_start3A_16 : memref<4184x128xf32, #tpu.memory_space<hbm>>) target(%arg6 : memref<80x128xf32, #tpu.memory_space<vmem>>) offsets(%dma_start3A_13 : memref<80xi32, #tpu.memory_space<vmem>>) semaphore(%arg10 : memref<!tpu.dma_semaphore, #tpu.memory_space<semaphore_mem>>)
    %dma_start3A_17 = arith.constant 4 : i32
    %dma_start3A_18 = arith.constant 0 : i32
    %dma_start3A_19 = tpu.memref_slice %arg5[%dma_start3A_17, %dma_start3A_18] : memref<8x80xi32, #tpu.memory_space<vmem>> -> memref<1x80xi32, #tpu.memory_space<vmem>>
    %dma_start3A_20 = tpu.memref_squeeze %dma_start3A_19 : memref<1x80xi32, #tpu.memory_space<vmem>> -> memref<80xi32, #tpu.memory_space<vmem>>
    %dma_start3A_21 = arith.constant 0 : i32
    %dma_start3A_22 = arith.constant 0 : i32
    %dma_start3A_23 = tpu.memref_slice %arg2[%dma_start3A_21, %dma_start3A_22] : memref<4184x128xf32, #tpu.memory_space<hbm>> -> memref<4184x128xf32, #tpu.memory_space<hbm>>
    tpu.enqueue_indirect_dma source(%dma_start3A_23 : memref<4184x128xf32, #tpu.memory_space<hbm>>) target(%arg7 : memref<80x128xf32, #tpu.memory_space<vmem>>) offsets(%dma_start3A_20 : memref<80xi32, #tpu.memory_space<vmem>>) semaphore(%arg10 : memref<!tpu.dma_semaphore, #tpu.memory_space<semaphore_mem>>)
    %dma_start3A_24 = arith.constant 1 : i32
    %dma_start3A_25 = arith.constant 0 : i32
    %dma_start3A_26 = tpu.memref_slice %arg5[%dma_start3A_24, %dma_start3A_25] : memref<8x80xi32, #tpu.memory_space<vmem>> -> memref<1x80xi32, #tpu.memory_space<vmem>>
    %dma_start3A_27 = tpu.memref_squeeze %dma_start3A_26 : memref<1x80xi32, #tpu.memory_space<vmem>> -> memref<80xi32, #tpu.memory_space<vmem>>
    %dma_start3A_28 = arith.constant 0 : i32
    %dma_start3A_29 = arith.constant 0 : i32
    %dma_start3A_30 = tpu.memref_slice %arg2[%dma_start3A_28, %dma_start3A_29] : memref<4184x128xf32, #tpu.memory_space<hbm>> -> memref<4184x128xf32, #tpu.memory_space<hbm>>
    tpu.enqueue_indirect_dma source(%dma_start3A_30 : memref<4184x128xf32, #tpu.memory_space<hbm>>) target(%arg8 : memref<80x128xf32, #tpu.memory_space<vmem>>) offsets(%dma_start3A_27 : memref<80xi32, #tpu.memory_space<vmem>>) semaphore(%arg11 : memref<!tpu.dma_semaphore, #tpu.memory_space<semaphore_mem>>)
    %dma_start3A_31 = arith.constant 5 : i32
    %dma_start3A_32 = arith.constant 0 : i32
    %dma_start3A_33 = tpu.memref_slice %arg5[%dma_start3A_31, %dma_start3A_32] : memref<8x80xi32, #tpu.memory_space<vmem>> -> memref<1x80xi32, #tpu.memory_space<vmem>>
    %dma_start3A_34 = tpu.memref_squeeze %dma_start3A_33 : memref<1x80xi32, #tpu.memory_space<vmem>> -> memref<80xi32, #tpu.memory_space<vmem>>
    %dma_start3A_35 = arith.constant 0 : i32
    %dma_start3A_36 = arith.constant 0 : i32
    %dma_start3A_37 = tpu.memref_slice %arg2[%dma_start3A_35, %dma_start3A_36] : memref<4184x128xf32, #tpu.memory_space<hbm>> -> memref<4184x128xf32, #tpu.memory_space<hbm>>
    tpu.enqueue_indirect_dma source(%dma_start3A_37 : memref<4184x128xf32, #tpu.memory_space<hbm>>) target(%arg9 : memref<80x128xf32, #tpu.memory_space<vmem>>) offsets(%dma_start3A_34 : memref<80xi32, #tpu.memory_space<vmem>>) semaphore(%arg11 : memref<!tpu.dma_semaphore, #tpu.memory_space<semaphore_mem>>)
    %dma_wait3A = arith.constant 0 : i32
    %dma_wait3A_38 = arith.constant 0 : i32
    %dma_wait3A_39 = tpu.memref_slice %arg2[%dma_wait3A, %dma_wait3A_38] : memref<4184x128xf32, #tpu.memory_space<hbm>> -> memref<80x128xf32, #tpu.memory_space<hbm>>
    %dma_wait3A_40 = arith.constant 0 : i32
    %dma_wait3A_41 = arith.constant 0 : i32
    %dma_wait3A_42 = tpu.memref_slice %arg2[%dma_wait3A_40, %dma_wait3A_41] : memref<4184x128xf32, #tpu.memory_space<hbm>> -> memref<80x128xf32, #tpu.memory_space<hbm>>
    tpu.wait_dma2 semaphore(%arg10 : memref<!tpu.dma_semaphore, #tpu.memory_space<semaphore_mem>>) src(%dma_wait3A_42 : memref<80x128xf32, #tpu.memory_space<hbm>>) dst(%arg6 : memref<80x128xf32, #tpu.memory_space<vmem>>)
    %dma_wait3A_43 = arith.constant 0 : i32
    %dma_wait3A_44 = arith.constant 0 : i32
    %dma_wait3A_45 = tpu.memref_slice %arg2[%dma_wait3A_43, %dma_wait3A_44] : memref<4184x128xf32, #tpu.memory_space<hbm>> -> memref<80x128xf32, #tpu.memory_space<hbm>>
    %dma_wait3A_46 = arith.constant 0 : i32
    %dma_wait3A_47 = arith.constant 0 : i32
    %dma_wait3A_48 = tpu.memref_slice %arg2[%dma_wait3A_46, %dma_wait3A_47] : memref<4184x128xf32, #tpu.memory_space<hbm>> -> memref<80x128xf32, #tpu.memory_space<hbm>>
    tpu.wait_dma2 semaphore(%arg10 : memref<!tpu.dma_semaphore, #tpu.memory_space<semaphore_mem>>) src(%dma_wait3A_48 : memref<80x128xf32, #tpu.memory_space<hbm>>) dst(%arg7 : memref<80x128xf32, #tpu.memory_space<vmem>>)
    %add3A_49 = arith.constant 0 : i32
    %add3A_50 = arith.addi %mul3A_2, %add3A_49 : i32
    %run_scoped3A = arith.constant 0 : i32
    "tpu.region"() ({
      %run_scoped3A_136 = tpu.sem_alloc : memref<!tpu.dma_semaphore, #tpu.memory_space<semaphore_mem>>
      %dma_start3A_137 = arith.constant 0 : i32
      %dma_start3A_138 = tpu.memref_slice %arg4[%run_scoped3A, %add3A_50, %dma_start3A_137] : memref<2x10240x128xf32, #tpu.memory_space<hbm>> -> memref<1x80x128xf32, #tpu.memory_space<hbm>>
      %dma_start3A_139 = tpu.memref_squeeze %dma_start3A_138 : memref<1x80x128xf32, #tpu.memory_space<hbm>> -> memref<80x128xf32, #tpu.memory_space<hbm>>
      %dma_start3A_140 = arith.constant 0 : i32
      %dma_start3A_141 = tpu.memref_slice %arg4[%run_scoped3A, %add3A_50, %dma_start3A_140] : memref<2x10240x128xf32, #tpu.memory_space<hbm>> -> memref<1x80x128xf32, #tpu.memory_space<hbm>>
      %dma_start3A_142 = tpu.memref_squeeze %dma_start3A_141 : memref<1x80x128xf32, #tpu.memory_space<hbm>> -> memref<80x128xf32, #tpu.memory_space<hbm>>
      tpu.enqueue_dma source(%arg6 : memref<80x128xf32, #tpu.memory_space<vmem>>) target(%dma_start3A_142 : memref<80x128xf32, #tpu.memory_space<hbm>>) target_semaphore(%run_scoped3A_136 : memref<!tpu.dma_semaphore, #tpu.memory_space<semaphore_mem>>)
      %dma_wait3A_143 = arith.constant 0 : i32
      %dma_wait3A_144 = tpu.memref_slice %arg4[%run_scoped3A, %add3A_50, %dma_wait3A_143] : memref<2x10240x128xf32, #tpu.memory_space<hbm>> -> memref<1x80x128xf32, #tpu.memory_space<hbm>>
      %dma_wait3A_145 = tpu.memref_squeeze %dma_wait3A_144 : memref<1x80x128xf32, #tpu.memory_space<hbm>> -> memref<80x128xf32, #tpu.memory_space<hbm>>
      %dma_wait3A_146 = arith.constant 0 : i32
      %dma_wait3A_147 = tpu.memref_slice %arg4[%run_scoped3A, %add3A_50, %dma_wait3A_146] : memref<2x10240x128xf32, #tpu.memory_space<hbm>> -> memref<1x80x128xf32, #tpu.memory_space<hbm>>
      %dma_wait3A_148 = tpu.memref_squeeze %dma_wait3A_147 : memref<1x80x128xf32, #tpu.memory_space<hbm>> -> memref<80x128xf32, #tpu.memory_space<hbm>>
      tpu.wait_dma2 semaphore(%run_scoped3A_136 : memref<!tpu.dma_semaphore, #tpu.memory_space<semaphore_mem>>) src(%arg6 : memref<80x128xf32, #tpu.memory_space<vmem>>) dst(%dma_wait3A_148 : memref<80x128xf32, #tpu.memory_space<hbm>>)
      tpu.yield
    }) : () -> ()
    %add3A_51 = arith.constant 0 : i32
    %add3A_52 = arith.addi %mul3A_2, %add3A_51 : i32
    %run_scoped3A_53 = arith.constant 1 : i32
    "tpu.region"() ({
      %run_scoped3A_136 = tpu.sem_alloc : memref<!tpu.dma_semaphore, #tpu.memory_space<semaphore_mem>>
      %dma_start3A_137 = arith.constant 0 : i32
      %dma_start3A_138 = tpu.memref_slice %arg4[%run_scoped3A_53, %add3A_52, %dma_start3A_137] : memref<2x10240x128xf32, #tpu.memory_space<hbm>> -> memref<1x80x128xf32, #tpu.memory_space<hbm>>
      %dma_start3A_139 = tpu.memref_squeeze %dma_start3A_138 : memref<1x80x128xf32, #tpu.memory_space<hbm>> -> memref<80x128xf32, #tpu.memory_space<hbm>>
      %dma_start3A_140 = arith.constant 0 : i32
      %dma_start3A_141 = tpu.memref_slice %arg4[%run_scoped3A_53, %add3A_52, %dma_start3A_140] : memref<2x10240x128xf32, #tpu.memory_space<hbm>> -> memref<1x80x128xf32, #tpu.memory_space<hbm>>
      %dma_start3A_142 = tpu.memref_squeeze %dma_start3A_141 : memref<1x80x128xf32, #tpu.memory_space<hbm>> -> memref<80x128xf32, #tpu.memory_space<hbm>>
      tpu.enqueue_dma source(%arg7 : memref<80x128xf32, #tpu.memory_space<vmem>>) target(%dma_start3A_142 : memref<80x128xf32, #tpu.memory_space<hbm>>) target_semaphore(%run_scoped3A_136 : memref<!tpu.dma_semaphore, #tpu.memory_space<semaphore_mem>>)
      %dma_wait3A_143 = arith.constant 0 : i32
      %dma_wait3A_144 = tpu.memref_slice %arg4[%run_scoped3A_53, %add3A_52, %dma_wait3A_143] : memref<2x10240x128xf32, #tpu.memory_space<hbm>> -> memref<1x80x128xf32, #tpu.memory_space<hbm>>
      %dma_wait3A_145 = tpu.memref_squeeze %dma_wait3A_144 : memref<1x80x128xf32, #tpu.memory_space<hbm>> -> memref<80x128xf32, #tpu.memory_space<hbm>>
      %dma_wait3A_146 = arith.constant 0 : i32
      %dma_wait3A_147 = tpu.memref_slice %arg4[%run_scoped3A_53, %add3A_52, %dma_wait3A_146] : memref<2x10240x128xf32, #tpu.memory_space<hbm>> -> memref<1x80x128xf32, #tpu.memory_space<hbm>>
      %dma_wait3A_148 = tpu.memref_squeeze %dma_wait3A_147 : memref<1x80x128xf32, #tpu.memory_space<hbm>> -> memref<80x128xf32, #tpu.memory_space<hbm>>
      tpu.wait_dma2 semaphore(%run_scoped3A_136 : memref<!tpu.dma_semaphore, #tpu.memory_space<semaphore_mem>>) src(%arg7 : memref<80x128xf32, #tpu.memory_space<vmem>>) dst(%dma_wait3A_148 : memref<80x128xf32, #tpu.memory_space<hbm>>)
      tpu.yield
    }) : () -> ()
    %dma_start3A_54 = arith.constant 2 : i32
    %dma_start3A_55 = arith.constant 0 : i32
    %dma_start3A_56 = tpu.memref_slice %arg5[%dma_start3A_54, %dma_start3A_55] : memref<8x80xi32, #tpu.memory_space<vmem>> -> memref<1x80xi32, #tpu.memory_space<vmem>>
    %dma_start3A_57 = tpu.memref_squeeze %dma_start3A_56 : memref<1x80xi32, #tpu.memory_space<vmem>> -> memref<80xi32, #tpu.memory_space<vmem>>
    %dma_start3A_58 = arith.constant 0 : i32
    %dma_start3A_59 = arith.constant 0 : i32
    %dma_start3A_60 = tpu.memref_slice %arg2[%dma_start3A_58, %dma_start3A_59] : memref<4184x128xf32, #tpu.memory_space<hbm>> -> memref<4184x128xf32, #tpu.memory_space<hbm>>
    tpu.enqueue_indirect_dma source(%dma_start3A_60 : memref<4184x128xf32, #tpu.memory_space<hbm>>) target(%arg6 : memref<80x128xf32, #tpu.memory_space<vmem>>) offsets(%dma_start3A_57 : memref<80xi32, #tpu.memory_space<vmem>>) semaphore(%arg10 : memref<!tpu.dma_semaphore, #tpu.memory_space<semaphore_mem>>)
    %dma_start3A_61 = arith.constant 6 : i32
    %dma_start3A_62 = arith.constant 0 : i32
    %dma_start3A_63 = tpu.memref_slice %arg5[%dma_start3A_61, %dma_start3A_62] : memref<8x80xi32, #tpu.memory_space<vmem>> -> memref<1x80xi32, #tpu.memory_space<vmem>>
    %dma_start3A_64 = tpu.memref_squeeze %dma_start3A_63 : memref<1x80xi32, #tpu.memory_space<vmem>> -> memref<80xi32, #tpu.memory_space<vmem>>
    %dma_start3A_65 = arith.constant 0 : i32
    %dma_start3A_66 = arith.constant 0 : i32
    %dma_start3A_67 = tpu.memref_slice %arg2[%dma_start3A_65, %dma_start3A_66] : memref<4184x128xf32, #tpu.memory_space<hbm>> -> memref<4184x128xf32, #tpu.memory_space<hbm>>
    tpu.enqueue_indirect_dma source(%dma_start3A_67 : memref<4184x128xf32, #tpu.memory_space<hbm>>) target(%arg7 : memref<80x128xf32, #tpu.memory_space<vmem>>) offsets(%dma_start3A_64 : memref<80xi32, #tpu.memory_space<vmem>>) semaphore(%arg10 : memref<!tpu.dma_semaphore, #tpu.memory_space<semaphore_mem>>)
    %dma_wait3A_68 = arith.constant 0 : i32
    %dma_wait3A_69 = arith.constant 0 : i32
    %dma_wait3A_70 = tpu.memref_slice %arg2[%dma_wait3A_68, %dma_wait3A_69] : memref<4184x128xf32, #tpu.memory_space<hbm>> -> memref<80x128xf32, #tpu.memory_space<hbm>>
    %dma_wait3A_71 = arith.constant 0 : i32
    %dma_wait3A_72 = arith.constant 0 : i32
    %dma_wait3A_73 = tpu.memref_slice %arg2[%dma_wait3A_71, %dma_wait3A_72] : memref<4184x128xf32, #tpu.memory_space<hbm>> -> memref<80x128xf32, #tpu.memory_space<hbm>>
    tpu.wait_dma2 semaphore(%arg11 : memref<!tpu.dma_semaphore, #tpu.memory_space<semaphore_mem>>) src(%dma_wait3A_73 : memref<80x128xf32, #tpu.memory_space<hbm>>) dst(%arg8 : memref<80x128xf32, #tpu.memory_space<vmem>>)
    %dma_wait3A_74 = arith.constant 0 : i32
    %dma_wait3A_75 = arith.constant 0 : i32
    %dma_wait3A_76 = tpu.memref_slice %arg2[%dma_wait3A_74, %dma_wait3A_75] : memref<4184x128xf32, #tpu.memory_space<hbm>> -> memref<80x128xf32, #tpu.memory_space<hbm>>
    %dma_wait3A_77 = arith.constant 0 : i32
    %dma_wait3A_78 = arith.constant 0 : i32
    %dma_wait3A_79 = tpu.memref_slice %arg2[%dma_wait3A_77, %dma_wait3A_78] : memref<4184x128xf32, #tpu.memory_space<hbm>> -> memref<80x128xf32, #tpu.memory_space<hbm>>
    tpu.wait_dma2 semaphore(%arg11 : memref<!tpu.dma_semaphore, #tpu.memory_space<semaphore_mem>>) src(%dma_wait3A_79 : memref<80x128xf32, #tpu.memory_space<hbm>>) dst(%arg9 : memref<80x128xf32, #tpu.memory_space<vmem>>)
    %add3A_80 = arith.constant 80 : i32
    %add3A_81 = arith.addi %mul3A_2, %add3A_80 : i32
    %run_scoped3A_82 = arith.constant 0 : i32
    "tpu.region"() ({
      %run_scoped3A_136 = tpu.sem_alloc : memref<!tpu.dma_semaphore, #tpu.memory_space<semaphore_mem>>
      %dma_start3A_137 = arith.constant 0 : i32
      %dma_start3A_138 = tpu.memref_slice %arg4[%run_scoped3A_82, %add3A_81, %dma_start3A_137] : memref<2x10240x128xf32, #tpu.memory_space<hbm>> -> memref<1x80x128xf32, #tpu.memory_space<hbm>>
      %dma_start3A_139 = tpu.memref_squeeze %dma_start3A_138 : memref<1x80x128xf32, #tpu.memory_space<hbm>> -> memref<80x128xf32, #tpu.memory_space<hbm>>
      %dma_start3A_140 = arith.constant 0 : i32
      %dma_start3A_141 = tpu.memref_slice %arg4[%run_scoped3A_82, %add3A_81, %dma_start3A_140] : memref<2x10240x128xf32, #tpu.memory_space<hbm>> -> memref<1x80x128xf32, #tpu.memory_space<hbm>>
      %dma_start3A_142 = tpu.memref_squeeze %dma_start3A_141 : memref<1x80x128xf32, #tpu.memory_space<hbm>> -> memref<80x128xf32, #tpu.memory_space<hbm>>
      tpu.enqueue_dma source(%arg8 : memref<80x128xf32, #tpu.memory_space<vmem>>) target(%dma_start3A_142 : memref<80x128xf32, #tpu.memory_space<hbm>>) target_semaphore(%run_scoped3A_136 : memref<!tpu.dma_semaphore, #tpu.memory_space<semaphore_mem>>)
      %dma_wait3A_143 = arith.constant 0 : i32
      %dma_wait3A_144 = tpu.memref_slice %arg4[%run_scoped3A_82, %add3A_81, %dma_wait3A_143] : memref<2x10240x128xf32, #tpu.memory_space<hbm>> -> memref<1x80x128xf32, #tpu.memory_space<hbm>>
      %dma_wait3A_145 = tpu.memref_squeeze %dma_wait3A_144 : memref<1x80x128xf32, #tpu.memory_space<hbm>> -> memref<80x128xf32, #tpu.memory_space<hbm>>
      %dma_wait3A_146 = arith.constant 0 : i32
      %dma_wait3A_147 = tpu.memref_slice %arg4[%run_scoped3A_82, %add3A_81, %dma_wait3A_146] : memref<2x10240x128xf32, #tpu.memory_space<hbm>> -> memref<1x80x128xf32, #tpu.memory_space<hbm>>
      %dma_wait3A_148 = tpu.memref_squeeze %dma_wait3A_147 : memref<1x80x128xf32, #tpu.memory_space<hbm>> -> memref<80x128xf32, #tpu.memory_space<hbm>>
      tpu.wait_dma2 semaphore(%run_scoped3A_136 : memref<!tpu.dma_semaphore, #tpu.memory_space<semaphore_mem>>) src(%arg8 : memref<80x128xf32, #tpu.memory_space<vmem>>) dst(%dma_wait3A_148 : memref<80x128xf32, #tpu.memory_space<hbm>>)
      tpu.yield
    }) : () -> ()
    %add3A_83 = arith.constant 80 : i32
    %add3A_84 = arith.addi %mul3A_2, %add3A_83 : i32
    %run_scoped3A_85 = arith.constant 1 : i32
    "tpu.region"() ({
      %run_scoped3A_136 = tpu.sem_alloc : memref<!tpu.dma_semaphore, #tpu.memory_space<semaphore_mem>>
      %dma_start3A_137 = arith.constant 0 : i32
      %dma_start3A_138 = tpu.memref_slice %arg4[%run_scoped3A_85, %add3A_84, %dma_start3A_137] : memref<2x10240x128xf32, #tpu.memory_space<hbm>> -> memref<1x80x128xf32, #tpu.memory_space<hbm>>
      %dma_start3A_139 = tpu.memref_squeeze %dma_start3A_138 : memref<1x80x128xf32, #tpu.memory_space<hbm>> -> memref<80x128xf32, #tpu.memory_space<hbm>>
      %dma_start3A_140 = arith.constant 0 : i32
      %dma_start3A_141 = tpu.memref_slice %arg4[%run_scoped3A_85, %add3A_84, %dma_start3A_140] : memref<2x10240x128xf32, #tpu.memory_space<hbm>> -> memref<1x80x128xf32, #tpu.memory_space<hbm>>
      %dma_start3A_142 = tpu.memref_squeeze %dma_start3A_141 : memref<1x80x128xf32, #tpu.memory_space<hbm>> -> memref<80x128xf32, #tpu.memory_space<hbm>>
      tpu.enqueue_dma source(%arg9 : memref<80x128xf32, #tpu.memory_space<vmem>>) target(%dma_start3A_142 : memref<80x128xf32, #tpu.memory_space<hbm>>) target_semaphore(%run_scoped3A_136 : memref<!tpu.dma_semaphore, #tpu.memory_space<semaphore_mem>>)
      %dma_wait3A_143 = arith.constant 0 : i32
      %dma_wait3A_144 = tpu.memref_slice %arg4[%run_scoped3A_85, %add3A_84, %dma_wait3A_143] : memref<2x10240x128xf32, #tpu.memory_space<hbm>> -> memref<1x80x128xf32, #tpu.memory_space<hbm>>
      %dma_wait3A_145 = tpu.memref_squeeze %dma_wait3A_144 : memref<1x80x128xf32, #tpu.memory_space<hbm>> -> memref<80x128xf32, #tpu.memory_space<hbm>>
      %dma_wait3A_146 = arith.constant 0 : i32
      %dma_wait3A_147 = tpu.memref_slice %arg4[%run_scoped3A_85, %add3A_84, %dma_wait3A_146] : memref<2x10240x128xf32, #tpu.memory_space<hbm>> -> memref<1x80x128xf32, #tpu.memory_space<hbm>>
      %dma_wait3A_148 = tpu.memref_squeeze %dma_wait3A_147 : memref<1x80x128xf32, #tpu.memory_space<hbm>> -> memref<80x128xf32, #tpu.memory_space<hbm>>
      tpu.wait_dma2 semaphore(%run_scoped3A_136 : memref<!tpu.dma_semaphore, #tpu.memory_space<semaphore_mem>>) src(%arg9 : memref<80x128xf32, #tpu.memory_space<vmem>>) dst(%dma_wait3A_148 : memref<80x128xf32, #tpu.memory_space<hbm>>)
      tpu.yield
    }) : () -> ()
    %dma_start3A_86 = arith.constant 3 : i32
    %dma_start3A_87 = arith.constant 0 : i32
    %dma_start3A_88 = tpu.memref_slice %arg5[%dma_start3A_86, %dma_start3A_87] : memref<8x80xi32, #tpu.memory_space<vmem>> -> memref<1x80xi32, #tpu.memory_space<vmem>>
    %dma_start3A_89 = tpu.memref_squeeze %dma_start3A_88 : memref<1x80xi32, #tpu.memory_space<vmem>> -> memref<80xi32, #tpu.memory_space<vmem>>
    %dma_start3A_90 = arith.constant 0 : i32
    %dma_start3A_91 = arith.constant 0 : i32
    %dma_start3A_92 = tpu.memref_slice %arg2[%dma_start3A_90, %dma_start3A_91] : memref<4184x128xf32, #tpu.memory_space<hbm>> -> memref<4184x128xf32, #tpu.memory_space<hbm>>
    tpu.enqueue_indirect_dma source(%dma_start3A_92 : memref<4184x128xf32, #tpu.memory_space<hbm>>) target(%arg8 : memref<80x128xf32, #tpu.memory_space<vmem>>) offsets(%dma_start3A_89 : memref<80xi32, #tpu.memory_space<vmem>>) semaphore(%arg11 : memref<!tpu.dma_semaphore, #tpu.memory_space<semaphore_mem>>)
    %dma_start3A_93 = arith.constant 7 : i32
    %dma_start3A_94 = arith.constant 0 : i32
    %dma_start3A_95 = tpu.memref_slice %arg5[%dma_start3A_93, %dma_start3A_94] : memref<8x80xi32, #tpu.memory_space<vmem>> -> memref<1x80xi32, #tpu.memory_space<vmem>>
    %dma_start3A_96 = tpu.memref_squeeze %dma_start3A_95 : memref<1x80xi32, #tpu.memory_space<vmem>> -> memref<80xi32, #tpu.memory_space<vmem>>
    %dma_start3A_97 = arith.constant 0 : i32
    %dma_start3A_98 = arith.constant 0 : i32
    %dma_start3A_99 = tpu.memref_slice %arg2[%dma_start3A_97, %dma_start3A_98] : memref<4184x128xf32, #tpu.memory_space<hbm>> -> memref<4184x128xf32, #tpu.memory_space<hbm>>
    tpu.enqueue_indirect_dma source(%dma_start3A_99 : memref<4184x128xf32, #tpu.memory_space<hbm>>) target(%arg9 : memref<80x128xf32, #tpu.memory_space<vmem>>) offsets(%dma_start3A_96 : memref<80xi32, #tpu.memory_space<vmem>>) semaphore(%arg11 : memref<!tpu.dma_semaphore, #tpu.memory_space<semaphore_mem>>)
    %dma_wait3A_100 = arith.constant 0 : i32
    %dma_wait3A_101 = arith.constant 0 : i32
    %dma_wait3A_102 = tpu.memref_slice %arg2[%dma_wait3A_100, %dma_wait3A_101] : memref<4184x128xf32, #tpu.memory_space<hbm>> -> memref<80x128xf32, #tpu.memory_space<hbm>>
    %dma_wait3A_103 = arith.constant 0 : i32
    %dma_wait3A_104 = arith.constant 0 : i32
    %dma_wait3A_105 = tpu.memref_slice %arg2[%dma_wait3A_103, %dma_wait3A_104] : memref<4184x128xf32, #tpu.memory_space<hbm>> -> memref<80x128xf32, #tpu.memory_space<hbm>>
    tpu.wait_dma2 semaphore(%arg10 : memref<!tpu.dma_semaphore, #tpu.memory_space<semaphore_mem>>) src(%dma_wait3A_105 : memref<80x128xf32, #tpu.memory_space<hbm>>) dst(%arg6 : memref<80x128xf32, #tpu.memory_space<vmem>>)
    %dma_wait3A_106 = arith.constant 0 : i32
    %dma_wait3A_107 = arith.constant 0 : i32
    %dma_wait3A_108 = tpu.memref_slice %arg2[%dma_wait3A_106, %dma_wait3A_107] : memref<4184x128xf32, #tpu.memory_space<hbm>> -> memref<80x128xf32, #tpu.memory_space<hbm>>
    %dma_wait3A_109 = arith.constant 0 : i32
    %dma_wait3A_110 = arith.constant 0 : i32
    %dma_wait3A_111 = tpu.memref_slice %arg2[%dma_wait3A_109, %dma_wait3A_110] : memref<4184x128xf32, #tpu.memory_space<hbm>> -> memref<80x128xf32, #tpu.memory_space<hbm>>
    tpu.wait_dma2 semaphore(%arg10 : memref<!tpu.dma_semaphore, #tpu.memory_space<semaphore_mem>>) src(%dma_wait3A_111 : memref<80x128xf32, #tpu.memory_space<hbm>>) dst(%arg7 : memref<80x128xf32, #tpu.memory_space<vmem>>)
    %add3A_112 = arith.constant 160 : i32
    %add3A_113 = arith.addi %mul3A_2, %add3A_112 : i32
    %run_scoped3A_114 = arith.constant 0 : i32
    "tpu.region"() ({
      %run_scoped3A_136 = tpu.sem_alloc : memref<!tpu.dma_semaphore, #tpu.memory_space<semaphore_mem>>
      %dma_start3A_137 = arith.constant 0 : i32
      %dma_start3A_138 = tpu.memref_slice %arg4[%run_scoped3A_114, %add3A_113, %dma_start3A_137] : memref<2x10240x128xf32, #tpu.memory_space<hbm>> -> memref<1x80x128xf32, #tpu.memory_space<hbm>>
      %dma_start3A_139 = tpu.memref_squeeze %dma_start3A_138 : memref<1x80x128xf32, #tpu.memory_space<hbm>> -> memref<80x128xf32, #tpu.memory_space<hbm>>
      %dma_start3A_140 = arith.constant 0 : i32
      %dma_start3A_141 = tpu.memref_slice %arg4[%run_scoped3A_114, %add3A_113, %dma_start3A_140] : memref<2x10240x128xf32, #tpu.memory_space<hbm>> -> memref<1x80x128xf32, #tpu.memory_space<hbm>>
      %dma_start3A_142 = tpu.memref_squeeze %dma_start3A_141 : memref<1x80x128xf32, #tpu.memory_space<hbm>> -> memref<80x128xf32, #tpu.memory_space<hbm>>
      tpu.enqueue_dma source(%arg6 : memref<80x128xf32, #tpu.memory_space<vmem>>) target(%dma_start3A_142 : memref<80x128xf32, #tpu.memory_space<hbm>>) target_semaphore(%run_scoped3A_136 : memref<!tpu.dma_semaphore, #tpu.memory_space<semaphore_mem>>)
      %dma_wait3A_143 = arith.constant 0 : i32
      %dma_wait3A_144 = tpu.memref_slice %arg4[%run_scoped3A_114, %add3A_113, %dma_wait3A_143] : memref<2x10240x128xf32, #tpu.memory_space<hbm>> -> memref<1x80x128xf32, #tpu.memory_space<hbm>>
      %dma_wait3A_145 = tpu.memref_squeeze %dma_wait3A_144 : memref<1x80x128xf32, #tpu.memory_space<hbm>> -> memref<80x128xf32, #tpu.memory_space<hbm>>
      %dma_wait3A_146 = arith.constant 0 : i32
      %dma_wait3A_147 = tpu.memref_slice %arg4[%run_scoped3A_114, %add3A_113, %dma_wait3A_146] : memref<2x10240x128xf32, #tpu.memory_space<hbm>> -> memref<1x80x128xf32, #tpu.memory_space<hbm>>
      %dma_wait3A_148 = tpu.memref_squeeze %dma_wait3A_147 : memref<1x80x128xf32, #tpu.memory_space<hbm>> -> memref<80x128xf32, #tpu.memory_space<hbm>>
      tpu.wait_dma2 semaphore(%run_scoped3A_136 : memref<!tpu.dma_semaphore, #tpu.memory_space<semaphore_mem>>) src(%arg6 : memref<80x128xf32, #tpu.memory_space<vmem>>) dst(%dma_wait3A_148 : memref<80x128xf32, #tpu.memory_space<hbm>>)
      tpu.yield
    }) : () -> ()
    %add3A_115 = arith.constant 160 : i32
    %add3A_116 = arith.addi %mul3A_2, %add3A_115 : i32
    %run_scoped3A_117 = arith.constant 1 : i32
    "tpu.region"() ({
      %run_scoped3A_136 = tpu.sem_alloc : memref<!tpu.dma_semaphore, #tpu.memory_space<semaphore_mem>>
      %dma_start3A_137 = arith.constant 0 : i32
      %dma_start3A_138 = tpu.memref_slice %arg4[%run_scoped3A_117, %add3A_116, %dma_start3A_137] : memref<2x10240x128xf32, #tpu.memory_space<hbm>> -> memref<1x80x128xf32, #tpu.memory_space<hbm>>
      %dma_start3A_139 = tpu.memref_squeeze %dma_start3A_138 : memref<1x80x128xf32, #tpu.memory_space<hbm>> -> memref<80x128xf32, #tpu.memory_space<hbm>>
      %dma_start3A_140 = arith.constant 0 : i32
      %dma_start3A_141 = tpu.memref_slice %arg4[%run_scoped3A_117, %add3A_116, %dma_start3A_140] : memref<2x10240x128xf32, #tpu.memory_space<hbm>> -> memref<1x80x128xf32, #tpu.memory_space<hbm>>
      %dma_start3A_142 = tpu.memref_squeeze %dma_start3A_141 : memref<1x80x128xf32, #tpu.memory_space<hbm>> -> memref<80x128xf32, #tpu.memory_space<hbm>>
      tpu.enqueue_dma source(%arg7 : memref<80x128xf32, #tpu.memory_space<vmem>>) target(%dma_start3A_142 : memref<80x128xf32, #tpu.memory_space<hbm>>) target_semaphore(%run_scoped3A_136 : memref<!tpu.dma_semaphore, #tpu.memory_space<semaphore_mem>>)
      %dma_wait3A_143 = arith.constant 0 : i32
      %dma_wait3A_144 = tpu.memref_slice %arg4[%run_scoped3A_117, %add3A_116, %dma_wait3A_143] : memref<2x10240x128xf32, #tpu.memory_space<hbm>> -> memref<1x80x128xf32, #tpu.memory_space<hbm>>
      %dma_wait3A_145 = tpu.memref_squeeze %dma_wait3A_144 : memref<1x80x128xf32, #tpu.memory_space<hbm>> -> memref<80x128xf32, #tpu.memory_space<hbm>>
      %dma_wait3A_146 = arith.constant 0 : i32
      %dma_wait3A_147 = tpu.memref_slice %arg4[%run_scoped3A_117, %add3A_116, %dma_wait3A_146] : memref<2x10240x128xf32, #tpu.memory_space<hbm>> -> memref<1x80x128xf32, #tpu.memory_space<hbm>>
      %dma_wait3A_148 = tpu.memref_squeeze %dma_wait3A_147 : memref<1x80x128xf32, #tpu.memory_space<hbm>> -> memref<80x128xf32, #tpu.memory_space<hbm>>
      tpu.wait_dma2 semaphore(%run_scoped3A_136 : memref<!tpu.dma_semaphore, #tpu.memory_space<semaphore_mem>>) src(%arg7 : memref<80x128xf32, #tpu.memory_space<vmem>>) dst(%dma_wait3A_148 : memref<80x128xf32, #tpu.memory_space<hbm>>)
      tpu.yield
    }) : () -> ()
    %dma_wait3A_118 = arith.constant 0 : i32
    %dma_wait3A_119 = arith.constant 0 : i32
    %dma_wait3A_120 = tpu.memref_slice %arg2[%dma_wait3A_118, %dma_wait3A_119] : memref<4184x128xf32, #tpu.memory_space<hbm>> -> memref<80x128xf32, #tpu.memory_space<hbm>>
    %dma_wait3A_121 = arith.constant 0 : i32
    %dma_wait3A_122 = arith.constant 0 : i32
    %dma_wait3A_123 = tpu.memref_slice %arg2[%dma_wait3A_121, %dma_wait3A_122] : memref<4184x128xf32, #tpu.memory_space<hbm>> -> memref<80x128xf32, #tpu.memory_space<hbm>>
    tpu.wait_dma2 semaphore(%arg11 : memref<!tpu.dma_semaphore, #tpu.memory_space<semaphore_mem>>) src(%dma_wait3A_123 : memref<80x128xf32, #tpu.memory_space<hbm>>) dst(%arg8 : memref<80x128xf32, #tpu.memory_space<vmem>>)
    %dma_wait3A_124 = arith.constant 0 : i32
    %dma_wait3A_125 = arith.constant 0 : i32
    %dma_wait3A_126 = tpu.memref_slice %arg2[%dma_wait3A_124, %dma_wait3A_125] : memref<4184x128xf32, #tpu.memory_space<hbm>> -> memref<80x128xf32, #tpu.memory_space<hbm>>
    %dma_wait3A_127 = arith.constant 0 : i32
    %dma_wait3A_128 = arith.constant 0 : i32
    %dma_wait3A_129 = tpu.memref_slice %arg2[%dma_wait3A_127, %dma_wait3A_128] : memref<4184x128xf32, #tpu.memory_space<hbm>> -> memref<80x128xf32, #tpu.memory_space<hbm>>
    tpu.wait_dma2 semaphore(%arg11 : memref<!tpu.dma_semaphore, #tpu.memory_space<semaphore_mem>>) src(%dma_wait3A_129 : memref<80x128xf32, #tpu.memory_space<hbm>>) dst(%arg9 : memref<80x128xf32, #tpu.memory_space<vmem>>)
    %add3A_130 = arith.constant 240 : i32
    %add3A_131 = arith.addi %mul3A_2, %add3A_130 : i32
    %run_scoped3A_132 = arith.constant 0 : i32
    "tpu.region"() ({
      %run_scoped3A_136 = tpu.sem_alloc : memref<!tpu.dma_semaphore, #tpu.memory_space<semaphore_mem>>
      %dma_start3A_137 = arith.constant 0 : i32
      %dma_start3A_138 = tpu.memref_slice %arg4[%run_scoped3A_132, %add3A_131, %dma_start3A_137] : memref<2x10240x128xf32, #tpu.memory_space<hbm>> -> memref<1x80x128xf32, #tpu.memory_space<hbm>>
      %dma_start3A_139 = tpu.memref_squeeze %dma_start3A_138 : memref<1x80x128xf32, #tpu.memory_space<hbm>> -> memref<80x128xf32, #tpu.memory_space<hbm>>
      %dma_start3A_140 = arith.constant 0 : i32
      %dma_start3A_141 = tpu.memref_slice %arg4[%run_scoped3A_132, %add3A_131, %dma_start3A_140] : memref<2x10240x128xf32, #tpu.memory_space<hbm>> -> memref<1x80x128xf32, #tpu.memory_space<hbm>>
      %dma_start3A_142 = tpu.memref_squeeze %dma_start3A_141 : memref<1x80x128xf32, #tpu.memory_space<hbm>> -> memref<80x128xf32, #tpu.memory_space<hbm>>
      tpu.enqueue_dma source(%arg8 : memref<80x128xf32, #tpu.memory_space<vmem>>) target(%dma_start3A_142 : memref<80x128xf32, #tpu.memory_space<hbm>>) target_semaphore(%run_scoped3A_136 : memref<!tpu.dma_semaphore, #tpu.memory_space<semaphore_mem>>)
      %dma_wait3A_143 = arith.constant 0 : i32
      %dma_wait3A_144 = tpu.memref_slice %arg4[%run_scoped3A_132, %add3A_131, %dma_wait3A_143] : memref<2x10240x128xf32, #tpu.memory_space<hbm>> -> memref<1x80x128xf32, #tpu.memory_space<hbm>>
      %dma_wait3A_145 = tpu.memref_squeeze %dma_wait3A_144 : memref<1x80x128xf32, #tpu.memory_space<hbm>> -> memref<80x128xf32, #tpu.memory_space<hbm>>
      %dma_wait3A_146 = arith.constant 0 : i32
      %dma_wait3A_147 = tpu.memref_slice %arg4[%run_scoped3A_132, %add3A_131, %dma_wait3A_146] : memref<2x10240x128xf32, #tpu.memory_space<hbm>> -> memref<1x80x128xf32, #tpu.memory_space<hbm>>
      %dma_wait3A_148 = tpu.memref_squeeze %dma_wait3A_147 : memref<1x80x128xf32, #tpu.memory_space<hbm>> -> memref<80x128xf32, #tpu.memory_space<hbm>>
      tpu.wait_dma2 semaphore(%run_scoped3A_136 : memref<!tpu.dma_semaphore, #tpu.memory_space<semaphore_mem>>) src(%arg8 : memref<80x128xf32, #tpu.memory_space<vmem>>) dst(%dma_wait3A_148 : memref<80x128xf32, #tpu.memory_space<hbm>>)
      tpu.yield
    }) : () -> ()
    %add3A_133 = arith.constant 240 : i32
    %add3A_134 = arith.addi %mul3A_2, %add3A_133 : i32
    %run_scoped3A_135 = arith.constant 1 : i32
    "tpu.region"() ({
      %run_scoped3A_136 = tpu.sem_alloc : memref<!tpu.dma_semaphore, #tpu.memory_space<semaphore_mem>>
      %dma_start3A_137 = arith.constant 0 : i32
      %dma_start3A_138 = tpu.memref_slice %arg4[%run_scoped3A_135, %add3A_134, %dma_start3A_137] : memref<2x10240x128xf32, #tpu.memory_space<hbm>> -> memref<1x80x128xf32, #tpu.memory_space<hbm>>
      %dma_start3A_139 = tpu.memref_squeeze %dma_start3A_138 : memref<1x80x128xf32, #tpu.memory_space<hbm>> -> memref<80x128xf32, #tpu.memory_space<hbm>>
      %dma_start3A_140 = arith.constant 0 : i32
      %dma_start3A_141 = tpu.memref_slice %arg4[%run_scoped3A_135, %add3A_134, %dma_start3A_140] : memref<2x10240x128xf32, #tpu.memory_space<hbm>> -> memref<1x80x128xf32, #tpu.memory_space<hbm>>
      %dma_start3A_142 = tpu.memref_squeeze %dma_start3A_141 : memref<1x80x128xf32, #tpu.memory_space<hbm>> -> memref<80x128xf32, #tpu.memory_space<hbm>>
      tpu.enqueue_dma source(%arg9 : memref<80x128xf32, #tpu.memory_space<vmem>>) target(%dma_start3A_142 : memref<80x128xf32, #tpu.memory_space<hbm>>) target_semaphore(%run_scoped3A_136 : memref<!tpu.dma_semaphore, #tpu.memory_space<semaphore_mem>>)
      %dma_wait3A_143 = arith.constant 0 : i32
      %dma_wait3A_144 = tpu.memref_slice %arg4[%run_scoped3A_135, %add3A_134, %dma_wait3A_143] : memref<2x10240x128xf32, #tpu.memory_space<hbm>> -> memref<1x80x128xf32, #tpu.memory_space<hbm>>
      %dma_wait3A_145 = tpu.memref_squeeze %dma_wait3A_144 : memref<1x80x128xf32, #tpu.memory_space<hbm>> -> memref<80x128xf32, #tpu.memory_space<hbm>>
      %dma_wait3A_146 = arith.constant 0 : i32
      %dma_wait3A_147 = tpu.memref_slice %arg4[%run_scoped3A_135, %add3A_134, %dma_wait3A_146] : memref<2x10240x128xf32, #tpu.memory_space<hbm>> -> memref<1x80x128xf32, #tpu.memory_space<hbm>>
      %dma_wait3A_148 = tpu.memref_squeeze %dma_wait3A_147 : memref<1x80x128xf32, #tpu.memory_space<hbm>> -> memref<80x128xf32, #tpu.memory_space<hbm>>
      tpu.wait_dma2 semaphore(%run_scoped3A_136 : memref<!tpu.dma_semaphore, #tpu.memory_space<semaphore_mem>>) src(%arg9 : memref<80x128xf32, #tpu.memory_space<vmem>>) dst(%dma_wait3A_148 : memref<80x128xf32, #tpu.memory_space<hbm>>)
      tpu.yield
    }) : () -> ()
    return
  }
}

#map = affine_map<(d0, d1) -> (0, 0)>
module attributes {stable_mosaic.version = 14 : i64} {
  func.func @_seg_body(%arg0: i32, %arg1: i32, %arg2: memref<2560x128xi32, #tpu.memory_space<hbm>>, %arg3: memref<2560x128xi32, #tpu.memory_space<hbm>>, %arg4: memref<10240x64xf32, #tpu.memory_space<hbm>>, %arg5: memref<10240x64xf32, #tpu.memory_space<hbm>>, %arg6: memref<320x64xf32, #tpu.memory_space<hbm>>, %arg7: memref<20480x64xf32, #tpu.memory_space<hbm>>, %arg8: memref<160x128xi32, #tpu.memory_space<vmem>>, %arg9: memref<160x128xi32, #tpu.memory_space<vmem>>, %arg10: memref<128x64xf32, #tpu.memory_space<vmem>>, %arg11: memref<128x64xf32, #tpu.memory_space<vmem>>, %arg12: memref<128x64xf32, #tpu.memory_space<vmem>>, %arg13: memref<128x64xf32, #tpu.memory_space<vmem>>, %arg14: memref<320x64xf32, #tpu.memory_space<vmem>>, %arg15: memref<10240x64xf32, #tpu.memory_space<vmem_shared>>, %arg16: memref<!tpu.dma_semaphore, #tpu.memory_space<semaphore_mem>>, %arg17: memref<!tpu.dma_semaphore, #tpu.memory_space<semaphore_mem>>, %arg18: memref<!tpu.dma_semaphore, #tpu.memory_space<semaphore_mem>>, %arg19: memref<!tpu.dma_semaphore, #tpu.memory_space<semaphore_mem>>) attributes {dimension_semantics = [#tpu.dimension_semantics<core_parallel>, #tpu.dimension_semantics<subcore_parallel>], iteration_bounds = array<i64: 2, 16>, scalar_prefetch = 0 : i64, scratch_operands = 12 : i64, tpu.core_type = #tpu.core_type<sc_vector_subcore>, window_params = [{transform_indices = #map}, {transform_indices = #map}, {transform_indices = #map}, {transform_indices = #map}, {transform_indices = #map}, {transform_indices = #map}]} {
    %mul3A = arith.constant 10240 : i32
    %mul3A_0 = arith.muli %arg0, %mul3A : i32
    "tpu.region"() ({
      %run_scoped3A = tpu.sem_alloc : memref<!tpu.dma_semaphore, #tpu.memory_space<semaphore_mem>>
      tpu.enqueue_dma source(%arg6 : memref<320x64xf32, #tpu.memory_space<hbm>>) target(%arg14 : memref<320x64xf32, #tpu.memory_space<vmem>>) target_semaphore(%run_scoped3A : memref<!tpu.dma_semaphore, #tpu.memory_space<semaphore_mem>>)
      tpu.wait_dma2 semaphore(%run_scoped3A : memref<!tpu.dma_semaphore, #tpu.memory_space<semaphore_mem>>) src(%arg6 : memref<320x64xf32, #tpu.memory_space<hbm>>) dst(%arg14 : memref<320x64xf32, #tpu.memory_space<vmem>>)
      tpu.yield
    }) : () -> ()
    %mul3A_1 = arith.constant 640 : i32
    %mul3A_2 = arith.muli %arg1, %mul3A_1 : i32
    "tpu.region"() ({
      %run_scoped3A = tpu.sem_alloc : memref<!tpu.dma_semaphore, #tpu.memory_space<semaphore_mem>>
      %dma_start3A = arith.constant 0 : i32
      %dma_start3A_36 = tpu.memref_slice %arg15[%mul3A_2, %dma_start3A] : memref<10240x64xf32, #tpu.memory_space<vmem_shared>> -> memref<320x64xf32, #tpu.memory_space<vmem_shared>>
      %dma_start3A_37 = arith.constant 0 : i32
      %dma_start3A_38 = tpu.memref_slice %arg15[%mul3A_2, %dma_start3A_37] : memref<10240x64xf32, #tpu.memory_space<vmem_shared>> -> memref<320x64xf32, #tpu.memory_space<vmem_shared>>
      tpu.enqueue_dma source(%arg14 : memref<320x64xf32, #tpu.memory_space<vmem>>) target(%dma_start3A_38 : memref<320x64xf32, #tpu.memory_space<vmem_shared>>) target_semaphore(%run_scoped3A : memref<!tpu.dma_semaphore, #tpu.memory_space<semaphore_mem>>)
      %dma_wait3A = arith.constant 0 : i32
      %dma_wait3A_39 = tpu.memref_slice %arg15[%mul3A_2, %dma_wait3A] : memref<10240x64xf32, #tpu.memory_space<vmem_shared>> -> memref<320x64xf32, #tpu.memory_space<vmem_shared>>
      %dma_wait3A_40 = arith.constant 0 : i32
      %dma_wait3A_41 = tpu.memref_slice %arg15[%mul3A_2, %dma_wait3A_40] : memref<10240x64xf32, #tpu.memory_space<vmem_shared>> -> memref<320x64xf32, #tpu.memory_space<vmem_shared>>
      tpu.wait_dma2 semaphore(%run_scoped3A : memref<!tpu.dma_semaphore, #tpu.memory_space<semaphore_mem>>) src(%arg14 : memref<320x64xf32, #tpu.memory_space<vmem>>) dst(%dma_wait3A_41 : memref<320x64xf32, #tpu.memory_space<vmem_shared>>)
      tpu.yield
    }) : () -> ()
    %mul3A_3 = arith.constant 640 : i32
    %mul3A_4 = arith.muli %arg1, %mul3A_3 : i32
    %add3A = arith.constant 320 : i32
    %add3A_5 = arith.addi %mul3A_4, %add3A : i32
    "tpu.region"() ({
      %run_scoped3A = tpu.sem_alloc : memref<!tpu.dma_semaphore, #tpu.memory_space<semaphore_mem>>
      %dma_start3A = arith.constant 0 : i32
      %dma_start3A_36 = tpu.memref_slice %arg15[%add3A_5, %dma_start3A] : memref<10240x64xf32, #tpu.memory_space<vmem_shared>> -> memref<320x64xf32, #tpu.memory_space<vmem_shared>>
      %dma_start3A_37 = arith.constant 0 : i32
      %dma_start3A_38 = tpu.memref_slice %arg15[%add3A_5, %dma_start3A_37] : memref<10240x64xf32, #tpu.memory_space<vmem_shared>> -> memref<320x64xf32, #tpu.memory_space<vmem_shared>>
      tpu.enqueue_dma source(%arg14 : memref<320x64xf32, #tpu.memory_space<vmem>>) target(%dma_start3A_38 : memref<320x64xf32, #tpu.memory_space<vmem_shared>>) target_semaphore(%run_scoped3A : memref<!tpu.dma_semaphore, #tpu.memory_space<semaphore_mem>>)
      %dma_wait3A = arith.constant 0 : i32
      %dma_wait3A_39 = tpu.memref_slice %arg15[%add3A_5, %dma_wait3A] : memref<10240x64xf32, #tpu.memory_space<vmem_shared>> -> memref<320x64xf32, #tpu.memory_space<vmem_shared>>
      %dma_wait3A_40 = arith.constant 0 : i32
      %dma_wait3A_41 = tpu.memref_slice %arg15[%add3A_5, %dma_wait3A_40] : memref<10240x64xf32, #tpu.memory_space<vmem_shared>> -> memref<320x64xf32, #tpu.memory_space<vmem_shared>>
      tpu.wait_dma2 semaphore(%run_scoped3A : memref<!tpu.dma_semaphore, #tpu.memory_space<semaphore_mem>>) src(%arg14 : memref<320x64xf32, #tpu.memory_space<vmem>>) dst(%dma_wait3A_41 : memref<320x64xf32, #tpu.memory_space<vmem_shared>>)
      tpu.yield
    }) : () -> ()
    %barrier3A = arith.constant 0 : index
    tpu.barrier barrier_id(%barrier3A)
    %mul3A_6 = arith.constant 160 : i32
    %mul3A_7 = arith.muli %arg1, %mul3A_6 : i32
    "tpu.region"() ({
      %run_scoped3A = tpu.sem_alloc : memref<!tpu.dma_semaphore, #tpu.memory_space<semaphore_mem>>
      %dma_start3A = arith.constant 0 : i32
      %dma_start3A_36 = tpu.memref_slice %arg2[%mul3A_7, %dma_start3A] : memref<2560x128xi32, #tpu.memory_space<hbm>> -> memref<160x128xi32, #tpu.memory_space<hbm>>
      %dma_start3A_37 = arith.constant 0 : i32
      %dma_start3A_38 = tpu.memref_slice %arg2[%mul3A_7, %dma_start3A_37] : memref<2560x128xi32, #tpu.memory_space<hbm>> -> memref<160x128xi32, #tpu.memory_space<hbm>>
      tpu.enqueue_dma source(%dma_start3A_38 : memref<160x128xi32, #tpu.memory_space<hbm>>) target(%arg8 : memref<160x128xi32, #tpu.memory_space<vmem>>) target_semaphore(%run_scoped3A : memref<!tpu.dma_semaphore, #tpu.memory_space<semaphore_mem>>)
      %dma_wait3A = arith.constant 0 : i32
      %dma_wait3A_39 = tpu.memref_slice %arg2[%mul3A_7, %dma_wait3A] : memref<2560x128xi32, #tpu.memory_space<hbm>> -> memref<160x128xi32, #tpu.memory_space<hbm>>
      %dma_wait3A_40 = arith.constant 0 : i32
      %dma_wait3A_41 = tpu.memref_slice %arg2[%mul3A_7, %dma_wait3A_40] : memref<2560x128xi32, #tpu.memory_space<hbm>> -> memref<160x128xi32, #tpu.memory_space<hbm>>
      tpu.wait_dma2 semaphore(%run_scoped3A : memref<!tpu.dma_semaphore, #tpu.memory_space<semaphore_mem>>) src(%dma_wait3A_41 : memref<160x128xi32, #tpu.memory_space<hbm>>) dst(%arg8 : memref<160x128xi32, #tpu.memory_space<vmem>>)
      tpu.yield
    }) : () -> ()
    %mul3A_8 = arith.constant 160 : i32
    %mul3A_9 = arith.muli %arg1, %mul3A_8 : i32
    "tpu.region"() ({
      %run_scoped3A = tpu.sem_alloc : memref<!tpu.dma_semaphore, #tpu.memory_space<semaphore_mem>>
      %dma_start3A = arith.constant 0 : i32
      %dma_start3A_36 = tpu.memref_slice %arg3[%mul3A_9, %dma_start3A] : memref<2560x128xi32, #tpu.memory_space<hbm>> -> memref<160x128xi32, #tpu.memory_space<hbm>>
      %dma_start3A_37 = arith.constant 0 : i32
      %dma_start3A_38 = tpu.memref_slice %arg3[%mul3A_9, %dma_start3A_37] : memref<2560x128xi32, #tpu.memory_space<hbm>> -> memref<160x128xi32, #tpu.memory_space<hbm>>
      tpu.enqueue_dma source(%dma_start3A_38 : memref<160x128xi32, #tpu.memory_space<hbm>>) target(%arg9 : memref<160x128xi32, #tpu.memory_space<vmem>>) target_semaphore(%run_scoped3A : memref<!tpu.dma_semaphore, #tpu.memory_space<semaphore_mem>>)
      %dma_wait3A = arith.constant 0 : i32
      %dma_wait3A_39 = tpu.memref_slice %arg3[%mul3A_9, %dma_wait3A] : memref<2560x128xi32, #tpu.memory_space<hbm>> -> memref<160x128xi32, #tpu.memory_space<hbm>>
      %dma_wait3A_40 = arith.constant 0 : i32
      %dma_wait3A_41 = tpu.memref_slice %arg3[%mul3A_9, %dma_wait3A_40] : memref<2560x128xi32, #tpu.memory_space<hbm>> -> memref<160x128xi32, #tpu.memory_space<hbm>>
      tpu.wait_dma2 semaphore(%run_scoped3A : memref<!tpu.dma_semaphore, #tpu.memory_space<semaphore_mem>>) src(%dma_wait3A_41 : memref<160x128xi32, #tpu.memory_space<hbm>>) dst(%arg9 : memref<160x128xi32, #tpu.memory_space<vmem>>)
      tpu.yield
    }) : () -> ()
    %eq3A = arith.constant 0 : i32
    %eq3A_10 = arith.cmpi eq, %arg0, %eq3A : i32
    %convert_element_type3A = arith.extui %eq3A_10 : i1 to i32
    %cond3A = arith.constant 0 : i32
    %cond3A_11 = arith.cmpi ne, %convert_element_type3A, %cond3A : i32
    scf.if %cond3A_11 {
      %dma_start3A = arith.constant 0 : i32
      %dma_start3A_36 = arith.constant 0 : i32
      %dma_start3A_37 = tpu.memref_slice %arg8[%dma_start3A, %dma_start3A_36] : memref<160x128xi32, #tpu.memory_space<vmem>> -> memref<1x128xi32, #tpu.memory_space<vmem>>
      %dma_start3A_38 = tpu.memref_squeeze %dma_start3A_37 : memref<1x128xi32, #tpu.memory_space<vmem>> -> memref<128xi32, #tpu.memory_space<vmem>>
      %dma_start3A_39 = arith.constant 0 : i32
      %dma_start3A_40 = arith.constant 0 : i32
      %dma_start3A_41 = tpu.memref_slice %arg4[%dma_start3A_39, %dma_start3A_40] : memref<10240x64xf32, #tpu.memory_space<hbm>> -> memref<10240x64xf32, #tpu.memory_space<hbm>>
      tpu.enqueue_indirect_dma source(%dma_start3A_41 : memref<10240x64xf32, #tpu.memory_space<hbm>>) target(%arg10 : memref<128x64xf32, #tpu.memory_space<vmem>>) offsets(%dma_start3A_38 : memref<128xi32, #tpu.memory_space<vmem>>) semaphore(%arg16 : memref<!tpu.dma_semaphore, #tpu.memory_space<semaphore_mem>>)
      %dma_start3A_42 = arith.constant 1 : i32
      %dma_start3A_43 = arith.constant 0 : i32
      %dma_start3A_44 = tpu.memref_slice %arg8[%dma_start3A_42, %dma_start3A_43] : memref<160x128xi32, #tpu.memory_space<vmem>> -> memref<1x128xi32, #tpu.memory_space<vmem>>
      %dma_start3A_45 = tpu.memref_squeeze %dma_start3A_44 : memref<1x128xi32, #tpu.memory_space<vmem>> -> memref<128xi32, #tpu.memory_space<vmem>>
      %dma_start3A_46 = arith.constant 0 : i32
      %dma_start3A_47 = arith.constant 0 : i32
      %dma_start3A_48 = tpu.memref_slice %arg4[%dma_start3A_46, %dma_start3A_47] : memref<10240x64xf32, #tpu.memory_space<hbm>> -> memref<10240x64xf32, #tpu.memory_space<hbm>>
      tpu.enqueue_indirect_dma source(%dma_start3A_48 : memref<10240x64xf32, #tpu.memory_space<hbm>>) target(%arg11 : memref<128x64xf32, #tpu.memory_space<vmem>>) offsets(%dma_start3A_45 : memref<128xi32, #tpu.memory_space<vmem>>) semaphore(%arg17 : memref<!tpu.dma_semaphore, #tpu.memory_space<semaphore_mem>>)
      %scan3A = arith.constant 0 : i32
      %scan3A_49 = arith.constant 0 : i32
      %scan3A_50 = arith.constant 79 : i32
      %scan3A_51 = arith.addi %scan3A_49, %scan3A_50 : i32
      %scan3A_52 = arith.constant 1 : i32
      scf.for %scan3A_66 = %scan3A_49 to %scan3A_51 step %scan3A_52  : i32 {
        %dma_wait3A_67 = arith.constant 0 : i32
        %dma_wait3A_68 = arith.constant 0 : i32
        %dma_wait3A_69 = tpu.memref_slice %arg4[%dma_wait3A_67, %dma_wait3A_68] : memref<10240x64xf32, #tpu.memory_space<hbm>> -> memref<128x64xf32, #tpu.memory_space<hbm>>
        %dma_wait3A_70 = arith.constant 0 : i32
        %dma_wait3A_71 = arith.constant 0 : i32
        %dma_wait3A_72 = tpu.memref_slice %arg4[%dma_wait3A_70, %dma_wait3A_71] : memref<10240x64xf32, #tpu.memory_space<hbm>> -> memref<128x64xf32, #tpu.memory_space<hbm>>
        tpu.wait_dma2 semaphore(%arg16 : memref<!tpu.dma_semaphore, #tpu.memory_space<semaphore_mem>>) src(%dma_wait3A_72 : memref<128x64xf32, #tpu.memory_space<hbm>>) dst(%arg10 : memref<128x64xf32, #tpu.memory_space<vmem>>)
        %mul3A_73 = arith.constant 2 : i32
        %mul3A_74 = arith.muli %mul3A_73, %scan3A_66 : i32
        %dma_start3A_75 = arith.constant 0 : i32
        %dma_start3A_76 = tpu.memref_slice %arg9[%mul3A_74, %dma_start3A_75] : memref<160x128xi32, #tpu.memory_space<vmem>> -> memref<1x128xi32, #tpu.memory_space<vmem>>
        %dma_start3A_77 = tpu.memref_squeeze %dma_start3A_76 : memref<1x128xi32, #tpu.memory_space<vmem>> -> memref<128xi32, #tpu.memory_space<vmem>>
        %dma_start3A_78 = arith.constant 0 : i32
        %dma_start3A_79 = arith.constant 0 : i32
        %dma_start3A_80 = tpu.memref_slice %arg15[%dma_start3A_78, %dma_start3A_79] : memref<10240x64xf32, #tpu.memory_space<vmem_shared>> -> memref<10240x64xf32, #tpu.memory_space<vmem_shared>>
        tpu.enqueue_indirect_dma source(%arg10 : memref<128x64xf32, #tpu.memory_space<vmem>>) target(%dma_start3A_80 : memref<10240x64xf32, #tpu.memory_space<vmem_shared>>) offsets(%dma_start3A_77 : memref<128xi32, #tpu.memory_space<vmem>>) semaphore(%arg18 : memref<!tpu.dma_semaphore, #tpu.memory_space<semaphore_mem>>) {add = true}
        %dma_wait3A_81 = arith.constant 0 : i32
        %dma_wait3A_82 = arith.constant 0 : i32
        %dma_wait3A_83 = tpu.memref_slice %arg4[%dma_wait3A_81, %dma_wait3A_82] : memref<10240x64xf32, #tpu.memory_space<hbm>> -> memref<128x64xf32, #tpu.memory_space<hbm>>
        %dma_wait3A_84 = arith.constant 0 : i32
        %dma_wait3A_85 = arith.constant 0 : i32
        %dma_wait3A_86 = tpu.memref_slice %arg4[%dma_wait3A_84, %dma_wait3A_85] : memref<10240x64xf32, #tpu.memory_space<hbm>> -> memref<128x64xf32, #tpu.memory_space<hbm>>
        tpu.wait_dma2 semaphore(%arg17 : memref<!tpu.dma_semaphore, #tpu.memory_space<semaphore_mem>>) src(%dma_wait3A_86 : memref<128x64xf32, #tpu.memory_space<hbm>>) dst(%arg11 : memref<128x64xf32, #tpu.memory_space<vmem>>)
        %mul3A_87 = arith.constant 2 : i32
        %mul3A_88 = arith.muli %mul3A_87, %scan3A_66 : i32
        %add3A_89 = arith.constant 1 : i32
        %add3A_90 = arith.addi %mul3A_88, %add3A_89 : i32
        %dma_start3A_91 = arith.constant 0 : i32
        %dma_start3A_92 = tpu.memref_slice %arg9[%add3A_90, %dma_start3A_91] : memref<160x128xi32, #tpu.memory_space<vmem>> -> memref<1x128xi32, #tpu.memory_space<vmem>>
        %dma_start3A_93 = tpu.memref_squeeze %dma_start3A_92 : memref<1x128xi32, #tpu.memory_space<vmem>> -> memref<128xi32, #tpu.memory_space<vmem>>
        %dma_start3A_94 = arith.constant 0 : i32
        %dma_start3A_95 = arith.constant 0 : i32
        %dma_start3A_96 = tpu.memref_slice %arg15[%dma_start3A_94, %dma_start3A_95] : memref<10240x64xf32, #tpu.memory_space<vmem_shared>> -> memref<10240x64xf32, #tpu.memory_space<vmem_shared>>
        tpu.enqueue_indirect_dma source(%arg11 : memref<128x64xf32, #tpu.memory_space<vmem>>) target(%dma_start3A_96 : memref<10240x64xf32, #tpu.memory_space<vmem_shared>>) offsets(%dma_start3A_93 : memref<128xi32, #tpu.memory_space<vmem>>) semaphore(%arg19 : memref<!tpu.dma_semaphore, #tpu.memory_space<semaphore_mem>>) {add = true}
        %dma_wait3A_97 = arith.constant 0 : i32
        %dma_wait3A_98 = arith.constant 0 : i32
        %dma_wait3A_99 = tpu.memref_slice %arg4[%dma_wait3A_97, %dma_wait3A_98] : memref<10240x64xf32, #tpu.memory_space<hbm>> -> memref<128x64xf32, #tpu.memory_space<hbm>>
        %dma_wait3A_100 = arith.constant 0 : i32
        %dma_wait3A_101 = arith.constant 0 : i32
        %dma_wait3A_102 = tpu.memref_slice %arg4[%dma_wait3A_100, %dma_wait3A_101] : memref<10240x64xf32, #tpu.memory_space<hbm>> -> memref<128x64xf32, #tpu.memory_space<hbm>>
        tpu.wait_dma2 semaphore(%arg18 : memref<!tpu.dma_semaphore, #tpu.memory_space<semaphore_mem>>) src(%dma_wait3A_102 : memref<128x64xf32, #tpu.memory_space<hbm>>) dst(%arg10 : memref<128x64xf32, #tpu.memory_space<vmem>>)
        %mul3A_103 = arith.constant 2 : i32
        %mul3A_104 = arith.muli %mul3A_103, %scan3A_66 : i32
        %add3A_105 = arith.constant 2 : i32
        %add3A_106 = arith.addi %mul3A_104, %add3A_105 : i32
        %dma_start3A_107 = arith.constant 0 : i32
        %dma_start3A_108 = tpu.memref_slice %arg8[%add3A_106, %dma_start3A_107] : memref<160x128xi32, #tpu.memory_space<vmem>> -> memref<1x128xi32, #tpu.memory_space<vmem>>
        %dma_start3A_109 = tpu.memref_squeeze %dma_start3A_108 : memref<1x128xi32, #tpu.memory_space<vmem>> -> memref<128xi32, #tpu.memory_space<vmem>>
        %dma_start3A_110 = arith.constant 0 : i32
        %dma_start3A_111 = arith.constant 0 : i32
        %dma_start3A_112 = tpu.memref_slice %arg4[%dma_start3A_110, %dma_start3A_111] : memref<10240x64xf32, #tpu.memory_space<hbm>> -> memref<10240x64xf32, #tpu.memory_space<hbm>>
        tpu.enqueue_indirect_dma source(%dma_start3A_112 : memref<10240x64xf32, #tpu.memory_space<hbm>>) target(%arg10 : memref<128x64xf32, #tpu.memory_space<vmem>>) offsets(%dma_start3A_109 : memref<128xi32, #tpu.memory_space<vmem>>) semaphore(%arg16 : memref<!tpu.dma_semaphore, #tpu.memory_space<semaphore_mem>>)
        %dma_wait3A_113 = arith.constant 0 : i32
        %dma_wait3A_114 = arith.constant 0 : i32
        %dma_wait3A_115 = tpu.memref_slice %arg4[%dma_wait3A_113, %dma_wait3A_114] : memref<10240x64xf32, #tpu.memory_space<hbm>> -> memref<128x64xf32, #tpu.memory_space<hbm>>
        %dma_wait3A_116 = arith.constant 0 : i32
        %dma_wait3A_117 = arith.constant 0 : i32
        %dma_wait3A_118 = tpu.memref_slice %arg4[%dma_wait3A_116, %dma_wait3A_117] : memref<10240x64xf32, #tpu.memory_space<hbm>> -> memref<128x64xf32, #tpu.memory_space<hbm>>
        tpu.wait_dma2 semaphore(%arg19 : memref<!tpu.dma_semaphore, #tpu.memory_space<semaphore_mem>>) src(%dma_wait3A_118 : memref<128x64xf32, #tpu.memory_space<hbm>>) dst(%arg11 : memref<128x64xf32, #tpu.memory_space<vmem>>)
        %mul3A_119 = arith.constant 2 : i32
        %mul3A_120 = arith.muli %mul3A_119, %scan3A_66 : i32
        %add3A_121 = arith.constant 3 : i32
        %add3A_122 = arith.addi %mul3A_120, %add3A_121 : i32
        %dma_start3A_123 = arith.constant 0 : i32
        %dma_start3A_124 = tpu.memref_slice %arg8[%add3A_122, %dma_start3A_123] : memref<160x128xi32, #tpu.memory_space<vmem>> -> memref<1x128xi32, #tpu.memory_space<vmem>>
        %dma_start3A_125 = tpu.memref_squeeze %dma_start3A_124 : memref<1x128xi32, #tpu.memory_space<vmem>> -> memref<128xi32, #tpu.memory_space<vmem>>
        %dma_start3A_126 = arith.constant 0 : i32
        %dma_start3A_127 = arith.constant 0 : i32
        %dma_start3A_128 = tpu.memref_slice %arg4[%dma_start3A_126, %dma_start3A_127] : memref<10240x64xf32, #tpu.memory_space<hbm>> -> memref<10240x64xf32, #tpu.memory_space<hbm>>
        tpu.enqueue_indirect_dma source(%dma_start3A_128 : memref<10240x64xf32, #tpu.memory_space<hbm>>) target(%arg11 : memref<128x64xf32, #tpu.memory_space<vmem>>) offsets(%dma_start3A_125 : memref<128xi32, #tpu.memory_space<vmem>>) semaphore(%arg17 : memref<!tpu.dma_semaphore, #tpu.memory_space<semaphore_mem>>)
      }
      %scan3A_53 = arith.constant 79 : i32
      %dma_wait3A = arith.constant 0 : i32
      %dma_wait3A_54 = arith.constant 0 : i32
      %dma_wait3A_55 = tpu.memref_slice %arg4[%dma_wait3A, %dma_wait3A_54] : memref<10240x64xf32, #tpu.memory_space<hbm>> -> memref<128x64xf32, #tpu.memory_space<hbm>>
      %dma_wait3A_56 = arith.constant 0 : i32
      %dma_wait3A_57 = arith.constant 0 : i32
      %dma_wait3A_58 = tpu.memref_slice %arg4[%dma_wait3A_56, %dma_wait3A_57] : memref<10240x64xf32, #tpu.memory_space<hbm>> -> memref<128x64xf32, #tpu.memory_space<hbm>>
      tpu.wait_dma2 semaphore(%arg16 : memref<!tpu.dma_semaphore, #tpu.memory_space<semaphore_mem>>) src(%dma_wait3A_58 : memref<128x64xf32, #tpu.memory_space<hbm>>) dst(%arg10 : memref<128x64xf32, #tpu.memory_space<vmem>>)
      %run_scoped3A = arith.constant 158 : i32
      "tpu.region"() ({
        %run_scoped3A_66 = tpu.sem_alloc : memref<!tpu.dma_semaphore, #tpu.memory_space<semaphore_mem>>
        %dma_start3A_67 = arith.constant 0 : i32
        %dma_start3A_68 = tpu.memref_slice %arg9[%run_scoped3A, %dma_start3A_67] : memref<160x128xi32, #tpu.memory_space<vmem>> -> memref<1x128xi32, #tpu.memory_space<vmem>>
        %dma_start3A_69 = tpu.memref_squeeze %dma_start3A_68 : memref<1x128xi32, #tpu.memory_space<vmem>> -> memref<128xi32, #tpu.memory_space<vmem>>
        %dma_start3A_70 = arith.constant 0 : i32
        %dma_start3A_71 = arith.constant 0 : i32
        %dma_start3A_72 = tpu.memref_slice %arg15[%dma_start3A_70, %dma_start3A_71] : memref<10240x64xf32, #tpu.memory_space<vmem_shared>> -> memref<10240x64xf32, #tpu.memory_space<vmem_shared>>
        tpu.enqueue_indirect_dma source(%arg10 : memref<128x64xf32, #tpu.memory_space<vmem>>) target(%dma_start3A_72 : memref<10240x64xf32, #tpu.memory_space<vmem_shared>>) offsets(%dma_start3A_69 : memref<128xi32, #tpu.memory_space<vmem>>) semaphore(%run_scoped3A_66 : memref<!tpu.dma_semaphore, #tpu.memory_space<semaphore_mem>>) {add = true}
        %dma_wait3A_73 = arith.constant 0 : i32
        %dma_wait3A_74 = tpu.memref_slice %arg9[%run_scoped3A, %dma_wait3A_73] : memref<160x128xi32, #tpu.memory_space<vmem>> -> memref<1x128xi32, #tpu.memory_space<vmem>>
        %dma_wait3A_75 = tpu.memref_squeeze %dma_wait3A_74 : memref<1x128xi32, #tpu.memory_space<vmem>> -> memref<128xi32, #tpu.memory_space<vmem>>
        %dma_wait3A_76 = arith.constant 0 : i32
        %dma_wait3A_77 = arith.constant 0 : i32
        %dma_wait3A_78 = tpu.memref_slice %arg15[%dma_wait3A_76, %dma_wait3A_77] : memref<10240x64xf32, #tpu.memory_space<vmem_shared>> -> memref<10240x64xf32, #tpu.memory_space<vmem_shared>>
        tpu.wait_indirect_dma semaphore(%run_scoped3A_66 : memref<!tpu.dma_semaphore, #tpu.memory_space<semaphore_mem>>) src(%arg10 : memref<128x64xf32, #tpu.memory_space<vmem>>) dst(%dma_wait3A_78 : memref<10240x64xf32, #tpu.memory_space<vmem_shared>>)
        tpu.yield
      }) : () -> ()
      %dma_wait3A_59 = arith.constant 0 : i32
      %dma_wait3A_60 = arith.constant 0 : i32
      %dma_wait3A_61 = tpu.memref_slice %arg4[%dma_wait3A_59, %dma_wait3A_60] : memref<10240x64xf32, #tpu.memory_space<hbm>> -> memref<128x64xf32, #tpu.memory_space<hbm>>
      %dma_wait3A_62 = arith.constant 0 : i32
      %dma_wait3A_63 = arith.constant 0 : i32
      %dma_wait3A_64 = tpu.memref_slice %arg4[%dma_wait3A_62, %dma_wait3A_63] : memref<10240x64xf32, #tpu.memory_space<hbm>> -> memref<128x64xf32, #tpu.memory_space<hbm>>
      tpu.wait_dma2 semaphore(%arg17 : memref<!tpu.dma_semaphore, #tpu.memory_space<semaphore_mem>>) src(%dma_wait3A_64 : memref<128x64xf32, #tpu.memory_space<hbm>>) dst(%arg11 : memref<128x64xf32, #tpu.memory_space<vmem>>)
      %run_scoped3A_65 = arith.constant 159 : i32
      "tpu.region"() ({
        %run_scoped3A_66 = tpu.sem_alloc : memref<!tpu.dma_semaphore, #tpu.memory_space<semaphore_mem>>
        %dma_start3A_67 = arith.constant 0 : i32
        %dma_start3A_68 = tpu.memref_slice %arg9[%run_scoped3A_65, %dma_start3A_67] : memref<160x128xi32, #tpu.memory_space<vmem>> -> memref<1x128xi32, #tpu.memory_space<vmem>>
        %dma_start3A_69 = tpu.memref_squeeze %dma_start3A_68 : memref<1x128xi32, #tpu.memory_space<vmem>> -> memref<128xi32, #tpu.memory_space<vmem>>
        %dma_start3A_70 = arith.constant 0 : i32
        %dma_start3A_71 = arith.constant 0 : i32
        %dma_start3A_72 = tpu.memref_slice %arg15[%dma_start3A_70, %dma_start3A_71] : memref<10240x64xf32, #tpu.memory_space<vmem_shared>> -> memref<10240x64xf32, #tpu.memory_space<vmem_shared>>
        tpu.enqueue_indirect_dma source(%arg11 : memref<128x64xf32, #tpu.memory_space<vmem>>) target(%dma_start3A_72 : memref<10240x64xf32, #tpu.memory_space<vmem_shared>>) offsets(%dma_start3A_69 : memref<128xi32, #tpu.memory_space<vmem>>) semaphore(%run_scoped3A_66 : memref<!tpu.dma_semaphore, #tpu.memory_space<semaphore_mem>>) {add = true}
        %dma_wait3A_73 = arith.constant 0 : i32
        %dma_wait3A_74 = tpu.memref_slice %arg9[%run_scoped3A_65, %dma_wait3A_73] : memref<160x128xi32, #tpu.memory_space<vmem>> -> memref<1x128xi32, #tpu.memory_space<vmem>>
        %dma_wait3A_75 = tpu.memref_squeeze %dma_wait3A_74 : memref<1x128xi32, #tpu.memory_space<vmem>> -> memref<128xi32, #tpu.memory_space<vmem>>
        %dma_wait3A_76 = arith.constant 0 : i32
        %dma_wait3A_77 = arith.constant 0 : i32
        %dma_wait3A_78 = tpu.memref_slice %arg15[%dma_wait3A_76, %dma_wait3A_77] : memref<10240x64xf32, #tpu.memory_space<vmem_shared>> -> memref<10240x64xf32, #tpu.memory_space<vmem_shared>>
        tpu.wait_indirect_dma semaphore(%run_scoped3A_66 : memref<!tpu.dma_semaphore, #tpu.memory_space<semaphore_mem>>) src(%arg11 : memref<128x64xf32, #tpu.memory_space<vmem>>) dst(%dma_wait3A_78 : memref<10240x64xf32, #tpu.memory_space<vmem_shared>>)
        tpu.yield
      }) : () -> ()
    } else {
    }
    %eq3A_12 = arith.constant 1 : i32
    %eq3A_13 = arith.cmpi eq, %arg0, %eq3A_12 : i32
    %convert_element_type3A_14 = arith.extui %eq3A_13 : i1 to i32
    %cond3A_15 = arith.constant 0 : i32
    %cond3A_16 = arith.cmpi ne, %convert_element_type3A_14, %cond3A_15 : i32
    scf.if %cond3A_16 {
      %dma_start3A = arith.constant 0 : i32
      %dma_start3A_36 = arith.constant 0 : i32
      %dma_start3A_37 = tpu.memref_slice %arg8[%dma_start3A, %dma_start3A_36] : memref<160x128xi32, #tpu.memory_space<vmem>> -> memref<1x128xi32, #tpu.memory_space<vmem>>
      %dma_start3A_38 = tpu.memref_squeeze %dma_start3A_37 : memref<1x128xi32, #tpu.memory_space<vmem>> -> memref<128xi32, #tpu.memory_space<vmem>>
      %dma_start3A_39 = arith.constant 0 : i32
      %dma_start3A_40 = arith.constant 0 : i32
      %dma_start3A_41 = tpu.memref_slice %arg5[%dma_start3A_39, %dma_start3A_40] : memref<10240x64xf32, #tpu.memory_space<hbm>> -> memref<10240x64xf32, #tpu.memory_space<hbm>>
      tpu.enqueue_indirect_dma source(%dma_start3A_41 : memref<10240x64xf32, #tpu.memory_space<hbm>>) target(%arg10 : memref<128x64xf32, #tpu.memory_space<vmem>>) offsets(%dma_start3A_38 : memref<128xi32, #tpu.memory_space<vmem>>) semaphore(%arg16 : memref<!tpu.dma_semaphore, #tpu.memory_space<semaphore_mem>>)
      %dma_start3A_42 = arith.constant 1 : i32
      %dma_start3A_43 = arith.constant 0 : i32
      %dma_start3A_44 = tpu.memref_slice %arg8[%dma_start3A_42, %dma_start3A_43] : memref<160x128xi32, #tpu.memory_space<vmem>> -> memref<1x128xi32, #tpu.memory_space<vmem>>
      %dma_start3A_45 = tpu.memref_squeeze %dma_start3A_44 : memref<1x128xi32, #tpu.memory_space<vmem>> -> memref<128xi32, #tpu.memory_space<vmem>>
      %dma_start3A_46 = arith.constant 0 : i32
      %dma_start3A_47 = arith.constant 0 : i32
      %dma_start3A_48 = tpu.memref_slice %arg5[%dma_start3A_46, %dma_start3A_47] : memref<10240x64xf32, #tpu.memory_space<hbm>> -> memref<10240x64xf32, #tpu.memory_space<hbm>>
      tpu.enqueue_indirect_dma source(%dma_start3A_48 : memref<10240x64xf32, #tpu.memory_space<hbm>>) target(%arg11 : memref<128x64xf32, #tpu.memory_space<vmem>>) offsets(%dma_start3A_45 : memref<128xi32, #tpu.memory_space<vmem>>) semaphore(%arg17 : memref<!tpu.dma_semaphore, #tpu.memory_space<semaphore_mem>>)
      %scan3A = arith.constant 0 : i32
      %scan3A_49 = arith.constant 0 : i32
      %scan3A_50 = arith.constant 79 : i32
      %scan3A_51 = arith.addi %scan3A_49, %scan3A_50 : i32
      %scan3A_52 = arith.constant 1 : i32
      scf.for %scan3A_66 = %scan3A_49 to %scan3A_51 step %scan3A_52  : i32 {
        %dma_wait3A_67 = arith.constant 0 : i32
        %dma_wait3A_68 = arith.constant 0 : i32
        %dma_wait3A_69 = tpu.memref_slice %arg5[%dma_wait3A_67, %dma_wait3A_68] : memref<10240x64xf32, #tpu.memory_space<hbm>> -> memref<128x64xf32, #tpu.memory_space<hbm>>
        %dma_wait3A_70 = arith.constant 0 : i32
        %dma_wait3A_71 = arith.constant 0 : i32
        %dma_wait3A_72 = tpu.memref_slice %arg5[%dma_wait3A_70, %dma_wait3A_71] : memref<10240x64xf32, #tpu.memory_space<hbm>> -> memref<128x64xf32, #tpu.memory_space<hbm>>
        tpu.wait_dma2 semaphore(%arg16 : memref<!tpu.dma_semaphore, #tpu.memory_space<semaphore_mem>>) src(%dma_wait3A_72 : memref<128x64xf32, #tpu.memory_space<hbm>>) dst(%arg10 : memref<128x64xf32, #tpu.memory_space<vmem>>)
        %mul3A_73 = arith.constant 2 : i32
        %mul3A_74 = arith.muli %mul3A_73, %scan3A_66 : i32
        %dma_start3A_75 = arith.constant 0 : i32
        %dma_start3A_76 = tpu.memref_slice %arg9[%mul3A_74, %dma_start3A_75] : memref<160x128xi32, #tpu.memory_space<vmem>> -> memref<1x128xi32, #tpu.memory_space<vmem>>
        %dma_start3A_77 = tpu.memref_squeeze %dma_start3A_76 : memref<1x128xi32, #tpu.memory_space<vmem>> -> memref<128xi32, #tpu.memory_space<vmem>>
        %dma_start3A_78 = arith.constant 0 : i32
        %dma_start3A_79 = arith.constant 0 : i32
        %dma_start3A_80 = tpu.memref_slice %arg15[%dma_start3A_78, %dma_start3A_79] : memref<10240x64xf32, #tpu.memory_space<vmem_shared>> -> memref<10240x64xf32, #tpu.memory_space<vmem_shared>>
        tpu.enqueue_indirect_dma source(%arg10 : memref<128x64xf32, #tpu.memory_space<vmem>>) target(%dma_start3A_80 : memref<10240x64xf32, #tpu.memory_space<vmem_shared>>) offsets(%dma_start3A_77 : memref<128xi32, #tpu.memory_space<vmem>>) semaphore(%arg18 : memref<!tpu.dma_semaphore, #tpu.memory_space<semaphore_mem>>) {add = true}
        %dma_wait3A_81 = arith.constant 0 : i32
        %dma_wait3A_82 = arith.constant 0 : i32
        %dma_wait3A_83 = tpu.memref_slice %arg5[%dma_wait3A_81, %dma_wait3A_82] : memref<10240x64xf32, #tpu.memory_space<hbm>> -> memref<128x64xf32, #tpu.memory_space<hbm>>
        %dma_wait3A_84 = arith.constant 0 : i32
        %dma_wait3A_85 = arith.constant 0 : i32
        %dma_wait3A_86 = tpu.memref_slice %arg5[%dma_wait3A_84, %dma_wait3A_85] : memref<10240x64xf32, #tpu.memory_space<hbm>> -> memref<128x64xf32, #tpu.memory_space<hbm>>
        tpu.wait_dma2 semaphore(%arg17 : memref<!tpu.dma_semaphore, #tpu.memory_space<semaphore_mem>>) src(%dma_wait3A_86 : memref<128x64xf32, #tpu.memory_space<hbm>>) dst(%arg11 : memref<128x64xf32, #tpu.memory_space<vmem>>)
        %mul3A_87 = arith.constant 2 : i32
        %mul3A_88 = arith.muli %mul3A_87, %scan3A_66 : i32
        %add3A_89 = arith.constant 1 : i32
        %add3A_90 = arith.addi %mul3A_88, %add3A_89 : i32
        %dma_start3A_91 = arith.constant 0 : i32
        %dma_start3A_92 = tpu.memref_slice %arg9[%add3A_90, %dma_start3A_91] : memref<160x128xi32, #tpu.memory_space<vmem>> -> memref<1x128xi32, #tpu.memory_space<vmem>>
        %dma_start3A_93 = tpu.memref_squeeze %dma_start3A_92 : memref<1x128xi32, #tpu.memory_space<vmem>> -> memref<128xi32, #tpu.memory_space<vmem>>
        %dma_start3A_94 = arith.constant 0 : i32
        %dma_start3A_95 = arith.constant 0 : i32
        %dma_start3A_96 = tpu.memref_slice %arg15[%dma_start3A_94, %dma_start3A_95] : memref<10240x64xf32, #tpu.memory_space<vmem_shared>> -> memref<10240x64xf32, #tpu.memory_space<vmem_shared>>
        tpu.enqueue_indirect_dma source(%arg11 : memref<128x64xf32, #tpu.memory_space<vmem>>) target(%dma_start3A_96 : memref<10240x64xf32, #tpu.memory_space<vmem_shared>>) offsets(%dma_start3A_93 : memref<128xi32, #tpu.memory_space<vmem>>) semaphore(%arg19 : memref<!tpu.dma_semaphore, #tpu.memory_space<semaphore_mem>>) {add = true}
        %dma_wait3A_97 = arith.constant 0 : i32
        %dma_wait3A_98 = arith.constant 0 : i32
        %dma_wait3A_99 = tpu.memref_slice %arg5[%dma_wait3A_97, %dma_wait3A_98] : memref<10240x64xf32, #tpu.memory_space<hbm>> -> memref<128x64xf32, #tpu.memory_space<hbm>>
        %dma_wait3A_100 = arith.constant 0 : i32
        %dma_wait3A_101 = arith.constant 0 : i32
        %dma_wait3A_102 = tpu.memref_slice %arg5[%dma_wait3A_100, %dma_wait3A_101] : memref<10240x64xf32, #tpu.memory_space<hbm>> -> memref<128x64xf32, #tpu.memory_space<hbm>>
        tpu.wait_dma2 semaphore(%arg18 : memref<!tpu.dma_semaphore, #tpu.memory_space<semaphore_mem>>) src(%dma_wait3A_102 : memref<128x64xf32, #tpu.memory_space<hbm>>) dst(%arg10 : memref<128x64xf32, #tpu.memory_space<vmem>>)
        %mul3A_103 = arith.constant 2 : i32
        %mul3A_104 = arith.muli %mul3A_103, %scan3A_66 : i32
        %add3A_105 = arith.constant 2 : i32
        %add3A_106 = arith.addi %mul3A_104, %add3A_105 : i32
        %dma_start3A_107 = arith.constant 0 : i32
        %dma_start3A_108 = tpu.memref_slice %arg8[%add3A_106, %dma_start3A_107] : memref<160x128xi32, #tpu.memory_space<vmem>> -> memref<1x128xi32, #tpu.memory_space<vmem>>
        %dma_start3A_109 = tpu.memref_squeeze %dma_start3A_108 : memref<1x128xi32, #tpu.memory_space<vmem>> -> memref<128xi32, #tpu.memory_space<vmem>>
        %dma_start3A_110 = arith.constant 0 : i32
        %dma_start3A_111 = arith.constant 0 : i32
        %dma_start3A_112 = tpu.memref_slice %arg5[%dma_start3A_110, %dma_start3A_111] : memref<10240x64xf32, #tpu.memory_space<hbm>> -> memref<10240x64xf32, #tpu.memory_space<hbm>>
        tpu.enqueue_indirect_dma source(%dma_start3A_112 : memref<10240x64xf32, #tpu.memory_space<hbm>>) target(%arg10 : memref<128x64xf32, #tpu.memory_space<vmem>>) offsets(%dma_start3A_109 : memref<128xi32, #tpu.memory_space<vmem>>) semaphore(%arg16 : memref<!tpu.dma_semaphore, #tpu.memory_space<semaphore_mem>>)
        %dma_wait3A_113 = arith.constant 0 : i32
        %dma_wait3A_114 = arith.constant 0 : i32
        %dma_wait3A_115 = tpu.memref_slice %arg5[%dma_wait3A_113, %dma_wait3A_114] : memref<10240x64xf32, #tpu.memory_space<hbm>> -> memref<128x64xf32, #tpu.memory_space<hbm>>
        %dma_wait3A_116 = arith.constant 0 : i32
        %dma_wait3A_117 = arith.constant 0 : i32
        %dma_wait3A_118 = tpu.memref_slice %arg5[%dma_wait3A_116, %dma_wait3A_117] : memref<10240x64xf32, #tpu.memory_space<hbm>> -> memref<128x64xf32, #tpu.memory_space<hbm>>
        tpu.wait_dma2 semaphore(%arg19 : memref<!tpu.dma_semaphore, #tpu.memory_space<semaphore_mem>>) src(%dma_wait3A_118 : memref<128x64xf32, #tpu.memory_space<hbm>>) dst(%arg11 : memref<128x64xf32, #tpu.memory_space<vmem>>)
        %mul3A_119 = arith.constant 2 : i32
        %mul3A_120 = arith.muli %mul3A_119, %scan3A_66 : i32
        %add3A_121 = arith.constant 3 : i32
        %add3A_122 = arith.addi %mul3A_120, %add3A_121 : i32
        %dma_start3A_123 = arith.constant 0 : i32
        %dma_start3A_124 = tpu.memref_slice %arg8[%add3A_122, %dma_start3A_123] : memref<160x128xi32, #tpu.memory_space<vmem>> -> memref<1x128xi32, #tpu.memory_space<vmem>>
        %dma_start3A_125 = tpu.memref_squeeze %dma_start3A_124 : memref<1x128xi32, #tpu.memory_space<vmem>> -> memref<128xi32, #tpu.memory_space<vmem>>
        %dma_start3A_126 = arith.constant 0 : i32
        %dma_start3A_127 = arith.constant 0 : i32
        %dma_start3A_128 = tpu.memref_slice %arg5[%dma_start3A_126, %dma_start3A_127] : memref<10240x64xf32, #tpu.memory_space<hbm>> -> memref<10240x64xf32, #tpu.memory_space<hbm>>
        tpu.enqueue_indirect_dma source(%dma_start3A_128 : memref<10240x64xf32, #tpu.memory_space<hbm>>) target(%arg11 : memref<128x64xf32, #tpu.memory_space<vmem>>) offsets(%dma_start3A_125 : memref<128xi32, #tpu.memory_space<vmem>>) semaphore(%arg17 : memref<!tpu.dma_semaphore, #tpu.memory_space<semaphore_mem>>)
      }
      %scan3A_53 = arith.constant 79 : i32
      %dma_wait3A = arith.constant 0 : i32
      %dma_wait3A_54 = arith.constant 0 : i32
      %dma_wait3A_55 = tpu.memref_slice %arg5[%dma_wait3A, %dma_wait3A_54] : memref<10240x64xf32, #tpu.memory_space<hbm>> -> memref<128x64xf32, #tpu.memory_space<hbm>>
      %dma_wait3A_56 = arith.constant 0 : i32
      %dma_wait3A_57 = arith.constant 0 : i32
      %dma_wait3A_58 = tpu.memref_slice %arg5[%dma_wait3A_56, %dma_wait3A_57] : memref<10240x64xf32, #tpu.memory_space<hbm>> -> memref<128x64xf32, #tpu.memory_space<hbm>>
      tpu.wait_dma2 semaphore(%arg16 : memref<!tpu.dma_semaphore, #tpu.memory_space<semaphore_mem>>) src(%dma_wait3A_58 : memref<128x64xf32, #tpu.memory_space<hbm>>) dst(%arg10 : memref<128x64xf32, #tpu.memory_space<vmem>>)
      %run_scoped3A = arith.constant 158 : i32
      "tpu.region"() ({
        %run_scoped3A_66 = tpu.sem_alloc : memref<!tpu.dma_semaphore, #tpu.memory_space<semaphore_mem>>
        %dma_start3A_67 = arith.constant 0 : i32
        %dma_start3A_68 = tpu.memref_slice %arg9[%run_scoped3A, %dma_start3A_67] : memref<160x128xi32, #tpu.memory_space<vmem>> -> memref<1x128xi32, #tpu.memory_space<vmem>>
        %dma_start3A_69 = tpu.memref_squeeze %dma_start3A_68 : memref<1x128xi32, #tpu.memory_space<vmem>> -> memref<128xi32, #tpu.memory_space<vmem>>
        %dma_start3A_70 = arith.constant 0 : i32
        %dma_start3A_71 = arith.constant 0 : i32
        %dma_start3A_72 = tpu.memref_slice %arg15[%dma_start3A_70, %dma_start3A_71] : memref<10240x64xf32, #tpu.memory_space<vmem_shared>> -> memref<10240x64xf32, #tpu.memory_space<vmem_shared>>
        tpu.enqueue_indirect_dma source(%arg10 : memref<128x64xf32, #tpu.memory_space<vmem>>) target(%dma_start3A_72 : memref<10240x64xf32, #tpu.memory_space<vmem_shared>>) offsets(%dma_start3A_69 : memref<128xi32, #tpu.memory_space<vmem>>) semaphore(%run_scoped3A_66 : memref<!tpu.dma_semaphore, #tpu.memory_space<semaphore_mem>>) {add = true}
        %dma_wait3A_73 = arith.constant 0 : i32
        %dma_wait3A_74 = tpu.memref_slice %arg9[%run_scoped3A, %dma_wait3A_73] : memref<160x128xi32, #tpu.memory_space<vmem>> -> memref<1x128xi32, #tpu.memory_space<vmem>>
        %dma_wait3A_75 = tpu.memref_squeeze %dma_wait3A_74 : memref<1x128xi32, #tpu.memory_space<vmem>> -> memref<128xi32, #tpu.memory_space<vmem>>
        %dma_wait3A_76 = arith.constant 0 : i32
        %dma_wait3A_77 = arith.constant 0 : i32
        %dma_wait3A_78 = tpu.memref_slice %arg15[%dma_wait3A_76, %dma_wait3A_77] : memref<10240x64xf32, #tpu.memory_space<vmem_shared>> -> memref<10240x64xf32, #tpu.memory_space<vmem_shared>>
        tpu.wait_indirect_dma semaphore(%run_scoped3A_66 : memref<!tpu.dma_semaphore, #tpu.memory_space<semaphore_mem>>) src(%arg10 : memref<128x64xf32, #tpu.memory_space<vmem>>) dst(%dma_wait3A_78 : memref<10240x64xf32, #tpu.memory_space<vmem_shared>>)
        tpu.yield
      }) : () -> ()
      %dma_wait3A_59 = arith.constant 0 : i32
      %dma_wait3A_60 = arith.constant 0 : i32
      %dma_wait3A_61 = tpu.memref_slice %arg5[%dma_wait3A_59, %dma_wait3A_60] : memref<10240x64xf32, #tpu.memory_space<hbm>> -> memref<128x64xf32, #tpu.memory_space<hbm>>
      %dma_wait3A_62 = arith.constant 0 : i32
      %dma_wait3A_63 = arith.constant 0 : i32
      %dma_wait3A_64 = tpu.memref_slice %arg5[%dma_wait3A_62, %dma_wait3A_63] : memref<10240x64xf32, #tpu.memory_space<hbm>> -> memref<128x64xf32, #tpu.memory_space<hbm>>
      tpu.wait_dma2 semaphore(%arg17 : memref<!tpu.dma_semaphore, #tpu.memory_space<semaphore_mem>>) src(%dma_wait3A_64 : memref<128x64xf32, #tpu.memory_space<hbm>>) dst(%arg11 : memref<128x64xf32, #tpu.memory_space<vmem>>)
      %run_scoped3A_65 = arith.constant 159 : i32
      "tpu.region"() ({
        %run_scoped3A_66 = tpu.sem_alloc : memref<!tpu.dma_semaphore, #tpu.memory_space<semaphore_mem>>
        %dma_start3A_67 = arith.constant 0 : i32
        %dma_start3A_68 = tpu.memref_slice %arg9[%run_scoped3A_65, %dma_start3A_67] : memref<160x128xi32, #tpu.memory_space<vmem>> -> memref<1x128xi32, #tpu.memory_space<vmem>>
        %dma_start3A_69 = tpu.memref_squeeze %dma_start3A_68 : memref<1x128xi32, #tpu.memory_space<vmem>> -> memref<128xi32, #tpu.memory_space<vmem>>
        %dma_start3A_70 = arith.constant 0 : i32
        %dma_start3A_71 = arith.constant 0 : i32
        %dma_start3A_72 = tpu.memref_slice %arg15[%dma_start3A_70, %dma_start3A_71] : memref<10240x64xf32, #tpu.memory_space<vmem_shared>> -> memref<10240x64xf32, #tpu.memory_space<vmem_shared>>
        tpu.enqueue_indirect_dma source(%arg11 : memref<128x64xf32, #tpu.memory_space<vmem>>) target(%dma_start3A_72 : memref<10240x64xf32, #tpu.memory_space<vmem_shared>>) offsets(%dma_start3A_69 : memref<128xi32, #tpu.memory_space<vmem>>) semaphore(%run_scoped3A_66 : memref<!tpu.dma_semaphore, #tpu.memory_space<semaphore_mem>>) {add = true}
        %dma_wait3A_73 = arith.constant 0 : i32
        %dma_wait3A_74 = tpu.memref_slice %arg9[%run_scoped3A_65, %dma_wait3A_73] : memref<160x128xi32, #tpu.memory_space<vmem>> -> memref<1x128xi32, #tpu.memory_space<vmem>>
        %dma_wait3A_75 = tpu.memref_squeeze %dma_wait3A_74 : memref<1x128xi32, #tpu.memory_space<vmem>> -> memref<128xi32, #tpu.memory_space<vmem>>
        %dma_wait3A_76 = arith.constant 0 : i32
        %dma_wait3A_77 = arith.constant 0 : i32
        %dma_wait3A_78 = tpu.memref_slice %arg15[%dma_wait3A_76, %dma_wait3A_77] : memref<10240x64xf32, #tpu.memory_space<vmem_shared>> -> memref<10240x64xf32, #tpu.memory_space<vmem_shared>>
        tpu.wait_indirect_dma semaphore(%run_scoped3A_66 : memref<!tpu.dma_semaphore, #tpu.memory_space<semaphore_mem>>) src(%arg11 : memref<128x64xf32, #tpu.memory_space<vmem>>) dst(%dma_wait3A_78 : memref<10240x64xf32, #tpu.memory_space<vmem_shared>>)
        tpu.yield
      }) : () -> ()
    } else {
    }
    %barrier3A_17 = arith.constant 0 : index
    tpu.barrier barrier_id(%barrier3A_17)
    %mul3A_18 = arith.constant 640 : i32
    %mul3A_19 = arith.muli %arg1, %mul3A_18 : i32
    %add3A_20 = arith.constant 0 : i32
    %add3A_21 = arith.addi %mul3A_19, %add3A_20 : i32
    "tpu.region"() ({
      %run_scoped3A = tpu.sem_alloc : memref<!tpu.dma_semaphore, #tpu.memory_space<semaphore_mem>>
      %dma_start3A = arith.constant 0 : i32
      %dma_start3A_36 = tpu.memref_slice %arg15[%add3A_21, %dma_start3A] : memref<10240x64xf32, #tpu.memory_space<vmem_shared>> -> memref<320x64xf32, #tpu.memory_space<vmem_shared>>
      %dma_start3A_37 = arith.constant 0 : i32
      %dma_start3A_38 = tpu.memref_slice %arg15[%add3A_21, %dma_start3A_37] : memref<10240x64xf32, #tpu.memory_space<vmem_shared>> -> memref<320x64xf32, #tpu.memory_space<vmem_shared>>
      tpu.enqueue_dma source(%dma_start3A_38 : memref<320x64xf32, #tpu.memory_space<vmem_shared>>) target(%arg14 : memref<320x64xf32, #tpu.memory_space<vmem>>) target_semaphore(%run_scoped3A : memref<!tpu.dma_semaphore, #tpu.memory_space<semaphore_mem>>)
      %dma_wait3A = arith.constant 0 : i32
      %dma_wait3A_39 = tpu.memref_slice %arg15[%add3A_21, %dma_wait3A] : memref<10240x64xf32, #tpu.memory_space<vmem_shared>> -> memref<320x64xf32, #tpu.memory_space<vmem_shared>>
      %dma_wait3A_40 = arith.constant 0 : i32
      %dma_wait3A_41 = tpu.memref_slice %arg15[%add3A_21, %dma_wait3A_40] : memref<10240x64xf32, #tpu.memory_space<vmem_shared>> -> memref<320x64xf32, #tpu.memory_space<vmem_shared>>
      tpu.wait_dma2 semaphore(%run_scoped3A : memref<!tpu.dma_semaphore, #tpu.memory_space<semaphore_mem>>) src(%dma_wait3A_41 : memref<320x64xf32, #tpu.memory_space<vmem_shared>>) dst(%arg14 : memref<320x64xf32, #tpu.memory_space<vmem>>)
      tpu.yield
    }) : () -> ()
    %mul3A_22 = arith.constant 640 : i32
    %mul3A_23 = arith.muli %arg1, %mul3A_22 : i32
    %add3A_24 = arith.addi %mul3A_0, %mul3A_23 : i32
    %add3A_25 = arith.constant 0 : i32
    %add3A_26 = arith.addi %add3A_24, %add3A_25 : i32
    "tpu.region"() ({
      %run_scoped3A = tpu.sem_alloc : memref<!tpu.dma_semaphore, #tpu.memory_space<semaphore_mem>>
      %dma_start3A = arith.constant 0 : i32
      %dma_start3A_36 = tpu.memref_slice %arg7[%add3A_26, %dma_start3A] : memref<20480x64xf32, #tpu.memory_space<hbm>> -> memref<320x64xf32, #tpu.memory_space<hbm>>
      %dma_start3A_37 = arith.constant 0 : i32
      %dma_start3A_38 = tpu.memref_slice %arg7[%add3A_26, %dma_start3A_37] : memref<20480x64xf32, #tpu.memory_space<hbm>> -> memref<320x64xf32, #tpu.memory_space<hbm>>
      tpu.enqueue_dma source(%arg14 : memref<320x64xf32, #tpu.memory_space<vmem>>) target(%dma_start3A_38 : memref<320x64xf32, #tpu.memory_space<hbm>>) target_semaphore(%run_scoped3A : memref<!tpu.dma_semaphore, #tpu.memory_space<semaphore_mem>>)
      %dma_wait3A = arith.constant 0 : i32
      %dma_wait3A_39 = tpu.memref_slice %arg7[%add3A_26, %dma_wait3A] : memref<20480x64xf32, #tpu.memory_space<hbm>> -> memref<320x64xf32, #tpu.memory_space<hbm>>
      %dma_wait3A_40 = arith.constant 0 : i32
      %dma_wait3A_41 = tpu.memref_slice %arg7[%add3A_26, %dma_wait3A_40] : memref<20480x64xf32, #tpu.memory_space<hbm>> -> memref<320x64xf32, #tpu.memory_space<hbm>>
      tpu.wait_dma2 semaphore(%run_scoped3A : memref<!tpu.dma_semaphore, #tpu.memory_space<semaphore_mem>>) src(%arg14 : memref<320x64xf32, #tpu.memory_space<vmem>>) dst(%dma_wait3A_41 : memref<320x64xf32, #tpu.memory_space<hbm>>)
      tpu.yield
    }) : () -> ()
    %mul3A_27 = arith.constant 640 : i32
    %mul3A_28 = arith.muli %arg1, %mul3A_27 : i32
    %add3A_29 = arith.constant 320 : i32
    %add3A_30 = arith.addi %mul3A_28, %add3A_29 : i32
    "tpu.region"() ({
      %run_scoped3A = tpu.sem_alloc : memref<!tpu.dma_semaphore, #tpu.memory_space<semaphore_mem>>
      %dma_start3A = arith.constant 0 : i32
      %dma_start3A_36 = tpu.memref_slice %arg15[%add3A_30, %dma_start3A] : memref<10240x64xf32, #tpu.memory_space<vmem_shared>> -> memref<320x64xf32, #tpu.memory_space<vmem_shared>>
      %dma_start3A_37 = arith.constant 0 : i32
      %dma_start3A_38 = tpu.memref_slice %arg15[%add3A_30, %dma_start3A_37] : memref<10240x64xf32, #tpu.memory_space<vmem_shared>> -> memref<320x64xf32, #tpu.memory_space<vmem_shared>>
      tpu.enqueue_dma source(%dma_start3A_38 : memref<320x64xf32, #tpu.memory_space<vmem_shared>>) target(%arg14 : memref<320x64xf32, #tpu.memory_space<vmem>>) target_semaphore(%run_scoped3A : memref<!tpu.dma_semaphore, #tpu.memory_space<semaphore_mem>>)
      %dma_wait3A = arith.constant 0 : i32
      %dma_wait3A_39 = tpu.memref_slice %arg15[%add3A_30, %dma_wait3A] : memref<10240x64xf32, #tpu.memory_space<vmem_shared>> -> memref<320x64xf32, #tpu.memory_space<vmem_shared>>
      %dma_wait3A_40 = arith.constant 0 : i32
      %dma_wait3A_41 = tpu.memref_slice %arg15[%add3A_30, %dma_wait3A_40] : memref<10240x64xf32, #tpu.memory_space<vmem_shared>> -> memref<320x64xf32, #tpu.memory_space<vmem_shared>>
      tpu.wait_dma2 semaphore(%run_scoped3A : memref<!tpu.dma_semaphore, #tpu.memory_space<semaphore_mem>>) src(%dma_wait3A_41 : memref<320x64xf32, #tpu.memory_space<vmem_shared>>) dst(%arg14 : memref<320x64xf32, #tpu.memory_space<vmem>>)
      tpu.yield
    }) : () -> ()
    %mul3A_31 = arith.constant 640 : i32
    %mul3A_32 = arith.muli %arg1, %mul3A_31 : i32
    %add3A_33 = arith.addi %mul3A_0, %mul3A_32 : i32
    %add3A_34 = arith.constant 320 : i32
    %add3A_35 = arith.addi %add3A_33, %add3A_34 : i32
    "tpu.region"() ({
      %run_scoped3A = tpu.sem_alloc : memref<!tpu.dma_semaphore, #tpu.memory_space<semaphore_mem>>
      %dma_start3A = arith.constant 0 : i32
      %dma_start3A_36 = tpu.memref_slice %arg7[%add3A_35, %dma_start3A] : memref<20480x64xf32, #tpu.memory_space<hbm>> -> memref<320x64xf32, #tpu.memory_space<hbm>>
      %dma_start3A_37 = arith.constant 0 : i32
      %dma_start3A_38 = tpu.memref_slice %arg7[%add3A_35, %dma_start3A_37] : memref<20480x64xf32, #tpu.memory_space<hbm>> -> memref<320x64xf32, #tpu.memory_space<hbm>>
      tpu.enqueue_dma source(%arg14 : memref<320x64xf32, #tpu.memory_space<vmem>>) target(%dma_start3A_38 : memref<320x64xf32, #tpu.memory_space<hbm>>) target_semaphore(%run_scoped3A : memref<!tpu.dma_semaphore, #tpu.memory_space<semaphore_mem>>)
      %dma_wait3A = arith.constant 0 : i32
      %dma_wait3A_39 = tpu.memref_slice %arg7[%add3A_35, %dma_wait3A] : memref<20480x64xf32, #tpu.memory_space<hbm>> -> memref<320x64xf32, #tpu.memory_space<hbm>>
      %dma_wait3A_40 = arith.constant 0 : i32
      %dma_wait3A_41 = tpu.memref_slice %arg7[%add3A_35, %dma_wait3A_40] : memref<20480x64xf32, #tpu.memory_space<hbm>> -> memref<320x64xf32, #tpu.memory_space<hbm>>
      tpu.wait_dma2 semaphore(%run_scoped3A : memref<!tpu.dma_semaphore, #tpu.memory_space<semaphore_mem>>) src(%arg14 : memref<320x64xf32, #tpu.memory_space<vmem>>) dst(%dma_wait3A_41 : memref<320x64xf32, #tpu.memory_space<hbm>>)
      tpu.yield
    }) : () -> ()
    return
  }
}

#map = affine_map<(d0, d1) -> (0, 0)>
module attributes {stable_mosaic.version = 14 : i64} {
  func.func @_seg_body(%arg0: i32, %arg1: i32, %arg2: memref<2560x128xi32, #tpu.memory_space<hbm>>, %arg3: memref<2560x128xi32, #tpu.memory_space<hbm>>, %arg4: memref<10240x64xf32, #tpu.memory_space<hbm>>, %arg5: memref<10240x64xf32, #tpu.memory_space<hbm>>, %arg6: memref<320x64xf32, #tpu.memory_space<hbm>>, %arg7: memref<20480x64xf32, #tpu.memory_space<hbm>>, %arg8: memref<160x128xi32, #tpu.memory_space<vmem>>, %arg9: memref<160x128xi32, #tpu.memory_space<vmem>>, %arg10: memref<128x64xf32, #tpu.memory_space<vmem>>, %arg11: memref<128x64xf32, #tpu.memory_space<vmem>>, %arg12: memref<128x64xf32, #tpu.memory_space<vmem>>, %arg13: memref<128x64xf32, #tpu.memory_space<vmem>>, %arg14: memref<320x64xf32, #tpu.memory_space<vmem>>, %arg15: memref<10240x64xf32, #tpu.memory_space<vmem_shared>>, %arg16: memref<!tpu.dma_semaphore, #tpu.memory_space<semaphore_mem>>, %arg17: memref<!tpu.dma_semaphore, #tpu.memory_space<semaphore_mem>>, %arg18: memref<!tpu.dma_semaphore, #tpu.memory_space<semaphore_mem>>, %arg19: memref<!tpu.dma_semaphore, #tpu.memory_space<semaphore_mem>>) attributes {dimension_semantics = [#tpu.dimension_semantics<core_parallel>, #tpu.dimension_semantics<subcore_parallel>], iteration_bounds = array<i64: 2, 16>, scalar_prefetch = 0 : i64, scratch_operands = 12 : i64, tpu.core_type = #tpu.core_type<sc_vector_subcore>, window_params = [{transform_indices = #map}, {transform_indices = #map}, {transform_indices = #map}, {transform_indices = #map}, {transform_indices = #map}, {transform_indices = #map}]} {
    %mul3A = arith.constant 10240 : i32
    %mul3A_0 = arith.muli %arg0, %mul3A : i32
    "tpu.region"() ({
      %run_scoped3A = tpu.sem_alloc : memref<!tpu.dma_semaphore, #tpu.memory_space<semaphore_mem>>
      tpu.enqueue_dma source(%arg6 : memref<320x64xf32, #tpu.memory_space<hbm>>) target(%arg14 : memref<320x64xf32, #tpu.memory_space<vmem>>) target_semaphore(%run_scoped3A : memref<!tpu.dma_semaphore, #tpu.memory_space<semaphore_mem>>)
      tpu.wait_dma2 semaphore(%run_scoped3A : memref<!tpu.dma_semaphore, #tpu.memory_space<semaphore_mem>>) src(%arg6 : memref<320x64xf32, #tpu.memory_space<hbm>>) dst(%arg14 : memref<320x64xf32, #tpu.memory_space<vmem>>)
      tpu.yield
    }) : () -> ()
    %mul3A_1 = arith.constant 640 : i32
    %mul3A_2 = arith.muli %arg1, %mul3A_1 : i32
    "tpu.region"() ({
      %run_scoped3A = tpu.sem_alloc : memref<!tpu.dma_semaphore, #tpu.memory_space<semaphore_mem>>
      %dma_start3A = arith.constant 0 : i32
      %dma_start3A_36 = tpu.memref_slice %arg15[%mul3A_2, %dma_start3A] : memref<10240x64xf32, #tpu.memory_space<vmem_shared>> -> memref<320x64xf32, #tpu.memory_space<vmem_shared>>
      %dma_start3A_37 = arith.constant 0 : i32
      %dma_start3A_38 = tpu.memref_slice %arg15[%mul3A_2, %dma_start3A_37] : memref<10240x64xf32, #tpu.memory_space<vmem_shared>> -> memref<320x64xf32, #tpu.memory_space<vmem_shared>>
      tpu.enqueue_dma source(%arg14 : memref<320x64xf32, #tpu.memory_space<vmem>>) target(%dma_start3A_38 : memref<320x64xf32, #tpu.memory_space<vmem_shared>>) target_semaphore(%run_scoped3A : memref<!tpu.dma_semaphore, #tpu.memory_space<semaphore_mem>>)
      %dma_wait3A = arith.constant 0 : i32
      %dma_wait3A_39 = tpu.memref_slice %arg15[%mul3A_2, %dma_wait3A] : memref<10240x64xf32, #tpu.memory_space<vmem_shared>> -> memref<320x64xf32, #tpu.memory_space<vmem_shared>>
      %dma_wait3A_40 = arith.constant 0 : i32
      %dma_wait3A_41 = tpu.memref_slice %arg15[%mul3A_2, %dma_wait3A_40] : memref<10240x64xf32, #tpu.memory_space<vmem_shared>> -> memref<320x64xf32, #tpu.memory_space<vmem_shared>>
      tpu.wait_dma2 semaphore(%run_scoped3A : memref<!tpu.dma_semaphore, #tpu.memory_space<semaphore_mem>>) src(%arg14 : memref<320x64xf32, #tpu.memory_space<vmem>>) dst(%dma_wait3A_41 : memref<320x64xf32, #tpu.memory_space<vmem_shared>>)
      tpu.yield
    }) : () -> ()
    %mul3A_3 = arith.constant 640 : i32
    %mul3A_4 = arith.muli %arg1, %mul3A_3 : i32
    %add3A = arith.constant 320 : i32
    %add3A_5 = arith.addi %mul3A_4, %add3A : i32
    "tpu.region"() ({
      %run_scoped3A = tpu.sem_alloc : memref<!tpu.dma_semaphore, #tpu.memory_space<semaphore_mem>>
      %dma_start3A = arith.constant 0 : i32
      %dma_start3A_36 = tpu.memref_slice %arg15[%add3A_5, %dma_start3A] : memref<10240x64xf32, #tpu.memory_space<vmem_shared>> -> memref<320x64xf32, #tpu.memory_space<vmem_shared>>
      %dma_start3A_37 = arith.constant 0 : i32
      %dma_start3A_38 = tpu.memref_slice %arg15[%add3A_5, %dma_start3A_37] : memref<10240x64xf32, #tpu.memory_space<vmem_shared>> -> memref<320x64xf32, #tpu.memory_space<vmem_shared>>
      tpu.enqueue_dma source(%arg14 : memref<320x64xf32, #tpu.memory_space<vmem>>) target(%dma_start3A_38 : memref<320x64xf32, #tpu.memory_space<vmem_shared>>) target_semaphore(%run_scoped3A : memref<!tpu.dma_semaphore, #tpu.memory_space<semaphore_mem>>)
      %dma_wait3A = arith.constant 0 : i32
      %dma_wait3A_39 = tpu.memref_slice %arg15[%add3A_5, %dma_wait3A] : memref<10240x64xf32, #tpu.memory_space<vmem_shared>> -> memref<320x64xf32, #tpu.memory_space<vmem_shared>>
      %dma_wait3A_40 = arith.constant 0 : i32
      %dma_wait3A_41 = tpu.memref_slice %arg15[%add3A_5, %dma_wait3A_40] : memref<10240x64xf32, #tpu.memory_space<vmem_shared>> -> memref<320x64xf32, #tpu.memory_space<vmem_shared>>
      tpu.wait_dma2 semaphore(%run_scoped3A : memref<!tpu.dma_semaphore, #tpu.memory_space<semaphore_mem>>) src(%arg14 : memref<320x64xf32, #tpu.memory_space<vmem>>) dst(%dma_wait3A_41 : memref<320x64xf32, #tpu.memory_space<vmem_shared>>)
      tpu.yield
    }) : () -> ()
    %barrier3A = arith.constant 0 : index
    tpu.barrier barrier_id(%barrier3A)
    %mul3A_6 = arith.constant 160 : i32
    %mul3A_7 = arith.muli %arg1, %mul3A_6 : i32
    "tpu.region"() ({
      %run_scoped3A = tpu.sem_alloc : memref<!tpu.dma_semaphore, #tpu.memory_space<semaphore_mem>>
      %dma_start3A = arith.constant 0 : i32
      %dma_start3A_36 = tpu.memref_slice %arg2[%mul3A_7, %dma_start3A] : memref<2560x128xi32, #tpu.memory_space<hbm>> -> memref<160x128xi32, #tpu.memory_space<hbm>>
      %dma_start3A_37 = arith.constant 0 : i32
      %dma_start3A_38 = tpu.memref_slice %arg2[%mul3A_7, %dma_start3A_37] : memref<2560x128xi32, #tpu.memory_space<hbm>> -> memref<160x128xi32, #tpu.memory_space<hbm>>
      tpu.enqueue_dma source(%dma_start3A_38 : memref<160x128xi32, #tpu.memory_space<hbm>>) target(%arg8 : memref<160x128xi32, #tpu.memory_space<vmem>>) target_semaphore(%run_scoped3A : memref<!tpu.dma_semaphore, #tpu.memory_space<semaphore_mem>>)
      %dma_wait3A = arith.constant 0 : i32
      %dma_wait3A_39 = tpu.memref_slice %arg2[%mul3A_7, %dma_wait3A] : memref<2560x128xi32, #tpu.memory_space<hbm>> -> memref<160x128xi32, #tpu.memory_space<hbm>>
      %dma_wait3A_40 = arith.constant 0 : i32
      %dma_wait3A_41 = tpu.memref_slice %arg2[%mul3A_7, %dma_wait3A_40] : memref<2560x128xi32, #tpu.memory_space<hbm>> -> memref<160x128xi32, #tpu.memory_space<hbm>>
      tpu.wait_dma2 semaphore(%run_scoped3A : memref<!tpu.dma_semaphore, #tpu.memory_space<semaphore_mem>>) src(%dma_wait3A_41 : memref<160x128xi32, #tpu.memory_space<hbm>>) dst(%arg8 : memref<160x128xi32, #tpu.memory_space<vmem>>)
      tpu.yield
    }) : () -> ()
    %mul3A_8 = arith.constant 160 : i32
    %mul3A_9 = arith.muli %arg1, %mul3A_8 : i32
    "tpu.region"() ({
      %run_scoped3A = tpu.sem_alloc : memref<!tpu.dma_semaphore, #tpu.memory_space<semaphore_mem>>
      %dma_start3A = arith.constant 0 : i32
      %dma_start3A_36 = tpu.memref_slice %arg3[%mul3A_9, %dma_start3A] : memref<2560x128xi32, #tpu.memory_space<hbm>> -> memref<160x128xi32, #tpu.memory_space<hbm>>
      %dma_start3A_37 = arith.constant 0 : i32
      %dma_start3A_38 = tpu.memref_slice %arg3[%mul3A_9, %dma_start3A_37] : memref<2560x128xi32, #tpu.memory_space<hbm>> -> memref<160x128xi32, #tpu.memory_space<hbm>>
      tpu.enqueue_dma source(%dma_start3A_38 : memref<160x128xi32, #tpu.memory_space<hbm>>) target(%arg9 : memref<160x128xi32, #tpu.memory_space<vmem>>) target_semaphore(%run_scoped3A : memref<!tpu.dma_semaphore, #tpu.memory_space<semaphore_mem>>)
      %dma_wait3A = arith.constant 0 : i32
      %dma_wait3A_39 = tpu.memref_slice %arg3[%mul3A_9, %dma_wait3A] : memref<2560x128xi32, #tpu.memory_space<hbm>> -> memref<160x128xi32, #tpu.memory_space<hbm>>
      %dma_wait3A_40 = arith.constant 0 : i32
      %dma_wait3A_41 = tpu.memref_slice %arg3[%mul3A_9, %dma_wait3A_40] : memref<2560x128xi32, #tpu.memory_space<hbm>> -> memref<160x128xi32, #tpu.memory_space<hbm>>
      tpu.wait_dma2 semaphore(%run_scoped3A : memref<!tpu.dma_semaphore, #tpu.memory_space<semaphore_mem>>) src(%dma_wait3A_41 : memref<160x128xi32, #tpu.memory_space<hbm>>) dst(%arg9 : memref<160x128xi32, #tpu.memory_space<vmem>>)
      tpu.yield
    }) : () -> ()
    %eq3A = arith.constant 0 : i32
    %eq3A_10 = arith.cmpi eq, %arg0, %eq3A : i32
    %convert_element_type3A = arith.extui %eq3A_10 : i1 to i32
    %cond3A = arith.constant 0 : i32
    %cond3A_11 = arith.cmpi ne, %convert_element_type3A, %cond3A : i32
    scf.if %cond3A_11 {
      %dma_start3A = arith.constant 0 : i32
      %dma_start3A_36 = arith.constant 0 : i32
      %dma_start3A_37 = tpu.memref_slice %arg8[%dma_start3A, %dma_start3A_36] : memref<160x128xi32, #tpu.memory_space<vmem>> -> memref<1x128xi32, #tpu.memory_space<vmem>>
      %dma_start3A_38 = tpu.memref_squeeze %dma_start3A_37 : memref<1x128xi32, #tpu.memory_space<vmem>> -> memref<128xi32, #tpu.memory_space<vmem>>
      %dma_start3A_39 = arith.constant 0 : i32
      %dma_start3A_40 = arith.constant 0 : i32
      %dma_start3A_41 = tpu.memref_slice %arg4[%dma_start3A_39, %dma_start3A_40] : memref<10240x64xf32, #tpu.memory_space<hbm>> -> memref<10240x64xf32, #tpu.memory_space<hbm>>
      tpu.enqueue_indirect_dma source(%dma_start3A_41 : memref<10240x64xf32, #tpu.memory_space<hbm>>) target(%arg10 : memref<128x64xf32, #tpu.memory_space<vmem>>) offsets(%dma_start3A_38 : memref<128xi32, #tpu.memory_space<vmem>>) semaphore(%arg16 : memref<!tpu.dma_semaphore, #tpu.memory_space<semaphore_mem>>)
      %dma_start3A_42 = arith.constant 1 : i32
      %dma_start3A_43 = arith.constant 0 : i32
      %dma_start3A_44 = tpu.memref_slice %arg8[%dma_start3A_42, %dma_start3A_43] : memref<160x128xi32, #tpu.memory_space<vmem>> -> memref<1x128xi32, #tpu.memory_space<vmem>>
      %dma_start3A_45 = tpu.memref_squeeze %dma_start3A_44 : memref<1x128xi32, #tpu.memory_space<vmem>> -> memref<128xi32, #tpu.memory_space<vmem>>
      %dma_start3A_46 = arith.constant 0 : i32
      %dma_start3A_47 = arith.constant 0 : i32
      %dma_start3A_48 = tpu.memref_slice %arg4[%dma_start3A_46, %dma_start3A_47] : memref<10240x64xf32, #tpu.memory_space<hbm>> -> memref<10240x64xf32, #tpu.memory_space<hbm>>
      tpu.enqueue_indirect_dma source(%dma_start3A_48 : memref<10240x64xf32, #tpu.memory_space<hbm>>) target(%arg11 : memref<128x64xf32, #tpu.memory_space<vmem>>) offsets(%dma_start3A_45 : memref<128xi32, #tpu.memory_space<vmem>>) semaphore(%arg17 : memref<!tpu.dma_semaphore, #tpu.memory_space<semaphore_mem>>)
      %scan3A = arith.constant 0 : i32
      %scan3A_49 = arith.constant 0 : i32
      %scan3A_50 = arith.constant 79 : i32
      %scan3A_51 = arith.addi %scan3A_49, %scan3A_50 : i32
      %scan3A_52 = arith.constant 1 : i32
      scf.for %scan3A_66 = %scan3A_49 to %scan3A_51 step %scan3A_52  : i32 {
        %dma_wait3A_67 = arith.constant 0 : i32
        %dma_wait3A_68 = arith.constant 0 : i32
        %dma_wait3A_69 = tpu.memref_slice %arg4[%dma_wait3A_67, %dma_wait3A_68] : memref<10240x64xf32, #tpu.memory_space<hbm>> -> memref<128x64xf32, #tpu.memory_space<hbm>>
        %dma_wait3A_70 = arith.constant 0 : i32
        %dma_wait3A_71 = arith.constant 0 : i32
        %dma_wait3A_72 = tpu.memref_slice %arg4[%dma_wait3A_70, %dma_wait3A_71] : memref<10240x64xf32, #tpu.memory_space<hbm>> -> memref<128x64xf32, #tpu.memory_space<hbm>>
        tpu.wait_dma2 semaphore(%arg16 : memref<!tpu.dma_semaphore, #tpu.memory_space<semaphore_mem>>) src(%dma_wait3A_72 : memref<128x64xf32, #tpu.memory_space<hbm>>) dst(%arg10 : memref<128x64xf32, #tpu.memory_space<vmem>>)
        %mul3A_73 = arith.constant 2 : i32
        %mul3A_74 = arith.muli %mul3A_73, %scan3A_66 : i32
        %dma_start3A_75 = arith.constant 0 : i32
        %dma_start3A_76 = tpu.memref_slice %arg9[%mul3A_74, %dma_start3A_75] : memref<160x128xi32, #tpu.memory_space<vmem>> -> memref<1x128xi32, #tpu.memory_space<vmem>>
        %dma_start3A_77 = tpu.memref_squeeze %dma_start3A_76 : memref<1x128xi32, #tpu.memory_space<vmem>> -> memref<128xi32, #tpu.memory_space<vmem>>
        %dma_start3A_78 = arith.constant 0 : i32
        %dma_start3A_79 = arith.constant 0 : i32
        %dma_start3A_80 = tpu.memref_slice %arg15[%dma_start3A_78, %dma_start3A_79] : memref<10240x64xf32, #tpu.memory_space<vmem_shared>> -> memref<10240x64xf32, #tpu.memory_space<vmem_shared>>
        tpu.enqueue_indirect_dma source(%arg10 : memref<128x64xf32, #tpu.memory_space<vmem>>) target(%dma_start3A_80 : memref<10240x64xf32, #tpu.memory_space<vmem_shared>>) offsets(%dma_start3A_77 : memref<128xi32, #tpu.memory_space<vmem>>) semaphore(%arg18 : memref<!tpu.dma_semaphore, #tpu.memory_space<semaphore_mem>>) {add = true}
        %dma_wait3A_81 = arith.constant 0 : i32
        %dma_wait3A_82 = arith.constant 0 : i32
        %dma_wait3A_83 = tpu.memref_slice %arg4[%dma_wait3A_81, %dma_wait3A_82] : memref<10240x64xf32, #tpu.memory_space<hbm>> -> memref<128x64xf32, #tpu.memory_space<hbm>>
        %dma_wait3A_84 = arith.constant 0 : i32
        %dma_wait3A_85 = arith.constant 0 : i32
        %dma_wait3A_86 = tpu.memref_slice %arg4[%dma_wait3A_84, %dma_wait3A_85] : memref<10240x64xf32, #tpu.memory_space<hbm>> -> memref<128x64xf32, #tpu.memory_space<hbm>>
        tpu.wait_dma2 semaphore(%arg17 : memref<!tpu.dma_semaphore, #tpu.memory_space<semaphore_mem>>) src(%dma_wait3A_86 : memref<128x64xf32, #tpu.memory_space<hbm>>) dst(%arg11 : memref<128x64xf32, #tpu.memory_space<vmem>>)
        %mul3A_87 = arith.constant 2 : i32
        %mul3A_88 = arith.muli %mul3A_87, %scan3A_66 : i32
        %add3A_89 = arith.constant 1 : i32
        %add3A_90 = arith.addi %mul3A_88, %add3A_89 : i32
        %dma_start3A_91 = arith.constant 0 : i32
        %dma_start3A_92 = tpu.memref_slice %arg9[%add3A_90, %dma_start3A_91] : memref<160x128xi32, #tpu.memory_space<vmem>> -> memref<1x128xi32, #tpu.memory_space<vmem>>
        %dma_start3A_93 = tpu.memref_squeeze %dma_start3A_92 : memref<1x128xi32, #tpu.memory_space<vmem>> -> memref<128xi32, #tpu.memory_space<vmem>>
        %dma_start3A_94 = arith.constant 0 : i32
        %dma_start3A_95 = arith.constant 0 : i32
        %dma_start3A_96 = tpu.memref_slice %arg15[%dma_start3A_94, %dma_start3A_95] : memref<10240x64xf32, #tpu.memory_space<vmem_shared>> -> memref<10240x64xf32, #tpu.memory_space<vmem_shared>>
        tpu.enqueue_indirect_dma source(%arg11 : memref<128x64xf32, #tpu.memory_space<vmem>>) target(%dma_start3A_96 : memref<10240x64xf32, #tpu.memory_space<vmem_shared>>) offsets(%dma_start3A_93 : memref<128xi32, #tpu.memory_space<vmem>>) semaphore(%arg19 : memref<!tpu.dma_semaphore, #tpu.memory_space<semaphore_mem>>) {add = true}
        %dma_wait3A_97 = arith.constant 0 : i32
        %dma_wait3A_98 = arith.constant 0 : i32
        %dma_wait3A_99 = tpu.memref_slice %arg4[%dma_wait3A_97, %dma_wait3A_98] : memref<10240x64xf32, #tpu.memory_space<hbm>> -> memref<128x64xf32, #tpu.memory_space<hbm>>
        %dma_wait3A_100 = arith.constant 0 : i32
        %dma_wait3A_101 = arith.constant 0 : i32
        %dma_wait3A_102 = tpu.memref_slice %arg4[%dma_wait3A_100, %dma_wait3A_101] : memref<10240x64xf32, #tpu.memory_space<hbm>> -> memref<128x64xf32, #tpu.memory_space<hbm>>
        tpu.wait_dma2 semaphore(%arg18 : memref<!tpu.dma_semaphore, #tpu.memory_space<semaphore_mem>>) src(%dma_wait3A_102 : memref<128x64xf32, #tpu.memory_space<hbm>>) dst(%arg10 : memref<128x64xf32, #tpu.memory_space<vmem>>)
        %mul3A_103 = arith.constant 2 : i32
        %mul3A_104 = arith.muli %mul3A_103, %scan3A_66 : i32
        %add3A_105 = arith.constant 2 : i32
        %add3A_106 = arith.addi %mul3A_104, %add3A_105 : i32
        %dma_start3A_107 = arith.constant 0 : i32
        %dma_start3A_108 = tpu.memref_slice %arg8[%add3A_106, %dma_start3A_107] : memref<160x128xi32, #tpu.memory_space<vmem>> -> memref<1x128xi32, #tpu.memory_space<vmem>>
        %dma_start3A_109 = tpu.memref_squeeze %dma_start3A_108 : memref<1x128xi32, #tpu.memory_space<vmem>> -> memref<128xi32, #tpu.memory_space<vmem>>
        %dma_start3A_110 = arith.constant 0 : i32
        %dma_start3A_111 = arith.constant 0 : i32
        %dma_start3A_112 = tpu.memref_slice %arg4[%dma_start3A_110, %dma_start3A_111] : memref<10240x64xf32, #tpu.memory_space<hbm>> -> memref<10240x64xf32, #tpu.memory_space<hbm>>
        tpu.enqueue_indirect_dma source(%dma_start3A_112 : memref<10240x64xf32, #tpu.memory_space<hbm>>) target(%arg10 : memref<128x64xf32, #tpu.memory_space<vmem>>) offsets(%dma_start3A_109 : memref<128xi32, #tpu.memory_space<vmem>>) semaphore(%arg16 : memref<!tpu.dma_semaphore, #tpu.memory_space<semaphore_mem>>)
        %dma_wait3A_113 = arith.constant 0 : i32
        %dma_wait3A_114 = arith.constant 0 : i32
        %dma_wait3A_115 = tpu.memref_slice %arg4[%dma_wait3A_113, %dma_wait3A_114] : memref<10240x64xf32, #tpu.memory_space<hbm>> -> memref<128x64xf32, #tpu.memory_space<hbm>>
        %dma_wait3A_116 = arith.constant 0 : i32
        %dma_wait3A_117 = arith.constant 0 : i32
        %dma_wait3A_118 = tpu.memref_slice %arg4[%dma_wait3A_116, %dma_wait3A_117] : memref<10240x64xf32, #tpu.memory_space<hbm>> -> memref<128x64xf32, #tpu.memory_space<hbm>>
        tpu.wait_dma2 semaphore(%arg19 : memref<!tpu.dma_semaphore, #tpu.memory_space<semaphore_mem>>) src(%dma_wait3A_118 : memref<128x64xf32, #tpu.memory_space<hbm>>) dst(%arg11 : memref<128x64xf32, #tpu.memory_space<vmem>>)
        %mul3A_119 = arith.constant 2 : i32
        %mul3A_120 = arith.muli %mul3A_119, %scan3A_66 : i32
        %add3A_121 = arith.constant 3 : i32
        %add3A_122 = arith.addi %mul3A_120, %add3A_121 : i32
        %dma_start3A_123 = arith.constant 0 : i32
        %dma_start3A_124 = tpu.memref_slice %arg8[%add3A_122, %dma_start3A_123] : memref<160x128xi32, #tpu.memory_space<vmem>> -> memref<1x128xi32, #tpu.memory_space<vmem>>
        %dma_start3A_125 = tpu.memref_squeeze %dma_start3A_124 : memref<1x128xi32, #tpu.memory_space<vmem>> -> memref<128xi32, #tpu.memory_space<vmem>>
        %dma_start3A_126 = arith.constant 0 : i32
        %dma_start3A_127 = arith.constant 0 : i32
        %dma_start3A_128 = tpu.memref_slice %arg4[%dma_start3A_126, %dma_start3A_127] : memref<10240x64xf32, #tpu.memory_space<hbm>> -> memref<10240x64xf32, #tpu.memory_space<hbm>>
        tpu.enqueue_indirect_dma source(%dma_start3A_128 : memref<10240x64xf32, #tpu.memory_space<hbm>>) target(%arg11 : memref<128x64xf32, #tpu.memory_space<vmem>>) offsets(%dma_start3A_125 : memref<128xi32, #tpu.memory_space<vmem>>) semaphore(%arg17 : memref<!tpu.dma_semaphore, #tpu.memory_space<semaphore_mem>>)
      }
      %scan3A_53 = arith.constant 79 : i32
      %dma_wait3A = arith.constant 0 : i32
      %dma_wait3A_54 = arith.constant 0 : i32
      %dma_wait3A_55 = tpu.memref_slice %arg4[%dma_wait3A, %dma_wait3A_54] : memref<10240x64xf32, #tpu.memory_space<hbm>> -> memref<128x64xf32, #tpu.memory_space<hbm>>
      %dma_wait3A_56 = arith.constant 0 : i32
      %dma_wait3A_57 = arith.constant 0 : i32
      %dma_wait3A_58 = tpu.memref_slice %arg4[%dma_wait3A_56, %dma_wait3A_57] : memref<10240x64xf32, #tpu.memory_space<hbm>> -> memref<128x64xf32, #tpu.memory_space<hbm>>
      tpu.wait_dma2 semaphore(%arg16 : memref<!tpu.dma_semaphore, #tpu.memory_space<semaphore_mem>>) src(%dma_wait3A_58 : memref<128x64xf32, #tpu.memory_space<hbm>>) dst(%arg10 : memref<128x64xf32, #tpu.memory_space<vmem>>)
      %run_scoped3A = arith.constant 158 : i32
      "tpu.region"() ({
        %run_scoped3A_66 = tpu.sem_alloc : memref<!tpu.dma_semaphore, #tpu.memory_space<semaphore_mem>>
        %dma_start3A_67 = arith.constant 0 : i32
        %dma_start3A_68 = tpu.memref_slice %arg9[%run_scoped3A, %dma_start3A_67] : memref<160x128xi32, #tpu.memory_space<vmem>> -> memref<1x128xi32, #tpu.memory_space<vmem>>
        %dma_start3A_69 = tpu.memref_squeeze %dma_start3A_68 : memref<1x128xi32, #tpu.memory_space<vmem>> -> memref<128xi32, #tpu.memory_space<vmem>>
        %dma_start3A_70 = arith.constant 0 : i32
        %dma_start3A_71 = arith.constant 0 : i32
        %dma_start3A_72 = tpu.memref_slice %arg15[%dma_start3A_70, %dma_start3A_71] : memref<10240x64xf32, #tpu.memory_space<vmem_shared>> -> memref<10240x64xf32, #tpu.memory_space<vmem_shared>>
        tpu.enqueue_indirect_dma source(%arg10 : memref<128x64xf32, #tpu.memory_space<vmem>>) target(%dma_start3A_72 : memref<10240x64xf32, #tpu.memory_space<vmem_shared>>) offsets(%dma_start3A_69 : memref<128xi32, #tpu.memory_space<vmem>>) semaphore(%run_scoped3A_66 : memref<!tpu.dma_semaphore, #tpu.memory_space<semaphore_mem>>) {add = true}
        %dma_wait3A_73 = arith.constant 0 : i32
        %dma_wait3A_74 = tpu.memref_slice %arg9[%run_scoped3A, %dma_wait3A_73] : memref<160x128xi32, #tpu.memory_space<vmem>> -> memref<1x128xi32, #tpu.memory_space<vmem>>
        %dma_wait3A_75 = tpu.memref_squeeze %dma_wait3A_74 : memref<1x128xi32, #tpu.memory_space<vmem>> -> memref<128xi32, #tpu.memory_space<vmem>>
        %dma_wait3A_76 = arith.constant 0 : i32
        %dma_wait3A_77 = arith.constant 0 : i32
        %dma_wait3A_78 = tpu.memref_slice %arg15[%dma_wait3A_76, %dma_wait3A_77] : memref<10240x64xf32, #tpu.memory_space<vmem_shared>> -> memref<10240x64xf32, #tpu.memory_space<vmem_shared>>
        tpu.wait_indirect_dma semaphore(%run_scoped3A_66 : memref<!tpu.dma_semaphore, #tpu.memory_space<semaphore_mem>>) src(%arg10 : memref<128x64xf32, #tpu.memory_space<vmem>>) dst(%dma_wait3A_78 : memref<10240x64xf32, #tpu.memory_space<vmem_shared>>)
        tpu.yield
      }) : () -> ()
      %dma_wait3A_59 = arith.constant 0 : i32
      %dma_wait3A_60 = arith.constant 0 : i32
      %dma_wait3A_61 = tpu.memref_slice %arg4[%dma_wait3A_59, %dma_wait3A_60] : memref<10240x64xf32, #tpu.memory_space<hbm>> -> memref<128x64xf32, #tpu.memory_space<hbm>>
      %dma_wait3A_62 = arith.constant 0 : i32
      %dma_wait3A_63 = arith.constant 0 : i32
      %dma_wait3A_64 = tpu.memref_slice %arg4[%dma_wait3A_62, %dma_wait3A_63] : memref<10240x64xf32, #tpu.memory_space<hbm>> -> memref<128x64xf32, #tpu.memory_space<hbm>>
      tpu.wait_dma2 semaphore(%arg17 : memref<!tpu.dma_semaphore, #tpu.memory_space<semaphore_mem>>) src(%dma_wait3A_64 : memref<128x64xf32, #tpu.memory_space<hbm>>) dst(%arg11 : memref<128x64xf32, #tpu.memory_space<vmem>>)
      %run_scoped3A_65 = arith.constant 159 : i32
      "tpu.region"() ({
        %run_scoped3A_66 = tpu.sem_alloc : memref<!tpu.dma_semaphore, #tpu.memory_space<semaphore_mem>>
        %dma_start3A_67 = arith.constant 0 : i32
        %dma_start3A_68 = tpu.memref_slice %arg9[%run_scoped3A_65, %dma_start3A_67] : memref<160x128xi32, #tpu.memory_space<vmem>> -> memref<1x128xi32, #tpu.memory_space<vmem>>
        %dma_start3A_69 = tpu.memref_squeeze %dma_start3A_68 : memref<1x128xi32, #tpu.memory_space<vmem>> -> memref<128xi32, #tpu.memory_space<vmem>>
        %dma_start3A_70 = arith.constant 0 : i32
        %dma_start3A_71 = arith.constant 0 : i32
        %dma_start3A_72 = tpu.memref_slice %arg15[%dma_start3A_70, %dma_start3A_71] : memref<10240x64xf32, #tpu.memory_space<vmem_shared>> -> memref<10240x64xf32, #tpu.memory_space<vmem_shared>>
        tpu.enqueue_indirect_dma source(%arg11 : memref<128x64xf32, #tpu.memory_space<vmem>>) target(%dma_start3A_72 : memref<10240x64xf32, #tpu.memory_space<vmem_shared>>) offsets(%dma_start3A_69 : memref<128xi32, #tpu.memory_space<vmem>>) semaphore(%run_scoped3A_66 : memref<!tpu.dma_semaphore, #tpu.memory_space<semaphore_mem>>) {add = true}
        %dma_wait3A_73 = arith.constant 0 : i32
        %dma_wait3A_74 = tpu.memref_slice %arg9[%run_scoped3A_65, %dma_wait3A_73] : memref<160x128xi32, #tpu.memory_space<vmem>> -> memref<1x128xi32, #tpu.memory_space<vmem>>
        %dma_wait3A_75 = tpu.memref_squeeze %dma_wait3A_74 : memref<1x128xi32, #tpu.memory_space<vmem>> -> memref<128xi32, #tpu.memory_space<vmem>>
        %dma_wait3A_76 = arith.constant 0 : i32
        %dma_wait3A_77 = arith.constant 0 : i32
        %dma_wait3A_78 = tpu.memref_slice %arg15[%dma_wait3A_76, %dma_wait3A_77] : memref<10240x64xf32, #tpu.memory_space<vmem_shared>> -> memref<10240x64xf32, #tpu.memory_space<vmem_shared>>
        tpu.wait_indirect_dma semaphore(%run_scoped3A_66 : memref<!tpu.dma_semaphore, #tpu.memory_space<semaphore_mem>>) src(%arg11 : memref<128x64xf32, #tpu.memory_space<vmem>>) dst(%dma_wait3A_78 : memref<10240x64xf32, #tpu.memory_space<vmem_shared>>)
        tpu.yield
      }) : () -> ()
    } else {
    }
    %eq3A_12 = arith.constant 1 : i32
    %eq3A_13 = arith.cmpi eq, %arg0, %eq3A_12 : i32
    %convert_element_type3A_14 = arith.extui %eq3A_13 : i1 to i32
    %cond3A_15 = arith.constant 0 : i32
    %cond3A_16 = arith.cmpi ne, %convert_element_type3A_14, %cond3A_15 : i32
    scf.if %cond3A_16 {
      %dma_start3A = arith.constant 0 : i32
      %dma_start3A_36 = arith.constant 0 : i32
      %dma_start3A_37 = tpu.memref_slice %arg8[%dma_start3A, %dma_start3A_36] : memref<160x128xi32, #tpu.memory_space<vmem>> -> memref<1x128xi32, #tpu.memory_space<vmem>>
      %dma_start3A_38 = tpu.memref_squeeze %dma_start3A_37 : memref<1x128xi32, #tpu.memory_space<vmem>> -> memref<128xi32, #tpu.memory_space<vmem>>
      %dma_start3A_39 = arith.constant 0 : i32
      %dma_start3A_40 = arith.constant 0 : i32
      %dma_start3A_41 = tpu.memref_slice %arg5[%dma_start3A_39, %dma_start3A_40] : memref<10240x64xf32, #tpu.memory_space<hbm>> -> memref<10240x64xf32, #tpu.memory_space<hbm>>
      tpu.enqueue_indirect_dma source(%dma_start3A_41 : memref<10240x64xf32, #tpu.memory_space<hbm>>) target(%arg10 : memref<128x64xf32, #tpu.memory_space<vmem>>) offsets(%dma_start3A_38 : memref<128xi32, #tpu.memory_space<vmem>>) semaphore(%arg16 : memref<!tpu.dma_semaphore, #tpu.memory_space<semaphore_mem>>)
      %dma_start3A_42 = arith.constant 1 : i32
      %dma_start3A_43 = arith.constant 0 : i32
      %dma_start3A_44 = tpu.memref_slice %arg8[%dma_start3A_42, %dma_start3A_43] : memref<160x128xi32, #tpu.memory_space<vmem>> -> memref<1x128xi32, #tpu.memory_space<vmem>>
      %dma_start3A_45 = tpu.memref_squeeze %dma_start3A_44 : memref<1x128xi32, #tpu.memory_space<vmem>> -> memref<128xi32, #tpu.memory_space<vmem>>
      %dma_start3A_46 = arith.constant 0 : i32
      %dma_start3A_47 = arith.constant 0 : i32
      %dma_start3A_48 = tpu.memref_slice %arg5[%dma_start3A_46, %dma_start3A_47] : memref<10240x64xf32, #tpu.memory_space<hbm>> -> memref<10240x64xf32, #tpu.memory_space<hbm>>
      tpu.enqueue_indirect_dma source(%dma_start3A_48 : memref<10240x64xf32, #tpu.memory_space<hbm>>) target(%arg11 : memref<128x64xf32, #tpu.memory_space<vmem>>) offsets(%dma_start3A_45 : memref<128xi32, #tpu.memory_space<vmem>>) semaphore(%arg17 : memref<!tpu.dma_semaphore, #tpu.memory_space<semaphore_mem>>)
      %scan3A = arith.constant 0 : i32
      %scan3A_49 = arith.constant 0 : i32
      %scan3A_50 = arith.constant 79 : i32
      %scan3A_51 = arith.addi %scan3A_49, %scan3A_50 : i32
      %scan3A_52 = arith.constant 1 : i32
      scf.for %scan3A_66 = %scan3A_49 to %scan3A_51 step %scan3A_52  : i32 {
        %dma_wait3A_67 = arith.constant 0 : i32
        %dma_wait3A_68 = arith.constant 0 : i32
        %dma_wait3A_69 = tpu.memref_slice %arg5[%dma_wait3A_67, %dma_wait3A_68] : memref<10240x64xf32, #tpu.memory_space<hbm>> -> memref<128x64xf32, #tpu.memory_space<hbm>>
        %dma_wait3A_70 = arith.constant 0 : i32
        %dma_wait3A_71 = arith.constant 0 : i32
        %dma_wait3A_72 = tpu.memref_slice %arg5[%dma_wait3A_70, %dma_wait3A_71] : memref<10240x64xf32, #tpu.memory_space<hbm>> -> memref<128x64xf32, #tpu.memory_space<hbm>>
        tpu.wait_dma2 semaphore(%arg16 : memref<!tpu.dma_semaphore, #tpu.memory_space<semaphore_mem>>) src(%dma_wait3A_72 : memref<128x64xf32, #tpu.memory_space<hbm>>) dst(%arg10 : memref<128x64xf32, #tpu.memory_space<vmem>>)
        %mul3A_73 = arith.constant 2 : i32
        %mul3A_74 = arith.muli %mul3A_73, %scan3A_66 : i32
        %dma_start3A_75 = arith.constant 0 : i32
        %dma_start3A_76 = tpu.memref_slice %arg9[%mul3A_74, %dma_start3A_75] : memref<160x128xi32, #tpu.memory_space<vmem>> -> memref<1x128xi32, #tpu.memory_space<vmem>>
        %dma_start3A_77 = tpu.memref_squeeze %dma_start3A_76 : memref<1x128xi32, #tpu.memory_space<vmem>> -> memref<128xi32, #tpu.memory_space<vmem>>
        %dma_start3A_78 = arith.constant 0 : i32
        %dma_start3A_79 = arith.constant 0 : i32
        %dma_start3A_80 = tpu.memref_slice %arg15[%dma_start3A_78, %dma_start3A_79] : memref<10240x64xf32, #tpu.memory_space<vmem_shared>> -> memref<10240x64xf32, #tpu.memory_space<vmem_shared>>
        tpu.enqueue_indirect_dma source(%arg10 : memref<128x64xf32, #tpu.memory_space<vmem>>) target(%dma_start3A_80 : memref<10240x64xf32, #tpu.memory_space<vmem_shared>>) offsets(%dma_start3A_77 : memref<128xi32, #tpu.memory_space<vmem>>) semaphore(%arg18 : memref<!tpu.dma_semaphore, #tpu.memory_space<semaphore_mem>>) {add = true}
        %dma_wait3A_81 = arith.constant 0 : i32
        %dma_wait3A_82 = arith.constant 0 : i32
        %dma_wait3A_83 = tpu.memref_slice %arg5[%dma_wait3A_81, %dma_wait3A_82] : memref<10240x64xf32, #tpu.memory_space<hbm>> -> memref<128x64xf32, #tpu.memory_space<hbm>>
        %dma_wait3A_84 = arith.constant 0 : i32
        %dma_wait3A_85 = arith.constant 0 : i32
        %dma_wait3A_86 = tpu.memref_slice %arg5[%dma_wait3A_84, %dma_wait3A_85] : memref<10240x64xf32, #tpu.memory_space<hbm>> -> memref<128x64xf32, #tpu.memory_space<hbm>>
        tpu.wait_dma2 semaphore(%arg17 : memref<!tpu.dma_semaphore, #tpu.memory_space<semaphore_mem>>) src(%dma_wait3A_86 : memref<128x64xf32, #tpu.memory_space<hbm>>) dst(%arg11 : memref<128x64xf32, #tpu.memory_space<vmem>>)
        %mul3A_87 = arith.constant 2 : i32
        %mul3A_88 = arith.muli %mul3A_87, %scan3A_66 : i32
        %add3A_89 = arith.constant 1 : i32
        %add3A_90 = arith.addi %mul3A_88, %add3A_89 : i32
        %dma_start3A_91 = arith.constant 0 : i32
        %dma_start3A_92 = tpu.memref_slice %arg9[%add3A_90, %dma_start3A_91] : memref<160x128xi32, #tpu.memory_space<vmem>> -> memref<1x128xi32, #tpu.memory_space<vmem>>
        %dma_start3A_93 = tpu.memref_squeeze %dma_start3A_92 : memref<1x128xi32, #tpu.memory_space<vmem>> -> memref<128xi32, #tpu.memory_space<vmem>>
        %dma_start3A_94 = arith.constant 0 : i32
        %dma_start3A_95 = arith.constant 0 : i32
        %dma_start3A_96 = tpu.memref_slice %arg15[%dma_start3A_94, %dma_start3A_95] : memref<10240x64xf32, #tpu.memory_space<vmem_shared>> -> memref<10240x64xf32, #tpu.memory_space<vmem_shared>>
        tpu.enqueue_indirect_dma source(%arg11 : memref<128x64xf32, #tpu.memory_space<vmem>>) target(%dma_start3A_96 : memref<10240x64xf32, #tpu.memory_space<vmem_shared>>) offsets(%dma_start3A_93 : memref<128xi32, #tpu.memory_space<vmem>>) semaphore(%arg19 : memref<!tpu.dma_semaphore, #tpu.memory_space<semaphore_mem>>) {add = true}
        %dma_wait3A_97 = arith.constant 0 : i32
        %dma_wait3A_98 = arith.constant 0 : i32
        %dma_wait3A_99 = tpu.memref_slice %arg5[%dma_wait3A_97, %dma_wait3A_98] : memref<10240x64xf32, #tpu.memory_space<hbm>> -> memref<128x64xf32, #tpu.memory_space<hbm>>
        %dma_wait3A_100 = arith.constant 0 : i32
        %dma_wait3A_101 = arith.constant 0 : i32
        %dma_wait3A_102 = tpu.memref_slice %arg5[%dma_wait3A_100, %dma_wait3A_101] : memref<10240x64xf32, #tpu.memory_space<hbm>> -> memref<128x64xf32, #tpu.memory_space<hbm>>
        tpu.wait_dma2 semaphore(%arg18 : memref<!tpu.dma_semaphore, #tpu.memory_space<semaphore_mem>>) src(%dma_wait3A_102 : memref<128x64xf32, #tpu.memory_space<hbm>>) dst(%arg10 : memref<128x64xf32, #tpu.memory_space<vmem>>)
        %mul3A_103 = arith.constant 2 : i32
        %mul3A_104 = arith.muli %mul3A_103, %scan3A_66 : i32
        %add3A_105 = arith.constant 2 : i32
        %add3A_106 = arith.addi %mul3A_104, %add3A_105 : i32
        %dma_start3A_107 = arith.constant 0 : i32
        %dma_start3A_108 = tpu.memref_slice %arg8[%add3A_106, %dma_start3A_107] : memref<160x128xi32, #tpu.memory_space<vmem>> -> memref<1x128xi32, #tpu.memory_space<vmem>>
        %dma_start3A_109 = tpu.memref_squeeze %dma_start3A_108 : memref<1x128xi32, #tpu.memory_space<vmem>> -> memref<128xi32, #tpu.memory_space<vmem>>
        %dma_start3A_110 = arith.constant 0 : i32
        %dma_start3A_111 = arith.constant 0 : i32
        %dma_start3A_112 = tpu.memref_slice %arg5[%dma_start3A_110, %dma_start3A_111] : memref<10240x64xf32, #tpu.memory_space<hbm>> -> memref<10240x64xf32, #tpu.memory_space<hbm>>
        tpu.enqueue_indirect_dma source(%dma_start3A_112 : memref<10240x64xf32, #tpu.memory_space<hbm>>) target(%arg10 : memref<128x64xf32, #tpu.memory_space<vmem>>) offsets(%dma_start3A_109 : memref<128xi32, #tpu.memory_space<vmem>>) semaphore(%arg16 : memref<!tpu.dma_semaphore, #tpu.memory_space<semaphore_mem>>)
        %dma_wait3A_113 = arith.constant 0 : i32
        %dma_wait3A_114 = arith.constant 0 : i32
        %dma_wait3A_115 = tpu.memref_slice %arg5[%dma_wait3A_113, %dma_wait3A_114] : memref<10240x64xf32, #tpu.memory_space<hbm>> -> memref<128x64xf32, #tpu.memory_space<hbm>>
        %dma_wait3A_116 = arith.constant 0 : i32
        %dma_wait3A_117 = arith.constant 0 : i32
        %dma_wait3A_118 = tpu.memref_slice %arg5[%dma_wait3A_116, %dma_wait3A_117] : memref<10240x64xf32, #tpu.memory_space<hbm>> -> memref<128x64xf32, #tpu.memory_space<hbm>>
        tpu.wait_dma2 semaphore(%arg19 : memref<!tpu.dma_semaphore, #tpu.memory_space<semaphore_mem>>) src(%dma_wait3A_118 : memref<128x64xf32, #tpu.memory_space<hbm>>) dst(%arg11 : memref<128x64xf32, #tpu.memory_space<vmem>>)
        %mul3A_119 = arith.constant 2 : i32
        %mul3A_120 = arith.muli %mul3A_119, %scan3A_66 : i32
        %add3A_121 = arith.constant 3 : i32
        %add3A_122 = arith.addi %mul3A_120, %add3A_121 : i32
        %dma_start3A_123 = arith.constant 0 : i32
        %dma_start3A_124 = tpu.memref_slice %arg8[%add3A_122, %dma_start3A_123] : memref<160x128xi32, #tpu.memory_space<vmem>> -> memref<1x128xi32, #tpu.memory_space<vmem>>
        %dma_start3A_125 = tpu.memref_squeeze %dma_start3A_124 : memref<1x128xi32, #tpu.memory_space<vmem>> -> memref<128xi32, #tpu.memory_space<vmem>>
        %dma_start3A_126 = arith.constant 0 : i32
        %dma_start3A_127 = arith.constant 0 : i32
        %dma_start3A_128 = tpu.memref_slice %arg5[%dma_start3A_126, %dma_start3A_127] : memref<10240x64xf32, #tpu.memory_space<hbm>> -> memref<10240x64xf32, #tpu.memory_space<hbm>>
        tpu.enqueue_indirect_dma source(%dma_start3A_128 : memref<10240x64xf32, #tpu.memory_space<hbm>>) target(%arg11 : memref<128x64xf32, #tpu.memory_space<vmem>>) offsets(%dma_start3A_125 : memref<128xi32, #tpu.memory_space<vmem>>) semaphore(%arg17 : memref<!tpu.dma_semaphore, #tpu.memory_space<semaphore_mem>>)
      }
      %scan3A_53 = arith.constant 79 : i32
      %dma_wait3A = arith.constant 0 : i32
      %dma_wait3A_54 = arith.constant 0 : i32
      %dma_wait3A_55 = tpu.memref_slice %arg5[%dma_wait3A, %dma_wait3A_54] : memref<10240x64xf32, #tpu.memory_space<hbm>> -> memref<128x64xf32, #tpu.memory_space<hbm>>
      %dma_wait3A_56 = arith.constant 0 : i32
      %dma_wait3A_57 = arith.constant 0 : i32
      %dma_wait3A_58 = tpu.memref_slice %arg5[%dma_wait3A_56, %dma_wait3A_57] : memref<10240x64xf32, #tpu.memory_space<hbm>> -> memref<128x64xf32, #tpu.memory_space<hbm>>
      tpu.wait_dma2 semaphore(%arg16 : memref<!tpu.dma_semaphore, #tpu.memory_space<semaphore_mem>>) src(%dma_wait3A_58 : memref<128x64xf32, #tpu.memory_space<hbm>>) dst(%arg10 : memref<128x64xf32, #tpu.memory_space<vmem>>)
      %run_scoped3A = arith.constant 158 : i32
      "tpu.region"() ({
        %run_scoped3A_66 = tpu.sem_alloc : memref<!tpu.dma_semaphore, #tpu.memory_space<semaphore_mem>>
        %dma_start3A_67 = arith.constant 0 : i32
        %dma_start3A_68 = tpu.memref_slice %arg9[%run_scoped3A, %dma_start3A_67] : memref<160x128xi32, #tpu.memory_space<vmem>> -> memref<1x128xi32, #tpu.memory_space<vmem>>
        %dma_start3A_69 = tpu.memref_squeeze %dma_start3A_68 : memref<1x128xi32, #tpu.memory_space<vmem>> -> memref<128xi32, #tpu.memory_space<vmem>>
        %dma_start3A_70 = arith.constant 0 : i32
        %dma_start3A_71 = arith.constant 0 : i32
        %dma_start3A_72 = tpu.memref_slice %arg15[%dma_start3A_70, %dma_start3A_71] : memref<10240x64xf32, #tpu.memory_space<vmem_shared>> -> memref<10240x64xf32, #tpu.memory_space<vmem_shared>>
        tpu.enqueue_indirect_dma source(%arg10 : memref<128x64xf32, #tpu.memory_space<vmem>>) target(%dma_start3A_72 : memref<10240x64xf32, #tpu.memory_space<vmem_shared>>) offsets(%dma_start3A_69 : memref<128xi32, #tpu.memory_space<vmem>>) semaphore(%run_scoped3A_66 : memref<!tpu.dma_semaphore, #tpu.memory_space<semaphore_mem>>) {add = true}
        %dma_wait3A_73 = arith.constant 0 : i32
        %dma_wait3A_74 = tpu.memref_slice %arg9[%run_scoped3A, %dma_wait3A_73] : memref<160x128xi32, #tpu.memory_space<vmem>> -> memref<1x128xi32, #tpu.memory_space<vmem>>
        %dma_wait3A_75 = tpu.memref_squeeze %dma_wait3A_74 : memref<1x128xi32, #tpu.memory_space<vmem>> -> memref<128xi32, #tpu.memory_space<vmem>>
        %dma_wait3A_76 = arith.constant 0 : i32
        %dma_wait3A_77 = arith.constant 0 : i32
        %dma_wait3A_78 = tpu.memref_slice %arg15[%dma_wait3A_76, %dma_wait3A_77] : memref<10240x64xf32, #tpu.memory_space<vmem_shared>> -> memref<10240x64xf32, #tpu.memory_space<vmem_shared>>
        tpu.wait_indirect_dma semaphore(%run_scoped3A_66 : memref<!tpu.dma_semaphore, #tpu.memory_space<semaphore_mem>>) src(%arg10 : memref<128x64xf32, #tpu.memory_space<vmem>>) dst(%dma_wait3A_78 : memref<10240x64xf32, #tpu.memory_space<vmem_shared>>)
        tpu.yield
      }) : () -> ()
      %dma_wait3A_59 = arith.constant 0 : i32
      %dma_wait3A_60 = arith.constant 0 : i32
      %dma_wait3A_61 = tpu.memref_slice %arg5[%dma_wait3A_59, %dma_wait3A_60] : memref<10240x64xf32, #tpu.memory_space<hbm>> -> memref<128x64xf32, #tpu.memory_space<hbm>>
      %dma_wait3A_62 = arith.constant 0 : i32
      %dma_wait3A_63 = arith.constant 0 : i32
      %dma_wait3A_64 = tpu.memref_slice %arg5[%dma_wait3A_62, %dma_wait3A_63] : memref<10240x64xf32, #tpu.memory_space<hbm>> -> memref<128x64xf32, #tpu.memory_space<hbm>>
      tpu.wait_dma2 semaphore(%arg17 : memref<!tpu.dma_semaphore, #tpu.memory_space<semaphore_mem>>) src(%dma_wait3A_64 : memref<128x64xf32, #tpu.memory_space<hbm>>) dst(%arg11 : memref<128x64xf32, #tpu.memory_space<vmem>>)
      %run_scoped3A_65 = arith.constant 159 : i32
      "tpu.region"() ({
        %run_scoped3A_66 = tpu.sem_alloc : memref<!tpu.dma_semaphore, #tpu.memory_space<semaphore_mem>>
        %dma_start3A_67 = arith.constant 0 : i32
        %dma_start3A_68 = tpu.memref_slice %arg9[%run_scoped3A_65, %dma_start3A_67] : memref<160x128xi32, #tpu.memory_space<vmem>> -> memref<1x128xi32, #tpu.memory_space<vmem>>
        %dma_start3A_69 = tpu.memref_squeeze %dma_start3A_68 : memref<1x128xi32, #tpu.memory_space<vmem>> -> memref<128xi32, #tpu.memory_space<vmem>>
        %dma_start3A_70 = arith.constant 0 : i32
        %dma_start3A_71 = arith.constant 0 : i32
        %dma_start3A_72 = tpu.memref_slice %arg15[%dma_start3A_70, %dma_start3A_71] : memref<10240x64xf32, #tpu.memory_space<vmem_shared>> -> memref<10240x64xf32, #tpu.memory_space<vmem_shared>>
        tpu.enqueue_indirect_dma source(%arg11 : memref<128x64xf32, #tpu.memory_space<vmem>>) target(%dma_start3A_72 : memref<10240x64xf32, #tpu.memory_space<vmem_shared>>) offsets(%dma_start3A_69 : memref<128xi32, #tpu.memory_space<vmem>>) semaphore(%run_scoped3A_66 : memref<!tpu.dma_semaphore, #tpu.memory_space<semaphore_mem>>) {add = true}
        %dma_wait3A_73 = arith.constant 0 : i32
        %dma_wait3A_74 = tpu.memref_slice %arg9[%run_scoped3A_65, %dma_wait3A_73] : memref<160x128xi32, #tpu.memory_space<vmem>> -> memref<1x128xi32, #tpu.memory_space<vmem>>
        %dma_wait3A_75 = tpu.memref_squeeze %dma_wait3A_74 : memref<1x128xi32, #tpu.memory_space<vmem>> -> memref<128xi32, #tpu.memory_space<vmem>>
        %dma_wait3A_76 = arith.constant 0 : i32
        %dma_wait3A_77 = arith.constant 0 : i32
        %dma_wait3A_78 = tpu.memref_slice %arg15[%dma_wait3A_76, %dma_wait3A_77] : memref<10240x64xf32, #tpu.memory_space<vmem_shared>> -> memref<10240x64xf32, #tpu.memory_space<vmem_shared>>
        tpu.wait_indirect_dma semaphore(%run_scoped3A_66 : memref<!tpu.dma_semaphore, #tpu.memory_space<semaphore_mem>>) src(%arg11 : memref<128x64xf32, #tpu.memory_space<vmem>>) dst(%dma_wait3A_78 : memref<10240x64xf32, #tpu.memory_space<vmem_shared>>)
        tpu.yield
      }) : () -> ()
    } else {
    }
    %barrier3A_17 = arith.constant 0 : index
    tpu.barrier barrier_id(%barrier3A_17)
    %mul3A_18 = arith.constant 640 : i32
    %mul3A_19 = arith.muli %arg1, %mul3A_18 : i32
    %add3A_20 = arith.constant 0 : i32
    %add3A_21 = arith.addi %mul3A_19, %add3A_20 : i32
    "tpu.region"() ({
      %run_scoped3A = tpu.sem_alloc : memref<!tpu.dma_semaphore, #tpu.memory_space<semaphore_mem>>
      %dma_start3A = arith.constant 0 : i32
      %dma_start3A_36 = tpu.memref_slice %arg15[%add3A_21, %dma_start3A] : memref<10240x64xf32, #tpu.memory_space<vmem_shared>> -> memref<320x64xf32, #tpu.memory_space<vmem_shared>>
      %dma_start3A_37 = arith.constant 0 : i32
      %dma_start3A_38 = tpu.memref_slice %arg15[%add3A_21, %dma_start3A_37] : memref<10240x64xf32, #tpu.memory_space<vmem_shared>> -> memref<320x64xf32, #tpu.memory_space<vmem_shared>>
      tpu.enqueue_dma source(%dma_start3A_38 : memref<320x64xf32, #tpu.memory_space<vmem_shared>>) target(%arg14 : memref<320x64xf32, #tpu.memory_space<vmem>>) target_semaphore(%run_scoped3A : memref<!tpu.dma_semaphore, #tpu.memory_space<semaphore_mem>>)
      %dma_wait3A = arith.constant 0 : i32
      %dma_wait3A_39 = tpu.memref_slice %arg15[%add3A_21, %dma_wait3A] : memref<10240x64xf32, #tpu.memory_space<vmem_shared>> -> memref<320x64xf32, #tpu.memory_space<vmem_shared>>
      %dma_wait3A_40 = arith.constant 0 : i32
      %dma_wait3A_41 = tpu.memref_slice %arg15[%add3A_21, %dma_wait3A_40] : memref<10240x64xf32, #tpu.memory_space<vmem_shared>> -> memref<320x64xf32, #tpu.memory_space<vmem_shared>>
      tpu.wait_dma2 semaphore(%run_scoped3A : memref<!tpu.dma_semaphore, #tpu.memory_space<semaphore_mem>>) src(%dma_wait3A_41 : memref<320x64xf32, #tpu.memory_space<vmem_shared>>) dst(%arg14 : memref<320x64xf32, #tpu.memory_space<vmem>>)
      tpu.yield
    }) : () -> ()
    %mul3A_22 = arith.constant 640 : i32
    %mul3A_23 = arith.muli %arg1, %mul3A_22 : i32
    %add3A_24 = arith.addi %mul3A_0, %mul3A_23 : i32
    %add3A_25 = arith.constant 0 : i32
    %add3A_26 = arith.addi %add3A_24, %add3A_25 : i32
    "tpu.region"() ({
      %run_scoped3A = tpu.sem_alloc : memref<!tpu.dma_semaphore, #tpu.memory_space<semaphore_mem>>
      %dma_start3A = arith.constant 0 : i32
      %dma_start3A_36 = tpu.memref_slice %arg7[%add3A_26, %dma_start3A] : memref<20480x64xf32, #tpu.memory_space<hbm>> -> memref<320x64xf32, #tpu.memory_space<hbm>>
      %dma_start3A_37 = arith.constant 0 : i32
      %dma_start3A_38 = tpu.memref_slice %arg7[%add3A_26, %dma_start3A_37] : memref<20480x64xf32, #tpu.memory_space<hbm>> -> memref<320x64xf32, #tpu.memory_space<hbm>>
      tpu.enqueue_dma source(%arg14 : memref<320x64xf32, #tpu.memory_space<vmem>>) target(%dma_start3A_38 : memref<320x64xf32, #tpu.memory_space<hbm>>) target_semaphore(%run_scoped3A : memref<!tpu.dma_semaphore, #tpu.memory_space<semaphore_mem>>)
      %dma_wait3A = arith.constant 0 : i32
      %dma_wait3A_39 = tpu.memref_slice %arg7[%add3A_26, %dma_wait3A] : memref<20480x64xf32, #tpu.memory_space<hbm>> -> memref<320x64xf32, #tpu.memory_space<hbm>>
      %dma_wait3A_40 = arith.constant 0 : i32
      %dma_wait3A_41 = tpu.memref_slice %arg7[%add3A_26, %dma_wait3A_40] : memref<20480x64xf32, #tpu.memory_space<hbm>> -> memref<320x64xf32, #tpu.memory_space<hbm>>
      tpu.wait_dma2 semaphore(%run_scoped3A : memref<!tpu.dma_semaphore, #tpu.memory_space<semaphore_mem>>) src(%arg14 : memref<320x64xf32, #tpu.memory_space<vmem>>) dst(%dma_wait3A_41 : memref<320x64xf32, #tpu.memory_space<hbm>>)
      tpu.yield
    }) : () -> ()
    %mul3A_27 = arith.constant 640 : i32
    %mul3A_28 = arith.muli %arg1, %mul3A_27 : i32
    %add3A_29 = arith.constant 320 : i32
    %add3A_30 = arith.addi %mul3A_28, %add3A_29 : i32
    "tpu.region"() ({
      %run_scoped3A = tpu.sem_alloc : memref<!tpu.dma_semaphore, #tpu.memory_space<semaphore_mem>>
      %dma_start3A = arith.constant 0 : i32
      %dma_start3A_36 = tpu.memref_slice %arg15[%add3A_30, %dma_start3A] : memref<10240x64xf32, #tpu.memory_space<vmem_shared>> -> memref<320x64xf32, #tpu.memory_space<vmem_shared>>
      %dma_start3A_37 = arith.constant 0 : i32
      %dma_start3A_38 = tpu.memref_slice %arg15[%add3A_30, %dma_start3A_37] : memref<10240x64xf32, #tpu.memory_space<vmem_shared>> -> memref<320x64xf32, #tpu.memory_space<vmem_shared>>
      tpu.enqueue_dma source(%dma_start3A_38 : memref<320x64xf32, #tpu.memory_space<vmem_shared>>) target(%arg14 : memref<320x64xf32, #tpu.memory_space<vmem>>) target_semaphore(%run_scoped3A : memref<!tpu.dma_semaphore, #tpu.memory_space<semaphore_mem>>)
      %dma_wait3A = arith.constant 0 : i32
      %dma_wait3A_39 = tpu.memref_slice %arg15[%add3A_30, %dma_wait3A] : memref<10240x64xf32, #tpu.memory_space<vmem_shared>> -> memref<320x64xf32, #tpu.memory_space<vmem_shared>>
      %dma_wait3A_40 = arith.constant 0 : i32
      %dma_wait3A_41 = tpu.memref_slice %arg15[%add3A_30, %dma_wait3A_40] : memref<10240x64xf32, #tpu.memory_space<vmem_shared>> -> memref<320x64xf32, #tpu.memory_space<vmem_shared>>
      tpu.wait_dma2 semaphore(%run_scoped3A : memref<!tpu.dma_semaphore, #tpu.memory_space<semaphore_mem>>) src(%dma_wait3A_41 : memref<320x64xf32, #tpu.memory_space<vmem_shared>>) dst(%arg14 : memref<320x64xf32, #tpu.memory_space<vmem>>)
      tpu.yield
    }) : () -> ()
    %mul3A_31 = arith.constant 640 : i32
    %mul3A_32 = arith.muli %arg1, %mul3A_31 : i32
    %add3A_33 = arith.addi %mul3A_0, %mul3A_32 : i32
    %add3A_34 = arith.constant 320 : i32
    %add3A_35 = arith.addi %add3A_33, %add3A_34 : i32
    "tpu.region"() ({
      %run_scoped3A = tpu.sem_alloc : memref<!tpu.dma_semaphore, #tpu.memory_space<semaphore_mem>>
      %dma_start3A = arith.constant 0 : i32
      %dma_start3A_36 = tpu.memref_slice %arg7[%add3A_35, %dma_start3A] : memref<20480x64xf32, #tpu.memory_space<hbm>> -> memref<320x64xf32, #tpu.memory_space<hbm>>
      %dma_start3A_37 = arith.constant 0 : i32
      %dma_start3A_38 = tpu.memref_slice %arg7[%add3A_35, %dma_start3A_37] : memref<20480x64xf32, #tpu.memory_space<hbm>> -> memref<320x64xf32, #tpu.memory_space<hbm>>
      tpu.enqueue_dma source(%arg14 : memref<320x64xf32, #tpu.memory_space<vmem>>) target(%dma_start3A_38 : memref<320x64xf32, #tpu.memory_space<hbm>>) target_semaphore(%run_scoped3A : memref<!tpu.dma_semaphore, #tpu.memory_space<semaphore_mem>>)
      %dma_wait3A = arith.constant 0 : i32
      %dma_wait3A_39 = tpu.memref_slice %arg7[%add3A_35, %dma_wait3A] : memref<20480x64xf32, #tpu.memory_space<hbm>> -> memref<320x64xf32, #tpu.memory_space<hbm>>
      %dma_wait3A_40 = arith.constant 0 : i32
      %dma_wait3A_41 = tpu.memref_slice %arg7[%add3A_35, %dma_wait3A_40] : memref<20480x64xf32, #tpu.memory_space<hbm>> -> memref<320x64xf32, #tpu.memory_space<hbm>>
      tpu.wait_dma2 semaphore(%run_scoped3A : memref<!tpu.dma_semaphore, #tpu.memory_space<semaphore_mem>>) src(%arg14 : memref<320x64xf32, #tpu.memory_space<vmem>>) dst(%dma_wait3A_41 : memref<320x64xf32, #tpu.memory_space<hbm>>)
      tpu.yield
    }) : () -> ()
    return
  }
}

#map = affine_map<(d0, d1) -> (0, 0)>
module attributes {stable_mosaic.version = 14 : i64} {
  func.func @_seg_body(%arg0: i32, %arg1: i32, %arg2: memref<2560x128xi32, #tpu.memory_space<hbm>>, %arg3: memref<2560x128xi32, #tpu.memory_space<hbm>>, %arg4: memref<10240x64xf32, #tpu.memory_space<hbm>>, %arg5: memref<10240x64xf32, #tpu.memory_space<hbm>>, %arg6: memref<320x64xf32, #tpu.memory_space<hbm>>, %arg7: memref<20480x64xf32, #tpu.memory_space<hbm>>, %arg8: memref<160x128xi32, #tpu.memory_space<vmem>>, %arg9: memref<160x128xi32, #tpu.memory_space<vmem>>, %arg10: memref<128x64xf32, #tpu.memory_space<vmem>>, %arg11: memref<128x64xf32, #tpu.memory_space<vmem>>, %arg12: memref<128x64xf32, #tpu.memory_space<vmem>>, %arg13: memref<128x64xf32, #tpu.memory_space<vmem>>, %arg14: memref<320x64xf32, #tpu.memory_space<vmem>>, %arg15: memref<10240x64xf32, #tpu.memory_space<vmem_shared>>, %arg16: memref<!tpu.dma_semaphore, #tpu.memory_space<semaphore_mem>>, %arg17: memref<!tpu.dma_semaphore, #tpu.memory_space<semaphore_mem>>, %arg18: memref<!tpu.dma_semaphore, #tpu.memory_space<semaphore_mem>>, %arg19: memref<!tpu.dma_semaphore, #tpu.memory_space<semaphore_mem>>) attributes {dimension_semantics = [#tpu.dimension_semantics<core_parallel>, #tpu.dimension_semantics<subcore_parallel>], iteration_bounds = array<i64: 2, 16>, scalar_prefetch = 0 : i64, scratch_operands = 12 : i64, tpu.core_type = #tpu.core_type<sc_vector_subcore>, window_params = [{transform_indices = #map}, {transform_indices = #map}, {transform_indices = #map}, {transform_indices = #map}, {transform_indices = #map}, {transform_indices = #map}]} {
    %mul3A = arith.constant 10240 : i32
    %mul3A_0 = arith.muli %arg0, %mul3A : i32
    "tpu.region"() ({
      %run_scoped3A = tpu.sem_alloc : memref<!tpu.dma_semaphore, #tpu.memory_space<semaphore_mem>>
      tpu.enqueue_dma source(%arg6 : memref<320x64xf32, #tpu.memory_space<hbm>>) target(%arg14 : memref<320x64xf32, #tpu.memory_space<vmem>>) target_semaphore(%run_scoped3A : memref<!tpu.dma_semaphore, #tpu.memory_space<semaphore_mem>>)
      tpu.wait_dma2 semaphore(%run_scoped3A : memref<!tpu.dma_semaphore, #tpu.memory_space<semaphore_mem>>) src(%arg6 : memref<320x64xf32, #tpu.memory_space<hbm>>) dst(%arg14 : memref<320x64xf32, #tpu.memory_space<vmem>>)
      tpu.yield
    }) : () -> ()
    %mul3A_1 = arith.constant 640 : i32
    %mul3A_2 = arith.muli %arg1, %mul3A_1 : i32
    "tpu.region"() ({
      %run_scoped3A = tpu.sem_alloc : memref<!tpu.dma_semaphore, #tpu.memory_space<semaphore_mem>>
      %dma_start3A = arith.constant 0 : i32
      %dma_start3A_36 = tpu.memref_slice %arg15[%mul3A_2, %dma_start3A] : memref<10240x64xf32, #tpu.memory_space<vmem_shared>> -> memref<320x64xf32, #tpu.memory_space<vmem_shared>>
      %dma_start3A_37 = arith.constant 0 : i32
      %dma_start3A_38 = tpu.memref_slice %arg15[%mul3A_2, %dma_start3A_37] : memref<10240x64xf32, #tpu.memory_space<vmem_shared>> -> memref<320x64xf32, #tpu.memory_space<vmem_shared>>
      tpu.enqueue_dma source(%arg14 : memref<320x64xf32, #tpu.memory_space<vmem>>) target(%dma_start3A_38 : memref<320x64xf32, #tpu.memory_space<vmem_shared>>) target_semaphore(%run_scoped3A : memref<!tpu.dma_semaphore, #tpu.memory_space<semaphore_mem>>)
      %dma_wait3A = arith.constant 0 : i32
      %dma_wait3A_39 = tpu.memref_slice %arg15[%mul3A_2, %dma_wait3A] : memref<10240x64xf32, #tpu.memory_space<vmem_shared>> -> memref<320x64xf32, #tpu.memory_space<vmem_shared>>
      %dma_wait3A_40 = arith.constant 0 : i32
      %dma_wait3A_41 = tpu.memref_slice %arg15[%mul3A_2, %dma_wait3A_40] : memref<10240x64xf32, #tpu.memory_space<vmem_shared>> -> memref<320x64xf32, #tpu.memory_space<vmem_shared>>
      tpu.wait_dma2 semaphore(%run_scoped3A : memref<!tpu.dma_semaphore, #tpu.memory_space<semaphore_mem>>) src(%arg14 : memref<320x64xf32, #tpu.memory_space<vmem>>) dst(%dma_wait3A_41 : memref<320x64xf32, #tpu.memory_space<vmem_shared>>)
      tpu.yield
    }) : () -> ()
    %mul3A_3 = arith.constant 640 : i32
    %mul3A_4 = arith.muli %arg1, %mul3A_3 : i32
    %add3A = arith.constant 320 : i32
    %add3A_5 = arith.addi %mul3A_4, %add3A : i32
    "tpu.region"() ({
      %run_scoped3A = tpu.sem_alloc : memref<!tpu.dma_semaphore, #tpu.memory_space<semaphore_mem>>
      %dma_start3A = arith.constant 0 : i32
      %dma_start3A_36 = tpu.memref_slice %arg15[%add3A_5, %dma_start3A] : memref<10240x64xf32, #tpu.memory_space<vmem_shared>> -> memref<320x64xf32, #tpu.memory_space<vmem_shared>>
      %dma_start3A_37 = arith.constant 0 : i32
      %dma_start3A_38 = tpu.memref_slice %arg15[%add3A_5, %dma_start3A_37] : memref<10240x64xf32, #tpu.memory_space<vmem_shared>> -> memref<320x64xf32, #tpu.memory_space<vmem_shared>>
      tpu.enqueue_dma source(%arg14 : memref<320x64xf32, #tpu.memory_space<vmem>>) target(%dma_start3A_38 : memref<320x64xf32, #tpu.memory_space<vmem_shared>>) target_semaphore(%run_scoped3A : memref<!tpu.dma_semaphore, #tpu.memory_space<semaphore_mem>>)
      %dma_wait3A = arith.constant 0 : i32
      %dma_wait3A_39 = tpu.memref_slice %arg15[%add3A_5, %dma_wait3A] : memref<10240x64xf32, #tpu.memory_space<vmem_shared>> -> memref<320x64xf32, #tpu.memory_space<vmem_shared>>
      %dma_wait3A_40 = arith.constant 0 : i32
      %dma_wait3A_41 = tpu.memref_slice %arg15[%add3A_5, %dma_wait3A_40] : memref<10240x64xf32, #tpu.memory_space<vmem_shared>> -> memref<320x64xf32, #tpu.memory_space<vmem_shared>>
      tpu.wait_dma2 semaphore(%run_scoped3A : memref<!tpu.dma_semaphore, #tpu.memory_space<semaphore_mem>>) src(%arg14 : memref<320x64xf32, #tpu.memory_space<vmem>>) dst(%dma_wait3A_41 : memref<320x64xf32, #tpu.memory_space<vmem_shared>>)
      tpu.yield
    }) : () -> ()
    %barrier3A = arith.constant 0 : index
    tpu.barrier barrier_id(%barrier3A)
    %mul3A_6 = arith.constant 160 : i32
    %mul3A_7 = arith.muli %arg1, %mul3A_6 : i32
    "tpu.region"() ({
      %run_scoped3A = tpu.sem_alloc : memref<!tpu.dma_semaphore, #tpu.memory_space<semaphore_mem>>
      %dma_start3A = arith.constant 0 : i32
      %dma_start3A_36 = tpu.memref_slice %arg2[%mul3A_7, %dma_start3A] : memref<2560x128xi32, #tpu.memory_space<hbm>> -> memref<160x128xi32, #tpu.memory_space<hbm>>
      %dma_start3A_37 = arith.constant 0 : i32
      %dma_start3A_38 = tpu.memref_slice %arg2[%mul3A_7, %dma_start3A_37] : memref<2560x128xi32, #tpu.memory_space<hbm>> -> memref<160x128xi32, #tpu.memory_space<hbm>>
      tpu.enqueue_dma source(%dma_start3A_38 : memref<160x128xi32, #tpu.memory_space<hbm>>) target(%arg8 : memref<160x128xi32, #tpu.memory_space<vmem>>) target_semaphore(%run_scoped3A : memref<!tpu.dma_semaphore, #tpu.memory_space<semaphore_mem>>)
      %dma_wait3A = arith.constant 0 : i32
      %dma_wait3A_39 = tpu.memref_slice %arg2[%mul3A_7, %dma_wait3A] : memref<2560x128xi32, #tpu.memory_space<hbm>> -> memref<160x128xi32, #tpu.memory_space<hbm>>
      %dma_wait3A_40 = arith.constant 0 : i32
      %dma_wait3A_41 = tpu.memref_slice %arg2[%mul3A_7, %dma_wait3A_40] : memref<2560x128xi32, #tpu.memory_space<hbm>> -> memref<160x128xi32, #tpu.memory_space<hbm>>
      tpu.wait_dma2 semaphore(%run_scoped3A : memref<!tpu.dma_semaphore, #tpu.memory_space<semaphore_mem>>) src(%dma_wait3A_41 : memref<160x128xi32, #tpu.memory_space<hbm>>) dst(%arg8 : memref<160x128xi32, #tpu.memory_space<vmem>>)
      tpu.yield
    }) : () -> ()
    %mul3A_8 = arith.constant 160 : i32
    %mul3A_9 = arith.muli %arg1, %mul3A_8 : i32
    "tpu.region"() ({
      %run_scoped3A = tpu.sem_alloc : memref<!tpu.dma_semaphore, #tpu.memory_space<semaphore_mem>>
      %dma_start3A = arith.constant 0 : i32
      %dma_start3A_36 = tpu.memref_slice %arg3[%mul3A_9, %dma_start3A] : memref<2560x128xi32, #tpu.memory_space<hbm>> -> memref<160x128xi32, #tpu.memory_space<hbm>>
      %dma_start3A_37 = arith.constant 0 : i32
      %dma_start3A_38 = tpu.memref_slice %arg3[%mul3A_9, %dma_start3A_37] : memref<2560x128xi32, #tpu.memory_space<hbm>> -> memref<160x128xi32, #tpu.memory_space<hbm>>
      tpu.enqueue_dma source(%dma_start3A_38 : memref<160x128xi32, #tpu.memory_space<hbm>>) target(%arg9 : memref<160x128xi32, #tpu.memory_space<vmem>>) target_semaphore(%run_scoped3A : memref<!tpu.dma_semaphore, #tpu.memory_space<semaphore_mem>>)
      %dma_wait3A = arith.constant 0 : i32
      %dma_wait3A_39 = tpu.memref_slice %arg3[%mul3A_9, %dma_wait3A] : memref<2560x128xi32, #tpu.memory_space<hbm>> -> memref<160x128xi32, #tpu.memory_space<hbm>>
      %dma_wait3A_40 = arith.constant 0 : i32
      %dma_wait3A_41 = tpu.memref_slice %arg3[%mul3A_9, %dma_wait3A_40] : memref<2560x128xi32, #tpu.memory_space<hbm>> -> memref<160x128xi32, #tpu.memory_space<hbm>>
      tpu.wait_dma2 semaphore(%run_scoped3A : memref<!tpu.dma_semaphore, #tpu.memory_space<semaphore_mem>>) src(%dma_wait3A_41 : memref<160x128xi32, #tpu.memory_space<hbm>>) dst(%arg9 : memref<160x128xi32, #tpu.memory_space<vmem>>)
      tpu.yield
    }) : () -> ()
    %eq3A = arith.constant 0 : i32
    %eq3A_10 = arith.cmpi eq, %arg0, %eq3A : i32
    %convert_element_type3A = arith.extui %eq3A_10 : i1 to i32
    %cond3A = arith.constant 0 : i32
    %cond3A_11 = arith.cmpi ne, %convert_element_type3A, %cond3A : i32
    scf.if %cond3A_11 {
      %dma_start3A = arith.constant 0 : i32
      %dma_start3A_36 = arith.constant 0 : i32
      %dma_start3A_37 = tpu.memref_slice %arg8[%dma_start3A, %dma_start3A_36] : memref<160x128xi32, #tpu.memory_space<vmem>> -> memref<1x128xi32, #tpu.memory_space<vmem>>
      %dma_start3A_38 = tpu.memref_squeeze %dma_start3A_37 : memref<1x128xi32, #tpu.memory_space<vmem>> -> memref<128xi32, #tpu.memory_space<vmem>>
      %dma_start3A_39 = arith.constant 0 : i32
      %dma_start3A_40 = arith.constant 0 : i32
      %dma_start3A_41 = tpu.memref_slice %arg4[%dma_start3A_39, %dma_start3A_40] : memref<10240x64xf32, #tpu.memory_space<hbm>> -> memref<10240x64xf32, #tpu.memory_space<hbm>>
      tpu.enqueue_indirect_dma source(%dma_start3A_41 : memref<10240x64xf32, #tpu.memory_space<hbm>>) target(%arg10 : memref<128x64xf32, #tpu.memory_space<vmem>>) offsets(%dma_start3A_38 : memref<128xi32, #tpu.memory_space<vmem>>) semaphore(%arg16 : memref<!tpu.dma_semaphore, #tpu.memory_space<semaphore_mem>>)
      %dma_start3A_42 = arith.constant 1 : i32
      %dma_start3A_43 = arith.constant 0 : i32
      %dma_start3A_44 = tpu.memref_slice %arg8[%dma_start3A_42, %dma_start3A_43] : memref<160x128xi32, #tpu.memory_space<vmem>> -> memref<1x128xi32, #tpu.memory_space<vmem>>
      %dma_start3A_45 = tpu.memref_squeeze %dma_start3A_44 : memref<1x128xi32, #tpu.memory_space<vmem>> -> memref<128xi32, #tpu.memory_space<vmem>>
      %dma_start3A_46 = arith.constant 0 : i32
      %dma_start3A_47 = arith.constant 0 : i32
      %dma_start3A_48 = tpu.memref_slice %arg4[%dma_start3A_46, %dma_start3A_47] : memref<10240x64xf32, #tpu.memory_space<hbm>> -> memref<10240x64xf32, #tpu.memory_space<hbm>>
      tpu.enqueue_indirect_dma source(%dma_start3A_48 : memref<10240x64xf32, #tpu.memory_space<hbm>>) target(%arg11 : memref<128x64xf32, #tpu.memory_space<vmem>>) offsets(%dma_start3A_45 : memref<128xi32, #tpu.memory_space<vmem>>) semaphore(%arg17 : memref<!tpu.dma_semaphore, #tpu.memory_space<semaphore_mem>>)
      %scan3A = arith.constant 0 : i32
      %scan3A_49 = arith.constant 0 : i32
      %scan3A_50 = arith.constant 79 : i32
      %scan3A_51 = arith.addi %scan3A_49, %scan3A_50 : i32
      %scan3A_52 = arith.constant 1 : i32
      scf.for %scan3A_66 = %scan3A_49 to %scan3A_51 step %scan3A_52  : i32 {
        %dma_wait3A_67 = arith.constant 0 : i32
        %dma_wait3A_68 = arith.constant 0 : i32
        %dma_wait3A_69 = tpu.memref_slice %arg4[%dma_wait3A_67, %dma_wait3A_68] : memref<10240x64xf32, #tpu.memory_space<hbm>> -> memref<128x64xf32, #tpu.memory_space<hbm>>
        %dma_wait3A_70 = arith.constant 0 : i32
        %dma_wait3A_71 = arith.constant 0 : i32
        %dma_wait3A_72 = tpu.memref_slice %arg4[%dma_wait3A_70, %dma_wait3A_71] : memref<10240x64xf32, #tpu.memory_space<hbm>> -> memref<128x64xf32, #tpu.memory_space<hbm>>
        tpu.wait_dma2 semaphore(%arg16 : memref<!tpu.dma_semaphore, #tpu.memory_space<semaphore_mem>>) src(%dma_wait3A_72 : memref<128x64xf32, #tpu.memory_space<hbm>>) dst(%arg10 : memref<128x64xf32, #tpu.memory_space<vmem>>)
        %mul3A_73 = arith.constant 2 : i32
        %mul3A_74 = arith.muli %mul3A_73, %scan3A_66 : i32
        %dma_start3A_75 = arith.constant 0 : i32
        %dma_start3A_76 = tpu.memref_slice %arg9[%mul3A_74, %dma_start3A_75] : memref<160x128xi32, #tpu.memory_space<vmem>> -> memref<1x128xi32, #tpu.memory_space<vmem>>
        %dma_start3A_77 = tpu.memref_squeeze %dma_start3A_76 : memref<1x128xi32, #tpu.memory_space<vmem>> -> memref<128xi32, #tpu.memory_space<vmem>>
        %dma_start3A_78 = arith.constant 0 : i32
        %dma_start3A_79 = arith.constant 0 : i32
        %dma_start3A_80 = tpu.memref_slice %arg15[%dma_start3A_78, %dma_start3A_79] : memref<10240x64xf32, #tpu.memory_space<vmem_shared>> -> memref<10240x64xf32, #tpu.memory_space<vmem_shared>>
        tpu.enqueue_indirect_dma source(%arg10 : memref<128x64xf32, #tpu.memory_space<vmem>>) target(%dma_start3A_80 : memref<10240x64xf32, #tpu.memory_space<vmem_shared>>) offsets(%dma_start3A_77 : memref<128xi32, #tpu.memory_space<vmem>>) semaphore(%arg18 : memref<!tpu.dma_semaphore, #tpu.memory_space<semaphore_mem>>) {add = true}
        %dma_wait3A_81 = arith.constant 0 : i32
        %dma_wait3A_82 = arith.constant 0 : i32
        %dma_wait3A_83 = tpu.memref_slice %arg4[%dma_wait3A_81, %dma_wait3A_82] : memref<10240x64xf32, #tpu.memory_space<hbm>> -> memref<128x64xf32, #tpu.memory_space<hbm>>
        %dma_wait3A_84 = arith.constant 0 : i32
        %dma_wait3A_85 = arith.constant 0 : i32
        %dma_wait3A_86 = tpu.memref_slice %arg4[%dma_wait3A_84, %dma_wait3A_85] : memref<10240x64xf32, #tpu.memory_space<hbm>> -> memref<128x64xf32, #tpu.memory_space<hbm>>
        tpu.wait_dma2 semaphore(%arg17 : memref<!tpu.dma_semaphore, #tpu.memory_space<semaphore_mem>>) src(%dma_wait3A_86 : memref<128x64xf32, #tpu.memory_space<hbm>>) dst(%arg11 : memref<128x64xf32, #tpu.memory_space<vmem>>)
        %mul3A_87 = arith.constant 2 : i32
        %mul3A_88 = arith.muli %mul3A_87, %scan3A_66 : i32
        %add3A_89 = arith.constant 1 : i32
        %add3A_90 = arith.addi %mul3A_88, %add3A_89 : i32
        %dma_start3A_91 = arith.constant 0 : i32
        %dma_start3A_92 = tpu.memref_slice %arg9[%add3A_90, %dma_start3A_91] : memref<160x128xi32, #tpu.memory_space<vmem>> -> memref<1x128xi32, #tpu.memory_space<vmem>>
        %dma_start3A_93 = tpu.memref_squeeze %dma_start3A_92 : memref<1x128xi32, #tpu.memory_space<vmem>> -> memref<128xi32, #tpu.memory_space<vmem>>
        %dma_start3A_94 = arith.constant 0 : i32
        %dma_start3A_95 = arith.constant 0 : i32
        %dma_start3A_96 = tpu.memref_slice %arg15[%dma_start3A_94, %dma_start3A_95] : memref<10240x64xf32, #tpu.memory_space<vmem_shared>> -> memref<10240x64xf32, #tpu.memory_space<vmem_shared>>
        tpu.enqueue_indirect_dma source(%arg11 : memref<128x64xf32, #tpu.memory_space<vmem>>) target(%dma_start3A_96 : memref<10240x64xf32, #tpu.memory_space<vmem_shared>>) offsets(%dma_start3A_93 : memref<128xi32, #tpu.memory_space<vmem>>) semaphore(%arg19 : memref<!tpu.dma_semaphore, #tpu.memory_space<semaphore_mem>>) {add = true}
        %dma_wait3A_97 = arith.constant 0 : i32
        %dma_wait3A_98 = arith.constant 0 : i32
        %dma_wait3A_99 = tpu.memref_slice %arg4[%dma_wait3A_97, %dma_wait3A_98] : memref<10240x64xf32, #tpu.memory_space<hbm>> -> memref<128x64xf32, #tpu.memory_space<hbm>>
        %dma_wait3A_100 = arith.constant 0 : i32
        %dma_wait3A_101 = arith.constant 0 : i32
        %dma_wait3A_102 = tpu.memref_slice %arg4[%dma_wait3A_100, %dma_wait3A_101] : memref<10240x64xf32, #tpu.memory_space<hbm>> -> memref<128x64xf32, #tpu.memory_space<hbm>>
        tpu.wait_dma2 semaphore(%arg18 : memref<!tpu.dma_semaphore, #tpu.memory_space<semaphore_mem>>) src(%dma_wait3A_102 : memref<128x64xf32, #tpu.memory_space<hbm>>) dst(%arg10 : memref<128x64xf32, #tpu.memory_space<vmem>>)
        %mul3A_103 = arith.constant 2 : i32
        %mul3A_104 = arith.muli %mul3A_103, %scan3A_66 : i32
        %add3A_105 = arith.constant 2 : i32
        %add3A_106 = arith.addi %mul3A_104, %add3A_105 : i32
        %dma_start3A_107 = arith.constant 0 : i32
        %dma_start3A_108 = tpu.memref_slice %arg8[%add3A_106, %dma_start3A_107] : memref<160x128xi32, #tpu.memory_space<vmem>> -> memref<1x128xi32, #tpu.memory_space<vmem>>
        %dma_start3A_109 = tpu.memref_squeeze %dma_start3A_108 : memref<1x128xi32, #tpu.memory_space<vmem>> -> memref<128xi32, #tpu.memory_space<vmem>>
        %dma_start3A_110 = arith.constant 0 : i32
        %dma_start3A_111 = arith.constant 0 : i32
        %dma_start3A_112 = tpu.memref_slice %arg4[%dma_start3A_110, %dma_start3A_111] : memref<10240x64xf32, #tpu.memory_space<hbm>> -> memref<10240x64xf32, #tpu.memory_space<hbm>>
        tpu.enqueue_indirect_dma source(%dma_start3A_112 : memref<10240x64xf32, #tpu.memory_space<hbm>>) target(%arg10 : memref<128x64xf32, #tpu.memory_space<vmem>>) offsets(%dma_start3A_109 : memref<128xi32, #tpu.memory_space<vmem>>) semaphore(%arg16 : memref<!tpu.dma_semaphore, #tpu.memory_space<semaphore_mem>>)
        %dma_wait3A_113 = arith.constant 0 : i32
        %dma_wait3A_114 = arith.constant 0 : i32
        %dma_wait3A_115 = tpu.memref_slice %arg4[%dma_wait3A_113, %dma_wait3A_114] : memref<10240x64xf32, #tpu.memory_space<hbm>> -> memref<128x64xf32, #tpu.memory_space<hbm>>
        %dma_wait3A_116 = arith.constant 0 : i32
        %dma_wait3A_117 = arith.constant 0 : i32
        %dma_wait3A_118 = tpu.memref_slice %arg4[%dma_wait3A_116, %dma_wait3A_117] : memref<10240x64xf32, #tpu.memory_space<hbm>> -> memref<128x64xf32, #tpu.memory_space<hbm>>
        tpu.wait_dma2 semaphore(%arg19 : memref<!tpu.dma_semaphore, #tpu.memory_space<semaphore_mem>>) src(%dma_wait3A_118 : memref<128x64xf32, #tpu.memory_space<hbm>>) dst(%arg11 : memref<128x64xf32, #tpu.memory_space<vmem>>)
        %mul3A_119 = arith.constant 2 : i32
        %mul3A_120 = arith.muli %mul3A_119, %scan3A_66 : i32
        %add3A_121 = arith.constant 3 : i32
        %add3A_122 = arith.addi %mul3A_120, %add3A_121 : i32
        %dma_start3A_123 = arith.constant 0 : i32
        %dma_start3A_124 = tpu.memref_slice %arg8[%add3A_122, %dma_start3A_123] : memref<160x128xi32, #tpu.memory_space<vmem>> -> memref<1x128xi32, #tpu.memory_space<vmem>>
        %dma_start3A_125 = tpu.memref_squeeze %dma_start3A_124 : memref<1x128xi32, #tpu.memory_space<vmem>> -> memref<128xi32, #tpu.memory_space<vmem>>
        %dma_start3A_126 = arith.constant 0 : i32
        %dma_start3A_127 = arith.constant 0 : i32
        %dma_start3A_128 = tpu.memref_slice %arg4[%dma_start3A_126, %dma_start3A_127] : memref<10240x64xf32, #tpu.memory_space<hbm>> -> memref<10240x64xf32, #tpu.memory_space<hbm>>
        tpu.enqueue_indirect_dma source(%dma_start3A_128 : memref<10240x64xf32, #tpu.memory_space<hbm>>) target(%arg11 : memref<128x64xf32, #tpu.memory_space<vmem>>) offsets(%dma_start3A_125 : memref<128xi32, #tpu.memory_space<vmem>>) semaphore(%arg17 : memref<!tpu.dma_semaphore, #tpu.memory_space<semaphore_mem>>)
      }
      %scan3A_53 = arith.constant 79 : i32
      %dma_wait3A = arith.constant 0 : i32
      %dma_wait3A_54 = arith.constant 0 : i32
      %dma_wait3A_55 = tpu.memref_slice %arg4[%dma_wait3A, %dma_wait3A_54] : memref<10240x64xf32, #tpu.memory_space<hbm>> -> memref<128x64xf32, #tpu.memory_space<hbm>>
      %dma_wait3A_56 = arith.constant 0 : i32
      %dma_wait3A_57 = arith.constant 0 : i32
      %dma_wait3A_58 = tpu.memref_slice %arg4[%dma_wait3A_56, %dma_wait3A_57] : memref<10240x64xf32, #tpu.memory_space<hbm>> -> memref<128x64xf32, #tpu.memory_space<hbm>>
      tpu.wait_dma2 semaphore(%arg16 : memref<!tpu.dma_semaphore, #tpu.memory_space<semaphore_mem>>) src(%dma_wait3A_58 : memref<128x64xf32, #tpu.memory_space<hbm>>) dst(%arg10 : memref<128x64xf32, #tpu.memory_space<vmem>>)
      %run_scoped3A = arith.constant 158 : i32
      "tpu.region"() ({
        %run_scoped3A_66 = tpu.sem_alloc : memref<!tpu.dma_semaphore, #tpu.memory_space<semaphore_mem>>
        %dma_start3A_67 = arith.constant 0 : i32
        %dma_start3A_68 = tpu.memref_slice %arg9[%run_scoped3A, %dma_start3A_67] : memref<160x128xi32, #tpu.memory_space<vmem>> -> memref<1x128xi32, #tpu.memory_space<vmem>>
        %dma_start3A_69 = tpu.memref_squeeze %dma_start3A_68 : memref<1x128xi32, #tpu.memory_space<vmem>> -> memref<128xi32, #tpu.memory_space<vmem>>
        %dma_start3A_70 = arith.constant 0 : i32
        %dma_start3A_71 = arith.constant 0 : i32
        %dma_start3A_72 = tpu.memref_slice %arg15[%dma_start3A_70, %dma_start3A_71] : memref<10240x64xf32, #tpu.memory_space<vmem_shared>> -> memref<10240x64xf32, #tpu.memory_space<vmem_shared>>
        tpu.enqueue_indirect_dma source(%arg10 : memref<128x64xf32, #tpu.memory_space<vmem>>) target(%dma_start3A_72 : memref<10240x64xf32, #tpu.memory_space<vmem_shared>>) offsets(%dma_start3A_69 : memref<128xi32, #tpu.memory_space<vmem>>) semaphore(%run_scoped3A_66 : memref<!tpu.dma_semaphore, #tpu.memory_space<semaphore_mem>>) {add = true}
        %dma_wait3A_73 = arith.constant 0 : i32
        %dma_wait3A_74 = tpu.memref_slice %arg9[%run_scoped3A, %dma_wait3A_73] : memref<160x128xi32, #tpu.memory_space<vmem>> -> memref<1x128xi32, #tpu.memory_space<vmem>>
        %dma_wait3A_75 = tpu.memref_squeeze %dma_wait3A_74 : memref<1x128xi32, #tpu.memory_space<vmem>> -> memref<128xi32, #tpu.memory_space<vmem>>
        %dma_wait3A_76 = arith.constant 0 : i32
        %dma_wait3A_77 = arith.constant 0 : i32
        %dma_wait3A_78 = tpu.memref_slice %arg15[%dma_wait3A_76, %dma_wait3A_77] : memref<10240x64xf32, #tpu.memory_space<vmem_shared>> -> memref<10240x64xf32, #tpu.memory_space<vmem_shared>>
        tpu.wait_indirect_dma semaphore(%run_scoped3A_66 : memref<!tpu.dma_semaphore, #tpu.memory_space<semaphore_mem>>) src(%arg10 : memref<128x64xf32, #tpu.memory_space<vmem>>) dst(%dma_wait3A_78 : memref<10240x64xf32, #tpu.memory_space<vmem_shared>>)
        tpu.yield
      }) : () -> ()
      %dma_wait3A_59 = arith.constant 0 : i32
      %dma_wait3A_60 = arith.constant 0 : i32
      %dma_wait3A_61 = tpu.memref_slice %arg4[%dma_wait3A_59, %dma_wait3A_60] : memref<10240x64xf32, #tpu.memory_space<hbm>> -> memref<128x64xf32, #tpu.memory_space<hbm>>
      %dma_wait3A_62 = arith.constant 0 : i32
      %dma_wait3A_63 = arith.constant 0 : i32
      %dma_wait3A_64 = tpu.memref_slice %arg4[%dma_wait3A_62, %dma_wait3A_63] : memref<10240x64xf32, #tpu.memory_space<hbm>> -> memref<128x64xf32, #tpu.memory_space<hbm>>
      tpu.wait_dma2 semaphore(%arg17 : memref<!tpu.dma_semaphore, #tpu.memory_space<semaphore_mem>>) src(%dma_wait3A_64 : memref<128x64xf32, #tpu.memory_space<hbm>>) dst(%arg11 : memref<128x64xf32, #tpu.memory_space<vmem>>)
      %run_scoped3A_65 = arith.constant 159 : i32
      "tpu.region"() ({
        %run_scoped3A_66 = tpu.sem_alloc : memref<!tpu.dma_semaphore, #tpu.memory_space<semaphore_mem>>
        %dma_start3A_67 = arith.constant 0 : i32
        %dma_start3A_68 = tpu.memref_slice %arg9[%run_scoped3A_65, %dma_start3A_67] : memref<160x128xi32, #tpu.memory_space<vmem>> -> memref<1x128xi32, #tpu.memory_space<vmem>>
        %dma_start3A_69 = tpu.memref_squeeze %dma_start3A_68 : memref<1x128xi32, #tpu.memory_space<vmem>> -> memref<128xi32, #tpu.memory_space<vmem>>
        %dma_start3A_70 = arith.constant 0 : i32
        %dma_start3A_71 = arith.constant 0 : i32
        %dma_start3A_72 = tpu.memref_slice %arg15[%dma_start3A_70, %dma_start3A_71] : memref<10240x64xf32, #tpu.memory_space<vmem_shared>> -> memref<10240x64xf32, #tpu.memory_space<vmem_shared>>
        tpu.enqueue_indirect_dma source(%arg11 : memref<128x64xf32, #tpu.memory_space<vmem>>) target(%dma_start3A_72 : memref<10240x64xf32, #tpu.memory_space<vmem_shared>>) offsets(%dma_start3A_69 : memref<128xi32, #tpu.memory_space<vmem>>) semaphore(%run_scoped3A_66 : memref<!tpu.dma_semaphore, #tpu.memory_space<semaphore_mem>>) {add = true}
        %dma_wait3A_73 = arith.constant 0 : i32
        %dma_wait3A_74 = tpu.memref_slice %arg9[%run_scoped3A_65, %dma_wait3A_73] : memref<160x128xi32, #tpu.memory_space<vmem>> -> memref<1x128xi32, #tpu.memory_space<vmem>>
        %dma_wait3A_75 = tpu.memref_squeeze %dma_wait3A_74 : memref<1x128xi32, #tpu.memory_space<vmem>> -> memref<128xi32, #tpu.memory_space<vmem>>
        %dma_wait3A_76 = arith.constant 0 : i32
        %dma_wait3A_77 = arith.constant 0 : i32
        %dma_wait3A_78 = tpu.memref_slice %arg15[%dma_wait3A_76, %dma_wait3A_77] : memref<10240x64xf32, #tpu.memory_space<vmem_shared>> -> memref<10240x64xf32, #tpu.memory_space<vmem_shared>>
        tpu.wait_indirect_dma semaphore(%run_scoped3A_66 : memref<!tpu.dma_semaphore, #tpu.memory_space<semaphore_mem>>) src(%arg11 : memref<128x64xf32, #tpu.memory_space<vmem>>) dst(%dma_wait3A_78 : memref<10240x64xf32, #tpu.memory_space<vmem_shared>>)
        tpu.yield
      }) : () -> ()
    } else {
    }
    %eq3A_12 = arith.constant 1 : i32
    %eq3A_13 = arith.cmpi eq, %arg0, %eq3A_12 : i32
    %convert_element_type3A_14 = arith.extui %eq3A_13 : i1 to i32
    %cond3A_15 = arith.constant 0 : i32
    %cond3A_16 = arith.cmpi ne, %convert_element_type3A_14, %cond3A_15 : i32
    scf.if %cond3A_16 {
      %dma_start3A = arith.constant 0 : i32
      %dma_start3A_36 = arith.constant 0 : i32
      %dma_start3A_37 = tpu.memref_slice %arg8[%dma_start3A, %dma_start3A_36] : memref<160x128xi32, #tpu.memory_space<vmem>> -> memref<1x128xi32, #tpu.memory_space<vmem>>
      %dma_start3A_38 = tpu.memref_squeeze %dma_start3A_37 : memref<1x128xi32, #tpu.memory_space<vmem>> -> memref<128xi32, #tpu.memory_space<vmem>>
      %dma_start3A_39 = arith.constant 0 : i32
      %dma_start3A_40 = arith.constant 0 : i32
      %dma_start3A_41 = tpu.memref_slice %arg5[%dma_start3A_39, %dma_start3A_40] : memref<10240x64xf32, #tpu.memory_space<hbm>> -> memref<10240x64xf32, #tpu.memory_space<hbm>>
      tpu.enqueue_indirect_dma source(%dma_start3A_41 : memref<10240x64xf32, #tpu.memory_space<hbm>>) target(%arg10 : memref<128x64xf32, #tpu.memory_space<vmem>>) offsets(%dma_start3A_38 : memref<128xi32, #tpu.memory_space<vmem>>) semaphore(%arg16 : memref<!tpu.dma_semaphore, #tpu.memory_space<semaphore_mem>>)
      %dma_start3A_42 = arith.constant 1 : i32
      %dma_start3A_43 = arith.constant 0 : i32
      %dma_start3A_44 = tpu.memref_slice %arg8[%dma_start3A_42, %dma_start3A_43] : memref<160x128xi32, #tpu.memory_space<vmem>> -> memref<1x128xi32, #tpu.memory_space<vmem>>
      %dma_start3A_45 = tpu.memref_squeeze %dma_start3A_44 : memref<1x128xi32, #tpu.memory_space<vmem>> -> memref<128xi32, #tpu.memory_space<vmem>>
      %dma_start3A_46 = arith.constant 0 : i32
      %dma_start3A_47 = arith.constant 0 : i32
      %dma_start3A_48 = tpu.memref_slice %arg5[%dma_start3A_46, %dma_start3A_47] : memref<10240x64xf32, #tpu.memory_space<hbm>> -> memref<10240x64xf32, #tpu.memory_space<hbm>>
      tpu.enqueue_indirect_dma source(%dma_start3A_48 : memref<10240x64xf32, #tpu.memory_space<hbm>>) target(%arg11 : memref<128x64xf32, #tpu.memory_space<vmem>>) offsets(%dma_start3A_45 : memref<128xi32, #tpu.memory_space<vmem>>) semaphore(%arg17 : memref<!tpu.dma_semaphore, #tpu.memory_space<semaphore_mem>>)
      %scan3A = arith.constant 0 : i32
      %scan3A_49 = arith.constant 0 : i32
      %scan3A_50 = arith.constant 79 : i32
      %scan3A_51 = arith.addi %scan3A_49, %scan3A_50 : i32
      %scan3A_52 = arith.constant 1 : i32
      scf.for %scan3A_66 = %scan3A_49 to %scan3A_51 step %scan3A_52  : i32 {
        %dma_wait3A_67 = arith.constant 0 : i32
        %dma_wait3A_68 = arith.constant 0 : i32
        %dma_wait3A_69 = tpu.memref_slice %arg5[%dma_wait3A_67, %dma_wait3A_68] : memref<10240x64xf32, #tpu.memory_space<hbm>> -> memref<128x64xf32, #tpu.memory_space<hbm>>
        %dma_wait3A_70 = arith.constant 0 : i32
        %dma_wait3A_71 = arith.constant 0 : i32
        %dma_wait3A_72 = tpu.memref_slice %arg5[%dma_wait3A_70, %dma_wait3A_71] : memref<10240x64xf32, #tpu.memory_space<hbm>> -> memref<128x64xf32, #tpu.memory_space<hbm>>
        tpu.wait_dma2 semaphore(%arg16 : memref<!tpu.dma_semaphore, #tpu.memory_space<semaphore_mem>>) src(%dma_wait3A_72 : memref<128x64xf32, #tpu.memory_space<hbm>>) dst(%arg10 : memref<128x64xf32, #tpu.memory_space<vmem>>)
        %mul3A_73 = arith.constant 2 : i32
        %mul3A_74 = arith.muli %mul3A_73, %scan3A_66 : i32
        %dma_start3A_75 = arith.constant 0 : i32
        %dma_start3A_76 = tpu.memref_slice %arg9[%mul3A_74, %dma_start3A_75] : memref<160x128xi32, #tpu.memory_space<vmem>> -> memref<1x128xi32, #tpu.memory_space<vmem>>
        %dma_start3A_77 = tpu.memref_squeeze %dma_start3A_76 : memref<1x128xi32, #tpu.memory_space<vmem>> -> memref<128xi32, #tpu.memory_space<vmem>>
        %dma_start3A_78 = arith.constant 0 : i32
        %dma_start3A_79 = arith.constant 0 : i32
        %dma_start3A_80 = tpu.memref_slice %arg15[%dma_start3A_78, %dma_start3A_79] : memref<10240x64xf32, #tpu.memory_space<vmem_shared>> -> memref<10240x64xf32, #tpu.memory_space<vmem_shared>>
        tpu.enqueue_indirect_dma source(%arg10 : memref<128x64xf32, #tpu.memory_space<vmem>>) target(%dma_start3A_80 : memref<10240x64xf32, #tpu.memory_space<vmem_shared>>) offsets(%dma_start3A_77 : memref<128xi32, #tpu.memory_space<vmem>>) semaphore(%arg18 : memref<!tpu.dma_semaphore, #tpu.memory_space<semaphore_mem>>) {add = true}
        %dma_wait3A_81 = arith.constant 0 : i32
        %dma_wait3A_82 = arith.constant 0 : i32
        %dma_wait3A_83 = tpu.memref_slice %arg5[%dma_wait3A_81, %dma_wait3A_82] : memref<10240x64xf32, #tpu.memory_space<hbm>> -> memref<128x64xf32, #tpu.memory_space<hbm>>
        %dma_wait3A_84 = arith.constant 0 : i32
        %dma_wait3A_85 = arith.constant 0 : i32
        %dma_wait3A_86 = tpu.memref_slice %arg5[%dma_wait3A_84, %dma_wait3A_85] : memref<10240x64xf32, #tpu.memory_space<hbm>> -> memref<128x64xf32, #tpu.memory_space<hbm>>
        tpu.wait_dma2 semaphore(%arg17 : memref<!tpu.dma_semaphore, #tpu.memory_space<semaphore_mem>>) src(%dma_wait3A_86 : memref<128x64xf32, #tpu.memory_space<hbm>>) dst(%arg11 : memref<128x64xf32, #tpu.memory_space<vmem>>)
        %mul3A_87 = arith.constant 2 : i32
        %mul3A_88 = arith.muli %mul3A_87, %scan3A_66 : i32
        %add3A_89 = arith.constant 1 : i32
        %add3A_90 = arith.addi %mul3A_88, %add3A_89 : i32
        %dma_start3A_91 = arith.constant 0 : i32
        %dma_start3A_92 = tpu.memref_slice %arg9[%add3A_90, %dma_start3A_91] : memref<160x128xi32, #tpu.memory_space<vmem>> -> memref<1x128xi32, #tpu.memory_space<vmem>>
        %dma_start3A_93 = tpu.memref_squeeze %dma_start3A_92 : memref<1x128xi32, #tpu.memory_space<vmem>> -> memref<128xi32, #tpu.memory_space<vmem>>
        %dma_start3A_94 = arith.constant 0 : i32
        %dma_start3A_95 = arith.constant 0 : i32
        %dma_start3A_96 = tpu.memref_slice %arg15[%dma_start3A_94, %dma_start3A_95] : memref<10240x64xf32, #tpu.memory_space<vmem_shared>> -> memref<10240x64xf32, #tpu.memory_space<vmem_shared>>
        tpu.enqueue_indirect_dma source(%arg11 : memref<128x64xf32, #tpu.memory_space<vmem>>) target(%dma_start3A_96 : memref<10240x64xf32, #tpu.memory_space<vmem_shared>>) offsets(%dma_start3A_93 : memref<128xi32, #tpu.memory_space<vmem>>) semaphore(%arg19 : memref<!tpu.dma_semaphore, #tpu.memory_space<semaphore_mem>>) {add = true}
        %dma_wait3A_97 = arith.constant 0 : i32
        %dma_wait3A_98 = arith.constant 0 : i32
        %dma_wait3A_99 = tpu.memref_slice %arg5[%dma_wait3A_97, %dma_wait3A_98] : memref<10240x64xf32, #tpu.memory_space<hbm>> -> memref<128x64xf32, #tpu.memory_space<hbm>>
        %dma_wait3A_100 = arith.constant 0 : i32
        %dma_wait3A_101 = arith.constant 0 : i32
        %dma_wait3A_102 = tpu.memref_slice %arg5[%dma_wait3A_100, %dma_wait3A_101] : memref<10240x64xf32, #tpu.memory_space<hbm>> -> memref<128x64xf32, #tpu.memory_space<hbm>>
        tpu.wait_dma2 semaphore(%arg18 : memref<!tpu.dma_semaphore, #tpu.memory_space<semaphore_mem>>) src(%dma_wait3A_102 : memref<128x64xf32, #tpu.memory_space<hbm>>) dst(%arg10 : memref<128x64xf32, #tpu.memory_space<vmem>>)
        %mul3A_103 = arith.constant 2 : i32
        %mul3A_104 = arith.muli %mul3A_103, %scan3A_66 : i32
        %add3A_105 = arith.constant 2 : i32
        %add3A_106 = arith.addi %mul3A_104, %add3A_105 : i32
        %dma_start3A_107 = arith.constant 0 : i32
        %dma_start3A_108 = tpu.memref_slice %arg8[%add3A_106, %dma_start3A_107] : memref<160x128xi32, #tpu.memory_space<vmem>> -> memref<1x128xi32, #tpu.memory_space<vmem>>
        %dma_start3A_109 = tpu.memref_squeeze %dma_start3A_108 : memref<1x128xi32, #tpu.memory_space<vmem>> -> memref<128xi32, #tpu.memory_space<vmem>>
        %dma_start3A_110 = arith.constant 0 : i32
        %dma_start3A_111 = arith.constant 0 : i32
        %dma_start3A_112 = tpu.memref_slice %arg5[%dma_start3A_110, %dma_start3A_111] : memref<10240x64xf32, #tpu.memory_space<hbm>> -> memref<10240x64xf32, #tpu.memory_space<hbm>>
        tpu.enqueue_indirect_dma source(%dma_start3A_112 : memref<10240x64xf32, #tpu.memory_space<hbm>>) target(%arg10 : memref<128x64xf32, #tpu.memory_space<vmem>>) offsets(%dma_start3A_109 : memref<128xi32, #tpu.memory_space<vmem>>) semaphore(%arg16 : memref<!tpu.dma_semaphore, #tpu.memory_space<semaphore_mem>>)
        %dma_wait3A_113 = arith.constant 0 : i32
        %dma_wait3A_114 = arith.constant 0 : i32
        %dma_wait3A_115 = tpu.memref_slice %arg5[%dma_wait3A_113, %dma_wait3A_114] : memref<10240x64xf32, #tpu.memory_space<hbm>> -> memref<128x64xf32, #tpu.memory_space<hbm>>
        %dma_wait3A_116 = arith.constant 0 : i32
        %dma_wait3A_117 = arith.constant 0 : i32
        %dma_wait3A_118 = tpu.memref_slice %arg5[%dma_wait3A_116, %dma_wait3A_117] : memref<10240x64xf32, #tpu.memory_space<hbm>> -> memref<128x64xf32, #tpu.memory_space<hbm>>
        tpu.wait_dma2 semaphore(%arg19 : memref<!tpu.dma_semaphore, #tpu.memory_space<semaphore_mem>>) src(%dma_wait3A_118 : memref<128x64xf32, #tpu.memory_space<hbm>>) dst(%arg11 : memref<128x64xf32, #tpu.memory_space<vmem>>)
        %mul3A_119 = arith.constant 2 : i32
        %mul3A_120 = arith.muli %mul3A_119, %scan3A_66 : i32
        %add3A_121 = arith.constant 3 : i32
        %add3A_122 = arith.addi %mul3A_120, %add3A_121 : i32
        %dma_start3A_123 = arith.constant 0 : i32
        %dma_start3A_124 = tpu.memref_slice %arg8[%add3A_122, %dma_start3A_123] : memref<160x128xi32, #tpu.memory_space<vmem>> -> memref<1x128xi32, #tpu.memory_space<vmem>>
        %dma_start3A_125 = tpu.memref_squeeze %dma_start3A_124 : memref<1x128xi32, #tpu.memory_space<vmem>> -> memref<128xi32, #tpu.memory_space<vmem>>
        %dma_start3A_126 = arith.constant 0 : i32
        %dma_start3A_127 = arith.constant 0 : i32
        %dma_start3A_128 = tpu.memref_slice %arg5[%dma_start3A_126, %dma_start3A_127] : memref<10240x64xf32, #tpu.memory_space<hbm>> -> memref<10240x64xf32, #tpu.memory_space<hbm>>
        tpu.enqueue_indirect_dma source(%dma_start3A_128 : memref<10240x64xf32, #tpu.memory_space<hbm>>) target(%arg11 : memref<128x64xf32, #tpu.memory_space<vmem>>) offsets(%dma_start3A_125 : memref<128xi32, #tpu.memory_space<vmem>>) semaphore(%arg17 : memref<!tpu.dma_semaphore, #tpu.memory_space<semaphore_mem>>)
      }
      %scan3A_53 = arith.constant 79 : i32
      %dma_wait3A = arith.constant 0 : i32
      %dma_wait3A_54 = arith.constant 0 : i32
      %dma_wait3A_55 = tpu.memref_slice %arg5[%dma_wait3A, %dma_wait3A_54] : memref<10240x64xf32, #tpu.memory_space<hbm>> -> memref<128x64xf32, #tpu.memory_space<hbm>>
      %dma_wait3A_56 = arith.constant 0 : i32
      %dma_wait3A_57 = arith.constant 0 : i32
      %dma_wait3A_58 = tpu.memref_slice %arg5[%dma_wait3A_56, %dma_wait3A_57] : memref<10240x64xf32, #tpu.memory_space<hbm>> -> memref<128x64xf32, #tpu.memory_space<hbm>>
      tpu.wait_dma2 semaphore(%arg16 : memref<!tpu.dma_semaphore, #tpu.memory_space<semaphore_mem>>) src(%dma_wait3A_58 : memref<128x64xf32, #tpu.memory_space<hbm>>) dst(%arg10 : memref<128x64xf32, #tpu.memory_space<vmem>>)
      %run_scoped3A = arith.constant 158 : i32
      "tpu.region"() ({
        %run_scoped3A_66 = tpu.sem_alloc : memref<!tpu.dma_semaphore, #tpu.memory_space<semaphore_mem>>
        %dma_start3A_67 = arith.constant 0 : i32
        %dma_start3A_68 = tpu.memref_slice %arg9[%run_scoped3A, %dma_start3A_67] : memref<160x128xi32, #tpu.memory_space<vmem>> -> memref<1x128xi32, #tpu.memory_space<vmem>>
        %dma_start3A_69 = tpu.memref_squeeze %dma_start3A_68 : memref<1x128xi32, #tpu.memory_space<vmem>> -> memref<128xi32, #tpu.memory_space<vmem>>
        %dma_start3A_70 = arith.constant 0 : i32
        %dma_start3A_71 = arith.constant 0 : i32
        %dma_start3A_72 = tpu.memref_slice %arg15[%dma_start3A_70, %dma_start3A_71] : memref<10240x64xf32, #tpu.memory_space<vmem_shared>> -> memref<10240x64xf32, #tpu.memory_space<vmem_shared>>
        tpu.enqueue_indirect_dma source(%arg10 : memref<128x64xf32, #tpu.memory_space<vmem>>) target(%dma_start3A_72 : memref<10240x64xf32, #tpu.memory_space<vmem_shared>>) offsets(%dma_start3A_69 : memref<128xi32, #tpu.memory_space<vmem>>) semaphore(%run_scoped3A_66 : memref<!tpu.dma_semaphore, #tpu.memory_space<semaphore_mem>>) {add = true}
        %dma_wait3A_73 = arith.constant 0 : i32
        %dma_wait3A_74 = tpu.memref_slice %arg9[%run_scoped3A, %dma_wait3A_73] : memref<160x128xi32, #tpu.memory_space<vmem>> -> memref<1x128xi32, #tpu.memory_space<vmem>>
        %dma_wait3A_75 = tpu.memref_squeeze %dma_wait3A_74 : memref<1x128xi32, #tpu.memory_space<vmem>> -> memref<128xi32, #tpu.memory_space<vmem>>
        %dma_wait3A_76 = arith.constant 0 : i32
        %dma_wait3A_77 = arith.constant 0 : i32
        %dma_wait3A_78 = tpu.memref_slice %arg15[%dma_wait3A_76, %dma_wait3A_77] : memref<10240x64xf32, #tpu.memory_space<vmem_shared>> -> memref<10240x64xf32, #tpu.memory_space<vmem_shared>>
        tpu.wait_indirect_dma semaphore(%run_scoped3A_66 : memref<!tpu.dma_semaphore, #tpu.memory_space<semaphore_mem>>) src(%arg10 : memref<128x64xf32, #tpu.memory_space<vmem>>) dst(%dma_wait3A_78 : memref<10240x64xf32, #tpu.memory_space<vmem_shared>>)
        tpu.yield
      }) : () -> ()
      %dma_wait3A_59 = arith.constant 0 : i32
      %dma_wait3A_60 = arith.constant 0 : i32
      %dma_wait3A_61 = tpu.memref_slice %arg5[%dma_wait3A_59, %dma_wait3A_60] : memref<10240x64xf32, #tpu.memory_space<hbm>> -> memref<128x64xf32, #tpu.memory_space<hbm>>
      %dma_wait3A_62 = arith.constant 0 : i32
      %dma_wait3A_63 = arith.constant 0 : i32
      %dma_wait3A_64 = tpu.memref_slice %arg5[%dma_wait3A_62, %dma_wait3A_63] : memref<10240x64xf32, #tpu.memory_space<hbm>> -> memref<128x64xf32, #tpu.memory_space<hbm>>
      tpu.wait_dma2 semaphore(%arg17 : memref<!tpu.dma_semaphore, #tpu.memory_space<semaphore_mem>>) src(%dma_wait3A_64 : memref<128x64xf32, #tpu.memory_space<hbm>>) dst(%arg11 : memref<128x64xf32, #tpu.memory_space<vmem>>)
      %run_scoped3A_65 = arith.constant 159 : i32
      "tpu.region"() ({
        %run_scoped3A_66 = tpu.sem_alloc : memref<!tpu.dma_semaphore, #tpu.memory_space<semaphore_mem>>
        %dma_start3A_67 = arith.constant 0 : i32
        %dma_start3A_68 = tpu.memref_slice %arg9[%run_scoped3A_65, %dma_start3A_67] : memref<160x128xi32, #tpu.memory_space<vmem>> -> memref<1x128xi32, #tpu.memory_space<vmem>>
        %dma_start3A_69 = tpu.memref_squeeze %dma_start3A_68 : memref<1x128xi32, #tpu.memory_space<vmem>> -> memref<128xi32, #tpu.memory_space<vmem>>
        %dma_start3A_70 = arith.constant 0 : i32
        %dma_start3A_71 = arith.constant 0 : i32
        %dma_start3A_72 = tpu.memref_slice %arg15[%dma_start3A_70, %dma_start3A_71] : memref<10240x64xf32, #tpu.memory_space<vmem_shared>> -> memref<10240x64xf32, #tpu.memory_space<vmem_shared>>
        tpu.enqueue_indirect_dma source(%arg11 : memref<128x64xf32, #tpu.memory_space<vmem>>) target(%dma_start3A_72 : memref<10240x64xf32, #tpu.memory_space<vmem_shared>>) offsets(%dma_start3A_69 : memref<128xi32, #tpu.memory_space<vmem>>) semaphore(%run_scoped3A_66 : memref<!tpu.dma_semaphore, #tpu.memory_space<semaphore_mem>>) {add = true}
        %dma_wait3A_73 = arith.constant 0 : i32
        %dma_wait3A_74 = tpu.memref_slice %arg9[%run_scoped3A_65, %dma_wait3A_73] : memref<160x128xi32, #tpu.memory_space<vmem>> -> memref<1x128xi32, #tpu.memory_space<vmem>>
        %dma_wait3A_75 = tpu.memref_squeeze %dma_wait3A_74 : memref<1x128xi32, #tpu.memory_space<vmem>> -> memref<128xi32, #tpu.memory_space<vmem>>
        %dma_wait3A_76 = arith.constant 0 : i32
        %dma_wait3A_77 = arith.constant 0 : i32
        %dma_wait3A_78 = tpu.memref_slice %arg15[%dma_wait3A_76, %dma_wait3A_77] : memref<10240x64xf32, #tpu.memory_space<vmem_shared>> -> memref<10240x64xf32, #tpu.memory_space<vmem_shared>>
        tpu.wait_indirect_dma semaphore(%run_scoped3A_66 : memref<!tpu.dma_semaphore, #tpu.memory_space<semaphore_mem>>) src(%arg11 : memref<128x64xf32, #tpu.memory_space<vmem>>) dst(%dma_wait3A_78 : memref<10240x64xf32, #tpu.memory_space<vmem_shared>>)
        tpu.yield
      }) : () -> ()
    } else {
    }
    %barrier3A_17 = arith.constant 0 : index
    tpu.barrier barrier_id(%barrier3A_17)
    %mul3A_18 = arith.constant 640 : i32
    %mul3A_19 = arith.muli %arg1, %mul3A_18 : i32
    %add3A_20 = arith.constant 0 : i32
    %add3A_21 = arith.addi %mul3A_19, %add3A_20 : i32
    "tpu.region"() ({
      %run_scoped3A = tpu.sem_alloc : memref<!tpu.dma_semaphore, #tpu.memory_space<semaphore_mem>>
      %dma_start3A = arith.constant 0 : i32
      %dma_start3A_36 = tpu.memref_slice %arg15[%add3A_21, %dma_start3A] : memref<10240x64xf32, #tpu.memory_space<vmem_shared>> -> memref<320x64xf32, #tpu.memory_space<vmem_shared>>
      %dma_start3A_37 = arith.constant 0 : i32
      %dma_start3A_38 = tpu.memref_slice %arg15[%add3A_21, %dma_start3A_37] : memref<10240x64xf32, #tpu.memory_space<vmem_shared>> -> memref<320x64xf32, #tpu.memory_space<vmem_shared>>
      tpu.enqueue_dma source(%dma_start3A_38 : memref<320x64xf32, #tpu.memory_space<vmem_shared>>) target(%arg14 : memref<320x64xf32, #tpu.memory_space<vmem>>) target_semaphore(%run_scoped3A : memref<!tpu.dma_semaphore, #tpu.memory_space<semaphore_mem>>)
      %dma_wait3A = arith.constant 0 : i32
      %dma_wait3A_39 = tpu.memref_slice %arg15[%add3A_21, %dma_wait3A] : memref<10240x64xf32, #tpu.memory_space<vmem_shared>> -> memref<320x64xf32, #tpu.memory_space<vmem_shared>>
      %dma_wait3A_40 = arith.constant 0 : i32
      %dma_wait3A_41 = tpu.memref_slice %arg15[%add3A_21, %dma_wait3A_40] : memref<10240x64xf32, #tpu.memory_space<vmem_shared>> -> memref<320x64xf32, #tpu.memory_space<vmem_shared>>
      tpu.wait_dma2 semaphore(%run_scoped3A : memref<!tpu.dma_semaphore, #tpu.memory_space<semaphore_mem>>) src(%dma_wait3A_41 : memref<320x64xf32, #tpu.memory_space<vmem_shared>>) dst(%arg14 : memref<320x64xf32, #tpu.memory_space<vmem>>)
      tpu.yield
    }) : () -> ()
    %mul3A_22 = arith.constant 640 : i32
    %mul3A_23 = arith.muli %arg1, %mul3A_22 : i32
    %add3A_24 = arith.addi %mul3A_0, %mul3A_23 : i32
    %add3A_25 = arith.constant 0 : i32
    %add3A_26 = arith.addi %add3A_24, %add3A_25 : i32
    "tpu.region"() ({
      %run_scoped3A = tpu.sem_alloc : memref<!tpu.dma_semaphore, #tpu.memory_space<semaphore_mem>>
      %dma_start3A = arith.constant 0 : i32
      %dma_start3A_36 = tpu.memref_slice %arg7[%add3A_26, %dma_start3A] : memref<20480x64xf32, #tpu.memory_space<hbm>> -> memref<320x64xf32, #tpu.memory_space<hbm>>
      %dma_start3A_37 = arith.constant 0 : i32
      %dma_start3A_38 = tpu.memref_slice %arg7[%add3A_26, %dma_start3A_37] : memref<20480x64xf32, #tpu.memory_space<hbm>> -> memref<320x64xf32, #tpu.memory_space<hbm>>
      tpu.enqueue_dma source(%arg14 : memref<320x64xf32, #tpu.memory_space<vmem>>) target(%dma_start3A_38 : memref<320x64xf32, #tpu.memory_space<hbm>>) target_semaphore(%run_scoped3A : memref<!tpu.dma_semaphore, #tpu.memory_space<semaphore_mem>>)
      %dma_wait3A = arith.constant 0 : i32
      %dma_wait3A_39 = tpu.memref_slice %arg7[%add3A_26, %dma_wait3A] : memref<20480x64xf32, #tpu.memory_space<hbm>> -> memref<320x64xf32, #tpu.memory_space<hbm>>
      %dma_wait3A_40 = arith.constant 0 : i32
      %dma_wait3A_41 = tpu.memref_slice %arg7[%add3A_26, %dma_wait3A_40] : memref<20480x64xf32, #tpu.memory_space<hbm>> -> memref<320x64xf32, #tpu.memory_space<hbm>>
      tpu.wait_dma2 semaphore(%run_scoped3A : memref<!tpu.dma_semaphore, #tpu.memory_space<semaphore_mem>>) src(%arg14 : memref<320x64xf32, #tpu.memory_space<vmem>>) dst(%dma_wait3A_41 : memref<320x64xf32, #tpu.memory_space<hbm>>)
      tpu.yield
    }) : () -> ()
    %mul3A_27 = arith.constant 640 : i32
    %mul3A_28 = arith.muli %arg1, %mul3A_27 : i32
    %add3A_29 = arith.constant 320 : i32
    %add3A_30 = arith.addi %mul3A_28, %add3A_29 : i32
    "tpu.region"() ({
      %run_scoped3A = tpu.sem_alloc : memref<!tpu.dma_semaphore, #tpu.memory_space<semaphore_mem>>
      %dma_start3A = arith.constant 0 : i32
      %dma_start3A_36 = tpu.memref_slice %arg15[%add3A_30, %dma_start3A] : memref<10240x64xf32, #tpu.memory_space<vmem_shared>> -> memref<320x64xf32, #tpu.memory_space<vmem_shared>>
      %dma_start3A_37 = arith.constant 0 : i32
      %dma_start3A_38 = tpu.memref_slice %arg15[%add3A_30, %dma_start3A_37] : memref<10240x64xf32, #tpu.memory_space<vmem_shared>> -> memref<320x64xf32, #tpu.memory_space<vmem_shared>>
      tpu.enqueue_dma source(%dma_start3A_38 : memref<320x64xf32, #tpu.memory_space<vmem_shared>>) target(%arg14 : memref<320x64xf32, #tpu.memory_space<vmem>>) target_semaphore(%run_scoped3A : memref<!tpu.dma_semaphore, #tpu.memory_space<semaphore_mem>>)
      %dma_wait3A = arith.constant 0 : i32
      %dma_wait3A_39 = tpu.memref_slice %arg15[%add3A_30, %dma_wait3A] : memref<10240x64xf32, #tpu.memory_space<vmem_shared>> -> memref<320x64xf32, #tpu.memory_space<vmem_shared>>
      %dma_wait3A_40 = arith.constant 0 : i32
      %dma_wait3A_41 = tpu.memref_slice %arg15[%add3A_30, %dma_wait3A_40] : memref<10240x64xf32, #tpu.memory_space<vmem_shared>> -> memref<320x64xf32, #tpu.memory_space<vmem_shared>>
      tpu.wait_dma2 semaphore(%run_scoped3A : memref<!tpu.dma_semaphore, #tpu.memory_space<semaphore_mem>>) src(%dma_wait3A_41 : memref<320x64xf32, #tpu.memory_space<vmem_shared>>) dst(%arg14 : memref<320x64xf32, #tpu.memory_space<vmem>>)
      tpu.yield
    }) : () -> ()
    %mul3A_31 = arith.constant 640 : i32
    %mul3A_32 = arith.muli %arg1, %mul3A_31 : i32
    %add3A_33 = arith.addi %mul3A_0, %mul3A_32 : i32
    %add3A_34 = arith.constant 320 : i32
    %add3A_35 = arith.addi %add3A_33, %add3A_34 : i32
    "tpu.region"() ({
      %run_scoped3A = tpu.sem_alloc : memref<!tpu.dma_semaphore, #tpu.memory_space<semaphore_mem>>
      %dma_start3A = arith.constant 0 : i32
      %dma_start3A_36 = tpu.memref_slice %arg7[%add3A_35, %dma_start3A] : memref<20480x64xf32, #tpu.memory_space<hbm>> -> memref<320x64xf32, #tpu.memory_space<hbm>>
      %dma_start3A_37 = arith.constant 0 : i32
      %dma_start3A_38 = tpu.memref_slice %arg7[%add3A_35, %dma_start3A_37] : memref<20480x64xf32, #tpu.memory_space<hbm>> -> memref<320x64xf32, #tpu.memory_space<hbm>>
      tpu.enqueue_dma source(%arg14 : memref<320x64xf32, #tpu.memory_space<vmem>>) target(%dma_start3A_38 : memref<320x64xf32, #tpu.memory_space<hbm>>) target_semaphore(%run_scoped3A : memref<!tpu.dma_semaphore, #tpu.memory_space<semaphore_mem>>)
      %dma_wait3A = arith.constant 0 : i32
      %dma_wait3A_39 = tpu.memref_slice %arg7[%add3A_35, %dma_wait3A] : memref<20480x64xf32, #tpu.memory_space<hbm>> -> memref<320x64xf32, #tpu.memory_space<hbm>>
      %dma_wait3A_40 = arith.constant 0 : i32
      %dma_wait3A_41 = tpu.memref_slice %arg7[%add3A_35, %dma_wait3A_40] : memref<20480x64xf32, #tpu.memory_space<hbm>> -> memref<320x64xf32, #tpu.memory_space<hbm>>
      tpu.wait_dma2 semaphore(%run_scoped3A : memref<!tpu.dma_semaphore, #tpu.memory_space<semaphore_mem>>) src(%arg14 : memref<320x64xf32, #tpu.memory_space<vmem>>) dst(%dma_wait3A_41 : memref<320x64xf32, #tpu.memory_space<hbm>>)
      tpu.yield
    }) : () -> ()
    return
  }
}

module attributes {stable_mosaic.version = 14 : i64} {
  func.func @_prep_body(%arg0: memref<3136x256xf32, #tpu.memory_space<vmem>>, %arg1: memref<784x512xf32, #tpu.memory_space<vmem>>, %arg2: memref<200x1024xf32, #tpu.memory_space<vmem>>, %arg3: memref<56x2048xf32, #tpu.memory_space<vmem>>, %arg4: memref<3840x128xf32, #tpu.memory_space<vmem>>, %arg5: memref<4184x128xf32, #tpu.memory_space<vmem>>) attributes {dimension_semantics = [], scalar_prefetch = 0 : i64, scratch_operands = 0 : i64, tpu.core_type = #tpu.core_type<tc>} {
    %get3A = arith.constant 0 : index
    %get3A_0 = arith.constant 0 : index
    %get3A_1 = vector.load %arg0[%get3A, %get3A_0] : memref<3136x256xf32, #tpu.memory_space<vmem>>, vector<3136x256xf32>
    %get3A_2 = arith.constant 0 : index
    %get3A_3 = arith.constant 0 : index
    %get3A_4 = vector.load %arg4[%get3A_2, %get3A_3] : memref<3840x128xf32, #tpu.memory_space<vmem>>, vector<256x128xf32>
    %dot_general3A = arith.constant dense<0.000000e+00> : vector<3136x128xf32>
    %dot_general3A_5 = tpu.matmul %get3A_1, %get3A_4, %dot_general3A {dimension_numbers = #tpu.dot_dimension_numbers<[1], [0], [0], [1], [0, 0, 1, 1], [], []>, transpose_lhs_hint = false} : vector<3136x256xf32>, vector<256x128xf32>, vector<3136x128xf32> -> vector<3136x128xf32>
    %swap3A = arith.constant 0 : index
    %swap3A_6 = arith.constant 0 : index
    %swap3A_7 = vector.load %arg5[%swap3A, %swap3A_6] : memref<4184x128xf32, #tpu.memory_space<vmem>>, vector<3136x128xf32>
    tpu.vector_store %arg5[%swap3A, %swap3A_6], %dot_general3A_5 {strides = array<i32>} : memref<4184x128xf32, #tpu.memory_space<vmem>>, vector<3136x128xf32>,
    %get3A_8 = arith.constant 0 : index
    %get3A_9 = arith.constant 0 : index
    %get3A_10 = vector.load %arg1[%get3A_8, %get3A_9] : memref<784x512xf32, #tpu.memory_space<vmem>>, vector<784x512xf32>
    %get3A_11 = arith.constant 256 : index
    %get3A_12 = arith.constant 0 : index
    %get3A_13 = vector.load %arg4[%get3A_11, %get3A_12] : memref<3840x128xf32, #tpu.memory_space<vmem>>, vector<512x128xf32>
    %dot_general3A_14 = arith.constant dense<0.000000e+00> : vector<784x128xf32>
    %dot_general3A_15 = tpu.matmul %get3A_10, %get3A_13, %dot_general3A_14 {dimension_numbers = #tpu.dot_dimension_numbers<[1], [0], [0], [1], [0, 0, 1, 1], [], []>, transpose_lhs_hint = false} : vector<784x512xf32>, vector<512x128xf32>, vector<784x128xf32> -> vector<784x128xf32>
    %swap3A_16 = arith.constant 3136 : index
    %swap3A_17 = arith.constant 0 : index
    %swap3A_18 = vector.load %arg5[%swap3A_16, %swap3A_17] : memref<4184x128xf32, #tpu.memory_space<vmem>>, vector<784x128xf32>
    tpu.vector_store %arg5[%swap3A_16, %swap3A_17], %dot_general3A_15 {strides = array<i32>} : memref<4184x128xf32, #tpu.memory_space<vmem>>, vector<784x128xf32>,
    %get3A_19 = arith.constant 0 : index
    %get3A_20 = arith.constant 0 : index
    %get3A_21 = vector.load %arg2[%get3A_19, %get3A_20] : memref<200x1024xf32, #tpu.memory_space<vmem>>, vector<200x1024xf32>
    %get3A_22 = arith.constant 768 : index
    %get3A_23 = arith.constant 0 : index
    %get3A_24 = vector.load %arg4[%get3A_22, %get3A_23] : memref<3840x128xf32, #tpu.memory_space<vmem>>, vector<1024x128xf32>
    %dot_general3A_25 = arith.constant dense<0.000000e+00> : vector<200x128xf32>
    %dot_general3A_26 = tpu.matmul %get3A_21, %get3A_24, %dot_general3A_25 {dimension_numbers = #tpu.dot_dimension_numbers<[1], [0], [0], [1], [0, 0, 1, 1], [], []>, transpose_lhs_hint = false} : vector<200x1024xf32>, vector<1024x128xf32>, vector<200x128xf32> -> vector<200x128xf32>
    %swap3A_27 = arith.constant 3920 : index
    %swap3A_28 = arith.constant 0 : index
    %swap3A_29 = vector.load %arg5[%swap3A_27, %swap3A_28] : memref<4184x128xf32, #tpu.memory_space<vmem>>, vector<200x128xf32>
    tpu.vector_store %arg5[%swap3A_27, %swap3A_28], %dot_general3A_26 {strides = array<i32>} : memref<4184x128xf32, #tpu.memory_space<vmem>>, vector<200x128xf32>,
    %get3A_30 = arith.constant 0 : index
    %get3A_31 = arith.constant 0 : index
    %get3A_32 = vector.load %arg3[%get3A_30, %get3A_31] : memref<56x2048xf32, #tpu.memory_space<vmem>>, vector<56x2048xf32>
    %get3A_33 = arith.constant 1792 : index
    %get3A_34 = arith.constant 0 : index
    %get3A_35 = vector.load %arg4[%get3A_33, %get3A_34] : memref<3840x128xf32, #tpu.memory_space<vmem>>, vector<2048x128xf32>
    %dot_general3A_36 = arith.constant dense<0.000000e+00> : vector<56x128xf32>
    %dot_general3A_37 = tpu.matmul %get3A_32, %get3A_35, %dot_general3A_36 {dimension_numbers = #tpu.dot_dimension_numbers<[1], [0], [0], [1], [0, 0, 1, 1], [], []>, transpose_lhs_hint = false} : vector<56x2048xf32>, vector<2048x128xf32>, vector<56x128xf32> -> vector<56x128xf32>
    %swap3A_38 = arith.constant 4120 : index
    %swap3A_39 = arith.constant 0 : index
    %swap3A_40 = vector.load %arg5[%swap3A_38, %swap3A_39] : memref<4184x128xf32, #tpu.memory_space<vmem>>, vector<56x128xf32>
    tpu.vector_store %arg5[%swap3A_38, %swap3A_39], %dot_general3A_37 {strides = array<i32>} : memref<4184x128xf32, #tpu.memory_space<vmem>>, vector<56x128xf32>,
    %broadcast_in_dim3A = arith.constant 0.000000e+00 : f32
    %broadcast_in_dim3A_41 = vector.broadcast %broadcast_in_dim3A : f32 to vector<8x128xf32>
    %swap3A_42 = arith.constant 4176 : index
    %swap3A_43 = arith.constant 0 : index
    %swap3A_44 = vector.load %arg5[%swap3A_42, %swap3A_43] : memref<4184x128xf32, #tpu.memory_space<vmem>>, vector<8x128xf32>
    tpu.vector_store %arg5[%swap3A_42, %swap3A_43], %broadcast_in_dim3A_41 {strides = array<i32>} : memref<4184x128xf32, #tpu.memory_space<vmem>>, vector<8x128xf32>,
    return
  }
}

module attributes {stable_mosaic.version = 14 : i64} {
  func.func @_l0_body(%arg0: i32, %arg1: memref<2048x128xf32, #tpu.memory_space<vmem>>, %arg2: memref<2048x8xf32, #tpu.memory_space<vmem>>, %arg3: memref<2x2048x128xf32, #tpu.memory_space<vmem>>, %arg4: memref<2048x8xf32, #tpu.memory_space<vmem>>, %arg5: memref<2048x8xi32, #tpu.memory_space<vmem>>, %arg6: memref<200x128xf32, #tpu.memory_space<vmem>>, %arg7: memref<56x128xf32, #tpu.memory_space<vmem>>, %arg8: memref<128x128xf32, #tpu.memory_space<vmem>>, %arg9: memref<8x128xf32, #tpu.memory_space<vmem>>, %arg10: memref<128x128xf32, #tpu.memory_space<vmem>>, %arg11: memref<128x128xf32, #tpu.memory_space<vmem>>, %arg12: memref<8x128xf32, #tpu.memory_space<vmem>>, %arg13: memref<128x128xf32, #tpu.memory_space<vmem>>, %arg14: memref<2048x128xf32, #tpu.memory_space<vmem>>, %arg15: memref<2x2048x64xf32, #tpu.memory_space<vmem>>) attributes {dimension_semantics = [#tpu.dimension_semantics<arbitrary>], iteration_bounds = array<i64: 5>, scalar_prefetch = 0 : i64, scratch_operands = 0 : i64, tpu.core_type = #tpu.core_type<tc>, window_params = [{transform_indices = @transform_0, window_bounds = array<i64: 2048, 128>}, {transform_indices = @transform_1, window_bounds = array<i64: 2048, 8>}, {transform_indices = @transform_2, window_bounds = array<i64: 2, 2048, 128>}, {transform_indices = @transform_3, window_bounds = array<i64: 2048, 8>}, {transform_indices = @transform_4, window_bounds = array<i64: 2048, 8>}, {pipeline_mode = #tpu.pipeline_mode<synchronous>, transform_indices = @transform_5, window_bounds = array<i64: 200, 128>}, {pipeline_mode = #tpu.pipeline_mode<synchronous>, transform_indices = @transform_6, window_bounds = array<i64: 56, 128>}, {pipeline_mode = #tpu.pipeline_mode<synchronous>, transform_indices = @transform_7, window_bounds = array<i64: 128, 128>}, {pipeline_mode = #tpu.pipeline_mode<synchronous>, transform_indices = @transform_8, window_bounds = array<i64: 8, 128>}, {pipeline_mode = #tpu.pipeline_mode<synchronous>, transform_indices = @transform_9, window_bounds = array<i64: 128, 128>}, {pipeline_mode = #tpu.pipeline_mode<synchronous>, transform_indices = @transform_10, window_bounds = array<i64: 128, 128>}, {pipeline_mode = #tpu.pipeline_mode<synchronous>, transform_indices = @transform_11, window_bounds = array<i64: 8, 128>}, {pipeline_mode = #tpu.pipeline_mode<synchronous>, transform_indices = @transform_12, window_bounds = array<i64: 128, 128>}, {transform_indices = @transform_13, window_bounds = array<i64: 2048, 128>}, {transform_indices = @transform_14, window_bounds = array<i64: 2, 2048, 64>}]} {
    %get3A = arith.constant 0 : index
    %get3A_0 = arith.constant 0 : index
    %get3A_1 = vector.load %arg1[%get3A, %get3A_0] : memref<2048x128xf32, #tpu.memory_space<vmem>>, vector<2048x128xf32>
    %get3A_2 = arith.constant 0 : index
    %get3A_3 = arith.constant 0 : index
    %get3A_4 = vector.load %arg2[%get3A_2, %get3A_3] : memref<2048x8xf32, #tpu.memory_space<vmem>>, vector<2048x8xf32>
    %get3A_5 = arith.constant 0 : index
    %get3A_6 = arith.constant 0 : index
    %get3A_7 = vector.load %arg4[%get3A_5, %get3A_6] : memref<2048x8xf32, #tpu.memory_space<vmem>>, vector<2048x8xf32>
    %get3A_8 = arith.constant 0 : index
    %get3A_9 = arith.constant 0 : index
    %get3A_10 = vector.load %arg5[%get3A_8, %get3A_9] : memref<2048x8xi32, #tpu.memory_space<vmem>>, vector<2048x8xi32>
    %slice3A = vector.extract_strided_slice %get3A_7 {offsets = [0, 0], sizes = [2048, 1], strides = [1, 1]} : vector<2048x8xf32> to vector<2048x1xf32>
    %get3A_11 = arith.constant 0 : index
    %get3A_12 = arith.constant 0 : index
    %get3A_13 = arith.constant 0 : index
    %get3A_14 = vector.load %arg3[%get3A_11, %get3A_12, %get3A_13] : memref<2x2048x128xf32, #tpu.memory_space<vmem>>, vector<1x2048x128xf32>
    %get3A_15 = vector.shape_cast %get3A_14 : vector<1x2048x128xf32> to vector<2048x128xf32>
    %mul3A = vector.broadcast %slice3A : vector<2048x1xf32> to vector<2048x128xf32>
    %mul3A_16 = arith.mulf %mul3A, %get3A_15 : vector<2048x128xf32>
    %slice3A_17 = vector.extract_strided_slice %get3A_7 {offsets = [0, 1], sizes = [2048, 1], strides = [1, 1]} : vector<2048x8xf32> to vector<2048x1xf32>
    %get3A_18 = arith.constant 1 : index
    %get3A_19 = arith.constant 0 : index
    %get3A_20 = arith.constant 0 : index
    %get3A_21 = vector.load %arg3[%get3A_18, %get3A_19, %get3A_20] : memref<2x2048x128xf32, #tpu.memory_space<vmem>>, vector<1x2048x128xf32>
    %get3A_22 = vector.shape_cast %get3A_21 : vector<1x2048x128xf32> to vector<2048x128xf32>
    %mul3A_23 = vector.broadcast %slice3A_17 : vector<2048x1xf32> to vector<2048x128xf32>
    %mul3A_24 = arith.mulf %mul3A_23, %get3A_22 : vector<2048x128xf32>
    %add3A = arith.addf %mul3A_16, %mul3A_24 : vector<2048x128xf32>
    %iota3A = tpu.iota {dimensions = array<i32: 1>} : vector<2048x200xi32>
    %slice3A_25 = vector.extract_strided_slice %get3A_10 {offsets = [0, 0], sizes = [2048, 1], strides = [1, 1]} : vector<2048x8xi32> to vector<2048x1xi32>
    %eq3A = vector.broadcast %slice3A_25 : vector<2048x1xi32> to vector<2048x200xi32>
    %eq3A_26 = arith.cmpi eq, %iota3A, %eq3A : vector<2048x200xi32>
    %convert_element_type3A = arith.extui %eq3A_26 : vector<2048x200xi1> to vector<2048x200xi32>
    %convert_element_type3A_27 = arith.sitofp %convert_element_type3A : vector<2048x200xi32> to vector<2048x200xf32>
    %iota3A_28 = tpu.iota {dimensions = array<i32: 1>} : vector<2048x56xi32>
    %slice3A_29 = vector.extract_strided_slice %get3A_10 {offsets = [0, 1], sizes = [2048, 1], strides = [1, 1]} : vector<2048x8xi32> to vector<2048x1xi32>
    %eq3A_30 = vector.broadcast %slice3A_29 : vector<2048x1xi32> to vector<2048x56xi32>
    %eq3A_31 = arith.cmpi eq, %iota3A_28, %eq3A_30 : vector<2048x56xi32>
    %convert_element_type3A_32 = arith.extui %eq3A_31 : vector<2048x56xi1> to vector<2048x56xi32>
    %convert_element_type3A_33 = arith.sitofp %convert_element_type3A_32 : vector<2048x56xi32> to vector<2048x56xf32>
    %get3A_34 = arith.constant 0 : index
    %get3A_35 = arith.constant 0 : index
    %get3A_36 = vector.load %arg6[%get3A_34, %get3A_35] : memref<200x128xf32, #tpu.memory_space<vmem>>, vector<200x128xf32>
    %dot_general3A = arith.constant dense<0.000000e+00> : vector<2048x128xf32>
    %dot_general3A_37 = tpu.matmul %convert_element_type3A_27, %get3A_36, %dot_general3A {dimension_numbers = #tpu.dot_dimension_numbers<[1], [0], [0], [1], [0, 0, 1, 1], [], []>, transpose_lhs_hint = false} : vector<2048x200xf32>, vector<200x128xf32>, vector<2048x128xf32> -> vector<2048x128xf32>
    %add3A_38 = arith.addf %add3A, %dot_general3A_37 : vector<2048x128xf32>
    %get3A_39 = arith.constant 0 : index
    %get3A_40 = arith.constant 0 : index
    %get3A_41 = vector.load %arg7[%get3A_39, %get3A_40] : memref<56x128xf32, #tpu.memory_space<vmem>>, vector<56x128xf32>
    %dot_general3A_42 = arith.constant dense<0.000000e+00> : vector<2048x128xf32>
    %dot_general3A_43 = tpu.matmul %convert_element_type3A_33, %get3A_41, %dot_general3A_42 {dimension_numbers = #tpu.dot_dimension_numbers<[1], [0], [0], [1], [0, 0, 1, 1], [], []>, transpose_lhs_hint = false} : vector<2048x56xf32>, vector<56x128xf32>, vector<2048x128xf32> -> vector<2048x128xf32>
    %add3A_44 = arith.addf %add3A_38, %dot_general3A_43 : vector<2048x128xf32>
    %get3A_45 = arith.constant 0 : index
    %get3A_46 = arith.constant 0 : index
    %get3A_47 = vector.load %arg8[%get3A_45, %get3A_46] : memref<128x128xf32, #tpu.memory_space<vmem>>, vector<128x128xf32>
    %dot_general3A_48 = arith.constant dense<0.000000e+00> : vector<2048x128xf32>
    %dot_general3A_49 = tpu.matmul %get3A_1, %get3A_47, %dot_general3A_48 {dimension_numbers = #tpu.dot_dimension_numbers<[1], [0], [0], [1], [0, 0, 1, 1], [], []>, transpose_lhs_hint = false} : vector<2048x128xf32>, vector<128x128xf32>, vector<2048x128xf32> -> vector<2048x128xf32>
    %get3A_50 = arith.constant 0 : index
    %get3A_51 = arith.constant 0 : index
    %get3A_52 = vector.load %arg9[%get3A_50, %get3A_51] : memref<8x128xf32, #tpu.memory_space<vmem>>, vector<8x128xf32>
    %dot_general3A_53 = arith.constant dense<0.000000e+00> : vector<2048x128xf32>
    %dot_general3A_54 = tpu.matmul %get3A_4, %get3A_52, %dot_general3A_53 {dimension_numbers = #tpu.dot_dimension_numbers<[1], [0], [0], [1], [0, 0, 1, 1], [], []>, transpose_lhs_hint = false} : vector<2048x8xf32>, vector<8x128xf32>, vector<2048x128xf32> -> vector<2048x128xf32>
    %add3A_55 = arith.addf %dot_general3A_49, %dot_general3A_54 : vector<2048x128xf32>
    %get3A_56 = arith.constant 0 : index
    %get3A_57 = arith.constant 0 : index
    %get3A_58 = vector.load %arg10[%get3A_56, %get3A_57] : memref<128x128xf32, #tpu.memory_space<vmem>>, vector<128x128xf32>
    %dot_general3A_59 = arith.constant dense<0.000000e+00> : vector<2048x128xf32>
    %dot_general3A_60 = tpu.matmul %add3A_44, %get3A_58, %dot_general3A_59 {dimension_numbers = #tpu.dot_dimension_numbers<[1], [0], [0], [1], [0, 0, 1, 1], [], []>, transpose_lhs_hint = false} : vector<2048x128xf32>, vector<128x128xf32>, vector<2048x128xf32> -> vector<2048x128xf32>
    %add3A_61 = arith.addf %add3A_55, %dot_general3A_60 : vector<2048x128xf32>
    %swap3A = arith.constant 0 : index
    %swap3A_62 = arith.constant 0 : index
    %swap3A_63 = vector.load %arg14[%swap3A, %swap3A_62] : memref<2048x128xf32, #tpu.memory_space<vmem>>, vector<2048x128xf32>
    tpu.vector_store %arg14[%swap3A, %swap3A_62], %add3A_61 {strides = array<i32>} : memref<2048x128xf32, #tpu.memory_space<vmem>>, vector<2048x128xf32>,
    %get3A_64 = arith.constant 0 : index
    %get3A_65 = arith.constant 0 : index
    %get3A_66 = vector.load %arg11[%get3A_64, %get3A_65] : memref<128x128xf32, #tpu.memory_space<vmem>>, vector<128x128xf32>
    %dot_general3A_67 = arith.constant dense<0.000000e+00> : vector<2048x128xf32>
    %dot_general3A_68 = tpu.matmul %get3A_1, %get3A_66, %dot_general3A_67 {dimension_numbers = #tpu.dot_dimension_numbers<[1], [0], [0], [1], [0, 0, 1, 1], [], []>, transpose_lhs_hint = false} : vector<2048x128xf32>, vector<128x128xf32>, vector<2048x128xf32> -> vector<2048x128xf32>
    %get3A_69 = arith.constant 0 : index
    %get3A_70 = arith.constant 0 : index
    %get3A_71 = vector.load %arg12[%get3A_69, %get3A_70] : memref<8x128xf32, #tpu.memory_space<vmem>>, vector<8x128xf32>
    %dot_general3A_72 = arith.constant dense<0.000000e+00> : vector<2048x128xf32>
    %dot_general3A_73 = tpu.matmul %get3A_4, %get3A_71, %dot_general3A_72 {dimension_numbers = #tpu.dot_dimension_numbers<[1], [0], [0], [1], [0, 0, 1, 1], [], []>, transpose_lhs_hint = false} : vector<2048x8xf32>, vector<8x128xf32>, vector<2048x128xf32> -> vector<2048x128xf32>
    %add3A_74 = arith.addf %dot_general3A_68, %dot_general3A_73 : vector<2048x128xf32>
    %get3A_75 = arith.constant 0 : index
    %get3A_76 = arith.constant 0 : index
    %get3A_77 = vector.load %arg13[%get3A_75, %get3A_76] : memref<128x128xf32, #tpu.memory_space<vmem>>, vector<128x128xf32>
    %dot_general3A_78 = arith.constant dense<0.000000e+00> : vector<2048x128xf32>
    %dot_general3A_79 = tpu.matmul %add3A_44, %get3A_77, %dot_general3A_78 {dimension_numbers = #tpu.dot_dimension_numbers<[1], [0], [0], [1], [0, 0, 1, 1], [], []>, transpose_lhs_hint = false} : vector<2048x128xf32>, vector<128x128xf32>, vector<2048x128xf32> -> vector<2048x128xf32>
    %add3A_80 = arith.addf %add3A_74, %dot_general3A_79 : vector<2048x128xf32>
    %slice3A_81 = vector.extract_strided_slice %add3A_80 {offsets = [0, 0], sizes = [2048, 64], strides = [1, 1]} : vector<2048x128xf32> to vector<2048x64xf32>
    %swap3A_82 = arith.constant 0 : index
    %swap3A_83 = arith.constant 0 : index
    %swap3A_84 = arith.constant 0 : index
    %swap3A_85 = vector.load %arg15[%swap3A_82, %swap3A_83, %swap3A_84] : memref<2x2048x64xf32, #tpu.memory_space<vmem>>, vector<1x2048x64xf32>
    %swap3A_86 = vector.shape_cast %swap3A_85 : vector<1x2048x64xf32> to vector<2048x64xf32>
    %swap3A_87 = vector.shape_cast %slice3A_81 : vector<2048x64xf32> to vector<1x2048x64xf32>
    tpu.vector_store %arg15[%swap3A_82, %swap3A_83, %swap3A_84], %swap3A_87 {strides = array<i32>} : memref<2x2048x64xf32, #tpu.memory_space<vmem>>, vector<1x2048x64xf32>,
    %slice3A_88 = vector.extract_strided_slice %add3A_80 {offsets = [0, 64], sizes = [2048, 64], strides = [1, 1]} : vector<2048x128xf32> to vector<2048x64xf32>
    %swap3A_89 = arith.constant 1 : index
    %swap3A_90 = arith.constant 0 : index
    %swap3A_91 = arith.constant 0 : index
    %swap3A_92 = vector.load %arg15[%swap3A_89, %swap3A_90, %swap3A_91] : memref<2x2048x64xf32, #tpu.memory_space<vmem>>, vector<1x2048x64xf32>
    %swap3A_93 = vector.shape_cast %swap3A_92 : vector<1x2048x64xf32> to vector<2048x64xf32>
    %swap3A_94 = vector.shape_cast %slice3A_88 : vector<2048x64xf32> to vector<1x2048x64xf32>
    tpu.vector_store %arg15[%swap3A_89, %swap3A_90, %swap3A_91], %swap3A_94 {strides = array<i32>} : memref<2x2048x64xf32, #tpu.memory_space<vmem>>, vector<1x2048x64xf32>,
    return
  }
  func.func @transform_0(%arg0: i32) -> (i32, i32) {
    %c0_i32 = arith.constant 0 : i32
    %c0_i32_0 = arith.constant 0 : i32
    return %arg0, %c0_i32 : i32, i32
  }
  func.func @transform_1(%arg0: i32) -> (i32, i32) {
    %c0_i32 = arith.constant 0 : i32
    %c0_i32_0 = arith.constant 0 : i32
    return %arg0, %c0_i32 : i32, i32
  }
  func.func @transform_2(%arg0: i32) -> (i32, i32, i32) {
    %c0_i32 = arith.constant 0 : i32
    %c0_i32_0 = arith.constant 0 : i32
    %c0_i32_1 = arith.constant 0 : i32
    return %c0_i32, %arg0, %c0_i32_0 : i32, i32, i32
  }
  func.func @transform_3(%arg0: i32) -> (i32, i32) {
    %c0_i32 = arith.constant 0 : i32
    %c0_i32_0 = arith.constant 0 : i32
    return %arg0, %c0_i32 : i32, i32
  }
  func.func @transform_4(%arg0: i32) -> (i32, i32) {
    %c0_i32 = arith.constant 0 : i32
    %c0_i32_0 = arith.constant 0 : i32
    return %arg0, %c0_i32 : i32, i32
  }
  func.func @transform_5(%arg0: i32) -> (i32, i32) {
    %c0_i32 = arith.constant 0 : i32
    %c0_i32_0 = arith.constant 0 : i32
    %c0_i32_1 = arith.constant 0 : i32
    return %c0_i32, %c0_i32_0 : i32, i32
  }
  func.func @transform_6(%arg0: i32) -> (i32, i32) {
    %c0_i32 = arith.constant 0 : i32
    %c0_i32_0 = arith.constant 0 : i32
    %c0_i32_1 = arith.constant 0 : i32
    return %c0_i32, %c0_i32_0 : i32, i32
  }
  func.func @transform_7(%arg0: i32) -> (i32, i32) {
    %c0_i32 = arith.constant 0 : i32
    %c0_i32_0 = arith.constant 0 : i32
    %c0_i32_1 = arith.constant 0 : i32
    return %c0_i32, %c0_i32_0 : i32, i32
  }
  func.func @transform_8(%arg0: i32) -> (i32, i32) {
    %c0_i32 = arith.constant 0 : i32
    %c0_i32_0 = arith.constant 0 : i32
    %c0_i32_1 = arith.constant 0 : i32
    return %c0_i32, %c0_i32_0 : i32, i32
  }
  func.func @transform_9(%arg0: i32) -> (i32, i32) {
    %c0_i32 = arith.constant 0 : i32
    %c0_i32_0 = arith.constant 0 : i32
    %c0_i32_1 = arith.constant 0 : i32
    return %c0_i32, %c0_i32_0 : i32, i32
  }
  func.func @transform_10(%arg0: i32) -> (i32, i32) {
    %c0_i32 = arith.constant 0 : i32
    %c0_i32_0 = arith.constant 0 : i32
    %c0_i32_1 = arith.constant 0 : i32
    return %c0_i32, %c0_i32_0 : i32, i32
  }
  func.func @transform_11(%arg0: i32) -> (i32, i32) {
    %c0_i32 = arith.constant 0 : i32
    %c0_i32_0 = arith.constant 0 : i32
    %c0_i32_1 = arith.constant 0 : i32
    return %c0_i32, %c0_i32_0 : i32, i32
  }
  func.func @transform_12(%arg0: i32) -> (i32, i32) {
    %c0_i32 = arith.constant 0 : i32
    %c0_i32_0 = arith.constant 0 : i32
    %c0_i32_1 = arith.constant 0 : i32
    return %c0_i32, %c0_i32_0 : i32, i32
  }
  func.func @transform_13(%arg0: i32) -> (i32, i32) {
    %c0_i32 = arith.constant 0 : i32
    %c0_i32_0 = arith.constant 0 : i32
    return %arg0, %c0_i32 : i32, i32
  }
  func.func @transform_14(%arg0: i32) -> (i32, i32, i32) {
    %c0_i32 = arith.constant 0 : i32
    %c0_i32_0 = arith.constant 0 : i32
    %c0_i32_1 = arith.constant 0 : i32
    return %c0_i32, %arg0, %c0_i32_0 : i32, i32, i32
  }
}

module attributes {stable_mosaic.version = 14 : i64} {
  func.func @_lk_body(%arg0: i32, %arg1: memref<2048x128xf32, #tpu.memory_space<vmem>>, %arg2: memref<2048x64xf32, #tpu.memory_space<vmem>>, %arg3: memref<2048x64xf32, #tpu.memory_space<vmem>>, %arg4: memref<2048x8xf32, #tpu.memory_space<vmem>>, %arg5: memref<128x128xf32, #tpu.memory_space<vmem>>, %arg6: memref<8x128xf32, #tpu.memory_space<vmem>>, %arg7: memref<128x128xf32, #tpu.memory_space<vmem>>, %arg8: memref<8x128xf32, #tpu.memory_space<vmem>>, %arg9: memref<2048x128xf32, #tpu.memory_space<vmem>>, %arg10: memref<2x2048x64xf32, #tpu.memory_space<vmem>>) attributes {dimension_semantics = [#tpu.dimension_semantics<arbitrary>], iteration_bounds = array<i64: 5>, scalar_prefetch = 0 : i64, scratch_operands = 0 : i64, tpu.core_type = #tpu.core_type<tc>, window_params = [{transform_indices = @transform_0, window_bounds = array<i64: 2048, 128>}, {transform_indices = @transform_1, window_bounds = array<i64: 2048, 64>}, {transform_indices = @transform_2, window_bounds = array<i64: 2048, 64>}, {transform_indices = @transform_3, window_bounds = array<i64: 2048, 8>}, {pipeline_mode = #tpu.pipeline_mode<synchronous>, transform_indices = @transform_4, window_bounds = array<i64: 128, 128>}, {pipeline_mode = #tpu.pipeline_mode<synchronous>, transform_indices = @transform_5, window_bounds = array<i64: 8, 128>}, {pipeline_mode = #tpu.pipeline_mode<synchronous>, transform_indices = @transform_6, window_bounds = array<i64: 128, 128>}, {pipeline_mode = #tpu.pipeline_mode<synchronous>, transform_indices = @transform_7, window_bounds = array<i64: 8, 128>}, {transform_indices = @transform_8, window_bounds = array<i64: 2048, 128>}, {transform_indices = @transform_9, window_bounds = array<i64: 2, 2048, 64>}]} {
    %get3A = arith.constant 0 : index
    %get3A_0 = arith.constant 0 : index
    %get3A_1 = vector.load %arg1[%get3A, %get3A_0] : memref<2048x128xf32, #tpu.memory_space<vmem>>, vector<2048x128xf32>
    %slice3A = vector.extract_strided_slice %get3A_1 {offsets = [0, 0], sizes = [2048, 64], strides = [1, 1]} : vector<2048x128xf32> to vector<2048x64xf32>
    %get3A_2 = arith.constant 0 : index
    %get3A_3 = arith.constant 0 : index
    %get3A_4 = vector.load %arg2[%get3A_2, %get3A_3] : memref<2048x64xf32, #tpu.memory_space<vmem>>, vector<2048x64xf32>
    %add3A = arith.addf %slice3A, %get3A_4 : vector<2048x64xf32>
    %max3A = arith.constant 0.000000e+00 : f32
    %max3A_5 = vector.broadcast %max3A : f32 to vector<2048x64xf32>
    %max3A_6 = arith.maximumf %add3A, %max3A_5 : vector<2048x64xf32>
    %slice3A_7 = vector.extract_strided_slice %get3A_1 {offsets = [0, 64], sizes = [2048, 64], strides = [1, 1]} : vector<2048x128xf32> to vector<2048x64xf32>
    %get3A_8 = arith.constant 0 : index
    %get3A_9 = arith.constant 0 : index
    %get3A_10 = vector.load %arg3[%get3A_8, %get3A_9] : memref<2048x64xf32, #tpu.memory_space<vmem>>, vector<2048x64xf32>
    %add3A_11 = arith.addf %slice3A_7, %get3A_10 : vector<2048x64xf32>
    %max3A_12 = arith.constant 0.000000e+00 : f32
    %max3A_13 = vector.broadcast %max3A_12 : f32 to vector<2048x64xf32>
    %max3A_14 = arith.maximumf %add3A_11, %max3A_13 : vector<2048x64xf32>
    %get3A_15 = arith.constant 0 : index
    %get3A_16 = arith.constant 0 : index
    %get3A_17 = vector.load %arg4[%get3A_15, %get3A_16] : memref<2048x8xf32, #tpu.memory_space<vmem>>, vector<2048x8xf32>
    %get3A_18 = arith.constant 0 : index
    %get3A_19 = arith.constant 0 : index
    %get3A_20 = vector.load %arg5[%get3A_18, %get3A_19] : memref<128x128xf32, #tpu.memory_space<vmem>>, vector<64x128xf32>
    %dot_general3A = arith.constant dense<0.000000e+00> : vector<2048x128xf32>
    %dot_general3A_21 = tpu.matmul %max3A_6, %get3A_20, %dot_general3A {dimension_numbers = #tpu.dot_dimension_numbers<[1], [0], [0], [1], [0, 0, 1, 1], [], []>, transpose_lhs_hint = false} : vector<2048x64xf32>, vector<64x128xf32>, vector<2048x128xf32> -> vector<2048x128xf32>
    %get3A_22 = arith.constant 64 : index
    %get3A_23 = arith.constant 0 : index
    %get3A_24 = vector.load %arg5[%get3A_22, %get3A_23] : memref<128x128xf32, #tpu.memory_space<vmem>>, vector<64x128xf32>
    %dot_general3A_25 = arith.constant dense<0.000000e+00> : vector<2048x128xf32>
    %dot_general3A_26 = tpu.matmul %max3A_14, %get3A_24, %dot_general3A_25 {dimension_numbers = #tpu.dot_dimension_numbers<[1], [0], [0], [1], [0, 0, 1, 1], [], []>, transpose_lhs_hint = false} : vector<2048x64xf32>, vector<64x128xf32>, vector<2048x128xf32> -> vector<2048x128xf32>
    %add3A_27 = arith.addf %dot_general3A_21, %dot_general3A_26 : vector<2048x128xf32>
    %get3A_28 = arith.constant 0 : index
    %get3A_29 = arith.constant 0 : index
    %get3A_30 = vector.load %arg6[%get3A_28, %get3A_29] : memref<8x128xf32, #tpu.memory_space<vmem>>, vector<8x128xf32>
    %dot_general3A_31 = arith.constant dense<0.000000e+00> : vector<2048x128xf32>
    %dot_general3A_32 = tpu.matmul %get3A_17, %get3A_30, %dot_general3A_31 {dimension_numbers = #tpu.dot_dimension_numbers<[1], [0], [0], [1], [0, 0, 1, 1], [], []>, transpose_lhs_hint = false} : vector<2048x8xf32>, vector<8x128xf32>, vector<2048x128xf32> -> vector<2048x128xf32>
    %add3A_33 = arith.addf %add3A_27, %dot_general3A_32 : vector<2048x128xf32>
    %swap3A = arith.constant 0 : index
    %swap3A_34 = arith.constant 0 : index
    %swap3A_35 = vector.load %arg9[%swap3A, %swap3A_34] : memref<2048x128xf32, #tpu.memory_space<vmem>>, vector<2048x128xf32>
    tpu.vector_store %arg9[%swap3A, %swap3A_34], %add3A_33 {strides = array<i32>} : memref<2048x128xf32, #tpu.memory_space<vmem>>, vector<2048x128xf32>,
    %get3A_36 = arith.constant 0 : index
    %get3A_37 = arith.constant 0 : index
    %get3A_38 = vector.load %arg7[%get3A_36, %get3A_37] : memref<128x128xf32, #tpu.memory_space<vmem>>, vector<64x128xf32>
    %dot_general3A_39 = arith.constant dense<0.000000e+00> : vector<2048x128xf32>
    %dot_general3A_40 = tpu.matmul %max3A_6, %get3A_38, %dot_general3A_39 {dimension_numbers = #tpu.dot_dimension_numbers<[1], [0], [0], [1], [0, 0, 1, 1], [], []>, transpose_lhs_hint = false} : vector<2048x64xf32>, vector<64x128xf32>, vector<2048x128xf32> -> vector<2048x128xf32>
    %get3A_41 = arith.constant 64 : index
    %get3A_42 = arith.constant 0 : index
    %get3A_43 = vector.load %arg7[%get3A_41, %get3A_42] : memref<128x128xf32, #tpu.memory_space<vmem>>, vector<64x128xf32>
    %dot_general3A_44 = arith.constant dense<0.000000e+00> : vector<2048x128xf32>
    %dot_general3A_45 = tpu.matmul %max3A_14, %get3A_43, %dot_general3A_44 {dimension_numbers = #tpu.dot_dimension_numbers<[1], [0], [0], [1], [0, 0, 1, 1], [], []>, transpose_lhs_hint = false} : vector<2048x64xf32>, vector<64x128xf32>, vector<2048x128xf32> -> vector<2048x128xf32>
    %add3A_46 = arith.addf %dot_general3A_40, %dot_general3A_45 : vector<2048x128xf32>
    %get3A_47 = arith.constant 0 : index
    %get3A_48 = arith.constant 0 : index
    %get3A_49 = vector.load %arg8[%get3A_47, %get3A_48] : memref<8x128xf32, #tpu.memory_space<vmem>>, vector<8x128xf32>
    %dot_general3A_50 = arith.constant dense<0.000000e+00> : vector<2048x128xf32>
    %dot_general3A_51 = tpu.matmul %get3A_17, %get3A_49, %dot_general3A_50 {dimension_numbers = #tpu.dot_dimension_numbers<[1], [0], [0], [1], [0, 0, 1, 1], [], []>, transpose_lhs_hint = false} : vector<2048x8xf32>, vector<8x128xf32>, vector<2048x128xf32> -> vector<2048x128xf32>
    %add3A_52 = arith.addf %add3A_46, %dot_general3A_51 : vector<2048x128xf32>
    %slice3A_53 = vector.extract_strided_slice %add3A_52 {offsets = [0, 0], sizes = [2048, 64], strides = [1, 1]} : vector<2048x128xf32> to vector<2048x64xf32>
    %swap3A_54 = arith.constant 0 : index
    %swap3A_55 = arith.constant 0 : index
    %swap3A_56 = arith.constant 0 : index
    %swap3A_57 = vector.load %arg10[%swap3A_54, %swap3A_55, %swap3A_56] : memref<2x2048x64xf32, #tpu.memory_space<vmem>>, vector<1x2048x64xf32>
    %swap3A_58 = vector.shape_cast %swap3A_57 : vector<1x2048x64xf32> to vector<2048x64xf32>
    %swap3A_59 = vector.shape_cast %slice3A_53 : vector<2048x64xf32> to vector<1x2048x64xf32>
    tpu.vector_store %arg10[%swap3A_54, %swap3A_55, %swap3A_56], %swap3A_59 {strides = array<i32>} : memref<2x2048x64xf32, #tpu.memory_space<vmem>>, vector<1x2048x64xf32>,
    %slice3A_60 = vector.extract_strided_slice %add3A_52 {offsets = [0, 64], sizes = [2048, 64], strides = [1, 1]} : vector<2048x128xf32> to vector<2048x64xf32>
    %swap3A_61 = arith.constant 1 : index
    %swap3A_62 = arith.constant 0 : index
    %swap3A_63 = arith.constant 0 : index
    %swap3A_64 = vector.load %arg10[%swap3A_61, %swap3A_62, %swap3A_63] : memref<2x2048x64xf32, #tpu.memory_space<vmem>>, vector<1x2048x64xf32>
    %swap3A_65 = vector.shape_cast %swap3A_64 : vector<1x2048x64xf32> to vector<2048x64xf32>
    %swap3A_66 = vector.shape_cast %slice3A_60 : vector<2048x64xf32> to vector<1x2048x64xf32>
    tpu.vector_store %arg10[%swap3A_61, %swap3A_62, %swap3A_63], %swap3A_66 {strides = array<i32>} : memref<2x2048x64xf32, #tpu.memory_space<vmem>>, vector<1x2048x64xf32>,
    return
  }
  func.func @transform_0(%arg0: i32) -> (i32, i32) {
    %c0_i32 = arith.constant 0 : i32
    %c0_i32_0 = arith.constant 0 : i32
    return %arg0, %c0_i32 : i32, i32
  }
  func.func @transform_1(%arg0: i32) -> (i32, i32) {
    %c0_i32 = arith.constant 0 : i32
    %c0_i32_0 = arith.constant 0 : i32
    return %arg0, %c0_i32 : i32, i32
  }
  func.func @transform_2(%arg0: i32) -> (i32, i32) {
    %add3A = arith.constant 5 : i32
    %add3A_0 = arith.addi %arg0, %add3A : i32
    %c0_i32 = arith.constant 0 : i32
    %c0_i32_1 = arith.constant 0 : i32
    return %add3A_0, %c0_i32 : i32, i32
  }
  func.func @transform_3(%arg0: i32) -> (i32, i32) {
    %c0_i32 = arith.constant 0 : i32
    %c0_i32_0 = arith.constant 0 : i32
    return %arg0, %c0_i32 : i32, i32
  }
  func.func @transform_4(%arg0: i32) -> (i32, i32) {
    %c0_i32 = arith.constant 0 : i32
    %c0_i32_0 = arith.constant 0 : i32
    %c0_i32_1 = arith.constant 0 : i32
    return %c0_i32, %c0_i32_0 : i32, i32
  }
  func.func @transform_5(%arg0: i32) -> (i32, i32) {
    %c0_i32 = arith.constant 0 : i32
    %c0_i32_0 = arith.constant 0 : i32
    %c0_i32_1 = arith.constant 0 : i32
    return %c0_i32, %c0_i32_0 : i32, i32
  }
  func.func @transform_6(%arg0: i32) -> (i32, i32) {
    %c0_i32 = arith.constant 0 : i32
    %c0_i32_0 = arith.constant 0 : i32
    %c0_i32_1 = arith.constant 0 : i32
    return %c0_i32, %c0_i32_0 : i32, i32
  }
  func.func @transform_7(%arg0: i32) -> (i32, i32) {
    %c0_i32 = arith.constant 0 : i32
    %c0_i32_0 = arith.constant 0 : i32
    %c0_i32_1 = arith.constant 0 : i32
    return %c0_i32, %c0_i32_0 : i32, i32
  }
  func.func @transform_8(%arg0: i32) -> (i32, i32) {
    %c0_i32 = arith.constant 0 : i32
    %c0_i32_0 = arith.constant 0 : i32
    return %arg0, %c0_i32 : i32, i32
  }
  func.func @transform_9(%arg0: i32) -> (i32, i32, i32) {
    %c0_i32 = arith.constant 0 : i32
    %c0_i32_0 = arith.constant 0 : i32
    %c0_i32_1 = arith.constant 0 : i32
    return %c0_i32, %arg0, %c0_i32_0 : i32, i32, i32
  }
}

module attributes {stable_mosaic.version = 14 : i64} {
  func.func @_fin_body(%arg0: i32, %arg1: memref<2048x128xf32, #tpu.memory_space<vmem>>, %arg2: memref<2048x64xf32, #tpu.memory_space<vmem>>, %arg3: memref<2048x64xf32, #tpu.memory_space<vmem>>, %arg4: memref<2048x8xf32, #tpu.memory_space<vmem>>, %arg5: memref<128x8xf32, #tpu.memory_space<vmem>>, %arg6: memref<2048x128xf32, #tpu.memory_space<vmem>>, %arg7: memref<2048x8xf32, #tpu.memory_space<vmem>>) attributes {dimension_semantics = [#tpu.dimension_semantics<arbitrary>], iteration_bounds = array<i64: 5>, scalar_prefetch = 0 : i64, scratch_operands = 0 : i64, tpu.core_type = #tpu.core_type<tc>, window_params = [{transform_indices = @transform_0, window_bounds = array<i64: 2048, 128>}, {transform_indices = @transform_1, window_bounds = array<i64: 2048, 64>}, {transform_indices = @transform_2, window_bounds = array<i64: 2048, 64>}, {transform_indices = @transform_3, window_bounds = array<i64: 2048, 8>}, {pipeline_mode = #tpu.pipeline_mode<synchronous>, transform_indices = @transform_4, window_bounds = array<i64: 128, 8>}, {transform_indices = @transform_5, window_bounds = array<i64: 2048, 128>}, {transform_indices = @transform_6, window_bounds = array<i64: 2048, 8>}]} {
    %get3A = arith.constant 0 : index
    %get3A_0 = arith.constant 0 : index
    %get3A_1 = vector.load %arg1[%get3A, %get3A_0] : memref<2048x128xf32, #tpu.memory_space<vmem>>, vector<2048x128xf32>
    %slice3A = vector.extract_strided_slice %get3A_1 {offsets = [0, 0], sizes = [2048, 64], strides = [1, 1]} : vector<2048x128xf32> to vector<2048x64xf32>
    %get3A_2 = arith.constant 0 : index
    %get3A_3 = arith.constant 0 : index
    %get3A_4 = vector.load %arg2[%get3A_2, %get3A_3] : memref<2048x64xf32, #tpu.memory_space<vmem>>, vector<2048x64xf32>
    %add3A = arith.addf %slice3A, %get3A_4 : vector<2048x64xf32>
    %max3A = arith.constant 0.000000e+00 : f32
    %max3A_5 = vector.broadcast %max3A : f32 to vector<2048x64xf32>
    %max3A_6 = arith.maximumf %add3A, %max3A_5 : vector<2048x64xf32>
    %slice3A_7 = vector.extract_strided_slice %get3A_1 {offsets = [0, 64], sizes = [2048, 64], strides = [1, 1]} : vector<2048x128xf32> to vector<2048x64xf32>
    %get3A_8 = arith.constant 0 : index
    %get3A_9 = arith.constant 0 : index
    %get3A_10 = vector.load %arg3[%get3A_8, %get3A_9] : memref<2048x64xf32, #tpu.memory_space<vmem>>, vector<2048x64xf32>
    %add3A_11 = arith.addf %slice3A_7, %get3A_10 : vector<2048x64xf32>
    %max3A_12 = arith.constant 0.000000e+00 : f32
    %max3A_13 = vector.broadcast %max3A_12 : f32 to vector<2048x64xf32>
    %max3A_14 = arith.maximumf %add3A_11, %max3A_13 : vector<2048x64xf32>
    %swap3A = arith.constant 0 : index
    %swap3A_15 = arith.constant 0 : index
    %swap3A_16 = vector.load %arg6[%swap3A, %swap3A_15] : memref<2048x128xf32, #tpu.memory_space<vmem>>, vector<2048x64xf32>
    tpu.vector_store %arg6[%swap3A, %swap3A_15], %max3A_6 {strides = array<i32>} : memref<2048x128xf32, #tpu.memory_space<vmem>>, vector<2048x64xf32>,
    %swap3A_17 = arith.constant 0 : index
    %swap3A_18 = arith.constant 64 : index
    %swap3A_19 = vector.load %arg6[%swap3A_17, %swap3A_18] : memref<2048x128xf32, #tpu.memory_space<vmem>>, vector<2048x64xf32>
    tpu.vector_store %arg6[%swap3A_17, %swap3A_18], %max3A_14 {strides = array<i32>} : memref<2048x128xf32, #tpu.memory_space<vmem>>, vector<2048x64xf32>,
    %get3A_20 = arith.constant 0 : index
    %get3A_21 = arith.constant 0 : index
    %get3A_22 = vector.load %arg4[%get3A_20, %get3A_21] : memref<2048x8xf32, #tpu.memory_space<vmem>>, vector<2048x8xf32>
    %get3A_23 = arith.constant 0 : index
    %get3A_24 = arith.constant 0 : index
    %get3A_25 = vector.load %arg5[%get3A_23, %get3A_24] : memref<128x8xf32, #tpu.memory_space<vmem>>, vector<64x8xf32>
    %dot_general3A = arith.constant dense<0.000000e+00> : vector<2048x8xf32>
    %dot_general3A_26 = tpu.matmul %max3A_6, %get3A_25, %dot_general3A {dimension_numbers = #tpu.dot_dimension_numbers<[1], [0], [0], [1], [0, 0, 1, 1], [], []>, transpose_lhs_hint = false} : vector<2048x64xf32>, vector<64x8xf32>, vector<2048x8xf32> -> vector<2048x8xf32>
    %get3A_27 = arith.constant 64 : index
    %get3A_28 = arith.constant 0 : index
    %get3A_29 = vector.load %arg5[%get3A_27, %get3A_28] : memref<128x8xf32, #tpu.memory_space<vmem>>, vector<64x8xf32>
    %dot_general3A_30 = arith.constant dense<0.000000e+00> : vector<2048x8xf32>
    %dot_general3A_31 = tpu.matmul %max3A_14, %get3A_29, %dot_general3A_30 {dimension_numbers = #tpu.dot_dimension_numbers<[1], [0], [0], [1], [0, 0, 1, 1], [], []>, transpose_lhs_hint = false} : vector<2048x64xf32>, vector<64x8xf32>, vector<2048x8xf32> -> vector<2048x8xf32>
    %add3A_32 = arith.addf %dot_general3A_26, %dot_general3A_31 : vector<2048x8xf32>
    %tanh3A = math.tanh %add3A_32 : vector<2048x8xf32>
    %add3A_33 = arith.addf %get3A_22, %tanh3A : vector<2048x8xf32>
    %swap3A_34 = arith.constant 0 : index
    %swap3A_35 = arith.constant 0 : index
    %swap3A_36 = vector.load %arg7[%swap3A_34, %swap3A_35] : memref<2048x8xf32, #tpu.memory_space<vmem>>, vector<2048x8xf32>
    tpu.vector_store %arg7[%swap3A_34, %swap3A_35], %add3A_33 {strides = array<i32>} : memref<2048x8xf32, #tpu.memory_space<vmem>>, vector<2048x8xf32>,
    return
  }
  func.func @transform_0(%arg0: i32) -> (i32, i32) {
    %c0_i32 = arith.constant 0 : i32
    %c0_i32_0 = arith.constant 0 : i32
    return %arg0, %c0_i32 : i32, i32
  }
  func.func @transform_1(%arg0: i32) -> (i32, i32) {
    %c0_i32 = arith.constant 0 : i32
    %c0_i32_0 = arith.constant 0 : i32
    return %arg0, %c0_i32 : i32, i32
  }
  func.func @transform_2(%arg0: i32) -> (i32, i32) {
    %add3A = arith.constant 5 : i32
    %add3A_0 = arith.addi %arg0, %add3A : i32
    %c0_i32 = arith.constant 0 : i32
    %c0_i32_1 = arith.constant 0 : i32
    return %add3A_0, %c0_i32 : i32, i32
  }
  func.func @transform_3(%arg0: i32) -> (i32, i32) {
    %c0_i32 = arith.constant 0 : i32
    %c0_i32_0 = arith.constant 0 : i32
    return %arg0, %c0_i32 : i32, i32
  }
  func.func @transform_4(%arg0: i32) -> (i32, i32) {
    %c0_i32 = arith.constant 0 : i32
    %c0_i32_0 = arith.constant 0 : i32
    %c0_i32_1 = arith.constant 0 : i32
    return %c0_i32, %c0_i32_0 : i32, i32
  }
  func.func @transform_5(%arg0: i32) -> (i32, i32) {
    %c0_i32 = arith.constant 0 : i32
    %c0_i32_0 = arith.constant 0 : i32
    return %arg0, %c0_i32 : i32, i32
  }
  func.func @transform_6(%arg0: i32) -> (i32, i32) {
    %c0_i32 = arith.constant 0 : i32
    %c0_i32_0 = arith.constant 0 : i32
    return %arg0, %c0_i32 : i32, i32
  }
}

</mosaic_0001>

<sc_bundles>
// kernel: kernel.11.cloned.1.call-start
scs
__scs_entry_jumppad:
0x0: {  	(pc) =	sbr.rel $0x88, $3  }
0x1: {  	(tag) =	ssettag $0x0;
	lr =	simm.s32 $0x1  }
0x2: {  	[smem:$0x3F92] =	sst lr;
	_ =	strace $0xD0000000  }
0x3: {  	_ = 	snop  }
0x4: {  	_ = 	snop  }
0x5: {  	_ = 	snop  }
0x6: {  	_ = 	snop  }
0x7: {  	_ = 	snop  }
__scs_overlays_trampoline_lowered:
0x8: {  	[smem:$0x3FA1] =	sst s0  }
0x9: {  	[smem:$0x3FA2] =	sst s1  }
0xa: {  	[smem:$0x3FA3] =	sst s2  }
0xb: {  	[smem:$0x3FA4] =	sst s3  }
0xc: {  	[smem:$0x3FA5] =	sst s4  }
0xd: {  	[smem:$0x3FA6] =	sst s5  }
0xe: {  	[smem:$0x3FA7] =	sst s6  }
0xf: {  	[smem:$0x3FA8] =	sst s7  }
0x10: {  	[smem:$0x3FA9] =	sst s8  }
0x11: {  	[smem:$0x3FAA] =	sst s9;
	s0 =	simm.s32 @!p0 $0x0  }
0x12: {  	s1 =	sld [smem:$0x3F90];
	s0 =	simm.s32 @p0 $0x1  }
0x13: {  	[smem:$0x3FAB] =	sst s0;
	s0 =	simm.s32 @!p1 $0x0  }
0x14: {  	s2 =	sld [smem:$0x3F8F];
	s0 =	simm.s32 @p1 $0x1  }
0x15: {  	[smem:$0x3FAC] =	sst s0;
	s0 =	simm.s32 @!p2 $0x0  }
0x16: {  	s3 =	sld [smem:$0x3FDB];
	s0 =	simm.s32 @p2 $0x1  }
0x17: {  	s4 =	simm.s32 $0x1BF5;
	[smem:$0x3FAE] =	sst s0  }
0x18: {  	s0 =	sld [smem:$0x3F91];
	_ =	swait.ge [sflag:s4], $0x0  }
0x19: {  	s7 =	sld [smem:$0x3F92]  }
0x1a: {  	s8 =	sadd.s32 $0xFFFFE003, lr  }
0x1b: {  	s9 =	sadd.s32 $0xFFFFFEF7, lr;
	s5 =	simm.s32 $0xFFFFFFFF;
	p2 =	slt.u32 s8, $0xFFFFF086  }
0x1c: {  	p1 =	slt.u32 s9, $0xF7A;
	s5 =	simm.s32 @!p2 $0x0  }
0x1d: {  	s5 =	simm.s32 @p1 $0x1;
	p0 =	seq.s32 s7, s2  }
0x1e: {  	s7 =	smul.u32 @!p0 $0xF7A, s2;
	p2 =	seq.s32 @!p0 s5, $0x0  }
0x1f: {  	s9 =	smul.u32 $0xF7A, s1;
	s8 =	simm.s32 @!p0 $0x1BF5;
	p2 =	por !p2, p0  }
0x20: {  	[sflag:s8] =	ssyncset.s32 @!p0 $0xFFFFF086;
	s6 =	sadd.s32 @!p0 s3, s7;
	s7 =	simm.s32 @!p0 $0x108  }
0x21: {  	s3 =	sadd.s32 s3, s9;
	s6 =	sadd.s32 @!p0 $0x88, s6;
	s7 =	simm.s32 @p2 $0x1082  }
0x22: {  	[simem:s7], [sflag:s8] =	dma.local @!p0 [hbm:s6], $0xF7A  }
0x23: {  	s9 =	sor.u32 $0xD0000000, s2;
	s6 =	simm.s32 $0x108;
	_ =	swait.ge @!p0 [sflag:s8], $0x0  }
0x24: {  	s3 =	sadd.s32 $0x88, s3;
	s6 =	simm.s32 @!p1 $0x1082;
	[sflag:s4] =	ssyncset.s32 $0xFFFFF086  }
0x25: {  	[simem:s6], [sflag:s4] =	dma.local [hbm:s3], $0xF7A  }
0x26: {  	[smem:$0x3F92] =	sst s1;
	(tag) =	ssettag s2;
	_ =	strace s9  }
0x27: {  	s1 =	sld [smem:$0x3FA2]  }
0x28: {  	s2 =	sld [smem:$0x3FA3]  }
0x29: {  	s4 =	sld [smem:$0x3FA5]  }
0x2a: {  	p0 =	seq.s32 s5, $0x0;
	s5 =	sld [smem:$0x3FA6]  }
0x2b: {  	s6 =	sld [smem:$0x3FA7]  }
0x2c: {  	s7 =	sld [smem:$0x3FA8]  }
0x2d: {  	s3 =	simm.s32 $0x108;
	s8 =	sld [smem:$0x3FA9]  }
0x2e: {  	s3 =	simm.s32 @!p0 $0x1082;
	s9 =	sld [smem:$0x3FAA]  }
0x2f: {  	lr =	sadd.s32 s0, s3;
	s0 =	sld [smem:$0x3FA1]  }
0x30: {  	s3 =	sld [smem:$0x3FA4]  }
0x31: {  	[smem:$0x3FAD] =	sst s10  }
0x32: {  	s10 =	sld [smem:$0x3FAB];
	_ =	sdelay $0x3  }
0x33: {  	p0 =	seq.s32 s10, $0x1;
	s10 =	sld [smem:$0x3FAD];
	_ =	sdelay $0x3  }
0x34: {  	[smem:$0x3FAD] =	sst s10  }
0x35: {  	s10 =	sld [smem:$0x3FAC];
	_ =	sdelay $0x3  }
0x36: {  	p1 =	seq.s32 s10, $0x1;
	s10 =	sld [smem:$0x3FAD];
	_ =	sdelay $0x3  }
0x37: {  	[smem:$0x3FAD] =	sst s10  }
0x38: {  	s10 =	sld [smem:$0x3FAE]  }
0x39: {  	_ = 	snop;
	(pc) =	sbr.ind lr, $3  }
0x3a: {  	_ = 	snop  }
0x3b: {  	_ = 	snop  }
0x3c: {  	p2 =	seq.s32 s10, $0x1;
	s10 =	sld [smem:$0x3FAD]  }
0x3d: {  	_ =	shalt  }
0x3e: {  	_ =	shalt  }
0x3f: {  	_ =	shalt  }
0x40: {  	_ =	shalt  }
0x41: {  	_ =	shalt  }
0x42: {  	_ =	shalt  }
0x43: {  	_ =	shalt  }
0x44: {  	_ =	shalt  }
0x45: {  	_ =	shalt  }
0x46: {  	_ =	shalt  }
0x47: {  	_ =	shalt  }
0x48: {  	_ =	shalt  }
0x49: {  	_ =	shalt  }
0x4a: {  	_ =	shalt  }
0x4b: {  	_ =	shalt  }
0x4c: {  	_ =	shalt  }
0x4d: {  	_ =	shalt  }
0x4e: {  	_ =	shalt  }
0x4f: {  	_ =	shalt  }
0x50: {  	_ =	shalt  }
0x51: {  	_ =	shalt  }
0x52: {  	_ =	shalt  }
0x53: {  	_ =	shalt  }
0x54: {  	_ =	shalt  }
0x55: {  	_ =	shalt  }
0x56: {  	_ =	shalt  }
0x57: {  	_ =	shalt  }
0x58: {  	_ =	shalt  }
0x59: {  	_ =	shalt  }
0x5a: {  	_ =	shalt  }
0x5b: {  	_ =	shalt  }
0x5c: {  	_ =	shalt  }
0x5d: {  	_ =	shalt  }
0x5e: {  	_ =	shalt  }
0x5f: {  	_ =	shalt  }
0x60: {  	_ =	shalt  }
0x61: {  	_ =	shalt  }
0x62: {  	_ =	shalt  }
0x63: {  	_ =	shalt  }
0x64: {  	_ =	shalt  }
0x65: {  	_ =	shalt  }
0x66: {  	_ =	shalt  }
0x67: {  	_ =	shalt  }
0x68: {  	_ =	shalt  }
0x69: {  	_ =	shalt  }
0x6a: {  	_ =	shalt  }
0x6b: {  	_ =	shalt  }
0x6c: {  	_ =	shalt  }
0x6d: {  	_ =	shalt  }
0x6e: {  	_ =	shalt  }
0x6f: {  	_ =	shalt  }
0x70: {  	_ =	shalt  }
0x71: {  	_ =	shalt  }
0x72: {  	_ =	shalt  }
0x73: {  	_ =	shalt  }
0x74: {  	_ =	shalt  }
0x75: {  	_ =	shalt  }
0x76: {  	_ =	shalt  }
0x77: {  	_ =	shalt  }
0x78: {  	_ =	shalt  }
0x79: {  	_ =	shalt  }
0x7a: {  	_ =	shalt  }
0x7b: {  	_ =	shalt  }
0x7c: {  	_ =	shalt  }
0x7d: {  	_ =	shalt  }
0x7e: {  	_ =	shalt  }
0x7f: {  	_ =	shalt  }
0x80: {  	_ =	shalt  }
0x81: {  	_ =	shalt  }
0x82: {  	_ =	shalt  }
0x83: {  	_ =	shalt  }
0x84: {  	_ =	shalt  }
0x85: {  	_ =	shalt  }
0x86: {  	_ =	shalt  }
0x87: {  	_ =	shalt  }
.Lfunc_end0:
.L_simem_size_0:
called_computation_lowered:
.L_overlay_start_0:
0x88: {  	s2 =	sld [smem:$0x3FD9]  }
0x89: {  	s3 =	sld [smem:$0x3FFE];
	_ =	sdelay $0x1  }
0x8a: {  	s1 =	srdreg.scid  }
0x8b: {  	s0 =	sand.u32 $0x1, s1  }
0x8c: {  	s14 =	sshll.u32 s0, $0xA;
	s2 =	sadd.s32 s3, s2  }
0x8d: {  	s2 =	sadd.s32 s2, s14  }
0x8e: {  	[smem:$0x3FB9] =	sst s2  }
0x8f: {  	_ = 	snop  }
0x90: {  	s2 =	sld [smem:$0x3FD0];
	_ =	sdelay $0x2  }
0x91: {  	s15 =	simm.s32 $0xA;
	s4 =	simm.s32 $0x10  }
0x92: {  	[smem:s4], [sflag:s15] =	dma.local [hbm:s2], $0x1  }
0x93: {  	_ =	swait.eq [sflag:s15], $0x1  }
0x94: {  	[sflag:s15] =	ssyncset.done $0x0  }
0x95: {  	s16 =	sld [smem:$0x10];
	[sflag:s15] =	ssyncadd.s32 $0xFFFFFFFF  }
0x96: {  	s17 =	sld [smem:$0x11];
	(tm) =	ssettm $0x1  }
0x97: {  	s18 =	sld [smem:$0x3FFB];
	_ =	sdelay $0x3  }
0x98: {  	_ =	strace s18  }
0x99: {  	s4 =	sld [smem:$0x3FFC];
	_ =	sdelay $0x3  }
0x9a: {  	_ =	strace s4  }
0x9b: {  	s4 =	sld [smem:$0x3FFD];
	_ =	sdelay $0x3  }
0x9c: {  	_ =	strace s4  }
0x9d: {  	_ =	strace $0x8FFFFFFF  }
0x9e: {  	s19 =	sld [smem:$0x3FDB];
	_ =	sdelay $0x1  }
0x9f: {  	s5 =	simm.s32 $_scs_section_size  }
0xa0: {  	s6 =	simm.s32 $_size__tile_overlayer_lowered;
	s7 =	simm.s32 $_tile_overlayer_lowered  }
0xa1: {  	s22 =	simm.s32 $0x1BFF;
	s21 =	sshll.u32 s7, $0x1;
	s4 =	sadd.s32 s5, s19  }
0xa2: {  	s8 =	simm.s32 $0x0;
	s20 =	sshll.u32 s6, $0x1;
	s6 =	sadd.s32 s21, s4  }
0xa3: {  	[timem:s8], [sflag:s22] =	dma.local [hbm:s6], s20  }
0xa4: {  	_ =	swait.ge [sflag:s22], s20  }
0xa5: {  	s5 =	ssub.s32 $0x0, s20;
	[sflag:s22] =	ssyncset.done $0x0  }
0xa6: {  	[sflag:s22] =	ssyncadd.s32 s5;
	_ =	sdelay $0x1  }
0xa7: {  	s23 =	simm.s32 $0x1B8B  }
0xa8: {  	_ =	swait.ge [sflag:s23], $0x1  }
0xa9: {  	[sflag:s23] =	ssyncset.done $0x0  }
0xaa: {  	s25 =	simm.s32 $0x1B8E;
	s24 =	sld [smem:$0x3FFE];
	[sflag:s23] =	ssyncadd.s32 $0xFFFFFFFF  }
0xab: {  	s26 =	simm.s32 $execute0_lowered;
	[smem:$0x3FD2] =	sst s25  }
0xac: {  	s6 =	sshll.u32 s26, $0x1;
	_ =	strace $0x80000046;
	[dreg:$0x1] =	wrdreg $0xFFFFFFFF  }
0xad: {  	s28 =	simm.s32 $_size_execute0_lowered;
	s4 =	sadd.s32 s4, s6;
	[dreg:$0x0] =	wrdreg $0x0  }
0xae: {  	s6 =	sshll.u32 s28, $0x1;
	[dreg:$0x2] =	wrdreg s4  }
0xaf: {  	[dreg:$0x3] =	wrdreg s6  }
0xb0: {  	[dreg:$0x4] =	wrdreg $0xC0  }
0xb1: {  	_ =	task [dreg:s8], $0x5FFFF  }
0xb2: {  	[dreg:$0x1] =	wrdreg $0xFFFFFFFF  }
0xb3: {  	[dreg:$0x0] =	wrdreg $0x60  }
0xb4: {  	[dreg:$0x2] =	wrdreg s17  }
0xb5: {  	[dreg:$0x3] =	wrdreg s16  }
0xb6: {  	[dreg:$0x4] =	wrdreg s24  }
0xb7: {  	[dreg:$0x5] =	wrdreg $0x9  }
0xb8: {  	_ =	task.clear_ibuf [dreg:s8], $0x6FFFF;
	_ =	strace $0x90000046  }
0xb9: {  	s29 =	simm.s32 $0x9;
	_ =	strace $0x80000048  }
0xba: {  	_ =	swait.ge [sflag:s29], $0x1  }
0xbb: {  	[sflag:s29] =	ssyncadd.s32 $0xFFFFFFFF  }
0xbc: {  	_ =	strace $0x90000048  }
0xbd: {  	_ =	sfence  }
0xbe: {  	s30 =	sld [smem:$0x0];
	_ =	sdelay $0x2  }
0xbf: {  	s31 =	sshll.u32 s1, $0xD;
	s1 =	sshrl.u32 s1, $0x2  }
0xc0: {  	s3 =	sand.u32 $0x4000, s31;
	s1 =	sadd.s32 s1, s30  }
0xc1: {  	s0 =	sor.u32 s3, s0;
	s1 =	sshll.u32 s1, $0x11  }
0xc2: {  	s0 =	sor.u32 s1, s0  }
0xc3: {  	s0 =	sadd.s32 $0x8F2B, s0  }
0xc4: {  	[sflag:s0] =	ssyncadd.remote.s32 $0x1  }
0xc5: {  	_ =	sfence.sel $0xFFFF  }
0xc6: {  	[dreg:$0x0] =	wrdreg $0xFFFFFFFF;
	(pc) =	sbr.abs _section_cstart, $3  }
0xc7: {  	[dreg:$0x1] =	wrdreg $0xFFFFFFFF  }
0xc8: {  	_ =	task.clear_ibuf [dreg:s8], $0x2FFFF;
	_ =	strace $0x9FFFFFFF  }
0xc9: {  	(tm) =	ssettm $0x7FFFFFFF  }
tec
execute0_lowered:
.L_overlay_start_1:
0x0: {  	(tag) =	ssettag $0x1  }
0x1: {  	s0 =	srdreg.scid  }
0x2: {  	s2 =	rddreg [dreg:$0x0];
	s26 =	sand.u32 $0x1, s0  }
0x3: {  	s6 =	rddreg [dreg:$0x1];
	s1 =	stileid.u32;
	s4 =	sshll.u32 s26, $0x4  }
0x4: {  	s15 =	rddreg [dreg:$0x2];
	s16 =	sor.u32 s1, s4  }
0x5: {  	s3 =	simm.s32 $0x0;
	s0 =	rddreg [dreg:$0x3];
	s4 =	smul.u32 $0x28, s16  }
0x6: {  	s5 =	simm.s32 $0x3;
	[smem:$0x7FF] =	sst s3  }
0x7: {  	_ =	strace $0x80000047;
	s7 =	smul.u32 $0x140, s16;
	s4 =	sadd.s32 s6, s4  }
0x8: {  	[tilespmem:s3], [sflag:$0x3] =	stream.linear.gather [hbm4b:s4+s3], $0x140, $0x38;
	[tilespmem:$0xA280] =	vst v63  }
0x9: {  	s7 =	sshrl.u32 s7, $0x3;
	_ =	swait.ge [sflag:s5], $0x140  }
0xa: {  	s6 =	sadd.s32 s6, s7;
	[sflag:s5] =	ssyncset.done $0x0  }
0xb: {  	s7 =	simm.s32 $0x140;
	s6 =	sadd.s32 $0x500, s6;
	[sflag:s5] =	ssyncadd.s32 $0xFFFFFEC0  }
0xc: {  	[tilespmem:s7], [sflag:$0x3] =	stream.linear.gather [hbm4b:s6+s3], $0x140, $0x38;
	[tilespmem:$0xA280] =	vst v63  }
0xd: {  	_ =	swait.ge [sflag:s5], $0x140  }
0xe: {  	[sflag:s5] =	ssyncset.done $0x0  }
0xf: {  	s8 =	simm.s32 $0x50;
	s9 =	simm.s32 $0x280;
	[sflag:s5] =	ssyncadd.s32 $0xFFFFFEC0  }
0x10: {  	[tilespmem:s9], [sflag:$0x1] =	stream.indirect.gather [hbm4b:s2+s8], $0x80, s3, s8, $0xb8;
	[tilespmem:$0xA280] =	vst v63  }
0x11: {  	s10 =	simm.s32 $0x2A80  }
0x12: {  	[tilespmem:s10], [sflag:$0x1] =	stream.indirect.gather [hbm4b:s2+s8], $0x80, s7, s8, $0xb8;
	[tilespmem:$0xA280] =	vst v63  }
0x13: {  	s11 =	simm.s32 $0x5280  }
0x14: {  	[tilespmem:s11], [sflag:$0x2] =	stream.indirect.gather [hbm4b:s2+s8], $0x80, s8, s8, $0xb8;
	[tilespmem:$0xA280] =	vst v63  }
0x15: {  	s12 =	simm.s32 $0x190;
	s13 =	simm.s32 $0x7A80;
	s14 =	simm.s32 $0x1  }
0x16: {  	[tilespmem:s13], [sflag:$0x2] =	stream.indirect.gather [hbm4b:s2+s8], $0x80, s12, s8, $0xb8;
	[tilespmem:$0xA280] =	vst v63  }
0x17: {  	_ =	swait.ge [sflag:s14], $0x2800  }
0x18: {  	s16 =	smul.u32 $0xA000, s16;
	[sflag:s14] =	ssyncset.done $0x0  }
0x19: {  	[sflag:s14] =	ssyncadd.s32 $0xFFFFD800  }
0x1a: {  	s16 =	sshrl.u32 s16, $0x3;
	_ =	swait.ge [sflag:s14], $0x2800  }
0x1b: {  	s28 =	sadd.s32 s16, s15;
	[sflag:s14] =	ssyncset.done $0x0  }
0x1c: {  	s15 =	sadd.s32 $0x3A00, s28;
	[sflag:s14] =	ssyncadd.s32 $0xFFFFD800  }
0x1d: {  	[hbm4b:s15+s3] =	stream.linear.scatter [tilespmem:s9], [sflag:$0x3], $0x2800, $0x38;
	[tilespmem:$0xA280] =	vst v63  }
0x1e: {  	_ =	swait.ge [sflag:s5], $0x2800  }
0x1f: {  	[sflag:s5] =	ssyncset.done $0x0  }
0x20: {  	s16 =	sadd.s32 $0x2BA00, s28;
	[sflag:s5] =	ssyncadd.s32 $0xFFFFD800  }
0x21: {  	[hbm4b:s16+s3] =	stream.linear.scatter [tilespmem:s10], [sflag:$0x3], $0x2800, $0x38;
	[tilespmem:$0xA280] =	vst v63  }
0x22: {  	_ =	swait.ge [sflag:s5], $0x2800  }
0x23: {  	[sflag:s5] =	ssyncset.done $0x0  }
0x24: {  	s17 =	simm.s32 $0xA0;
	[sflag:s5] =	ssyncadd.s32 $0xFFFFD800  }
0x25: {  	[tilespmem:s9], [sflag:$0x1] =	stream.indirect.gather [hbm4b:s2+s8], $0x80, s17, s8, $0xb8;
	[tilespmem:$0xA280] =	vst v63  }
0x26: {  	s18 =	simm.s32 $0x1E0;
	s19 =	simm.s32 $0x2  }
0x27: {  	[tilespmem:s10], [sflag:$0x1] =	stream.indirect.gather [hbm4b:s2+s8], $0x80, s18, s8, $0xb8;
	[tilespmem:$0xA280] =	vst v63  }
0x28: {  	_ =	swait.ge [sflag:s19], $0x2800  }
0x29: {  	[sflag:s19] =	ssyncset.done $0x0  }
0x2a: {  	[sflag:s19] =	ssyncadd.s32 $0xFFFFD800  }
0x2b: {  	_ =	swait.ge [sflag:s19], $0x2800  }
0x2c: {  	[sflag:s19] =	ssyncset.done $0x0  }
0x2d: {  	s20 =	sadd.s32 $0x3F00, s28;
	[sflag:s19] =	ssyncadd.s32 $0xFFFFD800  }
0x2e: {  	[hbm4b:s20+s3] =	stream.linear.scatter [tilespmem:s11], [sflag:$0x3], $0x2800, $0x38;
	[tilespmem:$0xA280] =	vst v63  }
0x2f: {  	_ =	swait.ge [sflag:s5], $0x2800  }
0x30: {  	[sflag:s5] =	ssyncset.done $0x0  }
0x31: {  	s21 =	sadd.s32 $0x2BF00, s28;
	[sflag:s5] =	ssyncadd.s32 $0xFFFFD800  }
0x32: {  	[hbm4b:s21+s3] =	stream.linear.scatter [tilespmem:s13], [sflag:$0x3], $0x2800, $0x38;
	[tilespmem:$0xA280] =	vst v63  }
0x33: {  	_ =	swait.ge [sflag:s5], $0x2800  }
0x34: {  	[sflag:s5] =	ssyncset.done $0x0  }
0x35: {  	s22 =	simm.s32 $0xF0;
	[sflag:s5] =	ssyncadd.s32 $0xFFFFD800  }
0x36: {  	[tilespmem:s11], [sflag:$0x2] =	stream.indirect.gather [hbm4b:s2+s8], $0x80, s22, s8, $0xb8;
	[tilespmem:$0xA280] =	vst v63  }
0x37: {  	s23 =	simm.s32 $0x230  }
0x38: {  	[tilespmem:s13], [sflag:$0x2] =	stream.indirect.gather [hbm4b:s2+s8], $0x80, s23, s8, $0xb8;
	[tilespmem:$0xA280] =	vst v63  }
0x39: {  	_ =	swait.ge [sflag:s14], $0x2800  }
0x3a: {  	[sflag:s14] =	ssyncset.done $0x0  }
0x3b: {  	[sflag:s14] =	ssyncadd.s32 $0xFFFFD800  }
0x3c: {  	_ =	swait.ge [sflag:s14], $0x2800  }
0x3d: {  	[sflag:s14] =	ssyncset.done $0x0  }
0x3e: {  	s24 =	sadd.s32 $0x4400, s28;
	[sflag:s14] =	ssyncadd.s32 $0xFFFFD800  }
0x3f: {  	[hbm4b:s24+s3] =	stream.linear.scatter [tilespmem:s9], [sflag:$0x3], $0x2800, $0x38;
	[tilespmem:$0xA280] =	vst v63  }
0x40: {  	_ =	swait.ge [sflag:s5], $0x2800  }
0x41: {  	[sflag:s5] =	ssyncset.done $0x0  }
0x42: {  	s25 =	sadd.s32 $0x2C400, s28;
	[sflag:s5] =	ssyncadd.s32 $0xFFFFD800  }
0x43: {  	[hbm4b:s25+s3] =	stream.linear.scatter [tilespmem:s10], [sflag:$0x3], $0x2800, $0x38;
	[tilespmem:$0xA280] =	vst v63  }
0x44: {  	_ =	swait.ge [sflag:s5], $0x2800  }
0x45: {  	[sflag:s5] =	ssyncset.done $0x0  }
0x46: {  	[sflag:s5] =	ssyncadd.s32 $0xFFFFD800  }
0x47: {  	_ =	swait.ge [sflag:s19], $0x2800  }
0x48: {  	[sflag:s19] =	ssyncset.done $0x0  }
0x49: {  	s29 =	ssub.s32 $0x2, s26;
	[sflag:s19] =	ssyncadd.s32 $0xFFFFD800  }
0x4a: {  	s30 =	sshrl.u32 s29, $0x1;
	_ =	swait.ge [sflag:s19], $0x2800  }
0x4b: {  	s29 =	ssub.s32 s29, s30;
	[sflag:s19] =	ssyncset.done $0x0  }
0x4c: {  	s29 =	smax.u32 s29, $0x1;
	s26 =	sadd.s32 $0x4900, s28;
	[sflag:s19] =	ssyncadd.s32 $0xFFFFD800  }
0x4d: {  	[hbm4b:s26+s3] =	stream.linear.scatter [tilespmem:s11], [sflag:$0x3], $0x2800, $0x38;
	[tilespmem:$0xA280] =	vst v63  }
0x4e: {  	p0 =	sne.s32 s29, $0x1;
	_ =	swait.ge [sflag:s5], $0x2800  }
.Ltmp0:
0x4f: {  	[sflag:s5] =	ssyncset.done $0x0;
	(pc) =	sbr.rel @!p0 .LBB2_2-.Ltmp0, $4  }
0x50: {  	s28 =	sadd.s32 $0x2C900, s28;
	[sflag:s5] =	ssyncadd.s32 $0xFFFFD800  }
0x51: {  	[hbm4b:s28+s3] =	stream.linear.scatter [tilespmem:s13], [sflag:$0x3], $0x2800, $0x38;
	[tilespmem:$0xA280] =	vst v63  }
0x52: {  	_ =	swait.ge [sflag:s5], $0x2800  }
0x53: {  	s29 =	sadd.s32 $0xFFFFFFFF, s29;
	[sflag:s5] =	ssyncset.done $0x0  }
.LBB2_1:
0x54: {  	p0 =	sne.s32 s29, $0x1;
	s29 =	sadd.s32 $0xFFFFFFFF, s29;
	[sflag:s5] =	ssyncadd.s32 $0xFFFFD800  }
0x55: {  	[tilespmem:s3], [sflag:$0x3] =	stream.linear.gather [hbm4b:s4+s3], $0x140, $0x38;
	[tilespmem:$0xA280] =	vst v63  }
0x56: {  	_ =	swait.ge [sflag:s5], $0x140  }
0x57: {  	[sflag:s5] =	ssyncset.done $0x0  }
0x58: {  	[sflag:s5] =	ssyncadd.s32 $0xFFFFFEC0  }
0x59: {  	[tilespmem:s7], [sflag:$0x3] =	stream.linear.gather [hbm4b:s6+s3], $0x140, $0x38;
	[tilespmem:$0xA280] =	vst v63  }
0x5a: {  	_ =	swait.ge [sflag:s5], $0x140  }
0x5b: {  	[sflag:s5] =	ssyncset.done $0x0  }
0x5c: {  	[sflag:s5] =	ssyncadd.s32 $0xFFFFFEC0  }
0x5d: {  	[tilespmem:s9], [sflag:$0x1] =	stream.indirect.gather [hbm4b:s2+s8], $0x80, s3, s8, $0xb8;
	[tilespmem:$0xA280] =	vst v63  }
0x5e: {  	_ = 	snop  }
0x5f: {  	[tilespmem:s10], [sflag:$0x1] =	stream.indirect.gather [hbm4b:s2+s8], $0x80, s7, s8, $0xb8;
	[tilespmem:$0xA280] =	vst v63  }
0x60: {  	_ = 	snop  }
0x61: {  	[tilespmem:s11], [sflag:$0x2] =	stream.indirect.gather [hbm4b:s2+s8], $0x80, s8, s8, $0xb8;
	[tilespmem:$0xA280] =	vst v63  }
0x62: {  	_ = 	snop  }
0x63: {  	[tilespmem:s13], [sflag:$0x2] =	stream.indirect.gather [hbm4b:s2+s8], $0x80, s12, s8, $0xb8;
	[tilespmem:$0xA280] =	vst v63  }
0x64: {  	_ =	swait.ge [sflag:s14], $0x2800  }
0x65: {  	[sflag:s14] =	ssyncset.done $0x0  }
0x66: {  	[sflag:s14] =	ssyncadd.s32 $0xFFFFD800  }
0x67: {  	_ =	swait.ge [sflag:s14], $0x2800  }
0x68: {  	[sflag:s14] =	ssyncset.done $0x0  }
0x69: {  	[sflag:s14] =	ssyncadd.s32 $0xFFFFD800  }
0x6a: {  	[hbm4b:s15+s3] =	stream.linear.scatter [tilespmem:s9], [sflag:$0x3], $0x2800, $0x38;
	[tilespmem:$0xA280] =	vst v63  }
0x6b: {  	_ =	swait.ge [sflag:s5], $0x2800  }
0x6c: {  	[sflag:s5] =	ssyncset.done $0x0  }
0x6d: {  	[sflag:s5] =	ssyncadd.s32 $0xFFFFD800  }
0x6e: {  	[hbm4b:s16+s3] =	stream.linear.scatter [tilespmem:s10], [sflag:$0x3], $0x2800, $0x38;
	[tilespmem:$0xA280] =	vst v63  }
0x6f: {  	_ =	swait.ge [sflag:s5], $0x2800  }
0x70: {  	[sflag:s5] =	ssyncset.done $0x0  }
0x71: {  	[sflag:s5] =	ssyncadd.s32 $0xFFFFD800  }
0x72: {  	[tilespmem:s9], [sflag:$0x1] =	stream.indirect.gather [hbm4b:s2+s8], $0x80, s17, s8, $0xb8;
	[tilespmem:$0xA280] =	vst v63  }
0x73: {  	_ = 	snop  }
0x74: {  	[tilespmem:s10], [sflag:$0x1] =	stream.indirect.gather [hbm4b:s2+s8], $0x80, s18, s8, $0xb8;
	[tilespmem:$0xA280] =	vst v63  }
0x75: {  	_ =	swait.ge [sflag:s19], $0x2800  }
0x76: {  	[sflag:s19] =	ssyncset.done $0x0  }
0x77: {  	[sflag:s19] =	ssyncadd.s32 $0xFFFFD800  }
0x78: {  	_ =	swait.ge [sflag:s19], $0x2800  }
0x79: {  	[sflag:s19] =	ssyncset.done $0x0  }
0x7a: {  	[sflag:s19] =	ssyncadd.s32 $0xFFFFD800  }
0x7b: {  	[hbm4b:s20+s3] =	stream.linear.scatter [tilespmem:s11], [sflag:$0x3], $0x2800, $0x38;
	[tilespmem:$0xA280] =	vst v63  }
0x7c: {  	_ =	swait.ge [sflag:s5], $0x2800  }
0x7d: {  	[sflag:s5] =	ssyncset.done $0x0  }
0x7e: {  	[sflag:s5] =	ssyncadd.s32 $0xFFFFD800  }
0x7f: {  	[hbm4b:s21+s3] =	stream.linear.scatter [tilespmem:s13], [sflag:$0x3], $0x2800, $0x38;
	[tilespmem:$0xA280] =	vst v63  }
0x80: {  	_ =	swait.ge [sflag:s5], $0x2800  }
0x81: {  	[sflag:s5] =	ssyncset.done $0x0  }
0x82: {  	[sflag:s5] =	ssyncadd.s32 $0xFFFFD800  }
0x83: {  	[tilespmem:s11], [sflag:$0x2] =	stream.indirect.gather [hbm4b:s2+s8], $0x80, s22, s8, $0xb8;
	[tilespmem:$0xA280] =	vst v63  }
0x84: {  	_ = 	snop  }
0x85: {  	[tilespmem:s13], [sflag:$0x2] =	stream.indirect.gather [hbm4b:s2+s8], $0x80, s23, s8, $0xb8;
	[tilespmem:$0xA280] =	vst v63  }
0x86: {  	_ =	swait.ge [sflag:s14], $0x2800  }
0x87: {  	[sflag:s14] =	ssyncset.done $0x0  }
0x88: {  	[sflag:s14] =	ssyncadd.s32 $0xFFFFD800  }
0x89: {  	_ =	swait.ge [sflag:s14], $0x2800  }
0x8a: {  	[sflag:s14] =	ssyncset.done $0x0  }
0x8b: {  	[sflag:s14] =	ssyncadd.s32 $0xFFFFD800  }
0x8c: {  	[hbm4b:s24+s3] =	stream.linear.scatter [tilespmem:s9], [sflag:$0x3], $0x2800, $0x38;
	[tilespmem:$0xA280] =	vst v63  }
0x8d: {  	_ =	swait.ge [sflag:s5], $0x2800  }
0x8e: {  	[sflag:s5] =	ssyncset.done $0x0  }
0x8f: {  	[sflag:s5] =	ssyncadd.s32 $0xFFFFD800  }
0x90: {  	[hbm4b:s25+s3] =	stream.linear.scatter [tilespmem:s10], [sflag:$0x3], $0x2800, $0x38;
	[tilespmem:$0xA280] =	vst v63  }
0x91: {  	_ =	swait.ge [sflag:s5], $0x2800  }
0x92: {  	[sflag:s5] =	ssyncset.done $0x0  }
0x93: {  	[sflag:s5] =	ssyncadd.s32 $0xFFFFD800  }
0x94: {  	_ =	swait.ge [sflag:s19], $0x2800  }
0x95: {  	[sflag:s19] =	ssyncset.done $0x0  }
0x96: {  	[sflag:s19] =	ssyncadd.s32 $0xFFFFD800  }
0x97: {  	_ =	swait.ge [sflag:s19], $0x2800  }
0x98: {  	[sflag:s19] =	ssyncset.done $0x0  }
0x99: {  	[sflag:s19] =	ssyncadd.s32 $0xFFFFD800  }
0x9a: {  	[hbm4b:s26+s3] =	stream.linear.scatter [tilespmem:s11], [sflag:$0x3], $0x2800, $0x38;
	[tilespmem:$0xA280] =	vst v63  }
0x9b: {  	_ =	swait.ge [sflag:s5], $0x2800  }
.Ltmp1:
0x9c: {  	[sflag:s5] =	ssyncset.done $0x0;
	(pc) =	sbr.rel @p0 .LBB2_1-.Ltmp1, $4  }
0x9d: {  	[sflag:s5] =	ssyncadd.s32 $0xFFFFD800  }
0x9e: {  	[hbm4b:s28+s3] =	stream.linear.scatter [tilespmem:s13], [sflag:$0x3], $0x2800, $0x38;
	[tilespmem:$0xA280] =	vst v63  }
0x9f: {  	_ =	swait.ge [sflag:s5], $0x2800  }
0xa0: {  	[sflag:s5] =	ssyncset.done $0x0  }
.LBB2_2:
0xa1: {  	[sflag:s5] =	ssyncadd.s32 $0xFFFFD800  }
0xa2: {  	_ =	sfence.sel $0x180000  }
0xa3: {  	[bflag:$0x0] =	sbarrier.arrive $0xFFFF  }
0xa4: {  	p0 =	sne.s32 s1, $0x0;
	_ =	strace $0x90000047  }
0xa5: {  	s0 =	sadd.s32 @!p0 $0x100000, s0;
	[bflag:$0x2] =	sbarrier.arrive $0xFFFF  }
0xa6: {  	[sflag:s0] =	ssyncadd.tile.s32 @!p0 $0x1;
	_ =	shalt  }
.Lfunc_end2:
_tile_overlayer_lowered:
.L_overlay_start_2:
0xa7: {  	(tag) =	ssettag $0x2  }
0xa8: {  	s0 =	rddreg [dreg:$0x0];
	s2 =	stileid.u32  }
0xa9: {  	s1 =	rddreg [dreg:$0x1];
	p0 =	sne.s32 s2, $0x0  }
0xaa: {  	s3 =	rddreg [dreg:$0x2];
	[bflag:$0x3] =	sbarrier.arrive $0xFFFF;
	s2 =	simm.s32 @!p0 $0x1C03  }
0xab: {  	[timem:s3], [sflag:s2] =	dma.local @!p0 [hbm:s0], s1  }
0xac: {  	s0 =	simm.s32 @!p0 $0x3  }
0xad: {  	_ =	swait.ge @!p0 [sflag:s0], s1  }
0xae: {  	s1 =	ssub.s32 @!p0 $0x0, s1;
	[sflag:s0] =	ssyncset.done @!p0 $0x0  }
0xaf: {  	[sflag:s0] =	ssyncadd.s32 @!p0 s1  }
0xb0: {  	[bflag:$0x3] =	sbarrier.arrive $0xFFFF  }
0xb1: {  	_ =	shalt  }

// kernel: kernel.14.cloned.1.call-start
scs
__scs_entry_jumppad:
0x0: {  	(pc) =	sbr.rel $0x88, $3  }
0x1: {  	(tag) =	ssettag $0x0;
	lr =	simm.s32 $0x1  }
0x2: {  	[smem:$0x3F92] =	sst lr;
	_ =	strace $0xD0000000  }
0x3: {  	_ = 	snop  }
0x4: {  	_ = 	snop  }
0x5: {  	_ = 	snop  }
0x6: {  	_ = 	snop  }
0x7: {  	_ = 	snop  }
__scs_overlays_trampoline_lowered:
0x8: {  	[smem:$0x3FA1] =	sst s0  }
0x9: {  	[smem:$0x3FA2] =	sst s1  }
0xa: {  	[smem:$0x3FA3] =	sst s2  }
0xb: {  	[smem:$0x3FA4] =	sst s3  }
0xc: {  	[smem:$0x3FA5] =	sst s4  }
0xd: {  	[smem:$0x3FA6] =	sst s5  }
0xe: {  	[smem:$0x3FA7] =	sst s6  }
0xf: {  	[smem:$0x3FA8] =	sst s7  }
0x10: {  	[smem:$0x3FA9] =	sst s8  }
0x11: {  	[smem:$0x3FAA] =	sst s9;
	s0 =	simm.s32 @!p0 $0x0  }
0x12: {  	s1 =	sld [smem:$0x3F90];
	s0 =	simm.s32 @p0 $0x1  }
0x13: {  	[smem:$0x3FAB] =	sst s0;
	s0 =	simm.s32 @!p1 $0x0  }
0x14: {  	s2 =	sld [smem:$0x3F8F];
	s0 =	simm.s32 @p1 $0x1  }
0x15: {  	[smem:$0x3FAC] =	sst s0;
	s0 =	simm.s32 @!p2 $0x0  }
0x16: {  	s3 =	sld [smem:$0x3FDB];
	s0 =	simm.s32 @p2 $0x1  }
0x17: {  	s4 =	simm.s32 $0x1BF5;
	[smem:$0x3FAE] =	sst s0  }
0x18: {  	s0 =	sld [smem:$0x3F91];
	_ =	swait.ge [sflag:s4], $0x0  }
0x19: {  	s7 =	sld [smem:$0x3F92]  }
0x1a: {  	s8 =	sadd.s32 $0xFFFFE003, lr  }
0x1b: {  	s9 =	sadd.s32 $0xFFFFFEF7, lr;
	s5 =	simm.s32 $0xFFFFFFFF;
	p2 =	slt.u32 s8, $0xFFFFF086  }
0x1c: {  	p1 =	slt.u32 s9, $0xF7A;
	s5 =	simm.s32 @!p2 $0x0  }
0x1d: {  	s5 =	simm.s32 @p1 $0x1;
	p0 =	seq.s32 s7, s2  }
0x1e: {  	s7 =	smul.u32 @!p0 $0xF7A, s2;
	p2 =	seq.s32 @!p0 s5, $0x0  }
0x1f: {  	s9 =	smul.u32 $0xF7A, s1;
	s8 =	simm.s32 @!p0 $0x1BF5;
	p2 =	por !p2, p0  }
0x20: {  	[sflag:s8] =	ssyncset.s32 @!p0 $0xFFFFF086;
	s6 =	sadd.s32 @!p0 s3, s7;
	s7 =	simm.s32 @!p0 $0x108  }
0x21: {  	s3 =	sadd.s32 s3, s9;
	s6 =	sadd.s32 @!p0 $0x88, s6;
	s7 =	simm.s32 @p2 $0x1082  }
0x22: {  	[simem:s7], [sflag:s8] =	dma.local @!p0 [hbm:s6], $0xF7A  }
0x23: {  	s9 =	sor.u32 $0xD0000000, s2;
	s6 =	simm.s32 $0x108;
	_ =	swait.ge @!p0 [sflag:s8], $0x0  }
0x24: {  	s3 =	sadd.s32 $0x88, s3;
	s6 =	simm.s32 @!p1 $0x1082;
	[sflag:s4] =	ssyncset.s32 $0xFFFFF086  }
0x25: {  	[simem:s6], [sflag:s4] =	dma.local [hbm:s3], $0xF7A  }
0x26: {  	[smem:$0x3F92] =	sst s1;
	(tag) =	ssettag s2;
	_ =	strace s9  }
0x27: {  	s1 =	sld [smem:$0x3FA2]  }
0x28: {  	s2 =	sld [smem:$0x3FA3]  }
0x29: {  	s4 =	sld [smem:$0x3FA5]  }
0x2a: {  	p0 =	seq.s32 s5, $0x0;
	s5 =	sld [smem:$0x3FA6]  }
0x2b: {  	s6 =	sld [smem:$0x3FA7]  }
0x2c: {  	s7 =	sld [smem:$0x3FA8]  }
0x2d: {  	s3 =	simm.s32 $0x108;
	s8 =	sld [smem:$0x3FA9]  }
0x2e: {  	s3 =	simm.s32 @!p0 $0x1082;
	s9 =	sld [smem:$0x3FAA]  }
0x2f: {  	lr =	sadd.s32 s0, s3;
	s0 =	sld [smem:$0x3FA1]  }
0x30: {  	s3 =	sld [smem:$0x3FA4]  }
0x31: {  	[smem:$0x3FAD] =	sst s10  }
0x32: {  	s10 =	sld [smem:$0x3FAB];
	_ =	sdelay $0x3  }
0x33: {  	p0 =	seq.s32 s10, $0x1;
	s10 =	sld [smem:$0x3FAD];
	_ =	sdelay $0x3  }
0x34: {  	[smem:$0x3FAD] =	sst s10  }
0x35: {  	s10 =	sld [smem:$0x3FAC];
	_ =	sdelay $0x3  }
0x36: {  	p1 =	seq.s32 s10, $0x1;
	s10 =	sld [smem:$0x3FAD];
	_ =	sdelay $0x3  }
0x37: {  	[smem:$0x3FAD] =	sst s10  }
0x38: {  	s10 =	sld [smem:$0x3FAE]  }
0x39: {  	_ = 	snop;
	(pc) =	sbr.ind lr, $3  }
0x3a: {  	_ = 	snop  }
0x3b: {  	_ = 	snop  }
0x3c: {  	p2 =	seq.s32 s10, $0x1;
	s10 =	sld [smem:$0x3FAD]  }
0x3d: {  	_ =	shalt  }
0x3e: {  	_ =	shalt  }
0x3f: {  	_ =	shalt  }
0x40: {  	_ =	shalt  }
0x41: {  	_ =	shalt  }
0x42: {  	_ =	shalt  }
0x43: {  	_ =	shalt  }
0x44: {  	_ =	shalt  }
0x45: {  	_ =	shalt  }
0x46: {  	_ =	shalt  }
0x47: {  	_ =	shalt  }
0x48: {  	_ =	shalt  }
0x49: {  	_ =	shalt  }
0x4a: {  	_ =	shalt  }
0x4b: {  	_ =	shalt  }
0x4c: {  	_ =	shalt  }
0x4d: {  	_ =	shalt  }
0x4e: {  	_ =	shalt  }
0x4f: {  	_ =	shalt  }
0x50: {  	_ =	shalt  }
0x51: {  	_ =	shalt  }
0x52: {  	_ =	shalt  }
0x53: {  	_ =	shalt  }
0x54: {  	_ =	shalt  }
0x55: {  	_ =	shalt  }
0x56: {  	_ =	shalt  }
0x57: {  	_ =	shalt  }
0x58: {  	_ =	shalt  }
0x59: {  	_ =	shalt  }
0x5a: {  	_ =	shalt  }
0x5b: {  	_ =	shalt  }
0x5c: {  	_ =	shalt  }
0x5d: {  	_ =	shalt  }
0x5e: {  	_ =	shalt  }
0x5f: {  	_ =	shalt  }
0x60: {  	_ =	shalt  }
0x61: {  	_ =	shalt  }
0x62: {  	_ =	shalt  }
0x63: {  	_ =	shalt  }
0x64: {  	_ =	shalt  }
0x65: {  	_ =	shalt  }
0x66: {  	_ =	shalt  }
0x67: {  	_ =	shalt  }
0x68: {  	_ =	shalt  }
0x69: {  	_ =	shalt  }
0x6a: {  	_ =	shalt  }
0x6b: {  	_ =	shalt  }
0x6c: {  	_ =	shalt  }
0x6d: {  	_ =	shalt  }
0x6e: {  	_ =	shalt  }
0x6f: {  	_ =	shalt  }
0x70: {  	_ =	shalt  }
0x71: {  	_ =	shalt  }
0x72: {  	_ =	shalt  }
0x73: {  	_ =	shalt  }
0x74: {  	_ =	shalt  }
0x75: {  	_ =	shalt  }
0x76: {  	_ =	shalt  }
0x77: {  	_ =	shalt  }
0x78: {  	_ =	shalt  }
0x79: {  	_ =	shalt  }
0x7a: {  	_ =	shalt  }
0x7b: {  	_ =	shalt  }
0x7c: {  	_ =	shalt  }
0x7d: {  	_ =	shalt  }
0x7e: {  	_ =	shalt  }
0x7f: {  	_ =	shalt  }
0x80: {  	_ =	shalt  }
0x81: {  	_ =	shalt  }
0x82: {  	_ =	shalt  }
0x83: {  	_ =	shalt  }
0x84: {  	_ =	shalt  }
0x85: {  	_ =	shalt  }
0x86: {  	_ =	shalt  }
0x87: {  	_ =	shalt  }
.Lfunc_end0:
.L_simem_size_0:
called_computation.1_lowered:
.L_overlay_start_0:
0x88: {  	s2 =	sld [smem:$0x3FD9]  }
0x89: {  	s3 =	sld [smem:$0x3FFE];
	_ =	sdelay $0x1  }
0x8a: {  	s1 =	srdreg.scid  }
0x8b: {  	s0 =	sand.u32 $0x1, s1  }
0x8c: {  	s14 =	sshll.u32 s0, $0xA;
	s2 =	sadd.s32 s3, s2  }
0x8d: {  	s2 =	sadd.s32 s2, s14  }
0x8e: {  	[smem:$0x3FB9] =	sst s2  }
0x8f: {  	_ = 	snop  }
0x90: {  	s2 =	sld [smem:$0x3FD0];
	_ =	sdelay $0x2  }
0x91: {  	s15 =	simm.s32 $0xA;
	s4 =	simm.s32 $0x10  }
0x92: {  	[smem:s4], [sflag:s15] =	dma.local [hbm:s2], $0x1  }
0x93: {  	_ =	swait.eq [sflag:s15], $0x1  }
0x94: {  	[sflag:s15] =	ssyncset.done $0x0  }
0x95: {  	s16 =	sld [smem:$0x10];
	[sflag:s15] =	ssyncadd.s32 $0xFFFFFFFF  }
0x96: {  	s17 =	sld [smem:$0x11];
	(tm) =	ssettm $0x1  }
0x97: {  	s18 =	sld [smem:$0x3FFB];
	_ =	sdelay $0x3  }
0x98: {  	_ =	strace s18  }
0x99: {  	s4 =	sld [smem:$0x3FFC];
	_ =	sdelay $0x3  }
0x9a: {  	_ =	strace s4  }
0x9b: {  	s4 =	sld [smem:$0x3FFD];
	_ =	sdelay $0x3  }
0x9c: {  	_ =	strace s4  }
0x9d: {  	_ =	strace $0x8FFFFFFF  }
0x9e: {  	s19 =	sld [smem:$0x3FDB];
	_ =	sdelay $0x1  }
0x9f: {  	s5 =	simm.s32 $_scs_section_size  }
0xa0: {  	s6 =	simm.s32 $_size__tile_overlayer_lowered;
	s7 =	simm.s32 $_tile_overlayer_lowered  }
0xa1: {  	s22 =	simm.s32 $0x1BFF;
	s21 =	sshll.u32 s7, $0x1;
	s4 =	sadd.s32 s5, s19  }
0xa2: {  	s8 =	simm.s32 $0x0;
	s20 =	sshll.u32 s6, $0x1;
	s6 =	sadd.s32 s21, s4  }
0xa3: {  	[timem:s8], [sflag:s22] =	dma.local [hbm:s6], s20  }
0xa4: {  	_ =	swait.ge [sflag:s22], s20  }
0xa5: {  	s5 =	ssub.s32 $0x0, s20;
	[sflag:s22] =	ssyncset.done $0x0  }
0xa6: {  	[sflag:s22] =	ssyncadd.s32 s5;
	_ =	sdelay $0x1  }
0xa7: {  	s23 =	simm.s32 $0x1B8B  }
0xa8: {  	_ =	swait.ge [sflag:s23], $0x1  }
0xa9: {  	[sflag:s23] =	ssyncset.done $0x0  }
0xaa: {  	s25 =	simm.s32 $0x1B8E;
	s24 =	sld [smem:$0x3FFE];
	[sflag:s23] =	ssyncadd.s32 $0xFFFFFFFF  }
0xab: {  	s26 =	simm.s32 $execute0_lowered;
	[smem:$0x3FD2] =	sst s25  }
0xac: {  	s6 =	sshll.u32 s26, $0x1;
	_ =	strace $0x80000049;
	[dreg:$0x1] =	wrdreg $0xFFFFFFFF  }
0xad: {  	s28 =	simm.s32 $_size_execute0_lowered;
	s4 =	sadd.s32 s4, s6;
	[dreg:$0x0] =	wrdreg $0x0  }
0xae: {  	s6 =	sshll.u32 s28, $0x1;
	[dreg:$0x2] =	wrdreg s4  }
0xaf: {  	[dreg:$0x3] =	wrdreg s6  }
0xb0: {  	[dreg:$0x4] =	wrdreg $0xC0  }
0xb1: {  	_ =	task [dreg:s8], $0x5FFFF  }
0xb2: {  	[dreg:$0x1] =	wrdreg $0xFFFFFFFF  }
0xb3: {  	[dreg:$0x0] =	wrdreg $0x60  }
0xb4: {  	[dreg:$0x2] =	wrdreg s24  }
0xb5: {  	[dreg:$0x3] =	wrdreg s17  }
0xb6: {  	[dreg:$0x4] =	wrdreg s16  }
0xb7: {  	[dreg:$0x5] =	wrdreg $0x130000  }
0xb8: {  	[dreg:$0x6] =	wrdreg $0x9  }
0xb9: {  	_ =	task.clear_ibuf [dreg:s8], $0x7FFFF;
	_ =	strace $0x90000049  }
0xba: {  	s29 =	simm.s32 $0x9;
	_ =	strace $0x8000004B  }
0xbb: {  	_ =	swait.ge [sflag:s29], $0x1  }
0xbc: {  	[sflag:s29] =	ssyncadd.s32 $0xFFFFFFFF  }
0xbd: {  	_ =	strace $0x9000004B  }
0xbe: {  	_ =	sfence  }
0xbf: {  	s30 =	sld [smem:$0x0];
	_ =	sdelay $0x2  }
0xc0: {  	s31 =	sshll.u32 s1, $0xD;
	s1 =	sshrl.u32 s1, $0x2  }
0xc1: {  	s3 =	sand.u32 $0x4000, s31;
	s1 =	sadd.s32 s1, s30  }
0xc2: {  	s0 =	sor.u32 s3, s0;
	s1 =	sshll.u32 s1, $0x11  }
0xc3: {  	s0 =	sor.u32 s1, s0  }
0xc4: {  	s0 =	sadd.s32 $0x8F2B, s0  }
0xc5: {  	[sflag:s0] =	ssyncadd.remote.s32 $0x1  }
0xc6: {  	_ =	sfence.sel $0xFFFF  }
0xc7: {  	[dreg:$0x0] =	wrdreg $0xFFFFFFFF;
	(pc) =	sbr.abs _section_cstart, $3  }
0xc8: {  	[dreg:$0x1] =	wrdreg $0xFFFFFFFF  }
0xc9: {  	_ =	task.clear_ibuf [dreg:s8], $0x2FFFF;
	_ =	strace $0x9FFFFFFF  }
0xca: {  	(tm) =	ssettm $0x7FFFFFFF  }
0xcb: {  	_ =	shalt  }
tec
execute0_lowered:
.L_overlay_start_1:
0x0: {  	(tag) =	ssettag $0x1  }
0x1: {  	s7 =	rddreg [dreg:$0x0]  }
0x2: {  	s1 =	rddreg [dreg:$0x1]  }
0x3: {  	s3 =	rddreg [dreg:$0x2];
	s0 =	stileid.u32  }
0x4: {  	s2 =	srdreg.scid;
	s4 =	rddreg [dreg:$0x3];
	s5 =	simm.s32 $0x0  }
0x5: {  	s15 =	simm.s32 $0x5;
	s16 =	simm.s32 $0x5000;
	s17 =	simm.s32 $0x80  }
0x6: {  	s18 =	simm.s32 $0xA000;
	s19 =	simm.s32 $0xC000;
	s20 =	simm.s32 $0x1  }
0x7: {  	s21 =	simm.s32 $0x2;
	s22 =	simm.s32 $0x3;
	s23 =	simm.s32 $0x4  }
0x8: {  	s24 =	simm.s32 $0x9F00;
	s25 =	simm.s32 $0x9F80;
	s6 =	smul.u32 $0xA00, s0  }
0x9: {  	s11 =	sand.u32 $0x1, s2;
	s2 =	rddreg [dreg:$0x4];
	s9 =	smul.u32 $0x280, s0  }
0xa: {  	s26 =	simm.s32 $0x0;
	[smem:$0x7FF] =	sst s5;
	s10 =	smul.u32 $0x28000, s0  }
0xb: {  	s8 =	smul.u32 $0x2800, s11;
	_ =	strace $0x8000004A;
	s30 =	ssub.s32 $0x2, s11  }
0xc: {  	p0 =	seq.s32 s11, $0x1;
	s12 =	sadd.s32 s6, s7;
	s6 =	sadd.s32 $0x3A00, s7  }
.Ltmp0:
0xd: {  	s31 =	sshrl.u32 s30, $0x1;
	s8 =	sadd.s32 s9, s8;
	(pc) =	sbr.rel .LBB2_1-.Ltmp0, $4  }
0xe: {  	s10 =	sshrl.u32 s10, $0x2;
	s14 =	ssub.s32 s30, s31;
	s8 =	sshll.u32 s8, $0x3  }
0xf: {  	s9 =	sadd.s32 $0x85A00, s12;
	s13 =	sadd.s32 s8, s7;
	s7 =	sadd.s32 s10, s4  }
0x10: {  	s10 =	sadd.s32 $0x7BA00, s12;
	s8 =	sadd.s32 $0x5000, s7;
	s11 =	sadd.s32 $0x17A00, s13  }
0x11: {  	s12 =	sadd.s32 $0x18400, s13;
	s13 =	smax.u32 s14, $0x1;
	s14 =	simm.s32 $0xE000  }
.LBB2_7:
0x12: {  	[tilespmem:s19], [sflag:$0x2] =	stream.indirect.gather [hbm4b:s6+s17], $0x40, s29, s17, $0xb8;
	[tilespmem:$0x1D000] =	vst v63  }
.LBB2_8:
0x13: {  	_ =	swait.ge [sflag:s20], $0x2000  }
0x14: {  	[sflag:s20] =	ssyncset.done $0x0  }
0x15: {  	[sflag:s20] =	ssyncadd.s32 $0xFFFFE000  }
0x16: {  	[spmem:s4] =	stream.indirect.scatter.add.f32 [tilespmem:s18], [sflag:$0x5], $0x40, s24, s17, $0xb8;
	[tilespmem:$0x1D000] =	vst v63  }
0x17: {  	_ =	swait.ge [sflag:s15], $0x2000  }
0x18: {  	[sflag:s15] =	ssyncset.done $0x0  }
0x19: {  	[sflag:s15] =	ssyncadd.s32 $0xFFFFE000  }
0x1a: {  	_ =	swait.ge [sflag:s21], $0x2000  }
0x1b: {  	[sflag:s21] =	ssyncset.done $0x0  }
0x1c: {  	[sflag:s21] =	ssyncadd.s32 $0xFFFFE000  }
0x1d: {  	[spmem:s4] =	stream.indirect.scatter.add.f32 [tilespmem:s19], [sflag:$0x5], $0x40, s25, s17, $0xb8;
	[tilespmem:$0x1D000] =	vst v63  }
0x1e: {  	_ =	swait.ge [sflag:s15], $0x2000  }
0x1f: {  	[sflag:s15] =	ssyncset.done $0x0  }
0x20: {  	[sflag:s15] =	ssyncadd.s32 $0xFFFFE000  }
0x21: {  	[bflag:$0x0] =	sbarrier.arrive $0xFFFF  }
0x22: {  	[tilespmem:s14], [sflag:$0x5] =	stream.linear.gather [spmem:s7], $0x5000, $0x38;
	[tilespmem:$0x1D000] =	vst v63  }
0x23: {  	_ =	swait.ge [sflag:s15], $0x5000  }
0x24: {  	[sflag:s15] =	ssyncset.done $0x0  }
0x25: {  	[sflag:s15] =	ssyncadd.s32 $0xFFFFB000  }
0x26: {  	[hbm4b:s11+s5] =	stream.linear.scatter [tilespmem:s14], [sflag:$0x5], $0x5000, $0x38;
	[tilespmem:$0x1D000] =	vst v63  }
0x27: {  	_ =	swait.ge [sflag:s15], $0x5000  }
0x28: {  	[sflag:s15] =	ssyncset.done $0x0  }
0x29: {  	[sflag:s15] =	ssyncadd.s32 $0xFFFFB000  }
0x2a: {  	[tilespmem:s14], [sflag:$0x5] =	stream.linear.gather [spmem:s8], $0x5000, $0x38;
	[tilespmem:$0x1D000] =	vst v63  }
0x2b: {  	s26 =	sadd.s32 $0x1, s26;
	_ =	swait.ge [sflag:s15], $0x5000  }
0x2c: {  	p1 =	sne.s32 s26, s13;
	[sflag:s15] =	ssyncset.done $0x0  }
.Ltmp1:
0x2d: {  	[sflag:s15] =	ssyncadd.s32 $0xFFFFB000;
	(pc) =	sbr.rel @!p1 .LBB2_9-.Ltmp1, $4  }
0x2e: {  	[hbm4b:s12+s5] =	stream.linear.scatter [tilespmem:s14], [sflag:$0x5], $0x5000, $0x38;
	[tilespmem:$0x1D000] =	vst v63  }
0x2f: {  	_ =	swait.ge [sflag:s15], $0x5000  }
0x30: {  	[sflag:s15] =	ssyncset.done $0x0  }
0x31: {  	[sflag:s15] =	ssyncadd.s32 $0xFFFFB000  }
.LBB2_1:
0x32: {  	[tilespmem:s14], [sflag:$0x5] =	stream.linear.gather [hbm4b:s3+s5], $0x5000, $0x38;
	[tilespmem:$0x1D000] =	vst v63  }
0x33: {  	_ =	swait.ge [sflag:s15], $0x5000  }
0x34: {  	[sflag:s15] =	ssyncset.done $0x0  }
0x35: {  	[sflag:s15] =	ssyncadd.s32 $0xFFFFB000  }
0x36: {  	[spmem:s7] =	stream.linear.scatter [tilespmem:s14], [sflag:$0x5], $0x5000, $0x38;
	[tilespmem:$0x1D000] =	vst v63  }
0x37: {  	_ =	swait.ge [sflag:s15], $0x5000  }
0x38: {  	[sflag:s15] =	ssyncset.done $0x0  }
0x39: {  	[sflag:s15] =	ssyncadd.s32 $0xFFFFB000  }
0x3a: {  	[spmem:s8] =	stream.linear.scatter [tilespmem:s14], [sflag:$0x5], $0x5000, $0x38;
	[tilespmem:$0x1D000] =	vst v63  }
0x3b: {  	_ =	swait.ge [sflag:s15], $0x5000  }
0x3c: {  	[sflag:s15] =	ssyncset.done $0x0  }
0x3d: {  	[sflag:s15] =	ssyncadd.s32 $0xFFFFB000  }
0x3e: {  	[bflag:$0x0] =	sbarrier.arrive $0xFFFF  }
0x3f: {  	[tilespmem:s5], [sflag:$0x5] =	stream.linear.gather [hbm4b:s9+s5], $0x5000, $0x38;
	[tilespmem:$0x1D000] =	vst v63  }
0x40: {  	_ =	swait.ge [sflag:s15], $0x5000  }
0x41: {  	[sflag:s15] =	ssyncset.done $0x0  }
.Ltmp2:
0x42: {  	[sflag:s15] =	ssyncadd.s32 $0xFFFFB000;
	(pc) =	sbr.rel @!p0 .LBB2_2-.Ltmp2, $4  }
0x43: {  	[tilespmem:s16], [sflag:$0x5] =	stream.linear.gather [hbm4b:s10+s5], $0x5000, $0x38;
	[tilespmem:$0x1D000] =	vst v63  }
0x44: {  	_ =	swait.ge [sflag:s15], $0x5000  }
0x45: {  	[sflag:s15] =	ssyncset.done $0x0  }
0x46: {  	s28 =	simm.s32 $0x0;
	[sflag:s15] =	ssyncadd.s32 $0xFFFFB000  }
0x47: {  	[tilespmem:s18], [sflag:$0x1] =	stream.indirect.gather [hbm4b:s6+s17], $0x40, s28, s17, $0xb8;
	[tilespmem:$0x1D000] =	vst v63  }
0x48: {  	_ = 	snop  }
0x49: {  	[tilespmem:s19], [sflag:$0x2] =	stream.indirect.gather [hbm4b:s6+s17], $0x40, s17, s17, $0xb8;
	[tilespmem:$0x1D000] =	vst v63  }
0x4a: {  	_ =	swait.ge [sflag:s20], $0x2000  }
0x4b: {  	[sflag:s20] =	ssyncset.done $0x0  }
0x4c: {  	s28 =	simm.s32 $0x5000;
	[sflag:s20] =	ssyncadd.s32 $0xFFFFE000  }
0x4d: {  	[spmem:s4] =	stream.indirect.scatter.add.f32 [tilespmem:s18], [sflag:$0x3], $0x40, s28, s17, $0xb8;
	[tilespmem:$0x1D000] =	vst v63  }
0x4e: {  	_ =	swait.ge [sflag:s21], $0x2000  }
0x4f: {  	[sflag:s21] =	ssyncset.done $0x0  }
0x50: {  	s28 =	simm.s32 $0x5080;
	[sflag:s21] =	ssyncadd.s32 $0xFFFFE000  }
0x51: {  	[spmem:s4] =	stream.indirect.scatter.add.f32 [tilespmem:s19], [sflag:$0x4], $0x40, s28, s17, $0xb8;
	[tilespmem:$0x1D000] =	vst v63  }
0x52: {  	_ =	swait.ge [sflag:s22], $0x2000  }
0x53: {  	[sflag:s22] =	ssyncset.done $0x0  }
0x54: {  	s28 =	simm.s32 $0x100;
	[sflag:s22] =	ssyncadd.s32 $0xFFFFE000  }
0x55: {  	[tilespmem:s18], [sflag:$0x1] =	stream.indirect.gather [hbm4b:s6+s17], $0x40, s28, s17, $0xb8;
	[tilespmem:$0x1D000] =	vst v63  }
0x56: {  	_ =	swait.ge [sflag:s23], $0x2000  }
0x57: {  	[sflag:s23] =	ssyncset.done $0x0  }
0x58: {  	s29 =	simm.s32 $0x180;
	s28 =	simm.s32 $0x400;
	[sflag:s23] =	ssyncadd.s32 $0xFFFFE000  }
.LBB2_6:
0x59: {  	[tilespmem:s19], [sflag:$0x2] =	stream.indirect.gather [hbm4b:s6+s17], $0x40, s29, s17, $0xb8;
	[tilespmem:$0x1D000] =	vst v63  }
0x5a: {  	s29 =	smov.u32 s28  }
0x5b: {  	p1 =	sne.s32 s28, $0x13800;
	s28 =	sadd.s32 $0x400, s28;
	_ =	swait.ge [sflag:s20], $0x2000  }
0x5c: {  	s29 =	sshra.s32 s29, $0x2;
	[sflag:s20] =	ssyncset.done $0x0  }
0x5d: {  	s30 =	sadd.s32 $0x5000, s29;
	[sflag:s20] =	ssyncadd.s32 $0xFFFFE000  }
0x5e: {  	[spmem:s4] =	stream.indirect.scatter.add.f32 [tilespmem:s18], [sflag:$0x3], $0x40, s30, s17, $0xb8;
	[tilespmem:$0x1D000] =	vst v63  }
0x5f: {  	_ =	swait.ge [sflag:s21], $0x2000  }
0x60: {  	[sflag:s21] =	ssyncset.done $0x0  }
0x61: {  	s30 =	sadd.s32 $0x5080, s29;
	[sflag:s21] =	ssyncadd.s32 $0xFFFFE000  }
0x62: {  	[spmem:s4] =	stream.indirect.scatter.add.f32 [tilespmem:s19], [sflag:$0x4], $0x40, s30, s17, $0xb8;
	[tilespmem:$0x1D000] =	vst v63  }
0x63: {  	_ =	swait.ge [sflag:s22], $0x2000  }
0x64: {  	[sflag:s22] =	ssyncset.done $0x0  }
.Ltmp3:
0x65: {  	s30 =	sadd.s32 $0x100, s29;
	[sflag:s22] =	ssyncadd.s32 $0xFFFFE000;
	(pc) =	sbr.rel @p1 .LBB2_6-.Ltmp3, $4  }
0x66: {  	[tilespmem:s18], [sflag:$0x1] =	stream.indirect.gather [hbm4b:s6+s17], $0x40, s30, s17, $0xb8;
	[tilespmem:$0x1D000] =	vst v63  }
0x67: {  	_ =	swait.ge [sflag:s23], $0x2000  }
0x68: {  	[sflag:s23] =	ssyncset.done $0x0  }
0x69: {  	s29 =	sadd.s32 $0x180, s29;
	[sflag:s23] =	ssyncadd.s32 $0xFFFFE000  }
.Ltmp4:
0x6a: {  	_ = 	snop;
	(pc) =	sbr.rel .LBB2_7-.Ltmp4, $1  }
0x6b: {  	_ =	sdelay $0x3  }
.LBB2_2:
0x6c: {  	[tilespmem:s18], [sflag:$0x1] =	stream.indirect.gather [hbm4b:s1+s17], $0x40, s28, s17, $0xb8;
	[tilespmem:$0x1D000] =	vst v63  }
0x6d: {  	_ = 	snop  }
0x6e: {  	[tilespmem:s19], [sflag:$0x2] =	stream.indirect.gather [hbm4b:s1+s17], $0x40, s17, s17, $0xb8;
	[tilespmem:$0x1D000] =	vst v63  }
0x6f: {  	_ =	swait.ge [sflag:s20], $0x2000  }
0x70: {  	[sflag:s20] =	ssyncset.done $0x0  }
0x71: {  	s28 =	simm.s32 $0x5000;
	[sflag:s20] =	ssyncadd.s32 $0xFFFFE000  }
0x72: {  	[spmem:s4] =	stream.indirect.scatter.add.f32 [tilespmem:s18], [sflag:$0x3], $0x40, s28, s17, $0xb8;
	[tilespmem:$0x1D000] =	vst v63  }
0x73: {  	_ =	swait.ge [sflag:s21], $0x2000  }
0x74: {  	[sflag:s21] =	ssyncset.done $0x0  }
0x75: {  	s28 =	simm.s32 $0x5080;
	[sflag:s21] =	ssyncadd.s32 $0xFFFFE000  }
0x76: {  	[spmem:s4] =	stream.indirect.scatter.add.f32 [tilespmem:s19], [sflag:$0x4], $0x40, s28, s17, $0xb8;
	[tilespmem:$0x1D000] =	vst v63  }
0x77: {  	_ =	swait.ge [sflag:s22], $0x2000  }
0x78: {  	[sflag:s22] =	ssyncset.done $0x0  }
0x79: {  	s28 =	simm.s32 $0x100;
	[sflag:s22] =	ssyncadd.s32 $0xFFFFE000  }
0x7a: {  	[tilespmem:s18], [sflag:$0x1] =	stream.indirect.gather [hbm4b:s1+s17], $0x40, s28, s17, $0xb8;
	[tilespmem:$0x1D000] =	vst v63  }
0x7b: {  	_ =	swait.ge [sflag:s23], $0x2000  }
0x7c: {  	[sflag:s23] =	ssyncset.done $0x0  }
0x7d: {  	s29 =	simm.s32 $0x180;
	s28 =	simm.s32 $0x400;
	[sflag:s23] =	ssyncadd.s32 $0xFFFFE000  }
.LBB2_3:
0x7e: {  	[tilespmem:s19], [sflag:$0x2] =	stream.indirect.gather [hbm4b:s1+s17], $0x40, s29, s17, $0xb8;
	[tilespmem:$0x1D000] =	vst v63  }
0x7f: {  	s29 =	smov.u32 s28  }
0x80: {  	p1 =	seq.s32 s28, $0x13800;
	s28 =	sadd.s32 $0x400, s28;
	_ =	swait.ge [sflag:s20], $0x2000  }
0x81: {  	s29 =	sshra.s32 s29, $0x2;
	[sflag:s20] =	ssyncset.done $0x0  }
0x82: {  	s30 =	sadd.s32 $0x5000, s29;
	[sflag:s20] =	ssyncadd.s32 $0xFFFFE000  }
0x83: {  	[spmem:s4] =	stream.indirect.scatter.add.f32 [tilespmem:s18], [sflag:$0x3], $0x40, s30, s17, $0xb8;
	[tilespmem:$0x1D000] =	vst v63  }
0x84: {  	_ =	swait.ge [sflag:s21], $0x2000  }
0x85: {  	[sflag:s21] =	ssyncset.done $0x0  }
0x86: {  	s30 =	sadd.s32 $0x5080, s29;
	[sflag:s21] =	ssyncadd.s32 $0xFFFFE000  }
0x87: {  	[spmem:s4] =	stream.indirect.scatter.add.f32 [tilespmem:s19], [sflag:$0x4], $0x40, s30, s17, $0xb8;
	[tilespmem:$0x1D000] =	vst v63  }
0x88: {  	_ =	swait.ge [sflag:s22], $0x2000  }
0x89: {  	[sflag:s22] =	ssyncset.done $0x0  }
.Ltmp5:
0x8a: {  	s30 =	sadd.s32 $0x100, s29;
	[sflag:s22] =	ssyncadd.s32 $0xFFFFE000;
	(pc) =	sbr.rel @!p1 .LBB2_3-.Ltmp5, $4  }
0x8b: {  	[tilespmem:s18], [sflag:$0x1] =	stream.indirect.gather [hbm4b:s1+s17], $0x40, s30, s17, $0xb8;
	[tilespmem:$0x1D000] =	vst v63  }
0x8c: {  	_ =	swait.ge [sflag:s23], $0x2000  }
0x8d: {  	[sflag:s23] =	ssyncset.done $0x0  }
0x8e: {  	s29 =	sadd.s32 $0x180, s29;
	[sflag:s23] =	ssyncadd.s32 $0xFFFFE000  }
.Ltmp6:
0x8f: {  	(pc) =	sbr.rel .LBB2_8-.Ltmp6, $2  }
0x90: {  	_ =	sdelay $0x2  }
0x91: {  	[tilespmem:s19], [sflag:$0x2] =	stream.indirect.gather [hbm4b:s1+s17], $0x40, s29, s17, $0xb8;
	[tilespmem:$0x1D000] =	vst v63  }
.LBB2_9:
0x92: {  	_ =	sfence.sel $0x180000  }
0x93: {  	[bflag:$0x0] =	sbarrier.arrive $0xFFFF  }
0x94: {  	p0 =	sne.s32 s0, $0x0;
	_ =	strace $0x9000004A  }
0x95: {  	s0 =	sadd.s32 @!p0 $0x100000, s2;
	[bflag:$0x2] =	sbarrier.arrive $0xFFFF  }
0x96: {  	[sflag:s0] =	ssyncadd.tile.s32 @!p0 $0x1;
	_ =	shalt  }
.Lfunc_end2:
_tile_overlayer_lowered:
.L_overlay_start_2:
0x97: {  	(tag) =	ssettag $0x2  }
0x98: {  	s0 =	rddreg [dreg:$0x0];
	s2 =	stileid.u32  }
0x99: {  	s1 =	rddreg [dreg:$0x1];
	p0 =	sne.s32 s2, $0x0  }
0x9a: {  	s3 =	rddreg [dreg:$0x2];
	[bflag:$0x3] =	sbarrier.arrive $0xFFFF;
	s2 =	simm.s32 @!p0 $0x1C05  }
0x9b: {  	[timem:s3], [sflag:s2] =	dma.local @!p0 [hbm:s0], s1  }
0x9c: {  	s0 =	simm.s32 @!p0 $0x5  }
0x9d: {  	_ =	swait.ge @!p0 [sflag:s0], s1  }
0x9e: {  	s1 =	ssub.s32 @!p0 $0x0, s1;
	[sflag:s0] =	ssyncset.done @!p0 $0x0  }
0x9f: {  	[sflag:s0] =	ssyncadd.s32 @!p0 s1  }
0xa0: {  	[bflag:$0x3] =	sbarrier.arrive $0xFFFF  }
0xa1: {  	_ =	shalt  }

// kernel: kernel.17.cloned.1.call-start
scs
__scs_entry_jumppad:
0x0: {  	(pc) =	sbr.rel $0x88, $3  }
0x1: {  	(tag) =	ssettag $0x0;
	lr =	simm.s32 $0x1  }
0x2: {  	[smem:$0x3F92] =	sst lr;
	_ =	strace $0xD0000000  }
0x3: {  	_ = 	snop  }
0x4: {  	_ = 	snop  }
0x5: {  	_ = 	snop  }
0x6: {  	_ = 	snop  }
0x7: {  	_ = 	snop  }
__scs_overlays_trampoline_lowered:
0x8: {  	[smem:$0x3FA1] =	sst s0  }
0x9: {  	[smem:$0x3FA2] =	sst s1  }
0xa: {  	[smem:$0x3FA3] =	sst s2  }
0xb: {  	[smem:$0x3FA4] =	sst s3  }
0xc: {  	[smem:$0x3FA5] =	sst s4  }
0xd: {  	[smem:$0x3FA6] =	sst s5  }
0xe: {  	[smem:$0x3FA7] =	sst s6  }
0xf: {  	[smem:$0x3FA8] =	sst s7  }
0x10: {  	[smem:$0x3FA9] =	sst s8  }
0x11: {  	[smem:$0x3FAA] =	sst s9;
	s0 =	simm.s32 @!p0 $0x0  }
0x12: {  	s1 =	sld [smem:$0x3F90];
	s0 =	simm.s32 @p0 $0x1  }
0x13: {  	[smem:$0x3FAB] =	sst s0;
	s0 =	simm.s32 @!p1 $0x0  }
0x14: {  	s2 =	sld [smem:$0x3F8F];
	s0 =	simm.s32 @p1 $0x1  }
0x15: {  	[smem:$0x3FAC] =	sst s0;
	s0 =	simm.s32 @!p2 $0x0  }
0x16: {  	s3 =	sld [smem:$0x3FDB];
	s0 =	simm.s32 @p2 $0x1  }
0x17: {  	s4 =	simm.s32 $0x1BF5;
	[smem:$0x3FAE] =	sst s0  }
0x18: {  	s0 =	sld [smem:$0x3F91];
	_ =	swait.ge [sflag:s4], $0x0  }
0x19: {  	s7 =	sld [smem:$0x3F92]  }
0x1a: {  	s8 =	sadd.s32 $0xFFFFE003, lr  }
0x1b: {  	s9 =	sadd.s32 $0xFFFFFEF7, lr;
	s5 =	simm.s32 $0xFFFFFFFF;
	p2 =	slt.u32 s8, $0xFFFFF086  }
0x1c: {  	p1 =	slt.u32 s9, $0xF7A;
	s5 =	simm.s32 @!p2 $0x0  }
0x1d: {  	s5 =	simm.s32 @p1 $0x1;
	p0 =	seq.s32 s7, s2  }
0x1e: {  	s7 =	smul.u32 @!p0 $0xF7A, s2;
	p2 =	seq.s32 @!p0 s5, $0x0  }
0x1f: {  	s9 =	smul.u32 $0xF7A, s1;
	s8 =	simm.s32 @!p0 $0x1BF5;
	p2 =	por !p2, p0  }
0x20: {  	[sflag:s8] =	ssyncset.s32 @!p0 $0xFFFFF086;
	s6 =	sadd.s32 @!p0 s3, s7;
	s7 =	simm.s32 @!p0 $0x108  }
0x21: {  	s3 =	sadd.s32 s3, s9;
	s6 =	sadd.s32 @!p0 $0x88, s6;
	s7 =	simm.s32 @p2 $0x1082  }
0x22: {  	[simem:s7], [sflag:s8] =	dma.local @!p0 [hbm:s6], $0xF7A  }
0x23: {  	s9 =	sor.u32 $0xD0000000, s2;
	s6 =	simm.s32 $0x108;
	_ =	swait.ge @!p0 [sflag:s8], $0x0  }
0x24: {  	s3 =	sadd.s32 $0x88, s3;
	s6 =	simm.s32 @!p1 $0x1082;
	[sflag:s4] =	ssyncset.s32 $0xFFFFF086  }
0x25: {  	[simem:s6], [sflag:s4] =	dma.local [hbm:s3], $0xF7A  }
0x26: {  	[smem:$0x3F92] =	sst s1;
	(tag) =	ssettag s2;
	_ =	strace s9  }
0x27: {  	s1 =	sld [smem:$0x3FA2]  }
0x28: {  	s2 =	sld [smem:$0x3FA3]  }
0x29: {  	s4 =	sld [smem:$0x3FA5]  }
0x2a: {  	p0 =	seq.s32 s5, $0x0;
	s5 =	sld [smem:$0x3FA6]  }
0x2b: {  	s6 =	sld [smem:$0x3FA7]  }
0x2c: {  	s7 =	sld [smem:$0x3FA8]  }
0x2d: {  	s3 =	simm.s32 $0x108;
	s8 =	sld [smem:$0x3FA9]  }
0x2e: {  	s3 =	simm.s32 @!p0 $0x1082;
	s9 =	sld [smem:$0x3FAA]  }
0x2f: {  	lr =	sadd.s32 s0, s3;
	s0 =	sld [smem:$0x3FA1]  }
0x30: {  	s3 =	sld [smem:$0x3FA4]  }
0x31: {  	[smem:$0x3FAD] =	sst s10  }
0x32: {  	s10 =	sld [smem:$0x3FAB];
	_ =	sdelay $0x3  }
0x33: {  	p0 =	seq.s32 s10, $0x1;
	s10 =	sld [smem:$0x3FAD];
	_ =	sdelay $0x3  }
0x34: {  	[smem:$0x3FAD] =	sst s10  }
0x35: {  	s10 =	sld [smem:$0x3FAC];
	_ =	sdelay $0x3  }
0x36: {  	p1 =	seq.s32 s10, $0x1;
	s10 =	sld [smem:$0x3FAD];
	_ =	sdelay $0x3  }
0x37: {  	[smem:$0x3FAD] =	sst s10  }
0x38: {  	s10 =	sld [smem:$0x3FAE]  }
0x39: {  	_ = 	snop;
	(pc) =	sbr.ind lr, $3  }
0x3a: {  	_ = 	snop  }
0x3b: {  	_ = 	snop  }
0x3c: {  	p2 =	seq.s32 s10, $0x1;
	s10 =	sld [smem:$0x3FAD]  }
0x3d: {  	_ =	shalt  }
0x3e: {  	_ =	shalt  }
0x3f: {  	_ =	shalt  }
0x40: {  	_ =	shalt  }
0x41: {  	_ =	shalt  }
0x42: {  	_ =	shalt  }
0x43: {  	_ =	shalt  }
0x44: {  	_ =	shalt  }
0x45: {  	_ =	shalt  }
0x46: {  	_ =	shalt  }
0x47: {  	_ =	shalt  }
0x48: {  	_ =	shalt  }
0x49: {  	_ =	shalt  }
0x4a: {  	_ =	shalt  }
0x4b: {  	_ =	shalt  }
0x4c: {  	_ =	shalt  }
0x4d: {  	_ =	shalt  }
0x4e: {  	_ =	shalt  }
0x4f: {  	_ =	shalt  }
0x50: {  	_ =	shalt  }
0x51: {  	_ =	shalt  }
0x52: {  	_ =	shalt  }
0x53: {  	_ =	shalt  }
0x54: {  	_ =	shalt  }
0x55: {  	_ =	shalt  }
0x56: {  	_ =	shalt  }
0x57: {  	_ =	shalt  }
0x58: {  	_ =	shalt  }
0x59: {  	_ =	shalt  }
0x5a: {  	_ =	shalt  }
0x5b: {  	_ =	shalt  }
0x5c: {  	_ =	shalt  }
0x5d: {  	_ =	shalt  }
0x5e: {  	_ =	shalt  }
0x5f: {  	_ =	shalt  }
0x60: {  	_ =	shalt  }
0x61: {  	_ =	shalt  }
0x62: {  	_ =	shalt  }
0x63: {  	_ =	shalt  }
0x64: {  	_ =	shalt  }
0x65: {  	_ =	shalt  }
0x66: {  	_ =	shalt  }
0x67: {  	_ =	shalt  }
0x68: {  	_ =	shalt  }
0x69: {  	_ =	shalt  }
0x6a: {  	_ =	shalt  }
0x6b: {  	_ =	shalt  }
0x6c: {  	_ =	shalt  }
0x6d: {  	_ =	shalt  }
0x6e: {  	_ =	shalt  }
0x6f: {  	_ =	shalt  }
0x70: {  	_ =	shalt  }
0x71: {  	_ =	shalt  }
0x72: {  	_ =	shalt  }
0x73: {  	_ =	shalt  }
0x74: {  	_ =	shalt  }
0x75: {  	_ =	shalt  }
0x76: {  	_ =	shalt  }
0x77: {  	_ =	shalt  }
0x78: {  	_ =	shalt  }
0x79: {  	_ =	shalt  }
0x7a: {  	_ =	shalt  }
0x7b: {  	_ =	shalt  }
0x7c: {  	_ =	shalt  }
0x7d: {  	_ =	shalt  }
0x7e: {  	_ =	shalt  }
0x7f: {  	_ =	shalt  }
0x80: {  	_ =	shalt  }
0x81: {  	_ =	shalt  }
0x82: {  	_ =	shalt  }
0x83: {  	_ =	shalt  }
0x84: {  	_ =	shalt  }
0x85: {  	_ =	shalt  }
0x86: {  	_ =	shalt  }
0x87: {  	_ =	shalt  }
.Lfunc_end0:
.L_simem_size_0:
called_computation.2_lowered:
.L_overlay_start_0:
0x88: {  	s2 =	sld [smem:$0x3FD9]  }
0x89: {  	s3 =	sld [smem:$0x3FFE];
	_ =	sdelay $0x1  }
0x8a: {  	s1 =	srdreg.scid  }
0x8b: {  	s0 =	sand.u32 $0x1, s1  }
0x8c: {  	s14 =	sshll.u32 s0, $0xA;
	s2 =	sadd.s32 s3, s2  }
0x8d: {  	s2 =	sadd.s32 s2, s14  }
0x8e: {  	[smem:$0x3FB9] =	sst s2  }
0x8f: {  	_ = 	snop  }
0x90: {  	s2 =	sld [smem:$0x3FD0];
	_ =	sdelay $0x2  }
0x91: {  	s15 =	simm.s32 $0xA;
	s4 =	simm.s32 $0x10  }
0x92: {  	[smem:s4], [sflag:s15] =	dma.local [hbm:s2], $0x1  }
0x93: {  	_ =	swait.eq [sflag:s15], $0x1  }
0x94: {  	[sflag:s15] =	ssyncset.done $0x0  }
0x95: {  	s16 =	sld [smem:$0x10];
	[sflag:s15] =	ssyncadd.s32 $0xFFFFFFFF  }
0x96: {  	s17 =	sld [smem:$0x11];
	(tm) =	ssettm $0x1  }
0x97: {  	s18 =	sld [smem:$0x3FFB];
	_ =	sdelay $0x3  }
0x98: {  	_ =	strace s18  }
0x99: {  	s4 =	sld [smem:$0x3FFC];
	_ =	sdelay $0x3  }
0x9a: {  	_ =	strace s4  }
0x9b: {  	s4 =	sld [smem:$0x3FFD];
	_ =	sdelay $0x3  }
0x9c: {  	_ =	strace s4  }
0x9d: {  	_ =	strace $0x8FFFFFFF  }
0x9e: {  	s19 =	sld [smem:$0x3FDB];
	_ =	sdelay $0x1  }
0x9f: {  	s5 =	simm.s32 $_scs_section_size  }
0xa0: {  	s6 =	simm.s32 $_size__tile_overlayer_lowered;
	s7 =	simm.s32 $_tile_overlayer_lowered  }
0xa1: {  	s22 =	simm.s32 $0x1BFF;
	s21 =	sshll.u32 s7, $0x1;
	s4 =	sadd.s32 s5, s19  }
0xa2: {  	s8 =	simm.s32 $0x0;
	s20 =	sshll.u32 s6, $0x1;
	s6 =	sadd.s32 s21, s4  }
0xa3: {  	[timem:s8], [sflag:s22] =	dma.local [hbm:s6], s20  }
0xa4: {  	_ =	swait.ge [sflag:s22], s20  }
0xa5: {  	s5 =	ssub.s32 $0x0, s20;
	[sflag:s22] =	ssyncset.done $0x0  }
0xa6: {  	[sflag:s22] =	ssyncadd.s32 s5;
	_ =	sdelay $0x1  }
0xa7: {  	s23 =	simm.s32 $0x1B8B  }
0xa8: {  	_ =	swait.ge [sflag:s23], $0x1  }
0xa9: {  	[sflag:s23] =	ssyncset.done $0x0  }
0xaa: {  	s25 =	simm.s32 $0x1B8E;
	s24 =	sld [smem:$0x3FFE];
	[sflag:s23] =	ssyncadd.s32 $0xFFFFFFFF  }
0xab: {  	s26 =	simm.s32 $execute0_lowered;
	[smem:$0x3FD2] =	sst s25  }
0xac: {  	s6 =	sshll.u32 s26, $0x1;
	_ =	strace $0x8000004C;
	[dreg:$0x1] =	wrdreg $0xFFFFFFFF  }
0xad: {  	s28 =	simm.s32 $_size_execute0_lowered;
	s4 =	sadd.s32 s4, s6;
	[dreg:$0x0] =	wrdreg $0x0  }
0xae: {  	s6 =	sshll.u32 s28, $0x1;
	[dreg:$0x2] =	wrdreg s4  }
0xaf: {  	[dreg:$0x3] =	wrdreg s6  }
0xb0: {  	[dreg:$0x4] =	wrdreg $0xC0  }
0xb1: {  	_ =	task [dreg:s8], $0x5FFFF  }
0xb2: {  	[dreg:$0x1] =	wrdreg $0xFFFFFFFF  }
0xb3: {  	[dreg:$0x0] =	wrdreg $0x60  }
0xb4: {  	[dreg:$0x2] =	wrdreg s24  }
0xb5: {  	[dreg:$0x3] =	wrdreg s17  }
0xb6: {  	[dreg:$0x4] =	wrdreg s16  }
0xb7: {  	[dreg:$0x5] =	wrdreg $0x130000  }
0xb8: {  	[dreg:$0x6] =	wrdreg $0x9  }
0xb9: {  	_ =	task.clear_ibuf [dreg:s8], $0x7FFFF;
	_ =	strace $0x9000004C  }
0xba: {  	s29 =	simm.s32 $0x9;
	_ =	strace $0x8000004E  }
0xbb: {  	_ =	swait.ge [sflag:s29], $0x1  }
0xbc: {  	[sflag:s29] =	ssyncadd.s32 $0xFFFFFFFF  }
0xbd: {  	_ =	strace $0x9000004E  }
0xbe: {  	_ =	sfence  }
0xbf: {  	s30 =	sld [smem:$0x0];
	_ =	sdelay $0x2  }
0xc0: {  	s31 =	sshll.u32 s1, $0xD;
	s1 =	sshrl.u32 s1, $0x2  }
0xc1: {  	s3 =	sand.u32 $0x4000, s31;
	s1 =	sadd.s32 s1, s30  }
0xc2: {  	s0 =	sor.u32 s3, s0;
	s1 =	sshll.u32 s1, $0x11  }
0xc3: {  	s0 =	sor.u32 s1, s0  }
0xc4: {  	s0 =	sadd.s32 $0x8F2B, s0  }
0xc5: {  	[sflag:s0] =	ssyncadd.remote.s32 $0x1  }
0xc6: {  	_ =	sfence.sel $0xFFFF  }
0xc7: {  	[dreg:$0x0] =	wrdreg $0xFFFFFFFF;
	(pc) =	sbr.abs _section_cstart, $3  }
0xc8: {  	[dreg:$0x1] =	wrdreg $0xFFFFFFFF  }
0xc9: {  	_ =	task.clear_ibuf [dreg:s8], $0x2FFFF;
	_ =	strace $0x9FFFFFFF  }
0xca: {  	(tm) =	ssettm $0x7FFFFFFF  }
0xcb: {  	_ =	shalt  }
tec
execute0_lowered:
.L_overlay_start_1:
0x0: {  	(tag) =	ssettag $0x1  }
0x1: {  	s7 =	rddreg [dreg:$0x0]  }
0x2: {  	s1 =	rddreg [dreg:$0x1]  }
0x3: {  	s3 =	rddreg [dreg:$0x2];
	s0 =	stileid.u32  }
0x4: {  	s2 =	srdreg.scid;
	s4 =	rddreg [dreg:$0x3];
	s5 =	simm.s32 $0x0  }
0x5: {  	s15 =	simm.s32 $0x5;
	s16 =	simm.s32 $0x5000;
	s17 =	simm.s32 $0x80  }
0x6: {  	s18 =	simm.s32 $0xA000;
	s19 =	simm.s32 $0xC000;
	s20 =	simm.s32 $0x1  }
0x7: {  	s21 =	simm.s32 $0x2;
	s22 =	simm.s32 $0x3;
	s23 =	simm.s32 $0x4  }
0x8: {  	s24 =	simm.s32 $0x9F00;
	s25 =	simm.s32 $0x9F80;
	s6 =	smul.u32 $0xA00, s0  }
0x9: {  	s11 =	sand.u32 $0x1, s2;
	s2 =	rddreg [dreg:$0x4];
	s9 =	smul.u32 $0x280, s0  }
0xa: {  	s26 =	simm.s32 $0x0;
	[smem:$0x7FF] =	sst s5;
	s10 =	smul.u32 $0x28000, s0  }
0xb: {  	s8 =	smul.u32 $0x2800, s11;
	_ =	strace $0x8000004D;
	s30 =	ssub.s32 $0x2, s11  }
0xc: {  	p0 =	seq.s32 s11, $0x1;
	s12 =	sadd.s32 s6, s7;
	s6 =	sadd.s32 $0x3A00, s7  }
.Ltmp0:
0xd: {  	s31 =	sshrl.u32 s30, $0x1;
	s8 =	sadd.s32 s9, s8;
	(pc) =	sbr.rel .LBB2_1-.Ltmp0, $4  }
0xe: {  	s10 =	sshrl.u32 s10, $0x2;
	s14 =	ssub.s32 s30, s31;
	s8 =	sshll.u32 s8, $0x3  }
0xf: {  	s9 =	sadd.s32 $0x85A00, s12;
	s13 =	sadd.s32 s8, s7;
	s7 =	sadd.s32 s10, s4  }
0x10: {  	s10 =	sadd.s32 $0x7BA00, s12;
	s8 =	sadd.s32 $0x5000, s7;
	s11 =	sadd.s32 $0x17A00, s13  }
0x11: {  	s12 =	sadd.s32 $0x18400, s13;
	s13 =	smax.u32 s14, $0x1;
	s14 =	simm.s32 $0xE000  }
.LBB2_7:
0x12: {  	[tilespmem:s19], [sflag:$0x2] =	stream.indirect.gather [hbm4b:s6+s17], $0x40, s29, s17, $0xb8;
	[tilespmem:$0x1D000] =	vst v63  }
.LBB2_8:
0x13: {  	_ =	swait.ge [sflag:s20], $0x2000  }
0x14: {  	[sflag:s20] =	ssyncset.done $0x0  }
0x15: {  	[sflag:s20] =	ssyncadd.s32 $0xFFFFE000  }
0x16: {  	[spmem:s4] =	stream.indirect.scatter.add.f32 [tilespmem:s18], [sflag:$0x5], $0x40, s24, s17, $0xb8;
	[tilespmem:$0x1D000] =	vst v63  }
0x17: {  	_ =	swait.ge [sflag:s15], $0x2000  }
0x18: {  	[sflag:s15] =	ssyncset.done $0x0  }
0x19: {  	[sflag:s15] =	ssyncadd.s32 $0xFFFFE000  }
0x1a: {  	_ =	swait.ge [sflag:s21], $0x2000  }
0x1b: {  	[sflag:s21] =	ssyncset.done $0x0  }
0x1c: {  	[sflag:s21] =	ssyncadd.s32 $0xFFFFE000  }
0x1d: {  	[spmem:s4] =	stream.indirect.scatter.add.f32 [tilespmem:s19], [sflag:$0x5], $0x40, s25, s17, $0xb8;
	[tilespmem:$0x1D000] =	vst v63  }
0x1e: {  	_ =	swait.ge [sflag:s15], $0x2000  }
0x1f: {  	[sflag:s15] =	ssyncset.done $0x0  }
0x20: {  	[sflag:s15] =	ssyncadd.s32 $0xFFFFE000  }
0x21: {  	[bflag:$0x0] =	sbarrier.arrive $0xFFFF  }
0x22: {  	[tilespmem:s14], [sflag:$0x5] =	stream.linear.gather [spmem:s7], $0x5000, $0x38;
	[tilespmem:$0x1D000] =	vst v63  }
0x23: {  	_ =	swait.ge [sflag:s15], $0x5000  }
0x24: {  	[sflag:s15] =	ssyncset.done $0x0  }
0x25: {  	[sflag:s15] =	ssyncadd.s32 $0xFFFFB000  }
0x26: {  	[hbm4b:s11+s5] =	stream.linear.scatter [tilespmem:s14], [sflag:$0x5], $0x5000, $0x38;
	[tilespmem:$0x1D000] =	vst v63  }
0x27: {  	_ =	swait.ge [sflag:s15], $0x5000  }
0x28: {  	[sflag:s15] =	ssyncset.done $0x0  }
0x29: {  	[sflag:s15] =	ssyncadd.s32 $0xFFFFB000  }
0x2a: {  	[tilespmem:s14], [sflag:$0x5] =	stream.linear.gather [spmem:s8], $0x5000, $0x38;
	[tilespmem:$0x1D000] =	vst v63  }
0x2b: {  	s26 =	sadd.s32 $0x1, s26;
	_ =	swait.ge [sflag:s15], $0x5000  }
0x2c: {  	p1 =	sne.s32 s26, s13;
	[sflag:s15] =	ssyncset.done $0x0  }
.Ltmp1:
0x2d: {  	[sflag:s15] =	ssyncadd.s32 $0xFFFFB000;
	(pc) =	sbr.rel @!p1 .LBB2_9-.Ltmp1, $4  }
0x2e: {  	[hbm4b:s12+s5] =	stream.linear.scatter [tilespmem:s14], [sflag:$0x5], $0x5000, $0x38;
	[tilespmem:$0x1D000] =	vst v63  }
0x2f: {  	_ =	swait.ge [sflag:s15], $0x5000  }
0x30: {  	[sflag:s15] =	ssyncset.done $0x0  }
0x31: {  	[sflag:s15] =	ssyncadd.s32 $0xFFFFB000  }
.LBB2_1:
0x32: {  	[tilespmem:s14], [sflag:$0x5] =	stream.linear.gather [hbm4b:s3+s5], $0x5000, $0x38;
	[tilespmem:$0x1D000] =	vst v63  }
0x33: {  	_ =	swait.ge [sflag:s15], $0x5000  }
0x34: {  	[sflag:s15] =	ssyncset.done $0x0  }
0x35: {  	[sflag:s15] =	ssyncadd.s32 $0xFFFFB000  }
0x36: {  	[spmem:s7] =	stream.linear.scatter [tilespmem:s14], [sflag:$0x5], $0x5000, $0x38;
	[tilespmem:$0x1D000] =	vst v63  }
0x37: {  	_ =	swait.ge [sflag:s15], $0x5000  }
0x38: {  	[sflag:s15] =	ssyncset.done $0x0  }
0x39: {  	[sflag:s15] =	ssyncadd.s32 $0xFFFFB000  }
0x3a: {  	[spmem:s8] =	stream.linear.scatter [tilespmem:s14], [sflag:$0x5], $0x5000, $0x38;
	[tilespmem:$0x1D000] =	vst v63  }
0x3b: {  	_ =	swait.ge [sflag:s15], $0x5000  }
0x3c: {  	[sflag:s15] =	ssyncset.done $0x0  }
0x3d: {  	[sflag:s15] =	ssyncadd.s32 $0xFFFFB000  }
0x3e: {  	[bflag:$0x0] =	sbarrier.arrive $0xFFFF  }
0x3f: {  	[tilespmem:s5], [sflag:$0x5] =	stream.linear.gather [hbm4b:s9+s5], $0x5000, $0x38;
	[tilespmem:$0x1D000] =	vst v63  }
0x40: {  	_ =	swait.ge [sflag:s15], $0x5000  }
0x41: {  	[sflag:s15] =	ssyncset.done $0x0  }
.Ltmp2:
0x42: {  	[sflag:s15] =	ssyncadd.s32 $0xFFFFB000;
	(pc) =	sbr.rel @!p0 .LBB2_2-.Ltmp2, $4  }
0x43: {  	[tilespmem:s16], [sflag:$0x5] =	stream.linear.gather [hbm4b:s10+s5], $0x5000, $0x38;
	[tilespmem:$0x1D000] =	vst v63  }
0x44: {  	_ =	swait.ge [sflag:s15], $0x5000  }
0x45: {  	[sflag:s15] =	ssyncset.done $0x0  }
0x46: {  	s28 =	simm.s32 $0x0;
	[sflag:s15] =	ssyncadd.s32 $0xFFFFB000  }
0x47: {  	[tilespmem:s18], [sflag:$0x1] =	stream.indirect.gather [hbm4b:s6+s17], $0x40, s28, s17, $0xb8;
	[tilespmem:$0x1D000] =	vst v63  }
0x48: {  	_ = 	snop  }
0x49: {  	[tilespmem:s19], [sflag:$0x2] =	stream.indirect.gather [hbm4b:s6+s17], $0x40, s17, s17, $0xb8;
	[tilespmem:$0x1D000] =	vst v63  }
0x4a: {  	_ =	swait.ge [sflag:s20], $0x2000  }
0x4b: {  	[sflag:s20] =	ssyncset.done $0x0  }
0x4c: {  	s28 =	simm.s32 $0x5000;
	[sflag:s20] =	ssyncadd.s32 $0xFFFFE000  }
0x4d: {  	[spmem:s4] =	stream.indirect.scatter.add.f32 [tilespmem:s18], [sflag:$0x3], $0x40, s28, s17, $0xb8;
	[tilespmem:$0x1D000] =	vst v63  }
0x4e: {  	_ =	swait.ge [sflag:s21], $0x2000  }
0x4f: {  	[sflag:s21] =	ssyncset.done $0x0  }
0x50: {  	s28 =	simm.s32 $0x5080;
	[sflag:s21] =	ssyncadd.s32 $0xFFFFE000  }
0x51: {  	[spmem:s4] =	stream.indirect.scatter.add.f32 [tilespmem:s19], [sflag:$0x4], $0x40, s28, s17, $0xb8;
	[tilespmem:$0x1D000] =	vst v63  }
0x52: {  	_ =	swait.ge [sflag:s22], $0x2000  }
0x53: {  	[sflag:s22] =	ssyncset.done $0x0  }
0x54: {  	s28 =	simm.s32 $0x100;
	[sflag:s22] =	ssyncadd.s32 $0xFFFFE000  }
0x55: {  	[tilespmem:s18], [sflag:$0x1] =	stream.indirect.gather [hbm4b:s6+s17], $0x40, s28, s17, $0xb8;
	[tilespmem:$0x1D000] =	vst v63  }
0x56: {  	_ =	swait.ge [sflag:s23], $0x2000  }
0x57: {  	[sflag:s23] =	ssyncset.done $0x0  }
0x58: {  	s29 =	simm.s32 $0x180;
	s28 =	simm.s32 $0x400;
	[sflag:s23] =	ssyncadd.s32 $0xFFFFE000  }
.LBB2_6:
0x59: {  	[tilespmem:s19], [sflag:$0x2] =	stream.indirect.gather [hbm4b:s6+s17], $0x40, s29, s17, $0xb8;
	[tilespmem:$0x1D000] =	vst v63  }
0x5a: {  	s29 =	smov.u32 s28  }
0x5b: {  	p1 =	sne.s32 s28, $0x13800;
	s28 =	sadd.s32 $0x400, s28;
	_ =	swait.ge [sflag:s20], $0x2000  }
0x5c: {  	s29 =	sshra.s32 s29, $0x2;
	[sflag:s20] =	ssyncset.done $0x0  }
0x5d: {  	s30 =	sadd.s32 $0x5000, s29;
	[sflag:s20] =	ssyncadd.s32 $0xFFFFE000  }
0x5e: {  	[spmem:s4] =	stream.indirect.scatter.add.f32 [tilespmem:s18], [sflag:$0x3], $0x40, s30, s17, $0xb8;
	[tilespmem:$0x1D000] =	vst v63  }
0x5f: {  	_ =	swait.ge [sflag:s21], $0x2000  }
0x60: {  	[sflag:s21] =	ssyncset.done $0x0  }
0x61: {  	s30 =	sadd.s32 $0x5080, s29;
	[sflag:s21] =	ssyncadd.s32 $0xFFFFE000  }
0x62: {  	[spmem:s4] =	stream.indirect.scatter.add.f32 [tilespmem:s19], [sflag:$0x4], $0x40, s30, s17, $0xb8;
	[tilespmem:$0x1D000] =	vst v63  }
0x63: {  	_ =	swait.ge [sflag:s22], $0x2000  }
0x64: {  	[sflag:s22] =	ssyncset.done $0x0  }
.Ltmp3:
0x65: {  	s30 =	sadd.s32 $0x100, s29;
	[sflag:s22] =	ssyncadd.s32 $0xFFFFE000;
	(pc) =	sbr.rel @p1 .LBB2_6-.Ltmp3, $4  }
0x66: {  	[tilespmem:s18], [sflag:$0x1] =	stream.indirect.gather [hbm4b:s6+s17], $0x40, s30, s17, $0xb8;
	[tilespmem:$0x1D000] =	vst v63  }
0x67: {  	_ =	swait.ge [sflag:s23], $0x2000  }
0x68: {  	[sflag:s23] =	ssyncset.done $0x0  }
0x69: {  	s29 =	sadd.s32 $0x180, s29;
	[sflag:s23] =	ssyncadd.s32 $0xFFFFE000  }
.Ltmp4:
0x6a: {  	_ = 	snop;
	(pc) =	sbr.rel .LBB2_7-.Ltmp4, $1  }
0x6b: {  	_ =	sdelay $0x3  }
.LBB2_2:
0x6c: {  	[tilespmem:s18], [sflag:$0x1] =	stream.indirect.gather [hbm4b:s1+s17], $0x40, s28, s17, $0xb8;
	[tilespmem:$0x1D000] =	vst v63  }
0x6d: {  	_ = 	snop  }
0x6e: {  	[tilespmem:s19], [sflag:$0x2] =	stream.indirect.gather [hbm4b:s1+s17], $0x40, s17, s17, $0xb8;
	[tilespmem:$0x1D000] =	vst v63  }
0x6f: {  	_ =	swait.ge [sflag:s20], $0x2000  }
0x70: {  	[sflag:s20] =	ssyncset.done $0x0  }
0x71: {  	s28 =	simm.s32 $0x5000;
	[sflag:s20] =	ssyncadd.s32 $0xFFFFE000  }
0x72: {  	[spmem:s4] =	stream.indirect.scatter.add.f32 [tilespmem:s18], [sflag:$0x3], $0x40, s28, s17, $0xb8;
	[tilespmem:$0x1D000] =	vst v63  }
0x73: {  	_ =	swait.ge [sflag:s21], $0x2000  }
0x74: {  	[sflag:s21] =	ssyncset.done $0x0  }
0x75: {  	s28 =	simm.s32 $0x5080;
	[sflag:s21] =	ssyncadd.s32 $0xFFFFE000  }
0x76: {  	[spmem:s4] =	stream.indirect.scatter.add.f32 [tilespmem:s19], [sflag:$0x4], $0x40, s28, s17, $0xb8;
	[tilespmem:$0x1D000] =	vst v63  }
0x77: {  	_ =	swait.ge [sflag:s22], $0x2000  }
0x78: {  	[sflag:s22] =	ssyncset.done $0x0  }
0x79: {  	s28 =	simm.s32 $0x100;
	[sflag:s22] =	ssyncadd.s32 $0xFFFFE000  }
0x7a: {  	[tilespmem:s18], [sflag:$0x1] =	stream.indirect.gather [hbm4b:s1+s17], $0x40, s28, s17, $0xb8;
	[tilespmem:$0x1D000] =	vst v63  }
0x7b: {  	_ =	swait.ge [sflag:s23], $0x2000  }
0x7c: {  	[sflag:s23] =	ssyncset.done $0x0  }
0x7d: {  	s29 =	simm.s32 $0x180;
	s28 =	simm.s32 $0x400;
	[sflag:s23] =	ssyncadd.s32 $0xFFFFE000  }
.LBB2_3:
0x7e: {  	[tilespmem:s19], [sflag:$0x2] =	stream.indirect.gather [hbm4b:s1+s17], $0x40, s29, s17, $0xb8;
	[tilespmem:$0x1D000] =	vst v63  }
0x7f: {  	s29 =	smov.u32 s28  }
0x80: {  	p1 =	seq.s32 s28, $0x13800;
	s28 =	sadd.s32 $0x400, s28;
	_ =	swait.ge [sflag:s20], $0x2000  }
0x81: {  	s29 =	sshra.s32 s29, $0x2;
	[sflag:s20] =	ssyncset.done $0x0  }
0x82: {  	s30 =	sadd.s32 $0x5000, s29;
	[sflag:s20] =	ssyncadd.s32 $0xFFFFE000  }
0x83: {  	[spmem:s4] =	stream.indirect.scatter.add.f32 [tilespmem:s18], [sflag:$0x3], $0x40, s30, s17, $0xb8;
	[tilespmem:$0x1D000] =	vst v63  }
0x84: {  	_ =	swait.ge [sflag:s21], $0x2000  }
0x85: {  	[sflag:s21] =	ssyncset.done $0x0  }
0x86: {  	s30 =	sadd.s32 $0x5080, s29;
	[sflag:s21] =	ssyncadd.s32 $0xFFFFE000  }
0x87: {  	[spmem:s4] =	stream.indirect.scatter.add.f32 [tilespmem:s19], [sflag:$0x4], $0x40, s30, s17, $0xb8;
	[tilespmem:$0x1D000] =	vst v63  }
0x88: {  	_ =	swait.ge [sflag:s22], $0x2000  }
0x89: {  	[sflag:s22] =	ssyncset.done $0x0  }
.Ltmp5:
0x8a: {  	s30 =	sadd.s32 $0x100, s29;
	[sflag:s22] =	ssyncadd.s32 $0xFFFFE000;
	(pc) =	sbr.rel @!p1 .LBB2_3-.Ltmp5, $4  }
0x8b: {  	[tilespmem:s18], [sflag:$0x1] =	stream.indirect.gather [hbm4b:s1+s17], $0x40, s30, s17, $0xb8;
	[tilespmem:$0x1D000] =	vst v63  }
0x8c: {  	_ =	swait.ge [sflag:s23], $0x2000  }
0x8d: {  	[sflag:s23] =	ssyncset.done $0x0  }
0x8e: {  	s29 =	sadd.s32 $0x180, s29;
	[sflag:s23] =	ssyncadd.s32 $0xFFFFE000  }
.Ltmp6:
0x8f: {  	(pc) =	sbr.rel .LBB2_8-.Ltmp6, $2  }
0x90: {  	_ =	sdelay $0x2  }
0x91: {  	[tilespmem:s19], [sflag:$0x2] =	stream.indirect.gather [hbm4b:s1+s17], $0x40, s29, s17, $0xb8;
	[tilespmem:$0x1D000] =	vst v63  }
.LBB2_9:
0x92: {  	_ =	sfence.sel $0x180000  }
0x93: {  	[bflag:$0x0] =	sbarrier.arrive $0xFFFF  }
0x94: {  	p0 =	sne.s32 s0, $0x0;
	_ =	strace $0x9000004D  }
0x95: {  	s0 =	sadd.s32 @!p0 $0x100000, s2;
	[bflag:$0x2] =	sbarrier.arrive $0xFFFF  }
0x96: {  	[sflag:s0] =	ssyncadd.tile.s32 @!p0 $0x1;
	_ =	shalt  }
.Lfunc_end2:
_tile_overlayer_lowered:
.L_overlay_start_2:
0x97: {  	(tag) =	ssettag $0x2  }
0x98: {  	s0 =	rddreg [dreg:$0x0];
	s2 =	stileid.u32  }
0x99: {  	s1 =	rddreg [dreg:$0x1];
	p0 =	sne.s32 s2, $0x0  }
0x9a: {  	s3 =	rddreg [dreg:$0x2];
	[bflag:$0x3] =	sbarrier.arrive $0xFFFF;
	s2 =	simm.s32 @!p0 $0x1C05  }
0x9b: {  	[timem:s3], [sflag:s2] =	dma.local @!p0 [hbm:s0], s1  }
0x9c: {  	s0 =	simm.s32 @!p0 $0x5  }
0x9d: {  	_ =	swait.ge @!p0 [sflag:s0], s1  }
0x9e: {  	s1 =	ssub.s32 @!p0 $0x0, s1;
	[sflag:s0] =	ssyncset.done @!p0 $0x0  }
0x9f: {  	[sflag:s0] =	ssyncadd.s32 @!p0 s1  }
0xa0: {  	[bflag:$0x3] =	sbarrier.arrive $0xFFFF  }
0xa1: {  	_ =	shalt  }

// kernel: kernel.20.cloned.1.call-start
scs
__scs_entry_jumppad:
0x0: {  	(pc) =	sbr.rel $0x88, $3  }
0x1: {  	(tag) =	ssettag $0x0;
	lr =	simm.s32 $0x1  }
0x2: {  	[smem:$0x3F92] =	sst lr;
	_ =	strace $0xD0000000  }
0x3: {  	_ = 	snop  }
0x4: {  	_ = 	snop  }
0x5: {  	_ = 	snop  }
0x6: {  	_ = 	snop  }
0x7: {  	_ = 	snop  }
__scs_overlays_trampoline_lowered:
0x8: {  	[smem:$0x3FA1] =	sst s0  }
0x9: {  	[smem:$0x3FA2] =	sst s1  }
0xa: {  	[smem:$0x3FA3] =	sst s2  }
0xb: {  	[smem:$0x3FA4] =	sst s3  }
0xc: {  	[smem:$0x3FA5] =	sst s4  }
0xd: {  	[smem:$0x3FA6] =	sst s5  }
0xe: {  	[smem:$0x3FA7] =	sst s6  }
0xf: {  	[smem:$0x3FA8] =	sst s7  }
0x10: {  	[smem:$0x3FA9] =	sst s8  }
0x11: {  	[smem:$0x3FAA] =	sst s9;
	s0 =	simm.s32 @!p0 $0x0  }
0x12: {  	s1 =	sld [smem:$0x3F90];
	s0 =	simm.s32 @p0 $0x1  }
0x13: {  	[smem:$0x3FAB] =	sst s0;
	s0 =	simm.s32 @!p1 $0x0  }
0x14: {  	s2 =	sld [smem:$0x3F8F];
	s0 =	simm.s32 @p1 $0x1  }
0x15: {  	[smem:$0x3FAC] =	sst s0;
	s0 =	simm.s32 @!p2 $0x0  }
0x16: {  	s3 =	sld [smem:$0x3FDB];
	s0 =	simm.s32 @p2 $0x1  }
0x17: {  	s4 =	simm.s32 $0x1BF5;
	[smem:$0x3FAE] =	sst s0  }
0x18: {  	s0 =	sld [smem:$0x3F91];
	_ =	swait.ge [sflag:s4], $0x0  }
0x19: {  	s7 =	sld [smem:$0x3F92]  }
0x1a: {  	s8 =	sadd.s32 $0xFFFFE003, lr  }
0x1b: {  	s9 =	sadd.s32 $0xFFFFFEF7, lr;
	s5 =	simm.s32 $0xFFFFFFFF;
	p2 =	slt.u32 s8, $0xFFFFF086  }
0x1c: {  	p1 =	slt.u32 s9, $0xF7A;
	s5 =	simm.s32 @!p2 $0x0  }
0x1d: {  	s5 =	simm.s32 @p1 $0x1;
	p0 =	seq.s32 s7, s2  }
0x1e: {  	s7 =	smul.u32 @!p0 $0xF7A, s2;
	p2 =	seq.s32 @!p0 s5, $0x0  }
0x1f: {  	s9 =	smul.u32 $0xF7A, s1;
	s8 =	simm.s32 @!p0 $0x1BF5;
	p2 =	por !p2, p0  }
0x20: {  	[sflag:s8] =	ssyncset.s32 @!p0 $0xFFFFF086;
	s6 =	sadd.s32 @!p0 s3, s7;
	s7 =	simm.s32 @!p0 $0x108  }
0x21: {  	s3 =	sadd.s32 s3, s9;
	s6 =	sadd.s32 @!p0 $0x88, s6;
	s7 =	simm.s32 @p2 $0x1082  }
0x22: {  	[simem:s7], [sflag:s8] =	dma.local @!p0 [hbm:s6], $0xF7A  }
0x23: {  	s9 =	sor.u32 $0xD0000000, s2;
	s6 =	simm.s32 $0x108;
	_ =	swait.ge @!p0 [sflag:s8], $0x0  }
0x24: {  	s3 =	sadd.s32 $0x88, s3;
	s6 =	simm.s32 @!p1 $0x1082;
	[sflag:s4] =	ssyncset.s32 $0xFFFFF086  }
0x25: {  	[simem:s6], [sflag:s4] =	dma.local [hbm:s3], $0xF7A  }
0x26: {  	[smem:$0x3F92] =	sst s1;
	(tag) =	ssettag s2;
	_ =	strace s9  }
0x27: {  	s1 =	sld [smem:$0x3FA2]  }
0x28: {  	s2 =	sld [smem:$0x3FA3]  }
0x29: {  	s4 =	sld [smem:$0x3FA5]  }
0x2a: {  	p0 =	seq.s32 s5, $0x0;
	s5 =	sld [smem:$0x3FA6]  }
0x2b: {  	s6 =	sld [smem:$0x3FA7]  }
0x2c: {  	s7 =	sld [smem:$0x3FA8]  }
0x2d: {  	s3 =	simm.s32 $0x108;
	s8 =	sld [smem:$0x3FA9]  }
0x2e: {  	s3 =	simm.s32 @!p0 $0x1082;
	s9 =	sld [smem:$0x3FAA]  }
0x2f: {  	lr =	sadd.s32 s0, s3;
	s0 =	sld [smem:$0x3FA1]  }
0x30: {  	s3 =	sld [smem:$0x3FA4]  }
0x31: {  	[smem:$0x3FAD] =	sst s10  }
0x32: {  	s10 =	sld [smem:$0x3FAB];
	_ =	sdelay $0x3  }
0x33: {  	p0 =	seq.s32 s10, $0x1;
	s10 =	sld [smem:$0x3FAD];
	_ =	sdelay $0x3  }
0x34: {  	[smem:$0x3FAD] =	sst s10  }
0x35: {  	s10 =	sld [smem:$0x3FAC];
	_ =	sdelay $0x3  }
0x36: {  	p1 =	seq.s32 s10, $0x1;
	s10 =	sld [smem:$0x3FAD];
	_ =	sdelay $0x3  }
0x37: {  	[smem:$0x3FAD] =	sst s10  }
0x38: {  	s10 =	sld [smem:$0x3FAE]  }
0x39: {  	_ = 	snop;
	(pc) =	sbr.ind lr, $3  }
0x3a: {  	_ = 	snop  }
0x3b: {  	_ = 	snop  }
0x3c: {  	p2 =	seq.s32 s10, $0x1;
	s10 =	sld [smem:$0x3FAD]  }
0x3d: {  	_ =	shalt  }
0x3e: {  	_ =	shalt  }
0x3f: {  	_ =	shalt  }
0x40: {  	_ =	shalt  }
0x41: {  	_ =	shalt  }
0x42: {  	_ =	shalt  }
0x43: {  	_ =	shalt  }
0x44: {  	_ =	shalt  }
0x45: {  	_ =	shalt  }
0x46: {  	_ =	shalt  }
0x47: {  	_ =	shalt  }
0x48: {  	_ =	shalt  }
0x49: {  	_ =	shalt  }
0x4a: {  	_ =	shalt  }
0x4b: {  	_ =	shalt  }
0x4c: {  	_ =	shalt  }
0x4d: {  	_ =	shalt  }
0x4e: {  	_ =	shalt  }
0x4f: {  	_ =	shalt  }
0x50: {  	_ =	shalt  }
0x51: {  	_ =	shalt  }
0x52: {  	_ =	shalt  }
0x53: {  	_ =	shalt  }
0x54: {  	_ =	shalt  }
0x55: {  	_ =	shalt  }
0x56: {  	_ =	shalt  }
0x57: {  	_ =	shalt  }
0x58: {  	_ =	shalt  }
0x59: {  	_ =	shalt  }
0x5a: {  	_ =	shalt  }
0x5b: {  	_ =	shalt  }
0x5c: {  	_ =	shalt  }
0x5d: {  	_ =	shalt  }
0x5e: {  	_ =	shalt  }
0x5f: {  	_ =	shalt  }
0x60: {  	_ =	shalt  }
0x61: {  	_ =	shalt  }
0x62: {  	_ =	shalt  }
0x63: {  	_ =	shalt  }
0x64: {  	_ =	shalt  }
0x65: {  	_ =	shalt  }
0x66: {  	_ =	shalt  }
0x67: {  	_ =	shalt  }
0x68: {  	_ =	shalt  }
0x69: {  	_ =	shalt  }
0x6a: {  	_ =	shalt  }
0x6b: {  	_ =	shalt  }
0x6c: {  	_ =	shalt  }
0x6d: {  	_ =	shalt  }
0x6e: {  	_ =	shalt  }
0x6f: {  	_ =	shalt  }
0x70: {  	_ =	shalt  }
0x71: {  	_ =	shalt  }
0x72: {  	_ =	shalt  }
0x73: {  	_ =	shalt  }
0x74: {  	_ =	shalt  }
0x75: {  	_ =	shalt  }
0x76: {  	_ =	shalt  }
0x77: {  	_ =	shalt  }
0x78: {  	_ =	shalt  }
0x79: {  	_ =	shalt  }
0x7a: {  	_ =	shalt  }
0x7b: {  	_ =	shalt  }
0x7c: {  	_ =	shalt  }
0x7d: {  	_ =	shalt  }
0x7e: {  	_ =	shalt  }
0x7f: {  	_ =	shalt  }
0x80: {  	_ =	shalt  }
0x81: {  	_ =	shalt  }
0x82: {  	_ =	shalt  }
0x83: {  	_ =	shalt  }
0x84: {  	_ =	shalt  }
0x85: {  	_ =	shalt  }
0x86: {  	_ =	shalt  }
0x87: {  	_ =	shalt  }
.Lfunc_end0:
.L_simem_size_0:
called_computation.3_lowered:
.L_overlay_start_0:
0x88: {  	s2 =	sld [smem:$0x3FD9]  }
0x89: {  	s3 =	sld [smem:$0x3FFE];
	_ =	sdelay $0x1  }
0x8a: {  	s1 =	srdreg.scid  }
0x8b: {  	s0 =	sand.u32 $0x1, s1  }
0x8c: {  	s14 =	sshll.u32 s0, $0xA;
	s2 =	sadd.s32 s3, s2  }
0x8d: {  	s2 =	sadd.s32 s2, s14  }
0x8e: {  	[smem:$0x3FB9] =	sst s2  }
0x8f: {  	_ = 	snop  }
0x90: {  	s2 =	sld [smem:$0x3FD0];
	_ =	sdelay $0x2  }
0x91: {  	s15 =	simm.s32 $0xA;
	s4 =	simm.s32 $0x10  }
0x92: {  	[smem:s4], [sflag:s15] =	dma.local [hbm:s2], $0x1  }
0x93: {  	_ =	swait.eq [sflag:s15], $0x1  }
0x94: {  	[sflag:s15] =	ssyncset.done $0x0  }
0x95: {  	s16 =	sld [smem:$0x10];
	[sflag:s15] =	ssyncadd.s32 $0xFFFFFFFF  }
0x96: {  	s17 =	sld [smem:$0x11];
	(tm) =	ssettm $0x1  }
0x97: {  	s18 =	sld [smem:$0x3FFB];
	_ =	sdelay $0x3  }
0x98: {  	_ =	strace s18  }
0x99: {  	s4 =	sld [smem:$0x3FFC];
	_ =	sdelay $0x3  }
0x9a: {  	_ =	strace s4  }
0x9b: {  	s4 =	sld [smem:$0x3FFD];
	_ =	sdelay $0x3  }
0x9c: {  	_ =	strace s4  }
0x9d: {  	_ =	strace $0x8FFFFFFF  }
0x9e: {  	s19 =	sld [smem:$0x3FDB];
	_ =	sdelay $0x1  }
0x9f: {  	s5 =	simm.s32 $_scs_section_size  }
0xa0: {  	s6 =	simm.s32 $_size__tile_overlayer_lowered;
	s7 =	simm.s32 $_tile_overlayer_lowered  }
0xa1: {  	s22 =	simm.s32 $0x1BFF;
	s21 =	sshll.u32 s7, $0x1;
	s4 =	sadd.s32 s5, s19  }
0xa2: {  	s8 =	simm.s32 $0x0;
	s20 =	sshll.u32 s6, $0x1;
	s6 =	sadd.s32 s21, s4  }
0xa3: {  	[timem:s8], [sflag:s22] =	dma.local [hbm:s6], s20  }
0xa4: {  	_ =	swait.ge [sflag:s22], s20  }
0xa5: {  	s5 =	ssub.s32 $0x0, s20;
	[sflag:s22] =	ssyncset.done $0x0  }
0xa6: {  	[sflag:s22] =	ssyncadd.s32 s5;
	_ =	sdelay $0x1  }
0xa7: {  	s23 =	simm.s32 $0x1B8B  }
0xa8: {  	_ =	swait.ge [sflag:s23], $0x1  }
0xa9: {  	[sflag:s23] =	ssyncset.done $0x0  }
0xaa: {  	s25 =	simm.s32 $0x1B8E;
	s24 =	sld [smem:$0x3FFE];
	[sflag:s23] =	ssyncadd.s32 $0xFFFFFFFF  }
0xab: {  	s26 =	simm.s32 $execute0_lowered;
	[smem:$0x3FD2] =	sst s25  }
0xac: {  	s6 =	sshll.u32 s26, $0x1;
	_ =	strace $0x8000004F;
	[dreg:$0x1] =	wrdreg $0xFFFFFFFF  }
0xad: {  	s28 =	simm.s32 $_size_execute0_lowered;
	s4 =	sadd.s32 s4, s6;
	[dreg:$0x0] =	wrdreg $0x0  }
0xae: {  	s6 =	sshll.u32 s28, $0x1;
	[dreg:$0x2] =	wrdreg s4  }
0xaf: {  	[dreg:$0x3] =	wrdreg s6  }
0xb0: {  	[dreg:$0x4] =	wrdreg $0xC0  }
0xb1: {  	_ =	task [dreg:s8], $0x5FFFF  }
0xb2: {  	[dreg:$0x1] =	wrdreg $0xFFFFFFFF  }
0xb3: {  	[dreg:$0x0] =	wrdreg $0x60  }
0xb4: {  	[dreg:$0x2] =	wrdreg s24  }
0xb5: {  	[dreg:$0x3] =	wrdreg s17  }
0xb6: {  	[dreg:$0x4] =	wrdreg s16  }
0xb7: {  	[dreg:$0x5] =	wrdreg $0x130000  }
0xb8: {  	[dreg:$0x6] =	wrdreg $0x9  }
0xb9: {  	_ =	task.clear_ibuf [dreg:s8], $0x7FFFF;
	_ =	strace $0x9000004F  }
0xba: {  	s29 =	simm.s32 $0x9;
	_ =	strace $0x80000051  }
0xbb: {  	_ =	swait.ge [sflag:s29], $0x1  }
0xbc: {  	[sflag:s29] =	ssyncadd.s32 $0xFFFFFFFF  }
0xbd: {  	_ =	strace $0x90000051  }
0xbe: {  	_ =	sfence  }
0xbf: {  	s30 =	sld [smem:$0x0];
	_ =	sdelay $0x2  }
0xc0: {  	s31 =	sshll.u32 s1, $0xD;
	s1 =	sshrl.u32 s1, $0x2  }
0xc1: {  	s3 =	sand.u32 $0x4000, s31;
	s1 =	sadd.s32 s1, s30  }
0xc2: {  	s0 =	sor.u32 s3, s0;
	s1 =	sshll.u32 s1, $0x11  }
0xc3: {  	s0 =	sor.u32 s1, s0  }
0xc4: {  	s0 =	sadd.s32 $0x8F2B, s0  }
0xc5: {  	[sflag:s0] =	ssyncadd.remote.s32 $0x1  }
0xc6: {  	_ =	sfence.sel $0xFFFF  }
0xc7: {  	[dreg:$0x0] =	wrdreg $0xFFFFFFFF;
	(pc) =	sbr.abs _section_cstart, $3  }
0xc8: {  	[dreg:$0x1] =	wrdreg $0xFFFFFFFF  }
0xc9: {  	_ =	task.clear_ibuf [dreg:s8], $0x2FFFF;
	_ =	strace $0x9FFFFFFF  }
0xca: {  	(tm) =	ssettm $0x7FFFFFFF  }
0xcb: {  	_ =	shalt  }
tec
execute0_lowered:
.L_overlay_start_1:
0x0: {  	(tag) =	ssettag $0x1  }
0x1: {  	s7 =	rddreg [dreg:$0x0]  }
0x2: {  	s1 =	rddreg [dreg:$0x1]  }
0x3: {  	s3 =	rddreg [dreg:$0x2];
	s0 =	stileid.u32  }
0x4: {  	s2 =	srdreg.scid;
	s4 =	rddreg [dreg:$0x3];
	s5 =	simm.s32 $0x0  }
0x5: {  	s15 =	simm.s32 $0x5;
	s16 =	simm.s32 $0x5000;
	s17 =	simm.s32 $0x80  }
0x6: {  	s18 =	simm.s32 $0xA000;
	s19 =	simm.s32 $0xC000;
	s20 =	simm.s32 $0x1  }
0x7: {  	s21 =	simm.s32 $0x2;
	s22 =	simm.s32 $0x3;
	s23 =	simm.s32 $0x4  }
0x8: {  	s24 =	simm.s32 $0x9F00;
	s25 =	simm.s32 $0x9F80;
	s6 =	smul.u32 $0xA00, s0  }
0x9: {  	s11 =	sand.u32 $0x1, s2;
	s2 =	rddreg [dreg:$0x4];
	s9 =	smul.u32 $0x280, s0  }
0xa: {  	s26 =	simm.s32 $0x0;
	[smem:$0x7FF] =	sst s5;
	s10 =	smul.u32 $0x28000, s0  }
0xb: {  	s8 =	smul.u32 $0x2800, s11;
	_ =	strace $0x80000050;
	s30 =	ssub.s32 $0x2, s11  }
0xc: {  	p0 =	seq.s32 s11, $0x1;
	s12 =	sadd.s32 s6, s7;
	s6 =	sadd.s32 $0x3A00, s7  }
.Ltmp0:
0xd: {  	s31 =	sshrl.u32 s30, $0x1;
	s8 =	sadd.s32 s9, s8;
	(pc) =	sbr.rel .LBB2_1-.Ltmp0, $4  }
0xe: {  	s10 =	sshrl.u32 s10, $0x2;
	s14 =	ssub.s32 s30, s31;
	s8 =	sshll.u32 s8, $0x3  }
0xf: {  	s9 =	sadd.s32 $0x85A00, s12;
	s13 =	sadd.s32 s8, s7;
	s7 =	sadd.s32 s10, s4  }
0x10: {  	s10 =	sadd.s32 $0x7BA00, s12;
	s8 =	sadd.s32 $0x5000, s7;
	s11 =	sadd.s32 $0x17A00, s13  }
0x11: {  	s12 =	sadd.s32 $0x18400, s13;
	s13 =	smax.u32 s14, $0x1;
	s14 =	simm.s32 $0xE000  }
.LBB2_7:
0x12: {  	[tilespmem:s19], [sflag:$0x2] =	stream.indirect.gather [hbm4b:s6+s17], $0x40, s29, s17, $0xb8;
	[tilespmem:$0x1D000] =	vst v63  }
.LBB2_8:
0x13: {  	_ =	swait.ge [sflag:s20], $0x2000  }
0x14: {  	[sflag:s20] =	ssyncset.done $0x0  }
0x15: {  	[sflag:s20] =	ssyncadd.s32 $0xFFFFE000  }
0x16: {  	[spmem:s4] =	stream.indirect.scatter.add.f32 [tilespmem:s18], [sflag:$0x5], $0x40, s24, s17, $0xb8;
	[tilespmem:$0x1D000] =	vst v63  }
0x17: {  	_ =	swait.ge [sflag:s15], $0x2000  }
0x18: {  	[sflag:s15] =	ssyncset.done $0x0  }
0x19: {  	[sflag:s15] =	ssyncadd.s32 $0xFFFFE000  }
0x1a: {  	_ =	swait.ge [sflag:s21], $0x2000  }
0x1b: {  	[sflag:s21] =	ssyncset.done $0x0  }
0x1c: {  	[sflag:s21] =	ssyncadd.s32 $0xFFFFE000  }
0x1d: {  	[spmem:s4] =	stream.indirect.scatter.add.f32 [tilespmem:s19], [sflag:$0x5], $0x40, s25, s17, $0xb8;
	[tilespmem:$0x1D000] =	vst v63  }
0x1e: {  	_ =	swait.ge [sflag:s15], $0x2000  }
0x1f: {  	[sflag:s15] =	ssyncset.done $0x0  }
0x20: {  	[sflag:s15] =	ssyncadd.s32 $0xFFFFE000  }
0x21: {  	[bflag:$0x0] =	sbarrier.arrive $0xFFFF  }
0x22: {  	[tilespmem:s14], [sflag:$0x5] =	stream.linear.gather [spmem:s7], $0x5000, $0x38;
	[tilespmem:$0x1D000] =	vst v63  }
0x23: {  	_ =	swait.ge [sflag:s15], $0x5000  }
0x24: {  	[sflag:s15] =	ssyncset.done $0x0  }
0x25: {  	[sflag:s15] =	ssyncadd.s32 $0xFFFFB000  }
0x26: {  	[hbm4b:s11+s5] =	stream.linear.scatter [tilespmem:s14], [sflag:$0x5], $0x5000, $0x38;
	[tilespmem:$0x1D000] =	vst v63  }
0x27: {  	_ =	swait.ge [sflag:s15], $0x5000  }
0x28: {  	[sflag:s15] =	ssyncset.done $0x0  }
0x29: {  	[sflag:s15] =	ssyncadd.s32 $0xFFFFB000  }
0x2a: {  	[tilespmem:s14], [sflag:$0x5] =	stream.linear.gather [spmem:s8], $0x5000, $0x38;
	[tilespmem:$0x1D000] =	vst v63  }
0x2b: {  	s26 =	sadd.s32 $0x1, s26;
	_ =	swait.ge [sflag:s15], $0x5000  }
0x2c: {  	p1 =	sne.s32 s26, s13;
	[sflag:s15] =	ssyncset.done $0x0  }
.Ltmp1:
0x2d: {  	[sflag:s15] =	ssyncadd.s32 $0xFFFFB000;
	(pc) =	sbr.rel @!p1 .LBB2_9-.Ltmp1, $4  }
0x2e: {  	[hbm4b:s12+s5] =	stream.linear.scatter [tilespmem:s14], [sflag:$0x5], $0x5000, $0x38;
	[tilespmem:$0x1D000] =	vst v63  }
0x2f: {  	_ =	swait.ge [sflag:s15], $0x5000  }
0x30: {  	[sflag:s15] =	ssyncset.done $0x0  }
0x31: {  	[sflag:s15] =	ssyncadd.s32 $0xFFFFB000  }
.LBB2_1:
0x32: {  	[tilespmem:s14], [sflag:$0x5] =	stream.linear.gather [hbm4b:s3+s5], $0x5000, $0x38;
	[tilespmem:$0x1D000] =	vst v63  }
0x33: {  	_ =	swait.ge [sflag:s15], $0x5000  }
0x34: {  	[sflag:s15] =	ssyncset.done $0x0  }
0x35: {  	[sflag:s15] =	ssyncadd.s32 $0xFFFFB000  }
0x36: {  	[spmem:s7] =	stream.linear.scatter [tilespmem:s14], [sflag:$0x5], $0x5000, $0x38;
	[tilespmem:$0x1D000] =	vst v63  }
0x37: {  	_ =	swait.ge [sflag:s15], $0x5000  }
0x38: {  	[sflag:s15] =	ssyncset.done $0x0  }
0x39: {  	[sflag:s15] =	ssyncadd.s32 $0xFFFFB000  }
0x3a: {  	[spmem:s8] =	stream.linear.scatter [tilespmem:s14], [sflag:$0x5], $0x5000, $0x38;
	[tilespmem:$0x1D000] =	vst v63  }
0x3b: {  	_ =	swait.ge [sflag:s15], $0x5000  }
0x3c: {  	[sflag:s15] =	ssyncset.done $0x0  }
0x3d: {  	[sflag:s15] =	ssyncadd.s32 $0xFFFFB000  }
0x3e: {  	[bflag:$0x0] =	sbarrier.arrive $0xFFFF  }
0x3f: {  	[tilespmem:s5], [sflag:$0x5] =	stream.linear.gather [hbm4b:s9+s5], $0x5000, $0x38;
	[tilespmem:$0x1D000] =	vst v63  }
0x40: {  	_ =	swait.ge [sflag:s15], $0x5000  }
0x41: {  	[sflag:s15] =	ssyncset.done $0x0  }
.Ltmp2:
0x42: {  	[sflag:s15] =	ssyncadd.s32 $0xFFFFB000;
	(pc) =	sbr.rel @!p0 .LBB2_2-.Ltmp2, $4  }
0x43: {  	[tilespmem:s16], [sflag:$0x5] =	stream.linear.gather [hbm4b:s10+s5], $0x5000, $0x38;
	[tilespmem:$0x1D000] =	vst v63  }
0x44: {  	_ =	swait.ge [sflag:s15], $0x5000  }
0x45: {  	[sflag:s15] =	ssyncset.done $0x0  }
0x46: {  	s28 =	simm.s32 $0x0;
	[sflag:s15] =	ssyncadd.s32 $0xFFFFB000  }
0x47: {  	[tilespmem:s18], [sflag:$0x1] =	stream.indirect.gather [hbm4b:s6+s17], $0x40, s28, s17, $0xb8;
	[tilespmem:$0x1D000] =	vst v63  }
0x48: {  	_ = 	snop  }
0x49: {  	[tilespmem:s19], [sflag:$0x2] =	stream.indirect.gather [hbm4b:s6+s17], $0x40, s17, s17, $0xb8;
	[tilespmem:$0x1D000] =	vst v63  }
0x4a: {  	_ =	swait.ge [sflag:s20], $0x2000  }
0x4b: {  	[sflag:s20] =	ssyncset.done $0x0  }
0x4c: {  	s28 =	simm.s32 $0x5000;
	[sflag:s20] =	ssyncadd.s32 $0xFFFFE000  }
0x4d: {  	[spmem:s4] =	stream.indirect.scatter.add.f32 [tilespmem:s18], [sflag:$0x3], $0x40, s28, s17, $0xb8;
	[tilespmem:$0x1D000] =	vst v63  }
0x4e: {  	_ =	swait.ge [sflag:s21], $0x2000  }
0x4f: {  	[sflag:s21] =	ssyncset.done $0x0  }
0x50: {  	s28 =	simm.s32 $0x5080;
	[sflag:s21] =	ssyncadd.s32 $0xFFFFE000  }
0x51: {  	[spmem:s4] =	stream.indirect.scatter.add.f32 [tilespmem:s19], [sflag:$0x4], $0x40, s28, s17, $0xb8;
	[tilespmem:$0x1D000] =	vst v63  }
0x52: {  	_ =	swait.ge [sflag:s22], $0x2000  }
0x53: {  	[sflag:s22] =	ssyncset.done $0x0  }
0x54: {  	s28 =	simm.s32 $0x100;
	[sflag:s22] =	ssyncadd.s32 $0xFFFFE000  }
0x55: {  	[tilespmem:s18], [sflag:$0x1] =	stream.indirect.gather [hbm4b:s6+s17], $0x40, s28, s17, $0xb8;
	[tilespmem:$0x1D000] =	vst v63  }
0x56: {  	_ =	swait.ge [sflag:s23], $0x2000  }
0x57: {  	[sflag:s23] =	ssyncset.done $0x0  }
0x58: {  	s29 =	simm.s32 $0x180;
	s28 =	simm.s32 $0x400;
	[sflag:s23] =	ssyncadd.s32 $0xFFFFE000  }
.LBB2_6:
0x59: {  	[tilespmem:s19], [sflag:$0x2] =	stream.indirect.gather [hbm4b:s6+s17], $0x40, s29, s17, $0xb8;
	[tilespmem:$0x1D000] =	vst v63  }
0x5a: {  	s29 =	smov.u32 s28  }
0x5b: {  	p1 =	sne.s32 s28, $0x13800;
	s28 =	sadd.s32 $0x400, s28;
	_ =	swait.ge [sflag:s20], $0x2000  }
0x5c: {  	s29 =	sshra.s32 s29, $0x2;
	[sflag:s20] =	ssyncset.done $0x0  }
0x5d: {  	s30 =	sadd.s32 $0x5000, s29;
	[sflag:s20] =	ssyncadd.s32 $0xFFFFE000  }
0x5e: {  	[spmem:s4] =	stream.indirect.scatter.add.f32 [tilespmem:s18], [sflag:$0x3], $0x40, s30, s17, $0xb8;
	[tilespmem:$0x1D000] =	vst v63  }
0x5f: {  	_ =	swait.ge [sflag:s21], $0x2000  }
0x60: {  	[sflag:s21] =	ssyncset.done $0x0  }
0x61: {  	s30 =	sadd.s32 $0x5080, s29;
	[sflag:s21] =	ssyncadd.s32 $0xFFFFE000  }
0x62: {  	[spmem:s4] =	stream.indirect.scatter.add.f32 [tilespmem:s19], [sflag:$0x4], $0x40, s30, s17, $0xb8;
	[tilespmem:$0x1D000] =	vst v63  }
0x63: {  	_ =	swait.ge [sflag:s22], $0x2000  }
0x64: {  	[sflag:s22] =	ssyncset.done $0x0  }
.Ltmp3:
0x65: {  	s30 =	sadd.s32 $0x100, s29;
	[sflag:s22] =	ssyncadd.s32 $0xFFFFE000;
	(pc) =	sbr.rel @p1 .LBB2_6-.Ltmp3, $4  }
0x66: {  	[tilespmem:s18], [sflag:$0x1] =	stream.indirect.gather [hbm4b:s6+s17], $0x40, s30, s17, $0xb8;
	[tilespmem:$0x1D000] =	vst v63  }
0x67: {  	_ =	swait.ge [sflag:s23], $0x2000  }
0x68: {  	[sflag:s23] =	ssyncset.done $0x0  }
0x69: {  	s29 =	sadd.s32 $0x180, s29;
	[sflag:s23] =	ssyncadd.s32 $0xFFFFE000  }
.Ltmp4:
0x6a: {  	_ = 	snop;
	(pc) =	sbr.rel .LBB2_7-.Ltmp4, $1  }
0x6b: {  	_ =	sdelay $0x3  }
.LBB2_2:
0x6c: {  	[tilespmem:s18], [sflag:$0x1] =	stream.indirect.gather [hbm4b:s1+s17], $0x40, s28, s17, $0xb8;
	[tilespmem:$0x1D000] =	vst v63  }
0x6d: {  	_ = 	snop  }
0x6e: {  	[tilespmem:s19], [sflag:$0x2] =	stream.indirect.gather [hbm4b:s1+s17], $0x40, s17, s17, $0xb8;
	[tilespmem:$0x1D000] =	vst v63  }
0x6f: {  	_ =	swait.ge [sflag:s20], $0x2000  }
0x70: {  	[sflag:s20] =	ssyncset.done $0x0  }
0x71: {  	s28 =	simm.s32 $0x5000;
	[sflag:s20] =	ssyncadd.s32 $0xFFFFE000  }
0x72: {  	[spmem:s4] =	stream.indirect.scatter.add.f32 [tilespmem:s18], [sflag:$0x3], $0x40, s28, s17, $0xb8;
	[tilespmem:$0x1D000] =	vst v63  }
0x73: {  	_ =	swait.ge [sflag:s21], $0x2000  }
0x74: {  	[sflag:s21] =	ssyncset.done $0x0  }
0x75: {  	s28 =	simm.s32 $0x5080;
	[sflag:s21] =	ssyncadd.s32 $0xFFFFE000  }
0x76: {  	[spmem:s4] =	stream.indirect.scatter.add.f32 [tilespmem:s19], [sflag:$0x4], $0x40, s28, s17, $0xb8;
	[tilespmem:$0x1D000] =	vst v63  }
0x77: {  	_ =	swait.ge [sflag:s22], $0x2000  }
0x78: {  	[sflag:s22] =	ssyncset.done $0x0  }
0x79: {  	s28 =	simm.s32 $0x100;
	[sflag:s22] =	ssyncadd.s32 $0xFFFFE000  }
0x7a: {  	[tilespmem:s18], [sflag:$0x1] =	stream.indirect.gather [hbm4b:s1+s17], $0x40, s28, s17, $0xb8;
	[tilespmem:$0x1D000] =	vst v63  }
0x7b: {  	_ =	swait.ge [sflag:s23], $0x2000  }
0x7c: {  	[sflag:s23] =	ssyncset.done $0x0  }
0x7d: {  	s29 =	simm.s32 $0x180;
	s28 =	simm.s32 $0x400;
	[sflag:s23] =	ssyncadd.s32 $0xFFFFE000  }
.LBB2_3:
0x7e: {  	[tilespmem:s19], [sflag:$0x2] =	stream.indirect.gather [hbm4b:s1+s17], $0x40, s29, s17, $0xb8;
	[tilespmem:$0x1D000] =	vst v63  }
0x7f: {  	s29 =	smov.u32 s28  }
0x80: {  	p1 =	seq.s32 s28, $0x13800;
	s28 =	sadd.s32 $0x400, s28;
	_ =	swait.ge [sflag:s20], $0x2000  }
0x81: {  	s29 =	sshra.s32 s29, $0x2;
	[sflag:s20] =	ssyncset.done $0x0  }
0x82: {  	s30 =	sadd.s32 $0x5000, s29;
	[sflag:s20] =	ssyncadd.s32 $0xFFFFE000  }
0x83: {  	[spmem:s4] =	stream.indirect.scatter.add.f32 [tilespmem:s18], [sflag:$0x3], $0x40, s30, s17, $0xb8;
	[tilespmem:$0x1D000] =	vst v63  }
0x84: {  	_ =	swait.ge [sflag:s21], $0x2000  }
0x85: {  	[sflag:s21] =	ssyncset.done $0x0  }
0x86: {  	s30 =	sadd.s32 $0x5080, s29;
	[sflag:s21] =	ssyncadd.s32 $0xFFFFE000  }
0x87: {  	[spmem:s4] =	stream.indirect.scatter.add.f32 [tilespmem:s19], [sflag:$0x4], $0x40, s30, s17, $0xb8;
	[tilespmem:$0x1D000] =	vst v63  }
0x88: {  	_ =	swait.ge [sflag:s22], $0x2000  }
0x89: {  	[sflag:s22] =	ssyncset.done $0x0  }
.Ltmp5:
0x8a: {  	s30 =	sadd.s32 $0x100, s29;
	[sflag:s22] =	ssyncadd.s32 $0xFFFFE000;
	(pc) =	sbr.rel @!p1 .LBB2_3-.Ltmp5, $4  }
0x8b: {  	[tilespmem:s18], [sflag:$0x1] =	stream.indirect.gather [hbm4b:s1+s17], $0x40, s30, s17, $0xb8;
	[tilespmem:$0x1D000] =	vst v63  }
0x8c: {  	_ =	swait.ge [sflag:s23], $0x2000  }
0x8d: {  	[sflag:s23] =	ssyncset.done $0x0  }
0x8e: {  	s29 =	sadd.s32 $0x180, s29;
	[sflag:s23] =	ssyncadd.s32 $0xFFFFE000  }
.Ltmp6:
0x8f: {  	(pc) =	sbr.rel .LBB2_8-.Ltmp6, $2  }
0x90: {  	_ =	sdelay $0x2  }
0x91: {  	[tilespmem:s19], [sflag:$0x2] =	stream.indirect.gather [hbm4b:s1+s17], $0x40, s29, s17, $0xb8;
	[tilespmem:$0x1D000] =	vst v63  }
.LBB2_9:
0x92: {  	_ =	sfence.sel $0x180000  }
0x93: {  	[bflag:$0x0] =	sbarrier.arrive $0xFFFF  }
0x94: {  	p0 =	sne.s32 s0, $0x0;
	_ =	strace $0x90000050  }
0x95: {  	s0 =	sadd.s32 @!p0 $0x100000, s2;
	[bflag:$0x2] =	sbarrier.arrive $0xFFFF  }
0x96: {  	[sflag:s0] =	ssyncadd.tile.s32 @!p0 $0x1;
	_ =	shalt  }
.Lfunc_end2:
_tile_overlayer_lowered:
.L_overlay_start_2:
0x97: {  	(tag) =	ssettag $0x2  }
0x98: {  	s0 =	rddreg [dreg:$0x0];
	s2 =	stileid.u32  }
0x99: {  	s1 =	rddreg [dreg:$0x1];
	p0 =	sne.s32 s2, $0x0  }
0x9a: {  	s3 =	rddreg [dreg:$0x2];
	[bflag:$0x3] =	sbarrier.arrive $0xFFFF;
	s2 =	simm.s32 @!p0 $0x1C05  }
0x9b: {  	[timem:s3], [sflag:s2] =	dma.local @!p0 [hbm:s0], s1  }
0x9c: {  	s0 =	simm.s32 @!p0 $0x5  }
0x9d: {  	_ =	swait.ge @!p0 [sflag:s0], s1  }
0x9e: {  	s1 =	ssub.s32 @!p0 $0x0, s1;
	[sflag:s0] =	ssyncset.done @!p0 $0x0  }
0x9f: {  	[sflag:s0] =	ssyncadd.s32 @!p0 s1  }
0xa0: {  	[bflag:$0x3] =	sbarrier.arrive $0xFFFF  }
0xa1: {  	_ =	shalt  }

</sc_bundles>
